<compile_context>
chip_gen: v7x
topology: tpu7x:2x2x1
jax: 0.10.2.dev20260603
libtpu: 0.0.44.dev20260713+nightly
codegen_flags: <defaults>
</compile_context>

<pallas_src>
import functools

import jax
import jax.numpy as jnp
from jax import lax
from jax.experimental import pallas as pl
from jax.experimental.pallas import tpu as pltpu
from jax.experimental.pallas import tpu_sc as plsc

N = 128
M = N * N
RK = 8 * N
KS = N * RK
BIG = 1 << 20


def _two_wl_body(x_hbm, out_hbm,
                 xv, enc, ids, rfbuf, kb, fb, rb, csb, stage, st16,
                 enc_sh, ids_sh, rf_sh, g_sh, tot_sh, csum_sh, sem):
    core = lax.axis_index("c")
    sid = lax.axis_index("s")
    io = lax.iota(jnp.int32, 16)
    rio = 15 - io
    zero = jnp.zeros((16,), jnp.int32)

    pltpu.sync_copy(x_hbm, xv)

    def _acc(carry, vf):
        e1, e2 = carry
        v = vf.astype(jnp.int32)
        inc = jnp.left_shift(jnp.int32(1), (v & 3) * 8)
        lo = v < 4
        return (e1 + jnp.where(lo, inc, zero), e2 + jnp.where(lo, zero, inc))

    @pl.when(sid < 8)
    def _rows():
        stride_idx = io * N + sid * 16 * N

        def jbody(jj, carry):
            for t in range(4):
                carry = _acc(carry, plsc.load_gather(xv, [stride_idx + (jj * 4 + t)]))
            return carry

        e1, e2 = lax.fori_loop(0, N // 4, jbody, (zero, zero))
        enc[pl.ds(sid * 16, 16)] = e1
        enc[pl.ds(N + sid * 16, 16)] = e2
        pltpu.sync_copy(enc.at[pl.ds(sid * 16, 16)],
                        enc_sh.at[pl.ds(sid * 16, 16)])
        pltpu.sync_copy(enc.at[pl.ds(N + sid * 16, 16)],
                        enc_sh.at[pl.ds(N + sid * 16, 16)])

    @pl.when(sid >= 8)
    def _cols():
        c0 = (sid - 8) * 16

        def jbody(jj, carry):
            for t in range(4):
                carry = _acc(carry, xv[pl.ds((jj * 4 + t) * N + c0, 16)])
            return carry

        e1, e2 = lax.fori_loop(0, N // 4, jbody, (zero, zero))
        enc[pl.ds(256 + c0, 16)] = e1
        enc[pl.ds(256 + N + c0, 16)] = e2
        pltpu.sync_copy(enc.at[pl.ds(256 + c0, 16)],
                        enc_sh.at[pl.ds(256 + c0, 16)])
        pltpu.sync_copy(enc.at[pl.ds(256 + N + c0, 16)],
                        enc_sh.at[pl.ds(256 + N + c0, 16)])

    plsc.subcore_barrier()
    pltpu.sync_copy(enc_sh, enc)

    def _assign(enc_off, b, dst_off):
        e1v = enc[pl.ds(enc_off + b * 16, 16)]
        e2v = enc[pl.ds(enc_off + N + b * 16, 16)]

        def jbody(jj, best):
            for t in range(2):
                j = jj * 2 + t
                jv = zero + j
                a1 = plsc.load_gather(enc, [enc_off + jv])
                a2 = plsc.load_gather(enc, [enc_off + N + jv])
                eq = (e1v == a1) & (e2v == a2)
                best = jnp.where(eq, jnp.minimum(best, j), best)
            return best

        best = lax.fori_loop(0, N // 2, jbody, jnp.full((16,), BIG, jnp.int32))
        ids[pl.ds(dst_off + b * 16, 16)] = best
        pltpu.sync_copy(ids.at[pl.ds(dst_off + b * 16, 16)],
                        ids_sh.at[pl.ds(dst_off + b * 16, 16)])

    @pl.when(sid < 8)
    def _rid():
        _assign(0, sid, 0)

    @pl.when(sid >= 8)
    def _cid():
        _assign(256, sid - 8, N)

    plsc.subcore_barrier()
    pltpu.sync_copy(ids_sh, ids)

    pc = [ids[pl.ds(N + jc * 16, 16)] for jc in range(8)]

    def cinit(q, _):
        for t in range(4):
            rfbuf[pl.ds(q * 64 + t * 16, 16)] = zero + BIG
        return 0

    lax.fori_loop(0, 8 * RK // 64, cinit, 0)
    rf_dma = []
    for r8 in range(8):
        v1 = sid * 8 + r8
        for jc in range(7, -1, -1):
            xc = xv[pl.ds(v1 * N + jc * 16, 16)].astype(jnp.int32)
            rkr = lax.rev(xc * N + pc[jc], (0,)) + r8 * RK
            _, last = plsc.scan_count(rkr)
            plsc.store_scatter(rfbuf, [rkr], v1 * N + jc * 16 + rio,
                               mask=last)
        rf_dma.append(pltpu.async_copy(rfbuf.at[pl.ds(r8 * RK, RK)],
                                       rf_sh.at[pl.ds(v1 * RK, RK)], sem))
    for h in rf_dma:
        h.wait()
    plsc.subcore_barrier()

    lo_r = sid * 8

    def dscan(v1, _):
        rv = plsc.load_gather(ids, [zero + v1])
        r = rv[0]

        @pl.when((r >= lo_r) & (r < lo_r + 8) & (r != v1))
        def _merge():
            pltpu.sync_copy(rf_sh.at[pl.ds(v1 * RK, RK)], stage)
            base = (r - lo_r) * RK

            def mbody(q, _):
                a = rfbuf[pl.ds(base + q * 16, 16)]
                rfbuf[pl.ds(base + q * 16, 16)] = jnp.minimum(
                    a, stage[pl.ds(q * 16, 16)])
                return 0

            lax.fori_loop(0, RK // 16, mbody, 0)

        return 0

    lax.fori_loop(0, N, dscan, 0)

    g_dma = [pltpu.async_copy(rfbuf.at[pl.ds(g8 * RK, RK)],
                              g_sh.at[pl.ds((lo_r + g8) * RK, RK)], sem)
             for g8 in range(8)]
    for h in g_dma:
        h.wait()
    plsc.subcore_barrier()

    def kbuild(r8, _):
        v1 = sid * 8 + r8
        rterm = plsc.load_gather(ids, [zero + v1]) * RK
        for jc in range(8):
            xc = xv[pl.ds(v1 * N + jc * 16, 16)].astype(jnp.int32)
            kb[pl.ds(r8 * N + jc * 16, 16)] = xc * N + pc[jc] + rterm
        return 0

    lax.fori_loop(0, 8, kbuild, 0)
    f_dma = [pltpu.async_copy(g_sh.at[kb.at[pl.ds(j * 128, 128)]],
                              fb.at[pl.ds(j * 128, 128)], sem)
             for j in range(8)]
    for h in f_dma:
        h.wait()

    base0 = sid * 1024

    def cbody(q, c):
        isf = jnp.where(fb[pl.ds(q * 16, 16)] == base0 + q * 16 + io, 1, 0)
        csb[pl.ds(q * 16, 16)] = plsc.cumsum(isf) + c
        return c + jnp.sum(isf)

    tot = lax.fori_loop(0, 64, cbody, jnp.int32(0))
    st16[pl.ds(0, 16)] = zero + tot
    d1 = pltpu.async_copy(st16, tot_sh.at[pl.ds(sid * 16, 16)], sem)
    d2 = pltpu.async_copy(csb, csum_sh.at[pl.ds(base0, 1024)], sem)
    d1.wait()
    d2.wait()
    plsc.subcore_barrier()
    pltpu.sync_copy(tot_sh, stage.at[pl.ds(0, 256)])
    tvec = plsc.load_gather(stage, [io * 16])
    st16[pl.ds(0, 16)] = plsc.cumsum(tvec) - tvec

    r_dma = [pltpu.async_copy(csum_sh.at[fb.at[pl.ds(j * 128, 128)]],
                              rb.at[pl.ds(j * 128, 128)], sem)
             for j in range(8)]
    for h in r_dma:
        h.wait()

    def obody(q, _):
        blk = jnp.right_shift(fb[pl.ds(q * 16, 16)], 10)
        offc = plsc.load_gather(st16, [blk])
        csb[pl.ds(q * 16, 16)] = rb[pl.ds(q * 16, 16)] + offc - 1
        return 0

    lax.fori_loop(0, 64, obody, 0)

    @pl.when(core == 0)
    def _write():
        pltpu.sync_copy(csb, out_hbm.at[pl.ds(base0, 1024)])


@jax.jit
def kernel(x):
    run = pl.kernel(
        _two_wl_body,
        out_type=jax.ShapeDtypeStruct((M,), jnp.int32),
        mesh=plsc.VectorSubcoreMesh(core_axis_name="c", subcore_axis_name="s"),
        compiler_params=pltpu.CompilerParams(needs_layout_passes=False),
        scratch_types=[
            pltpu.VMEM((M,), jnp.float32),
            pltpu.VMEM((512,), jnp.int32),
            pltpu.VMEM((256,), jnp.int32),
            pltpu.VMEM((8 * RK,), jnp.int32),
            pltpu.VMEM((1024,), jnp.int32),
            pltpu.VMEM((1024,), jnp.int32),
            pltpu.VMEM((1024,), jnp.int32),
            pltpu.VMEM((1024,), jnp.int32),
            pltpu.VMEM((RK,), jnp.int32),
            pltpu.VMEM((16,), jnp.int32),
            pltpu.VMEM_SHARED((512,), jnp.int32),
            pltpu.VMEM_SHARED((256,), jnp.int32),
            pltpu.VMEM_SHARED((N * RK,), jnp.int32),
            pltpu.VMEM_SHARED((KS,), jnp.int32),
            pltpu.VMEM_SHARED((256,), jnp.int32),
            pltpu.VMEM_SHARED((M,), jnp.int32),
            pltpu.SemaphoreType.DMA,
        ],
    )
    out = run(x.reshape(M))
    return out.reshape(N, N).astype(jnp.int64)

# --- scband reference (transcript-rebuilt; emitter-appended) ---
"""Pipeline reference for scband-two-wlconv-90924457656371 (READ-ONLY COPY).

The authoritative reference and input builder live on the scoring server;
editing this copy changes nothing except your own understanding.
"""

import jax, jax.numpy as jnp
import numpy as np

N = 128
NUM_COLORS = 8


def setup_inputs(seed: int = 0) -> dict:
    key = jax.random.key(seed)
    x = jax.random.randint(key, (N, N), 0, NUM_COLORS).astype(jnp.float32)
    return {"x": x}


def _lexsort_rows(keys):
    m, k = keys.shape

    def body(i, perm):
        col = k - 1 - i
        vals = keys[:, col][perm]
        return perm[jnp.argsort(vals, stable=True)]

    return jax.lax.fori_loop(0, k, body, jnp.arange(m))


def _two_wl(x):
    n = x.shape[0]
    m = n * n
    # M1: sorted row colors for each v1; M2: sorted column colors for each v2
    row_sorted = jnp.sort(x, axis=1)          # [n, n], row_sorted[v1] = sort(x[v1, :])
    col_sorted = jnp.sort(x, axis=0).T        # [n, n], col_sorted[v2] = sort(x[:, v2])
    center = x[:, :, None]                    # [n, n, 1]
    r = jnp.broadcast_to(row_sorted[:, None, :], (n, n, n))
    c = jnp.broadcast_to(col_sorted[None, :, :], (n, n, n))
    # key for pair (v1, v2) = (x[v1,v2], M1, M2), exactly as hashed in torch
    keys = jnp.concatenate([center, r, c], axis=-1).reshape(m, 2 * n + 1)
    # group identical key rows; replicate hashmap id assignment = first-occurrence
    # order over the row-major (v1, v2) scan.
    order = _lexsort_rows(keys)               # lexicographic sort of rows, stable
    sk = keys[order]
    is_new = jnp.concatenate(
        [jnp.ones((1,), dtype=bool), jnp.any(sk[1:] != sk[:-1], axis=1)]
    )
    gid_sorted = jnp.cumsum(is_new.astype(jnp.int32)) - 1   # group id in lex order
    # first flat index at which each group appears
    first_occ = jax.ops.segment_min(order, gid_sorted, num_segments=m)
    # renumber groups by order of first appearance (matches len(hashmap) ids)
    appearance_rank = jnp.argsort(jnp.argsort(first_occ))
    inv = jnp.zeros((m,), dtype=jnp.int32).at[order].set(gid_sorted)
    out = appearance_rank[inv].reshape(n, n).astype(jnp.int64)
    return out


def reference(x):
    return _two_wl(x)

if __name__ == "__main__":
    import jax
    _d = setup_inputs()
    print(jax.jit(kernel)(*tuple(_d.values())))

</pallas_src>

<mosaic_0001>
#map = affine_map<(d0, d1) -> (0)>
module attributes {stable_mosaic.version = 14 : i64} {
  func.func @_two_wl_body(%arg0: i32, %arg1: i32, %arg2: memref<16384xf32, #tpu.memory_space<hbm>>, %arg3: memref<16384xi32, #tpu.memory_space<hbm>>, %arg4: memref<16384xf32, #tpu.memory_space<vmem>>, %arg5: memref<512xi32, #tpu.memory_space<vmem>>, %arg6: memref<256xi32, #tpu.memory_space<vmem>>, %arg7: memref<8192xi32, #tpu.memory_space<vmem>>, %arg8: memref<1024xi32, #tpu.memory_space<vmem>>, %arg9: memref<1024xi32, #tpu.memory_space<vmem>>, %arg10: memref<1024xi32, #tpu.memory_space<vmem>>, %arg11: memref<1024xi32, #tpu.memory_space<vmem>>, %arg12: memref<1024xi32, #tpu.memory_space<vmem>>, %arg13: memref<16xi32, #tpu.memory_space<vmem>>, %arg14: memref<512xi32, #tpu.memory_space<vmem_shared>>, %arg15: memref<256xi32, #tpu.memory_space<vmem_shared>>, %arg16: memref<131072xi32, #tpu.memory_space<vmem_shared>>, %arg17: memref<131072xi32, #tpu.memory_space<vmem_shared>>, %arg18: memref<256xi32, #tpu.memory_space<vmem_shared>>, %arg19: memref<16384xi32, #tpu.memory_space<vmem_shared>>, %arg20: memref<!tpu.dma_semaphore, #tpu.memory_space<semaphore_mem>>) attributes {dimension_semantics = [#tpu.dimension_semantics<core_parallel>, #tpu.dimension_semantics<subcore_parallel>], iteration_bounds = array<i64: 2, 16>, scalar_prefetch = 0 : i64, scratch_operands = 17 : i64, tpu.core_type = #tpu.core_type<sc_vector_subcore>, window_params = [{transform_indices = #map}, {transform_indices = #map}]} {
    %iota3A = tpu.iota {dimensions = array<i32: 0>} : vector<16xi32>
    %sub3A = arith.constant 15 : i32
    %sub3A_0 = vector.broadcast %sub3A : i32 to vector<16xi32>
    %sub3A_1 = arith.subi %sub3A_0, %iota3A : vector<16xi32>
    %broadcast_in_dim3A = arith.constant 0 : i32
    %broadcast_in_dim3A_2 = vector.broadcast %broadcast_in_dim3A : i32 to vector<16xi32>
    "tpu.region"() ({
      %run_scoped3A = tpu.sem_alloc : memref<!tpu.dma_semaphore, #tpu.memory_space<semaphore_mem>>
      tpu.enqueue_dma source(%arg2 : memref<16384xf32, #tpu.memory_space<hbm>>) target(%arg4 : memref<16384xf32, #tpu.memory_space<vmem>>) target_semaphore(%run_scoped3A : memref<!tpu.dma_semaphore, #tpu.memory_space<semaphore_mem>>)
      tpu.wait_dma2 semaphore(%run_scoped3A : memref<!tpu.dma_semaphore, #tpu.memory_space<semaphore_mem>>) src(%arg2 : memref<16384xf32, #tpu.memory_space<hbm>>) dst(%arg4 : memref<16384xf32, #tpu.memory_space<vmem>>)
      tpu.yield
    }) : () -> ()
    %lt3A = arith.constant 8 : i32
    %lt3A_3 = arith.cmpi slt, %arg1, %lt3A : i32
    %convert_element_type3A = arith.extui %lt3A_3 : i1 to i32
    %cond3A = arith.constant 0 : i32
    %cond3A_4 = arith.cmpi ne, %convert_element_type3A, %cond3A : i32
    scf.if %cond3A_4 {
      %mul3A_2415 = arith.constant 128 : i32
      %mul3A_2416 = vector.broadcast %mul3A_2415 : i32 to vector<16xi32>
      %mul3A_2417 = arith.muli %iota3A, %mul3A_2416 : vector<16xi32>
      %mul3A_2418 = arith.constant 16 : i32
      %mul3A_2419 = arith.muli %arg1, %mul3A_2418 : i32
      %mul3A_2420 = arith.constant 128 : i32
      %mul3A_2421 = arith.muli %mul3A_2419, %mul3A_2420 : i32
      %add3A_2422 = vector.broadcast %mul3A_2421 : i32 to vector<16xi32>
      %add3A_2423 = arith.addi %mul3A_2417, %add3A_2422 : vector<16xi32>
      %scan3A_2424 = arith.constant 0 : i32
      %scan3A_2425 = arith.constant 32 : i32
      %scan3A_2426 = arith.addi %scan3A_2424, %scan3A_2425 : i32
      %scan3A_2427 = arith.constant 1 : i32
      %scan3A_2428:2 = scf.for %scan3A_2452 = %scan3A_2424 to %scan3A_2426 step %scan3A_2427 iter_args(%scan3A_2453 = %broadcast_in_dim3A_2, %scan3A_2454 = %broadcast_in_dim3A_2) -> (vector<16xi32>, vector<16xi32>)  : i32 {
        %mul3A_2455 = arith.constant 4 : i32
        %mul3A_2456 = arith.muli %scan3A_2452, %mul3A_2455 : i32
        %add3A_2457 = arith.constant 0 : i32
        %add3A_2458 = arith.addi %mul3A_2456, %add3A_2457 : i32
        %add3A_2459 = vector.broadcast %add3A_2458 : i32 to vector<16xi32>
        %add3A_2460 = arith.addi %add3A_2423, %add3A_2459 : vector<16xi32>
        %gather3A_2461 = tpu.vector_load_idx %arg4[%add3A_2460] : memref<16384xf32, #tpu.memory_space<vmem>>[vector<16xi32>], vector<16xf32>,
        %convert_element_type3A_2462 = arith.fptosi %gather3A_2461 : vector<16xf32> to vector<16xi32>
        %and3A = arith.constant 3 : i32
        %and3A_2463 = vector.broadcast %and3A : i32 to vector<16xi32>
        %and3A_2464 = arith.andi %convert_element_type3A_2462, %and3A_2463 : vector<16xi32>
        %mul3A_2465 = arith.constant 8 : i32
        %mul3A_2466 = vector.broadcast %mul3A_2465 : i32 to vector<16xi32>
        %mul3A_2467 = arith.muli %and3A_2464, %mul3A_2466 : vector<16xi32>
        %shift_left3A = arith.constant 1 : i32
        %shift_left3A_2468 = vector.broadcast %shift_left3A : i32 to vector<16xi32>
        %shift_left3A_2469 = arith.shli %shift_left3A_2468, %mul3A_2467 : vector<16xi32>
        %lt3A_2470 = arith.constant 4 : i32
        %lt3A_2471 = vector.broadcast %lt3A_2470 : i32 to vector<16xi32>
        %lt3A_2472 = arith.cmpi slt, %convert_element_type3A_2462, %lt3A_2471 : vector<16xi32>
        %select_n3A = arith.select %lt3A_2472, %shift_left3A_2469, %broadcast_in_dim3A_2 : vector<16xi1>, vector<16xi32>
        %add3A_2473 = arith.addi %scan3A_2453, %select_n3A : vector<16xi32>
        %select_n3A_2474 = arith.select %lt3A_2472, %broadcast_in_dim3A_2, %shift_left3A_2469 : vector<16xi1>, vector<16xi32>
        %add3A_2475 = arith.addi %scan3A_2454, %select_n3A_2474 : vector<16xi32>
        %mul3A_2476 = arith.constant 4 : i32
        %mul3A_2477 = arith.muli %scan3A_2452, %mul3A_2476 : i32
        %add3A_2478 = arith.constant 1 : i32
        %add3A_2479 = arith.addi %mul3A_2477, %add3A_2478 : i32
        %add3A_2480 = vector.broadcast %add3A_2479 : i32 to vector<16xi32>
        %add3A_2481 = arith.addi %add3A_2423, %add3A_2480 : vector<16xi32>
        %gather3A_2482 = tpu.vector_load_idx %arg4[%add3A_2481] : memref<16384xf32, #tpu.memory_space<vmem>>[vector<16xi32>], vector<16xf32>,
        %convert_element_type3A_2483 = arith.fptosi %gather3A_2482 : vector<16xf32> to vector<16xi32>
        %and3A_2484 = arith.constant 3 : i32
        %and3A_2485 = vector.broadcast %and3A_2484 : i32 to vector<16xi32>
        %and3A_2486 = arith.andi %convert_element_type3A_2483, %and3A_2485 : vector<16xi32>
        %mul3A_2487 = arith.constant 8 : i32
        %mul3A_2488 = vector.broadcast %mul3A_2487 : i32 to vector<16xi32>
        %mul3A_2489 = arith.muli %and3A_2486, %mul3A_2488 : vector<16xi32>
        %shift_left3A_2490 = arith.constant 1 : i32
        %shift_left3A_2491 = vector.broadcast %shift_left3A_2490 : i32 to vector<16xi32>
        %shift_left3A_2492 = arith.shli %shift_left3A_2491, %mul3A_2489 : vector<16xi32>
        %lt3A_2493 = arith.constant 4 : i32
        %lt3A_2494 = vector.broadcast %lt3A_2493 : i32 to vector<16xi32>
        %lt3A_2495 = arith.cmpi slt, %convert_element_type3A_2483, %lt3A_2494 : vector<16xi32>
        %select_n3A_2496 = arith.select %lt3A_2495, %shift_left3A_2492, %broadcast_in_dim3A_2 : vector<16xi1>, vector<16xi32>
        %add3A_2497 = arith.addi %add3A_2473, %select_n3A_2496 : vector<16xi32>
        %select_n3A_2498 = arith.select %lt3A_2495, %broadcast_in_dim3A_2, %shift_left3A_2492 : vector<16xi1>, vector<16xi32>
        %add3A_2499 = arith.addi %add3A_2475, %select_n3A_2498 : vector<16xi32>
        %mul3A_2500 = arith.constant 4 : i32
        %mul3A_2501 = arith.muli %scan3A_2452, %mul3A_2500 : i32
        %add3A_2502 = arith.constant 2 : i32
        %add3A_2503 = arith.addi %mul3A_2501, %add3A_2502 : i32
        %add3A_2504 = vector.broadcast %add3A_2503 : i32 to vector<16xi32>
        %add3A_2505 = arith.addi %add3A_2423, %add3A_2504 : vector<16xi32>
        %gather3A_2506 = tpu.vector_load_idx %arg4[%add3A_2505] : memref<16384xf32, #tpu.memory_space<vmem>>[vector<16xi32>], vector<16xf32>,
        %convert_element_type3A_2507 = arith.fptosi %gather3A_2506 : vector<16xf32> to vector<16xi32>
        %and3A_2508 = arith.constant 3 : i32
        %and3A_2509 = vector.broadcast %and3A_2508 : i32 to vector<16xi32>
        %and3A_2510 = arith.andi %convert_element_type3A_2507, %and3A_2509 : vector<16xi32>
        %mul3A_2511 = arith.constant 8 : i32
        %mul3A_2512 = vector.broadcast %mul3A_2511 : i32 to vector<16xi32>
        %mul3A_2513 = arith.muli %and3A_2510, %mul3A_2512 : vector<16xi32>
        %shift_left3A_2514 = arith.constant 1 : i32
        %shift_left3A_2515 = vector.broadcast %shift_left3A_2514 : i32 to vector<16xi32>
        %shift_left3A_2516 = arith.shli %shift_left3A_2515, %mul3A_2513 : vector<16xi32>
        %lt3A_2517 = arith.constant 4 : i32
        %lt3A_2518 = vector.broadcast %lt3A_2517 : i32 to vector<16xi32>
        %lt3A_2519 = arith.cmpi slt, %convert_element_type3A_2507, %lt3A_2518 : vector<16xi32>
        %select_n3A_2520 = arith.select %lt3A_2519, %shift_left3A_2516, %broadcast_in_dim3A_2 : vector<16xi1>, vector<16xi32>
        %add3A_2521 = arith.addi %add3A_2497, %select_n3A_2520 : vector<16xi32>
        %select_n3A_2522 = arith.select %lt3A_2519, %broadcast_in_dim3A_2, %shift_left3A_2516 : vector<16xi1>, vector<16xi32>
        %add3A_2523 = arith.addi %add3A_2499, %select_n3A_2522 : vector<16xi32>
        %mul3A_2524 = arith.constant 4 : i32
        %mul3A_2525 = arith.muli %scan3A_2452, %mul3A_2524 : i32
        %add3A_2526 = arith.constant 3 : i32
        %add3A_2527 = arith.addi %mul3A_2525, %add3A_2526 : i32
        %add3A_2528 = vector.broadcast %add3A_2527 : i32 to vector<16xi32>
        %add3A_2529 = arith.addi %add3A_2423, %add3A_2528 : vector<16xi32>
        %gather3A_2530 = tpu.vector_load_idx %arg4[%add3A_2529] : memref<16384xf32, #tpu.memory_space<vmem>>[vector<16xi32>], vector<16xf32>,
        %convert_element_type3A_2531 = arith.fptosi %gather3A_2530 : vector<16xf32> to vector<16xi32>
        %and3A_2532 = arith.constant 3 : i32
        %and3A_2533 = vector.broadcast %and3A_2532 : i32 to vector<16xi32>
        %and3A_2534 = arith.andi %convert_element_type3A_2531, %and3A_2533 : vector<16xi32>
        %mul3A_2535 = arith.constant 8 : i32
        %mul3A_2536 = vector.broadcast %mul3A_2535 : i32 to vector<16xi32>
        %mul3A_2537 = arith.muli %and3A_2534, %mul3A_2536 : vector<16xi32>
        %shift_left3A_2538 = arith.constant 1 : i32
        %shift_left3A_2539 = vector.broadcast %shift_left3A_2538 : i32 to vector<16xi32>
        %shift_left3A_2540 = arith.shli %shift_left3A_2539, %mul3A_2537 : vector<16xi32>
        %lt3A_2541 = arith.constant 4 : i32
        %lt3A_2542 = vector.broadcast %lt3A_2541 : i32 to vector<16xi32>
        %lt3A_2543 = arith.cmpi slt, %convert_element_type3A_2531, %lt3A_2542 : vector<16xi32>
        %select_n3A_2544 = arith.select %lt3A_2543, %shift_left3A_2540, %broadcast_in_dim3A_2 : vector<16xi1>, vector<16xi32>
        %add3A_2545 = arith.addi %add3A_2521, %select_n3A_2544 : vector<16xi32>
        %select_n3A_2546 = arith.select %lt3A_2543, %broadcast_in_dim3A_2, %shift_left3A_2540 : vector<16xi1>, vector<16xi32>
        %add3A_2547 = arith.addi %add3A_2523, %select_n3A_2546 : vector<16xi32>
        scf.yield %add3A_2545, %add3A_2547 : vector<16xi32>, vector<16xi32>
      }
      %scan3A_2429 = arith.constant 32 : i32
      %mul3A_2430 = arith.constant 16 : i32
      %mul3A_2431 = arith.muli %arg1, %mul3A_2430 : i32
      %swap3A_2432 = arith.index_cast %mul3A_2431 : i32 to index
      %swap3A_2433 = tpu.vector_load %arg5[%swap3A_2432] {strides = array<i32>} : memref<512xi32, #tpu.memory_space<vmem>>, vector<16xi32>,
      tpu.vector_store %arg5[%swap3A_2432], %scan3A_2428#0 {strides = array<i32>} : memref<512xi32, #tpu.memory_space<vmem>>, vector<16xi32>,
      %mul3A_2434 = arith.constant 16 : i32
      %mul3A_2435 = arith.muli %arg1, %mul3A_2434 : i32
      %add3A_2436 = arith.constant 128 : i32
      %add3A_2437 = arith.addi %add3A_2436, %mul3A_2435 : i32
      %swap3A_2438 = arith.index_cast %add3A_2437 : i32 to index
      %swap3A_2439 = tpu.vector_load %arg5[%swap3A_2438] {strides = array<i32>} : memref<512xi32, #tpu.memory_space<vmem>>, vector<16xi32>,
      tpu.vector_store %arg5[%swap3A_2438], %scan3A_2428#1 {strides = array<i32>} : memref<512xi32, #tpu.memory_space<vmem>>, vector<16xi32>,
      %mul3A_2440 = arith.constant 16 : i32
      %mul3A_2441 = arith.muli %arg1, %mul3A_2440 : i32
      %mul3A_2442 = arith.constant 16 : i32
      %mul3A_2443 = arith.muli %arg1, %mul3A_2442 : i32
      "tpu.region"() ({
        %run_scoped3A = tpu.sem_alloc : memref<!tpu.dma_semaphore, #tpu.memory_space<semaphore_mem>>
        %dma_start3A_2452 = tpu.memref_slice %arg5[%mul3A_2441] : memref<512xi32, #tpu.memory_space<vmem>> -> memref<16xi32, #tpu.memory_space<vmem>>
        %dma_start3A_2453 = tpu.memref_slice %arg14[%mul3A_2443] : memref<512xi32, #tpu.memory_space<vmem_shared>> -> memref<16xi32, #tpu.memory_space<vmem_shared>>
        %dma_start3A_2454 = tpu.memref_slice %arg14[%mul3A_2443] : memref<512xi32, #tpu.memory_space<vmem_shared>> -> memref<16xi32, #tpu.memory_space<vmem_shared>>
        %dma_start3A_2455 = tpu.memref_slice %arg5[%mul3A_2441] : memref<512xi32, #tpu.memory_space<vmem>> -> memref<16xi32, #tpu.memory_space<vmem>>
        tpu.enqueue_dma source(%dma_start3A_2455 : memref<16xi32, #tpu.memory_space<vmem>>) target(%dma_start3A_2454 : memref<16xi32, #tpu.memory_space<vmem_shared>>) target_semaphore(%run_scoped3A : memref<!tpu.dma_semaphore, #tpu.memory_space<semaphore_mem>>)
        %dma_wait3A_2456 = tpu.memref_slice %arg5[%mul3A_2441] : memref<512xi32, #tpu.memory_space<vmem>> -> memref<16xi32, #tpu.memory_space<vmem>>
        %dma_wait3A_2457 = tpu.memref_slice %arg14[%mul3A_2443] : memref<512xi32, #tpu.memory_space<vmem_shared>> -> memref<16xi32, #tpu.memory_space<vmem_shared>>
        %dma_wait3A_2458 = tpu.memref_slice %arg14[%mul3A_2443] : memref<512xi32, #tpu.memory_space<vmem_shared>> -> memref<16xi32, #tpu.memory_space<vmem_shared>>
        %dma_wait3A_2459 = tpu.memref_slice %arg5[%mul3A_2441] : memref<512xi32, #tpu.memory_space<vmem>> -> memref<16xi32, #tpu.memory_space<vmem>>
        tpu.wait_dma2 semaphore(%run_scoped3A : memref<!tpu.dma_semaphore, #tpu.memory_space<semaphore_mem>>) src(%dma_wait3A_2459 : memref<16xi32, #tpu.memory_space<vmem>>) dst(%dma_wait3A_2458 : memref<16xi32, #tpu.memory_space<vmem_shared>>)
        tpu.yield
      }) : () -> ()
      %mul3A_2444 = arith.constant 16 : i32
      %mul3A_2445 = arith.muli %arg1, %mul3A_2444 : i32
      %add3A_2446 = arith.constant 128 : i32
      %add3A_2447 = arith.addi %add3A_2446, %mul3A_2445 : i32
      %mul3A_2448 = arith.constant 16 : i32
      %mul3A_2449 = arith.muli %arg1, %mul3A_2448 : i32
      %add3A_2450 = arith.constant 128 : i32
      %add3A_2451 = arith.addi %add3A_2450, %mul3A_2449 : i32
      "tpu.region"() ({
        %run_scoped3A = tpu.sem_alloc : memref<!tpu.dma_semaphore, #tpu.memory_space<semaphore_mem>>
        %dma_start3A_2452 = tpu.memref_slice %arg5[%add3A_2447] : memref<512xi32, #tpu.memory_space<vmem>> -> memref<16xi32, #tpu.memory_space<vmem>>
        %dma_start3A_2453 = tpu.memref_slice %arg14[%add3A_2451] : memref<512xi32, #tpu.memory_space<vmem_shared>> -> memref<16xi32, #tpu.memory_space<vmem_shared>>
        %dma_start3A_2454 = tpu.memref_slice %arg14[%add3A_2451] : memref<512xi32, #tpu.memory_space<vmem_shared>> -> memref<16xi32, #tpu.memory_space<vmem_shared>>
        %dma_start3A_2455 = tpu.memref_slice %arg5[%add3A_2447] : memref<512xi32, #tpu.memory_space<vmem>> -> memref<16xi32, #tpu.memory_space<vmem>>
        tpu.enqueue_dma source(%dma_start3A_2455 : memref<16xi32, #tpu.memory_space<vmem>>) target(%dma_start3A_2454 : memref<16xi32, #tpu.memory_space<vmem_shared>>) target_semaphore(%run_scoped3A : memref<!tpu.dma_semaphore, #tpu.memory_space<semaphore_mem>>)
        %dma_wait3A_2456 = tpu.memref_slice %arg5[%add3A_2447] : memref<512xi32, #tpu.memory_space<vmem>> -> memref<16xi32, #tpu.memory_space<vmem>>
        %dma_wait3A_2457 = tpu.memref_slice %arg14[%add3A_2451] : memref<512xi32, #tpu.memory_space<vmem_shared>> -> memref<16xi32, #tpu.memory_space<vmem_shared>>
        %dma_wait3A_2458 = tpu.memref_slice %arg14[%add3A_2451] : memref<512xi32, #tpu.memory_space<vmem_shared>> -> memref<16xi32, #tpu.memory_space<vmem_shared>>
        %dma_wait3A_2459 = tpu.memref_slice %arg5[%add3A_2447] : memref<512xi32, #tpu.memory_space<vmem>> -> memref<16xi32, #tpu.memory_space<vmem>>
        tpu.wait_dma2 semaphore(%run_scoped3A : memref<!tpu.dma_semaphore, #tpu.memory_space<semaphore_mem>>) src(%dma_wait3A_2459 : memref<16xi32, #tpu.memory_space<vmem>>) dst(%dma_wait3A_2458 : memref<16xi32, #tpu.memory_space<vmem_shared>>)
        tpu.yield
      }) : () -> ()
    } else {
    }
    %ge3A = arith.constant 8 : i32
    %ge3A_5 = arith.cmpi sge, %arg1, %ge3A : i32
    %convert_element_type3A_6 = arith.extui %ge3A_5 : i1 to i32
    %cond3A_7 = arith.constant 0 : i32
    %cond3A_8 = arith.cmpi ne, %convert_element_type3A_6, %cond3A_7 : i32
    scf.if %cond3A_8 {
      %sub3A_2415 = arith.constant 8 : i32
      %sub3A_2416 = arith.subi %arg1, %sub3A_2415 : i32
      %mul3A_2417 = arith.constant 16 : i32
      %mul3A_2418 = arith.muli %sub3A_2416, %mul3A_2417 : i32
      %scan3A_2419 = arith.constant 0 : i32
      %scan3A_2420 = arith.constant 32 : i32
      %scan3A_2421 = arith.addi %scan3A_2419, %scan3A_2420 : i32
      %scan3A_2422 = arith.constant 1 : i32
      %scan3A_2423:2 = scf.for %scan3A_2441 = %scan3A_2419 to %scan3A_2421 step %scan3A_2422 iter_args(%scan3A_2442 = %broadcast_in_dim3A_2, %scan3A_2443 = %broadcast_in_dim3A_2) -> (vector<16xi32>, vector<16xi32>)  : i32 {
        %mul3A_2444 = arith.constant 4 : i32
        %mul3A_2445 = arith.muli %scan3A_2441, %mul3A_2444 : i32
        %add3A_2446 = arith.constant 0 : i32
        %add3A_2447 = arith.addi %mul3A_2445, %add3A_2446 : i32
        %mul3A_2448 = arith.constant 128 : i32
        %mul3A_2449 = arith.muli %add3A_2447, %mul3A_2448 : i32
        %add3A_2450 = arith.addi %mul3A_2449, %mul3A_2418 : i32
        %get3A_2451 = arith.index_cast %add3A_2450 : i32 to index
        %get3A_2452 = tpu.vector_load %arg4[%get3A_2451] {strides = array<i32>} : memref<16384xf32, #tpu.memory_space<vmem>>, vector<16xf32>,
        %convert_element_type3A_2453 = arith.fptosi %get3A_2452 : vector<16xf32> to vector<16xi32>
        %and3A = arith.constant 3 : i32
        %and3A_2454 = vector.broadcast %and3A : i32 to vector<16xi32>
        %and3A_2455 = arith.andi %convert_element_type3A_2453, %and3A_2454 : vector<16xi32>
        %mul3A_2456 = arith.constant 8 : i32
        %mul3A_2457 = vector.broadcast %mul3A_2456 : i32 to vector<16xi32>
        %mul3A_2458 = arith.muli %and3A_2455, %mul3A_2457 : vector<16xi32>
        %shift_left3A = arith.constant 1 : i32
        %shift_left3A_2459 = vector.broadcast %shift_left3A : i32 to vector<16xi32>
        %shift_left3A_2460 = arith.shli %shift_left3A_2459, %mul3A_2458 : vector<16xi32>
        %lt3A_2461 = arith.constant 4 : i32
        %lt3A_2462 = vector.broadcast %lt3A_2461 : i32 to vector<16xi32>
        %lt3A_2463 = arith.cmpi slt, %convert_element_type3A_2453, %lt3A_2462 : vector<16xi32>
        %select_n3A = arith.select %lt3A_2463, %shift_left3A_2460, %broadcast_in_dim3A_2 : vector<16xi1>, vector<16xi32>
        %add3A_2464 = arith.addi %scan3A_2442, %select_n3A : vector<16xi32>
        %select_n3A_2465 = arith.select %lt3A_2463, %broadcast_in_dim3A_2, %shift_left3A_2460 : vector<16xi1>, vector<16xi32>
        %add3A_2466 = arith.addi %scan3A_2443, %select_n3A_2465 : vector<16xi32>
        %mul3A_2467 = arith.constant 4 : i32
        %mul3A_2468 = arith.muli %scan3A_2441, %mul3A_2467 : i32
        %add3A_2469 = arith.constant 1 : i32
        %add3A_2470 = arith.addi %mul3A_2468, %add3A_2469 : i32
        %mul3A_2471 = arith.constant 128 : i32
        %mul3A_2472 = arith.muli %add3A_2470, %mul3A_2471 : i32
        %add3A_2473 = arith.addi %mul3A_2472, %mul3A_2418 : i32
        %get3A_2474 = arith.index_cast %add3A_2473 : i32 to index
        %get3A_2475 = tpu.vector_load %arg4[%get3A_2474] {strides = array<i32>} : memref<16384xf32, #tpu.memory_space<vmem>>, vector<16xf32>,
        %convert_element_type3A_2476 = arith.fptosi %get3A_2475 : vector<16xf32> to vector<16xi32>
        %and3A_2477 = arith.constant 3 : i32
        %and3A_2478 = vector.broadcast %and3A_2477 : i32 to vector<16xi32>
        %and3A_2479 = arith.andi %convert_element_type3A_2476, %and3A_2478 : vector<16xi32>
        %mul3A_2480 = arith.constant 8 : i32
        %mul3A_2481 = vector.broadcast %mul3A_2480 : i32 to vector<16xi32>
        %mul3A_2482 = arith.muli %and3A_2479, %mul3A_2481 : vector<16xi32>
        %shift_left3A_2483 = arith.constant 1 : i32
        %shift_left3A_2484 = vector.broadcast %shift_left3A_2483 : i32 to vector<16xi32>
        %shift_left3A_2485 = arith.shli %shift_left3A_2484, %mul3A_2482 : vector<16xi32>
        %lt3A_2486 = arith.constant 4 : i32
        %lt3A_2487 = vector.broadcast %lt3A_2486 : i32 to vector<16xi32>
        %lt3A_2488 = arith.cmpi slt, %convert_element_type3A_2476, %lt3A_2487 : vector<16xi32>
        %select_n3A_2489 = arith.select %lt3A_2488, %shift_left3A_2485, %broadcast_in_dim3A_2 : vector<16xi1>, vector<16xi32>
        %add3A_2490 = arith.addi %add3A_2464, %select_n3A_2489 : vector<16xi32>
        %select_n3A_2491 = arith.select %lt3A_2488, %broadcast_in_dim3A_2, %shift_left3A_2485 : vector<16xi1>, vector<16xi32>
        %add3A_2492 = arith.addi %add3A_2466, %select_n3A_2491 : vector<16xi32>
        %mul3A_2493 = arith.constant 4 : i32
        %mul3A_2494 = arith.muli %scan3A_2441, %mul3A_2493 : i32
        %add3A_2495 = arith.constant 2 : i32
        %add3A_2496 = arith.addi %mul3A_2494, %add3A_2495 : i32
        %mul3A_2497 = arith.constant 128 : i32
        %mul3A_2498 = arith.muli %add3A_2496, %mul3A_2497 : i32
        %add3A_2499 = arith.addi %mul3A_2498, %mul3A_2418 : i32
        %get3A_2500 = arith.index_cast %add3A_2499 : i32 to index
        %get3A_2501 = tpu.vector_load %arg4[%get3A_2500] {strides = array<i32>} : memref<16384xf32, #tpu.memory_space<vmem>>, vector<16xf32>,
        %convert_element_type3A_2502 = arith.fptosi %get3A_2501 : vector<16xf32> to vector<16xi32>
        %and3A_2503 = arith.constant 3 : i32
        %and3A_2504 = vector.broadcast %and3A_2503 : i32 to vector<16xi32>
        %and3A_2505 = arith.andi %convert_element_type3A_2502, %and3A_2504 : vector<16xi32>
        %mul3A_2506 = arith.constant 8 : i32
        %mul3A_2507 = vector.broadcast %mul3A_2506 : i32 to vector<16xi32>
        %mul3A_2508 = arith.muli %and3A_2505, %mul3A_2507 : vector<16xi32>
        %shift_left3A_2509 = arith.constant 1 : i32
        %shift_left3A_2510 = vector.broadcast %shift_left3A_2509 : i32 to vector<16xi32>
        %shift_left3A_2511 = arith.shli %shift_left3A_2510, %mul3A_2508 : vector<16xi32>
        %lt3A_2512 = arith.constant 4 : i32
        %lt3A_2513 = vector.broadcast %lt3A_2512 : i32 to vector<16xi32>
        %lt3A_2514 = arith.cmpi slt, %convert_element_type3A_2502, %lt3A_2513 : vector<16xi32>
        %select_n3A_2515 = arith.select %lt3A_2514, %shift_left3A_2511, %broadcast_in_dim3A_2 : vector<16xi1>, vector<16xi32>
        %add3A_2516 = arith.addi %add3A_2490, %select_n3A_2515 : vector<16xi32>
        %select_n3A_2517 = arith.select %lt3A_2514, %broadcast_in_dim3A_2, %shift_left3A_2511 : vector<16xi1>, vector<16xi32>
        %add3A_2518 = arith.addi %add3A_2492, %select_n3A_2517 : vector<16xi32>
        %mul3A_2519 = arith.constant 4 : i32
        %mul3A_2520 = arith.muli %scan3A_2441, %mul3A_2519 : i32
        %add3A_2521 = arith.constant 3 : i32
        %add3A_2522 = arith.addi %mul3A_2520, %add3A_2521 : i32
        %mul3A_2523 = arith.constant 128 : i32
        %mul3A_2524 = arith.muli %add3A_2522, %mul3A_2523 : i32
        %add3A_2525 = arith.addi %mul3A_2524, %mul3A_2418 : i32
        %get3A_2526 = arith.index_cast %add3A_2525 : i32 to index
        %get3A_2527 = tpu.vector_load %arg4[%get3A_2526] {strides = array<i32>} : memref<16384xf32, #tpu.memory_space<vmem>>, vector<16xf32>,
        %convert_element_type3A_2528 = arith.fptosi %get3A_2527 : vector<16xf32> to vector<16xi32>
        %and3A_2529 = arith.constant 3 : i32
        %and3A_2530 = vector.broadcast %and3A_2529 : i32 to vector<16xi32>
        %and3A_2531 = arith.andi %convert_element_type3A_2528, %and3A_2530 : vector<16xi32>
        %mul3A_2532 = arith.constant 8 : i32
        %mul3A_2533 = vector.broadcast %mul3A_2532 : i32 to vector<16xi32>
        %mul3A_2534 = arith.muli %and3A_2531, %mul3A_2533 : vector<16xi32>
        %shift_left3A_2535 = arith.constant 1 : i32
        %shift_left3A_2536 = vector.broadcast %shift_left3A_2535 : i32 to vector<16xi32>
        %shift_left3A_2537 = arith.shli %shift_left3A_2536, %mul3A_2534 : vector<16xi32>
        %lt3A_2538 = arith.constant 4 : i32
        %lt3A_2539 = vector.broadcast %lt3A_2538 : i32 to vector<16xi32>
        %lt3A_2540 = arith.cmpi slt, %convert_element_type3A_2528, %lt3A_2539 : vector<16xi32>
        %select_n3A_2541 = arith.select %lt3A_2540, %shift_left3A_2537, %broadcast_in_dim3A_2 : vector<16xi1>, vector<16xi32>
        %add3A_2542 = arith.addi %add3A_2516, %select_n3A_2541 : vector<16xi32>
        %select_n3A_2543 = arith.select %lt3A_2540, %broadcast_in_dim3A_2, %shift_left3A_2537 : vector<16xi1>, vector<16xi32>
        %add3A_2544 = arith.addi %add3A_2518, %select_n3A_2543 : vector<16xi32>
        scf.yield %add3A_2542, %add3A_2544 : vector<16xi32>, vector<16xi32>
      }
      %scan3A_2424 = arith.constant 32 : i32
      %add3A_2425 = arith.constant 256 : i32
      %add3A_2426 = arith.addi %add3A_2425, %mul3A_2418 : i32
      %swap3A_2427 = arith.index_cast %add3A_2426 : i32 to index
      %swap3A_2428 = tpu.vector_load %arg5[%swap3A_2427] {strides = array<i32>} : memref<512xi32, #tpu.memory_space<vmem>>, vector<16xi32>,
      tpu.vector_store %arg5[%swap3A_2427], %scan3A_2423#0 {strides = array<i32>} : memref<512xi32, #tpu.memory_space<vmem>>, vector<16xi32>,
      %add3A_2429 = arith.constant 384 : i32
      %add3A_2430 = arith.addi %add3A_2429, %mul3A_2418 : i32
      %swap3A_2431 = arith.index_cast %add3A_2430 : i32 to index
      %swap3A_2432 = tpu.vector_load %arg5[%swap3A_2431] {strides = array<i32>} : memref<512xi32, #tpu.memory_space<vmem>>, vector<16xi32>,
      tpu.vector_store %arg5[%swap3A_2431], %scan3A_2423#1 {strides = array<i32>} : memref<512xi32, #tpu.memory_space<vmem>>, vector<16xi32>,
      %add3A_2433 = arith.constant 256 : i32
      %add3A_2434 = arith.addi %add3A_2433, %mul3A_2418 : i32
      %add3A_2435 = arith.constant 256 : i32
      %add3A_2436 = arith.addi %add3A_2435, %mul3A_2418 : i32
      "tpu.region"() ({
        %run_scoped3A = tpu.sem_alloc : memref<!tpu.dma_semaphore, #tpu.memory_space<semaphore_mem>>
        %dma_start3A_2441 = tpu.memref_slice %arg5[%add3A_2434] : memref<512xi32, #tpu.memory_space<vmem>> -> memref<16xi32, #tpu.memory_space<vmem>>
        %dma_start3A_2442 = tpu.memref_slice %arg14[%add3A_2436] : memref<512xi32, #tpu.memory_space<vmem_shared>> -> memref<16xi32, #tpu.memory_space<vmem_shared>>
        %dma_start3A_2443 = tpu.memref_slice %arg14[%add3A_2436] : memref<512xi32, #tpu.memory_space<vmem_shared>> -> memref<16xi32, #tpu.memory_space<vmem_shared>>
        %dma_start3A_2444 = tpu.memref_slice %arg5[%add3A_2434] : memref<512xi32, #tpu.memory_space<vmem>> -> memref<16xi32, #tpu.memory_space<vmem>>
        tpu.enqueue_dma source(%dma_start3A_2444 : memref<16xi32, #tpu.memory_space<vmem>>) target(%dma_start3A_2443 : memref<16xi32, #tpu.memory_space<vmem_shared>>) target_semaphore(%run_scoped3A : memref<!tpu.dma_semaphore, #tpu.memory_space<semaphore_mem>>)
        %dma_wait3A_2445 = tpu.memref_slice %arg5[%add3A_2434] : memref<512xi32, #tpu.memory_space<vmem>> -> memref<16xi32, #tpu.memory_space<vmem>>
        %dma_wait3A_2446 = tpu.memref_slice %arg14[%add3A_2436] : memref<512xi32, #tpu.memory_space<vmem_shared>> -> memref<16xi32, #tpu.memory_space<vmem_shared>>
        %dma_wait3A_2447 = tpu.memref_slice %arg14[%add3A_2436] : memref<512xi32, #tpu.memory_space<vmem_shared>> -> memref<16xi32, #tpu.memory_space<vmem_shared>>
        %dma_wait3A_2448 = tpu.memref_slice %arg5[%add3A_2434] : memref<512xi32, #tpu.memory_space<vmem>> -> memref<16xi32, #tpu.memory_space<vmem>>
        tpu.wait_dma2 semaphore(%run_scoped3A : memref<!tpu.dma_semaphore, #tpu.memory_space<semaphore_mem>>) src(%dma_wait3A_2448 : memref<16xi32, #tpu.memory_space<vmem>>) dst(%dma_wait3A_2447 : memref<16xi32, #tpu.memory_space<vmem_shared>>)
        tpu.yield
      }) : () -> ()
      %add3A_2437 = arith.constant 384 : i32
      %add3A_2438 = arith.addi %add3A_2437, %mul3A_2418 : i32
      %add3A_2439 = arith.constant 384 : i32
      %add3A_2440 = arith.addi %add3A_2439, %mul3A_2418 : i32
      "tpu.region"() ({
        %run_scoped3A = tpu.sem_alloc : memref<!tpu.dma_semaphore, #tpu.memory_space<semaphore_mem>>
        %dma_start3A_2441 = tpu.memref_slice %arg5[%add3A_2438] : memref<512xi32, #tpu.memory_space<vmem>> -> memref<16xi32, #tpu.memory_space<vmem>>
        %dma_start3A_2442 = tpu.memref_slice %arg14[%add3A_2440] : memref<512xi32, #tpu.memory_space<vmem_shared>> -> memref<16xi32, #tpu.memory_space<vmem_shared>>
        %dma_start3A_2443 = tpu.memref_slice %arg14[%add3A_2440] : memref<512xi32, #tpu.memory_space<vmem_shared>> -> memref<16xi32, #tpu.memory_space<vmem_shared>>
        %dma_start3A_2444 = tpu.memref_slice %arg5[%add3A_2438] : memref<512xi32, #tpu.memory_space<vmem>> -> memref<16xi32, #tpu.memory_space<vmem>>
        tpu.enqueue_dma source(%dma_start3A_2444 : memref<16xi32, #tpu.memory_space<vmem>>) target(%dma_start3A_2443 : memref<16xi32, #tpu.memory_space<vmem_shared>>) target_semaphore(%run_scoped3A : memref<!tpu.dma_semaphore, #tpu.memory_space<semaphore_mem>>)
        %dma_wait3A_2445 = tpu.memref_slice %arg5[%add3A_2438] : memref<512xi32, #tpu.memory_space<vmem>> -> memref<16xi32, #tpu.memory_space<vmem>>
        %dma_wait3A_2446 = tpu.memref_slice %arg14[%add3A_2440] : memref<512xi32, #tpu.memory_space<vmem_shared>> -> memref<16xi32, #tpu.memory_space<vmem_shared>>
        %dma_wait3A_2447 = tpu.memref_slice %arg14[%add3A_2440] : memref<512xi32, #tpu.memory_space<vmem_shared>> -> memref<16xi32, #tpu.memory_space<vmem_shared>>
        %dma_wait3A_2448 = tpu.memref_slice %arg5[%add3A_2438] : memref<512xi32, #tpu.memory_space<vmem>> -> memref<16xi32, #tpu.memory_space<vmem>>
        tpu.wait_dma2 semaphore(%run_scoped3A : memref<!tpu.dma_semaphore, #tpu.memory_space<semaphore_mem>>) src(%dma_wait3A_2448 : memref<16xi32, #tpu.memory_space<vmem>>) dst(%dma_wait3A_2447 : memref<16xi32, #tpu.memory_space<vmem_shared>>)
        tpu.yield
      }) : () -> ()
    } else {
    }
    %barrier3A = arith.constant 0 : index
    tpu.barrier barrier_id(%barrier3A)
    "tpu.region"() ({
      %run_scoped3A = tpu.sem_alloc : memref<!tpu.dma_semaphore, #tpu.memory_space<semaphore_mem>>
      tpu.enqueue_dma source(%arg14 : memref<512xi32, #tpu.memory_space<vmem_shared>>) target(%arg5 : memref<512xi32, #tpu.memory_space<vmem>>) target_semaphore(%run_scoped3A : memref<!tpu.dma_semaphore, #tpu.memory_space<semaphore_mem>>)
      tpu.wait_dma2 semaphore(%run_scoped3A : memref<!tpu.dma_semaphore, #tpu.memory_space<semaphore_mem>>) src(%arg14 : memref<512xi32, #tpu.memory_space<vmem_shared>>) dst(%arg5 : memref<512xi32, #tpu.memory_space<vmem>>)
      tpu.yield
    }) : () -> ()
    %lt3A_9 = arith.constant 8 : i32
    %lt3A_10 = arith.cmpi slt, %arg1, %lt3A_9 : i32
    %convert_element_type3A_11 = arith.extui %lt3A_10 : i1 to i32
    %cond3A_12 = arith.constant 0 : i32
    %cond3A_13 = arith.cmpi ne, %convert_element_type3A_11, %cond3A_12 : i32
    scf.if %cond3A_13 {
      %mul3A_2415 = arith.constant 16 : i32
      %mul3A_2416 = arith.muli %arg1, %mul3A_2415 : i32
      %add3A_2417 = arith.constant 0 : i32
      %add3A_2418 = arith.addi %add3A_2417, %mul3A_2416 : i32
      %get3A_2419 = arith.index_cast %add3A_2418 : i32 to index
      %get3A_2420 = tpu.vector_load %arg5[%get3A_2419] {strides = array<i32>} : memref<512xi32, #tpu.memory_space<vmem>>, vector<16xi32>,
      %mul3A_2421 = arith.constant 16 : i32
      %mul3A_2422 = arith.muli %arg1, %mul3A_2421 : i32
      %add3A_2423 = arith.constant 128 : i32
      %add3A_2424 = arith.addi %add3A_2423, %mul3A_2422 : i32
      %get3A_2425 = arith.index_cast %add3A_2424 : i32 to index
      %get3A_2426 = tpu.vector_load %arg5[%get3A_2425] {strides = array<i32>} : memref<512xi32, #tpu.memory_space<vmem>>, vector<16xi32>,
      %broadcast_in_dim3A_2427 = arith.constant 1048576 : i32
      %broadcast_in_dim3A_2428 = vector.broadcast %broadcast_in_dim3A_2427 : i32 to vector<16xi32>
      %scan3A_2429 = arith.constant 0 : i32
      %scan3A_2430 = arith.constant 64 : i32
      %scan3A_2431 = arith.addi %scan3A_2429, %scan3A_2430 : i32
      %scan3A_2432 = arith.constant 1 : i32
      %scan3A_2433 = scf.for %scan3A_2449 = %scan3A_2429 to %scan3A_2431 step %scan3A_2432 iter_args(%scan3A_2450 = %broadcast_in_dim3A_2428) -> (vector<16xi32>)  : i32 {
        %mul3A_2451 = arith.constant 2 : i32
        %mul3A_2452 = arith.muli %scan3A_2449, %mul3A_2451 : i32
        %add3A_2453 = arith.constant 0 : i32
        %add3A_2454 = arith.addi %mul3A_2452, %add3A_2453 : i32
        %add3A_2455 = vector.broadcast %add3A_2454 : i32 to vector<16xi32>
        %add3A_2456 = arith.addi %broadcast_in_dim3A_2, %add3A_2455 : vector<16xi32>
        %add3A_2457 = arith.constant 0 : i32
        %add3A_2458 = vector.broadcast %add3A_2457 : i32 to vector<16xi32>
        %add3A_2459 = arith.addi %add3A_2458, %add3A_2456 : vector<16xi32>
        %gather3A_2460 = tpu.vector_load_idx %arg5[%add3A_2459] : memref<512xi32, #tpu.memory_space<vmem>>[vector<16xi32>], vector<16xi32>,
        %add3A_2461 = arith.constant 128 : i32
        %add3A_2462 = vector.broadcast %add3A_2461 : i32 to vector<16xi32>
        %add3A_2463 = arith.addi %add3A_2462, %add3A_2456 : vector<16xi32>
        %gather3A_2464 = tpu.vector_load_idx %arg5[%add3A_2463] : memref<512xi32, #tpu.memory_space<vmem>>[vector<16xi32>], vector<16xi32>,
        %eq3A_2465 = arith.cmpi eq, %get3A_2420, %gather3A_2460 : vector<16xi32>
        %eq3A_2466 = arith.cmpi eq, %get3A_2426, %gather3A_2464 : vector<16xi32>
        %and3A = arith.andi %eq3A_2465, %eq3A_2466 : vector<16xi1>
        %min3A = vector.broadcast %add3A_2454 : i32 to vector<16xi32>
        %min3A_2467 = arith.minsi %scan3A_2450, %min3A : vector<16xi32>
        %select_n3A = arith.select %and3A, %min3A_2467, %scan3A_2450 : vector<16xi1>, vector<16xi32>
        %mul3A_2468 = arith.constant 2 : i32
        %mul3A_2469 = arith.muli %scan3A_2449, %mul3A_2468 : i32
        %add3A_2470 = arith.constant 1 : i32
        %add3A_2471 = arith.addi %mul3A_2469, %add3A_2470 : i32
        %add3A_2472 = vector.broadcast %add3A_2471 : i32 to vector<16xi32>
        %add3A_2473 = arith.addi %broadcast_in_dim3A_2, %add3A_2472 : vector<16xi32>
        %add3A_2474 = arith.constant 0 : i32
        %add3A_2475 = vector.broadcast %add3A_2474 : i32 to vector<16xi32>
        %add3A_2476 = arith.addi %add3A_2475, %add3A_2473 : vector<16xi32>
        %gather3A_2477 = tpu.vector_load_idx %arg5[%add3A_2476] : memref<512xi32, #tpu.memory_space<vmem>>[vector<16xi32>], vector<16xi32>,
        %add3A_2478 = arith.constant 128 : i32
        %add3A_2479 = vector.broadcast %add3A_2478 : i32 to vector<16xi32>
        %add3A_2480 = arith.addi %add3A_2479, %add3A_2473 : vector<16xi32>
        %gather3A_2481 = tpu.vector_load_idx %arg5[%add3A_2480] : memref<512xi32, #tpu.memory_space<vmem>>[vector<16xi32>], vector<16xi32>,
        %eq3A_2482 = arith.cmpi eq, %get3A_2420, %gather3A_2477 : vector<16xi32>
        %eq3A_2483 = arith.cmpi eq, %get3A_2426, %gather3A_2481 : vector<16xi32>
        %and3A_2484 = arith.andi %eq3A_2482, %eq3A_2483 : vector<16xi1>
        %min3A_2485 = vector.broadcast %add3A_2471 : i32 to vector<16xi32>
        %min3A_2486 = arith.minsi %select_n3A, %min3A_2485 : vector<16xi32>
        %select_n3A_2487 = arith.select %and3A_2484, %min3A_2486, %select_n3A : vector<16xi1>, vector<16xi32>
        scf.yield %select_n3A_2487 : vector<16xi32>
      }
      %scan3A_2434 = arith.constant 64 : i32
      %mul3A_2435 = arith.constant 16 : i32
      %mul3A_2436 = arith.muli %arg1, %mul3A_2435 : i32
      %add3A_2437 = arith.constant 0 : i32
      %add3A_2438 = arith.addi %add3A_2437, %mul3A_2436 : i32
      %swap3A_2439 = arith.index_cast %add3A_2438 : i32 to index
      %swap3A_2440 = tpu.vector_load %arg6[%swap3A_2439] {strides = array<i32>} : memref<256xi32, #tpu.memory_space<vmem>>, vector<16xi32>,
      tpu.vector_store %arg6[%swap3A_2439], %scan3A_2433 {strides = array<i32>} : memref<256xi32, #tpu.memory_space<vmem>>, vector<16xi32>,
      %mul3A_2441 = arith.constant 16 : i32
      %mul3A_2442 = arith.muli %arg1, %mul3A_2441 : i32
      %add3A_2443 = arith.constant 0 : i32
      %add3A_2444 = arith.addi %add3A_2443, %mul3A_2442 : i32
      %mul3A_2445 = arith.constant 16 : i32
      %mul3A_2446 = arith.muli %arg1, %mul3A_2445 : i32
      %add3A_2447 = arith.constant 0 : i32
      %add3A_2448 = arith.addi %add3A_2447, %mul3A_2446 : i32
      "tpu.region"() ({
        %run_scoped3A = tpu.sem_alloc : memref<!tpu.dma_semaphore, #tpu.memory_space<semaphore_mem>>
        %dma_start3A_2449 = tpu.memref_slice %arg6[%add3A_2444] : memref<256xi32, #tpu.memory_space<vmem>> -> memref<16xi32, #tpu.memory_space<vmem>>
        %dma_start3A_2450 = tpu.memref_slice %arg15[%add3A_2448] : memref<256xi32, #tpu.memory_space<vmem_shared>> -> memref<16xi32, #tpu.memory_space<vmem_shared>>
        %dma_start3A_2451 = tpu.memref_slice %arg15[%add3A_2448] : memref<256xi32, #tpu.memory_space<vmem_shared>> -> memref<16xi32, #tpu.memory_space<vmem_shared>>
        %dma_start3A_2452 = tpu.memref_slice %arg6[%add3A_2444] : memref<256xi32, #tpu.memory_space<vmem>> -> memref<16xi32, #tpu.memory_space<vmem>>
        tpu.enqueue_dma source(%dma_start3A_2452 : memref<16xi32, #tpu.memory_space<vmem>>) target(%dma_start3A_2451 : memref<16xi32, #tpu.memory_space<vmem_shared>>) target_semaphore(%run_scoped3A : memref<!tpu.dma_semaphore, #tpu.memory_space<semaphore_mem>>)
        %dma_wait3A_2453 = tpu.memref_slice %arg6[%add3A_2444] : memref<256xi32, #tpu.memory_space<vmem>> -> memref<16xi32, #tpu.memory_space<vmem>>
        %dma_wait3A_2454 = tpu.memref_slice %arg15[%add3A_2448] : memref<256xi32, #tpu.memory_space<vmem_shared>> -> memref<16xi32, #tpu.memory_space<vmem_shared>>
        %dma_wait3A_2455 = tpu.memref_slice %arg15[%add3A_2448] : memref<256xi32, #tpu.memory_space<vmem_shared>> -> memref<16xi32, #tpu.memory_space<vmem_shared>>
        %dma_wait3A_2456 = tpu.memref_slice %arg6[%add3A_2444] : memref<256xi32, #tpu.memory_space<vmem>> -> memref<16xi32, #tpu.memory_space<vmem>>
        tpu.wait_dma2 semaphore(%run_scoped3A : memref<!tpu.dma_semaphore, #tpu.memory_space<semaphore_mem>>) src(%dma_wait3A_2456 : memref<16xi32, #tpu.memory_space<vmem>>) dst(%dma_wait3A_2455 : memref<16xi32, #tpu.memory_space<vmem_shared>>)
        tpu.yield
      }) : () -> ()
    } else {
    }
    %ge3A_14 = arith.constant 8 : i32
    %ge3A_15 = arith.cmpi sge, %arg1, %ge3A_14 : i32
    %convert_element_type3A_16 = arith.extui %ge3A_15 : i1 to i32
    %cond3A_17 = arith.constant 0 : i32
    %cond3A_18 = arith.cmpi ne, %convert_element_type3A_16, %cond3A_17 : i32
    scf.if %cond3A_18 {
      %sub3A_2415 = arith.constant 8 : i32
      %sub3A_2416 = arith.subi %arg1, %sub3A_2415 : i32
      %mul3A_2417 = arith.constant 16 : i32
      %mul3A_2418 = arith.muli %sub3A_2416, %mul3A_2417 : i32
      %add3A_2419 = arith.constant 256 : i32
      %add3A_2420 = arith.addi %add3A_2419, %mul3A_2418 : i32
      %get3A_2421 = arith.index_cast %add3A_2420 : i32 to index
      %get3A_2422 = tpu.vector_load %arg5[%get3A_2421] {strides = array<i32>} : memref<512xi32, #tpu.memory_space<vmem>>, vector<16xi32>,
      %mul3A_2423 = arith.constant 16 : i32
      %mul3A_2424 = arith.muli %sub3A_2416, %mul3A_2423 : i32
      %add3A_2425 = arith.constant 384 : i32
      %add3A_2426 = arith.addi %add3A_2425, %mul3A_2424 : i32
      %get3A_2427 = arith.index_cast %add3A_2426 : i32 to index
      %get3A_2428 = tpu.vector_load %arg5[%get3A_2427] {strides = array<i32>} : memref<512xi32, #tpu.memory_space<vmem>>, vector<16xi32>,
      %broadcast_in_dim3A_2429 = arith.constant 1048576 : i32
      %broadcast_in_dim3A_2430 = vector.broadcast %broadcast_in_dim3A_2429 : i32 to vector<16xi32>
      %scan3A_2431 = arith.constant 0 : i32
      %scan3A_2432 = arith.constant 64 : i32
      %scan3A_2433 = arith.addi %scan3A_2431, %scan3A_2432 : i32
      %scan3A_2434 = arith.constant 1 : i32
      %scan3A_2435 = scf.for %scan3A_2451 = %scan3A_2431 to %scan3A_2433 step %scan3A_2434 iter_args(%scan3A_2452 = %broadcast_in_dim3A_2430) -> (vector<16xi32>)  : i32 {
        %mul3A_2453 = arith.constant 2 : i32
        %mul3A_2454 = arith.muli %scan3A_2451, %mul3A_2453 : i32
        %add3A_2455 = arith.constant 0 : i32
        %add3A_2456 = arith.addi %mul3A_2454, %add3A_2455 : i32
        %add3A_2457 = vector.broadcast %add3A_2456 : i32 to vector<16xi32>
        %add3A_2458 = arith.addi %broadcast_in_dim3A_2, %add3A_2457 : vector<16xi32>
        %add3A_2459 = arith.constant 256 : i32
        %add3A_2460 = vector.broadcast %add3A_2459 : i32 to vector<16xi32>
        %add3A_2461 = arith.addi %add3A_2460, %add3A_2458 : vector<16xi32>
        %gather3A_2462 = tpu.vector_load_idx %arg5[%add3A_2461] : memref<512xi32, #tpu.memory_space<vmem>>[vector<16xi32>], vector<16xi32>,
        %add3A_2463 = arith.constant 384 : i32
        %add3A_2464 = vector.broadcast %add3A_2463 : i32 to vector<16xi32>
        %add3A_2465 = arith.addi %add3A_2464, %add3A_2458 : vector<16xi32>
        %gather3A_2466 = tpu.vector_load_idx %arg5[%add3A_2465] : memref<512xi32, #tpu.memory_space<vmem>>[vector<16xi32>], vector<16xi32>,
        %eq3A_2467 = arith.cmpi eq, %get3A_2422, %gather3A_2462 : vector<16xi32>
        %eq3A_2468 = arith.cmpi eq, %get3A_2428, %gather3A_2466 : vector<16xi32>
        %and3A = arith.andi %eq3A_2467, %eq3A_2468 : vector<16xi1>
        %min3A = vector.broadcast %add3A_2456 : i32 to vector<16xi32>
        %min3A_2469 = arith.minsi %scan3A_2452, %min3A : vector<16xi32>
        %select_n3A = arith.select %and3A, %min3A_2469, %scan3A_2452 : vector<16xi1>, vector<16xi32>
        %mul3A_2470 = arith.constant 2 : i32
        %mul3A_2471 = arith.muli %scan3A_2451, %mul3A_2470 : i32
        %add3A_2472 = arith.constant 1 : i32
        %add3A_2473 = arith.addi %mul3A_2471, %add3A_2472 : i32
        %add3A_2474 = vector.broadcast %add3A_2473 : i32 to vector<16xi32>
        %add3A_2475 = arith.addi %broadcast_in_dim3A_2, %add3A_2474 : vector<16xi32>
        %add3A_2476 = arith.constant 256 : i32
        %add3A_2477 = vector.broadcast %add3A_2476 : i32 to vector<16xi32>
        %add3A_2478 = arith.addi %add3A_2477, %add3A_2475 : vector<16xi32>
        %gather3A_2479 = tpu.vector_load_idx %arg5[%add3A_2478] : memref<512xi32, #tpu.memory_space<vmem>>[vector<16xi32>], vector<16xi32>,
        %add3A_2480 = arith.constant 384 : i32
        %add3A_2481 = vector.broadcast %add3A_2480 : i32 to vector<16xi32>
        %add3A_2482 = arith.addi %add3A_2481, %add3A_2475 : vector<16xi32>
        %gather3A_2483 = tpu.vector_load_idx %arg5[%add3A_2482] : memref<512xi32, #tpu.memory_space<vmem>>[vector<16xi32>], vector<16xi32>,
        %eq3A_2484 = arith.cmpi eq, %get3A_2422, %gather3A_2479 : vector<16xi32>
        %eq3A_2485 = arith.cmpi eq, %get3A_2428, %gather3A_2483 : vector<16xi32>
        %and3A_2486 = arith.andi %eq3A_2484, %eq3A_2485 : vector<16xi1>
        %min3A_2487 = vector.broadcast %add3A_2473 : i32 to vector<16xi32>
        %min3A_2488 = arith.minsi %select_n3A, %min3A_2487 : vector<16xi32>
        %select_n3A_2489 = arith.select %and3A_2486, %min3A_2488, %select_n3A : vector<16xi1>, vector<16xi32>
        scf.yield %select_n3A_2489 : vector<16xi32>
      }
      %scan3A_2436 = arith.constant 64 : i32
      %mul3A_2437 = arith.constant 16 : i32
      %mul3A_2438 = arith.muli %sub3A_2416, %mul3A_2437 : i32
      %add3A_2439 = arith.constant 128 : i32
      %add3A_2440 = arith.addi %add3A_2439, %mul3A_2438 : i32
      %swap3A_2441 = arith.index_cast %add3A_2440 : i32 to index
      %swap3A_2442 = tpu.vector_load %arg6[%swap3A_2441] {strides = array<i32>} : memref<256xi32, #tpu.memory_space<vmem>>, vector<16xi32>,
      tpu.vector_store %arg6[%swap3A_2441], %scan3A_2435 {strides = array<i32>} : memref<256xi32, #tpu.memory_space<vmem>>, vector<16xi32>,
      %mul3A_2443 = arith.constant 16 : i32
      %mul3A_2444 = arith.muli %sub3A_2416, %mul3A_2443 : i32
      %add3A_2445 = arith.constant 128 : i32
      %add3A_2446 = arith.addi %add3A_2445, %mul3A_2444 : i32
      %mul3A_2447 = arith.constant 16 : i32
      %mul3A_2448 = arith.muli %sub3A_2416, %mul3A_2447 : i32
      %add3A_2449 = arith.constant 128 : i32
      %add3A_2450 = arith.addi %add3A_2449, %mul3A_2448 : i32
      "tpu.region"() ({
        %run_scoped3A = tpu.sem_alloc : memref<!tpu.dma_semaphore, #tpu.memory_space<semaphore_mem>>
        %dma_start3A_2451 = tpu.memref_slice %arg6[%add3A_2446] : memref<256xi32, #tpu.memory_space<vmem>> -> memref<16xi32, #tpu.memory_space<vmem>>
        %dma_start3A_2452 = tpu.memref_slice %arg15[%add3A_2450] : memref<256xi32, #tpu.memory_space<vmem_shared>> -> memref<16xi32, #tpu.memory_space<vmem_shared>>
        %dma_start3A_2453 = tpu.memref_slice %arg15[%add3A_2450] : memref<256xi32, #tpu.memory_space<vmem_shared>> -> memref<16xi32, #tpu.memory_space<vmem_shared>>
        %dma_start3A_2454 = tpu.memref_slice %arg6[%add3A_2446] : memref<256xi32, #tpu.memory_space<vmem>> -> memref<16xi32, #tpu.memory_space<vmem>>
        tpu.enqueue_dma source(%dma_start3A_2454 : memref<16xi32, #tpu.memory_space<vmem>>) target(%dma_start3A_2453 : memref<16xi32, #tpu.memory_space<vmem_shared>>) target_semaphore(%run_scoped3A : memref<!tpu.dma_semaphore, #tpu.memory_space<semaphore_mem>>)
        %dma_wait3A_2455 = tpu.memref_slice %arg6[%add3A_2446] : memref<256xi32, #tpu.memory_space<vmem>> -> memref<16xi32, #tpu.memory_space<vmem>>
        %dma_wait3A_2456 = tpu.memref_slice %arg15[%add3A_2450] : memref<256xi32, #tpu.memory_space<vmem_shared>> -> memref<16xi32, #tpu.memory_space<vmem_shared>>
        %dma_wait3A_2457 = tpu.memref_slice %arg15[%add3A_2450] : memref<256xi32, #tpu.memory_space<vmem_shared>> -> memref<16xi32, #tpu.memory_space<vmem_shared>>
        %dma_wait3A_2458 = tpu.memref_slice %arg6[%add3A_2446] : memref<256xi32, #tpu.memory_space<vmem>> -> memref<16xi32, #tpu.memory_space<vmem>>
        tpu.wait_dma2 semaphore(%run_scoped3A : memref<!tpu.dma_semaphore, #tpu.memory_space<semaphore_mem>>) src(%dma_wait3A_2458 : memref<16xi32, #tpu.memory_space<vmem>>) dst(%dma_wait3A_2457 : memref<16xi32, #tpu.memory_space<vmem_shared>>)
        tpu.yield
      }) : () -> ()
    } else {
    }
    %barrier3A_19 = arith.constant 0 : index
    tpu.barrier barrier_id(%barrier3A_19)
    "tpu.region"() ({
      %run_scoped3A = tpu.sem_alloc : memref<!tpu.dma_semaphore, #tpu.memory_space<semaphore_mem>>
      tpu.enqueue_dma source(%arg15 : memref<256xi32, #tpu.memory_space<vmem_shared>>) target(%arg6 : memref<256xi32, #tpu.memory_space<vmem>>) target_semaphore(%run_scoped3A : memref<!tpu.dma_semaphore, #tpu.memory_space<semaphore_mem>>)
      tpu.wait_dma2 semaphore(%run_scoped3A : memref<!tpu.dma_semaphore, #tpu.memory_space<semaphore_mem>>) src(%arg15 : memref<256xi32, #tpu.memory_space<vmem_shared>>) dst(%arg6 : memref<256xi32, #tpu.memory_space<vmem>>)
      tpu.yield
    }) : () -> ()
    %get3A = arith.constant 128 : index
    %get3A_20 = tpu.vector_load %arg6[%get3A] {strides = array<i32>} : memref<256xi32, #tpu.memory_space<vmem>>, vector<16xi32>,
    %get3A_21 = arith.constant 144 : index
    %get3A_22 = tpu.vector_load %arg6[%get3A_21] {strides = array<i32>} : memref<256xi32, #tpu.memory_space<vmem>>, vector<16xi32>,
    %get3A_23 = arith.constant 160 : index
    %get3A_24 = tpu.vector_load %arg6[%get3A_23] {strides = array<i32>} : memref<256xi32, #tpu.memory_space<vmem>>, vector<16xi32>,
    %get3A_25 = arith.constant 176 : index
    %get3A_26 = tpu.vector_load %arg6[%get3A_25] {strides = array<i32>} : memref<256xi32, #tpu.memory_space<vmem>>, vector<16xi32>,
    %get3A_27 = arith.constant 192 : index
    %get3A_28 = tpu.vector_load %arg6[%get3A_27] {strides = array<i32>} : memref<256xi32, #tpu.memory_space<vmem>>, vector<16xi32>,
    %get3A_29 = arith.constant 208 : index
    %get3A_30 = tpu.vector_load %arg6[%get3A_29] {strides = array<i32>} : memref<256xi32, #tpu.memory_space<vmem>>, vector<16xi32>,
    %get3A_31 = arith.constant 224 : index
    %get3A_32 = tpu.vector_load %arg6[%get3A_31] {strides = array<i32>} : memref<256xi32, #tpu.memory_space<vmem>>, vector<16xi32>,
    %get3A_33 = arith.constant 240 : index
    %get3A_34 = tpu.vector_load %arg6[%get3A_33] {strides = array<i32>} : memref<256xi32, #tpu.memory_space<vmem>>, vector<16xi32>,
    %scan3A = arith.constant 0 : i32
    %scan3A_35 = arith.constant 0 : i32
    %scan3A_36 = arith.constant 128 : i32
    %scan3A_37 = arith.addi %scan3A_35, %scan3A_36 : i32
    %scan3A_38 = arith.constant 1 : i32
    %scan3A_39 = scf.for %scan3A_2415 = %scan3A_35 to %scan3A_37 step %scan3A_38 iter_args(%scan3A_2416 = %scan3A) -> (i32)  : i32 {
      %add3A_2417 = arith.constant 1048576 : i32
      %add3A_2418 = vector.broadcast %add3A_2417 : i32 to vector<16xi32>
      %add3A_2419 = arith.addi %broadcast_in_dim3A_2, %add3A_2418 : vector<16xi32>
      %mul3A_2420 = arith.constant 64 : i32
      %mul3A_2421 = arith.muli %scan3A_2415, %mul3A_2420 : i32
      %add3A_2422 = arith.constant 0 : i32
      %add3A_2423 = arith.addi %mul3A_2421, %add3A_2422 : i32
      %swap3A_2424 = arith.index_cast %add3A_2423 : i32 to index
      %swap3A_2425 = tpu.vector_load %arg7[%swap3A_2424] {strides = array<i32>} : memref<8192xi32, #tpu.memory_space<vmem>>, vector<16xi32>,
      tpu.vector_store %arg7[%swap3A_2424], %add3A_2419 {strides = array<i32>} : memref<8192xi32, #tpu.memory_space<vmem>>, vector<16xi32>,
      %add3A_2426 = arith.constant 1048576 : i32
      %add3A_2427 = vector.broadcast %add3A_2426 : i32 to vector<16xi32>
      %add3A_2428 = arith.addi %broadcast_in_dim3A_2, %add3A_2427 : vector<16xi32>
      %mul3A_2429 = arith.constant 64 : i32
      %mul3A_2430 = arith.muli %scan3A_2415, %mul3A_2429 : i32
      %add3A_2431 = arith.constant 16 : i32
      %add3A_2432 = arith.addi %mul3A_2430, %add3A_2431 : i32
      %swap3A_2433 = arith.index_cast %add3A_2432 : i32 to index
      %swap3A_2434 = tpu.vector_load %arg7[%swap3A_2433] {strides = array<i32>} : memref<8192xi32, #tpu.memory_space<vmem>>, vector<16xi32>,
      tpu.vector_store %arg7[%swap3A_2433], %add3A_2428 {strides = array<i32>} : memref<8192xi32, #tpu.memory_space<vmem>>, vector<16xi32>,
      %add3A_2435 = arith.constant 1048576 : i32
      %add3A_2436 = vector.broadcast %add3A_2435 : i32 to vector<16xi32>
      %add3A_2437 = arith.addi %broadcast_in_dim3A_2, %add3A_2436 : vector<16xi32>
      %mul3A_2438 = arith.constant 64 : i32
      %mul3A_2439 = arith.muli %scan3A_2415, %mul3A_2438 : i32
      %add3A_2440 = arith.constant 32 : i32
      %add3A_2441 = arith.addi %mul3A_2439, %add3A_2440 : i32
      %swap3A_2442 = arith.index_cast %add3A_2441 : i32 to index
      %swap3A_2443 = tpu.vector_load %arg7[%swap3A_2442] {strides = array<i32>} : memref<8192xi32, #tpu.memory_space<vmem>>, vector<16xi32>,
      tpu.vector_store %arg7[%swap3A_2442], %add3A_2437 {strides = array<i32>} : memref<8192xi32, #tpu.memory_space<vmem>>, vector<16xi32>,
      %add3A_2444 = arith.constant 1048576 : i32
      %add3A_2445 = vector.broadcast %add3A_2444 : i32 to vector<16xi32>
      %add3A_2446 = arith.addi %broadcast_in_dim3A_2, %add3A_2445 : vector<16xi32>
      %mul3A_2447 = arith.constant 64 : i32
      %mul3A_2448 = arith.muli %scan3A_2415, %mul3A_2447 : i32
      %add3A_2449 = arith.constant 48 : i32
      %add3A_2450 = arith.addi %mul3A_2448, %add3A_2449 : i32
      %swap3A_2451 = arith.index_cast %add3A_2450 : i32 to index
      %swap3A_2452 = tpu.vector_load %arg7[%swap3A_2451] {strides = array<i32>} : memref<8192xi32, #tpu.memory_space<vmem>>, vector<16xi32>,
      tpu.vector_store %arg7[%swap3A_2451], %add3A_2446 {strides = array<i32>} : memref<8192xi32, #tpu.memory_space<vmem>>, vector<16xi32>,
      %scan3A_2453 = arith.constant 0 : i32
      scf.yield %scan3A_2453 : i32
    }
    %scan3A_40 = arith.constant 128 : i32
    %mul3A = arith.constant 8 : i32
    %mul3A_41 = arith.muli %arg1, %mul3A : i32
    %add3A = arith.constant 0 : i32
    %add3A_42 = arith.addi %mul3A_41, %add3A : i32
    %mul3A_43 = arith.constant 128 : i32
    %mul3A_44 = arith.muli %add3A_42, %mul3A_43 : i32
    %add3A_45 = arith.constant 112 : i32
    %add3A_46 = arith.addi %mul3A_44, %add3A_45 : i32
    %get3A_47 = arith.index_cast %add3A_46 : i32 to index
    %get3A_48 = tpu.vector_load %arg4[%get3A_47] {strides = array<i32>} : memref<16384xf32, #tpu.memory_space<vmem>>, vector<16xf32>,
    %convert_element_type3A_49 = arith.fptosi %get3A_48 : vector<16xf32> to vector<16xi32>
    %mul3A_50 = arith.constant 128 : i32
    %mul3A_51 = vector.broadcast %mul3A_50 : i32 to vector<16xi32>
    %mul3A_52 = arith.muli %convert_element_type3A_49, %mul3A_51 : vector<16xi32>
    %add3A_53 = arith.addi %mul3A_52, %get3A_34 : vector<16xi32>
    %rev3A = arith.constant 15 : i32
    %rev3A_54 = vector.broadcast %rev3A : i32 to vector<16xi32>
    %rev3A_55 = tpu.iota {dimensions = array<i32: 0>} : vector<16xi32>
    %rev3A_56 = arith.subi %rev3A_54, %rev3A_55 : vector<16xi32>
    %rev3A_57 = tpu.dynamic_gather %add3A_53[%rev3A_56] in [0] : vector<16xi32>, vector<16xi32> -> vector<16xi32>
    %add3A_58 = arith.constant 0 : i32
    %add3A_59 = vector.broadcast %add3A_58 : i32 to vector<16xi32>
    %add3A_60 = arith.addi %rev3A_57, %add3A_59 : vector<16xi32>
    %broadcast_in_dim3A_61 = arith.constant true
    %broadcast_in_dim3A_62 = vector.broadcast %broadcast_in_dim3A_61 : i1 to vector<16xi1>
    %unique3A, %unique3A_63 = tpu.scan_count mask(%broadcast_in_dim3A_62 : vector<16xi1>) value(%add3A_60 : vector<16xi32>) : vector<16xi1>, vector<16xi32>
    %mul3A_64 = arith.constant 128 : i32
    %mul3A_65 = arith.muli %add3A_42, %mul3A_64 : i32
    %add3A_66 = arith.constant 112 : i32
    %add3A_67 = arith.addi %mul3A_65, %add3A_66 : i32
    %add3A_68 = vector.broadcast %add3A_67 : i32 to vector<16xi32>
    %add3A_69 = arith.addi %add3A_68, %sub3A_1 : vector<16xi32>
    tpu.vector_store_idx %arg7[%add3A_60], %add3A_69 masked %unique3A : memref<8192xi32, #tpu.memory_space<vmem>>[vector<16xi32>], vector<16xi32>, vector<16xi1>
    %mul3A_70 = arith.constant 128 : i32
    %mul3A_71 = arith.muli %add3A_42, %mul3A_70 : i32
    %add3A_72 = arith.constant 96 : i32
    %add3A_73 = arith.addi %mul3A_71, %add3A_72 : i32
    %get3A_74 = arith.index_cast %add3A_73 : i32 to index
    %get3A_75 = tpu.vector_load %arg4[%get3A_74] {strides = array<i32>} : memref<16384xf32, #tpu.memory_space<vmem>>, vector<16xf32>,
    %convert_element_type3A_76 = arith.fptosi %get3A_75 : vector<16xf32> to vector<16xi32>
    %mul3A_77 = arith.constant 128 : i32
    %mul3A_78 = vector.broadcast %mul3A_77 : i32 to vector<16xi32>
    %mul3A_79 = arith.muli %convert_element_type3A_76, %mul3A_78 : vector<16xi32>
    %add3A_80 = arith.addi %mul3A_79, %get3A_32 : vector<16xi32>
    %rev3A_81 = arith.constant 15 : i32
    %rev3A_82 = vector.broadcast %rev3A_81 : i32 to vector<16xi32>
    %rev3A_83 = tpu.iota {dimensions = array<i32: 0>} : vector<16xi32>
    %rev3A_84 = arith.subi %rev3A_82, %rev3A_83 : vector<16xi32>
    %rev3A_85 = tpu.dynamic_gather %add3A_80[%rev3A_84] in [0] : vector<16xi32>, vector<16xi32> -> vector<16xi32>
    %add3A_86 = arith.constant 0 : i32
    %add3A_87 = vector.broadcast %add3A_86 : i32 to vector<16xi32>
    %add3A_88 = arith.addi %rev3A_85, %add3A_87 : vector<16xi32>
    %broadcast_in_dim3A_89 = arith.constant true
    %broadcast_in_dim3A_90 = vector.broadcast %broadcast_in_dim3A_89 : i1 to vector<16xi1>
    %unique3A_91, %unique3A_92 = tpu.scan_count mask(%broadcast_in_dim3A_90 : vector<16xi1>) value(%add3A_88 : vector<16xi32>) : vector<16xi1>, vector<16xi32>
    %mul3A_93 = arith.constant 128 : i32
    %mul3A_94 = arith.muli %add3A_42, %mul3A_93 : i32
    %add3A_95 = arith.constant 96 : i32
    %add3A_96 = arith.addi %mul3A_94, %add3A_95 : i32
    %add3A_97 = vector.broadcast %add3A_96 : i32 to vector<16xi32>
    %add3A_98 = arith.addi %add3A_97, %sub3A_1 : vector<16xi32>
    tpu.vector_store_idx %arg7[%add3A_88], %add3A_98 masked %unique3A_91 : memref<8192xi32, #tpu.memory_space<vmem>>[vector<16xi32>], vector<16xi32>, vector<16xi1>
    %mul3A_99 = arith.constant 128 : i32
    %mul3A_100 = arith.muli %add3A_42, %mul3A_99 : i32
    %add3A_101 = arith.constant 80 : i32
    %add3A_102 = arith.addi %mul3A_100, %add3A_101 : i32
    %get3A_103 = arith.index_cast %add3A_102 : i32 to index
    %get3A_104 = tpu.vector_load %arg4[%get3A_103] {strides = array<i32>} : memref<16384xf32, #tpu.memory_space<vmem>>, vector<16xf32>,
    %convert_element_type3A_105 = arith.fptosi %get3A_104 : vector<16xf32> to vector<16xi32>
    %mul3A_106 = arith.constant 128 : i32
    %mul3A_107 = vector.broadcast %mul3A_106 : i32 to vector<16xi32>
    %mul3A_108 = arith.muli %convert_element_type3A_105, %mul3A_107 : vector<16xi32>
    %add3A_109 = arith.addi %mul3A_108, %get3A_30 : vector<16xi32>
    %rev3A_110 = arith.constant 15 : i32
    %rev3A_111 = vector.broadcast %rev3A_110 : i32 to vector<16xi32>
    %rev3A_112 = tpu.iota {dimensions = array<i32: 0>} : vector<16xi32>
    %rev3A_113 = arith.subi %rev3A_111, %rev3A_112 : vector<16xi32>
    %rev3A_114 = tpu.dynamic_gather %add3A_109[%rev3A_113] in [0] : vector<16xi32>, vector<16xi32> -> vector<16xi32>
    %add3A_115 = arith.constant 0 : i32
    %add3A_116 = vector.broadcast %add3A_115 : i32 to vector<16xi32>
    %add3A_117 = arith.addi %rev3A_114, %add3A_116 : vector<16xi32>
    %broadcast_in_dim3A_118 = arith.constant true
    %broadcast_in_dim3A_119 = vector.broadcast %broadcast_in_dim3A_118 : i1 to vector<16xi1>
    %unique3A_120, %unique3A_121 = tpu.scan_count mask(%broadcast_in_dim3A_119 : vector<16xi1>) value(%add3A_117 : vector<16xi32>) : vector<16xi1>, vector<16xi32>
    %mul3A_122 = arith.constant 128 : i32
    %mul3A_123 = arith.muli %add3A_42, %mul3A_122 : i32
    %add3A_124 = arith.constant 80 : i32
    %add3A_125 = arith.addi %mul3A_123, %add3A_124 : i32
    %add3A_126 = vector.broadcast %add3A_125 : i32 to vector<16xi32>
    %add3A_127 = arith.addi %add3A_126, %sub3A_1 : vector<16xi32>
    tpu.vector_store_idx %arg7[%add3A_117], %add3A_127 masked %unique3A_120 : memref<8192xi32, #tpu.memory_space<vmem>>[vector<16xi32>], vector<16xi32>, vector<16xi1>
    %mul3A_128 = arith.constant 128 : i32
    %mul3A_129 = arith.muli %add3A_42, %mul3A_128 : i32
    %add3A_130 = arith.constant 64 : i32
    %add3A_131 = arith.addi %mul3A_129, %add3A_130 : i32
    %get3A_132 = arith.index_cast %add3A_131 : i32 to index
    %get3A_133 = tpu.vector_load %arg4[%get3A_132] {strides = array<i32>} : memref<16384xf32, #tpu.memory_space<vmem>>, vector<16xf32>,
    %convert_element_type3A_134 = arith.fptosi %get3A_133 : vector<16xf32> to vector<16xi32>
    %mul3A_135 = arith.constant 128 : i32
    %mul3A_136 = vector.broadcast %mul3A_135 : i32 to vector<16xi32>
    %mul3A_137 = arith.muli %convert_element_type3A_134, %mul3A_136 : vector<16xi32>
    %add3A_138 = arith.addi %mul3A_137, %get3A_28 : vector<16xi32>
    %rev3A_139 = arith.constant 15 : i32
    %rev3A_140 = vector.broadcast %rev3A_139 : i32 to vector<16xi32>
    %rev3A_141 = tpu.iota {dimensions = array<i32: 0>} : vector<16xi32>
    %rev3A_142 = arith.subi %rev3A_140, %rev3A_141 : vector<16xi32>
    %rev3A_143 = tpu.dynamic_gather %add3A_138[%rev3A_142] in [0] : vector<16xi32>, vector<16xi32> -> vector<16xi32>
    %add3A_144 = arith.constant 0 : i32
    %add3A_145 = vector.broadcast %add3A_144 : i32 to vector<16xi32>
    %add3A_146 = arith.addi %rev3A_143, %add3A_145 : vector<16xi32>
    %broadcast_in_dim3A_147 = arith.constant true
    %broadcast_in_dim3A_148 = vector.broadcast %broadcast_in_dim3A_147 : i1 to vector<16xi1>
    %unique3A_149, %unique3A_150 = tpu.scan_count mask(%broadcast_in_dim3A_148 : vector<16xi1>) value(%add3A_146 : vector<16xi32>) : vector<16xi1>, vector<16xi32>
    %mul3A_151 = arith.constant 128 : i32
    %mul3A_152 = arith.muli %add3A_42, %mul3A_151 : i32
    %add3A_153 = arith.constant 64 : i32
    %add3A_154 = arith.addi %mul3A_152, %add3A_153 : i32
    %add3A_155 = vector.broadcast %add3A_154 : i32 to vector<16xi32>
    %add3A_156 = arith.addi %add3A_155, %sub3A_1 : vector<16xi32>
    tpu.vector_store_idx %arg7[%add3A_146], %add3A_156 masked %unique3A_149 : memref<8192xi32, #tpu.memory_space<vmem>>[vector<16xi32>], vector<16xi32>, vector<16xi1>
    %mul3A_157 = arith.constant 128 : i32
    %mul3A_158 = arith.muli %add3A_42, %mul3A_157 : i32
    %add3A_159 = arith.constant 48 : i32
    %add3A_160 = arith.addi %mul3A_158, %add3A_159 : i32
    %get3A_161 = arith.index_cast %add3A_160 : i32 to index
    %get3A_162 = tpu.vector_load %arg4[%get3A_161] {strides = array<i32>} : memref<16384xf32, #tpu.memory_space<vmem>>, vector<16xf32>,
    %convert_element_type3A_163 = arith.fptosi %get3A_162 : vector<16xf32> to vector<16xi32>
    %mul3A_164 = arith.constant 128 : i32
    %mul3A_165 = vector.broadcast %mul3A_164 : i32 to vector<16xi32>
    %mul3A_166 = arith.muli %convert_element_type3A_163, %mul3A_165 : vector<16xi32>
    %add3A_167 = arith.addi %mul3A_166, %get3A_26 : vector<16xi32>
    %rev3A_168 = arith.constant 15 : i32
    %rev3A_169 = vector.broadcast %rev3A_168 : i32 to vector<16xi32>
    %rev3A_170 = tpu.iota {dimensions = array<i32: 0>} : vector<16xi32>
    %rev3A_171 = arith.subi %rev3A_169, %rev3A_170 : vector<16xi32>
    %rev3A_172 = tpu.dynamic_gather %add3A_167[%rev3A_171] in [0] : vector<16xi32>, vector<16xi32> -> vector<16xi32>
    %add3A_173 = arith.constant 0 : i32
    %add3A_174 = vector.broadcast %add3A_173 : i32 to vector<16xi32>
    %add3A_175 = arith.addi %rev3A_172, %add3A_174 : vector<16xi32>
    %broadcast_in_dim3A_176 = arith.constant true
    %broadcast_in_dim3A_177 = vector.broadcast %broadcast_in_dim3A_176 : i1 to vector<16xi1>
    %unique3A_178, %unique3A_179 = tpu.scan_count mask(%broadcast_in_dim3A_177 : vector<16xi1>) value(%add3A_175 : vector<16xi32>) : vector<16xi1>, vector<16xi32>
    %mul3A_180 = arith.constant 128 : i32
    %mul3A_181 = arith.muli %add3A_42, %mul3A_180 : i32
    %add3A_182 = arith.constant 48 : i32
    %add3A_183 = arith.addi %mul3A_181, %add3A_182 : i32
    %add3A_184 = vector.broadcast %add3A_183 : i32 to vector<16xi32>
    %add3A_185 = arith.addi %add3A_184, %sub3A_1 : vector<16xi32>
    tpu.vector_store_idx %arg7[%add3A_175], %add3A_185 masked %unique3A_178 : memref<8192xi32, #tpu.memory_space<vmem>>[vector<16xi32>], vector<16xi32>, vector<16xi1>
    %mul3A_186 = arith.constant 128 : i32
    %mul3A_187 = arith.muli %add3A_42, %mul3A_186 : i32
    %add3A_188 = arith.constant 32 : i32
    %add3A_189 = arith.addi %mul3A_187, %add3A_188 : i32
    %get3A_190 = arith.index_cast %add3A_189 : i32 to index
    %get3A_191 = tpu.vector_load %arg4[%get3A_190] {strides = array<i32>} : memref<16384xf32, #tpu.memory_space<vmem>>, vector<16xf32>,
    %convert_element_type3A_192 = arith.fptosi %get3A_191 : vector<16xf32> to vector<16xi32>
    %mul3A_193 = arith.constant 128 : i32
    %mul3A_194 = vector.broadcast %mul3A_193 : i32 to vector<16xi32>
    %mul3A_195 = arith.muli %convert_element_type3A_192, %mul3A_194 : vector<16xi32>
    %add3A_196 = arith.addi %mul3A_195, %get3A_24 : vector<16xi32>
    %rev3A_197 = arith.constant 15 : i32
    %rev3A_198 = vector.broadcast %rev3A_197 : i32 to vector<16xi32>
    %rev3A_199 = tpu.iota {dimensions = array<i32: 0>} : vector<16xi32>
    %rev3A_200 = arith.subi %rev3A_198, %rev3A_199 : vector<16xi32>
    %rev3A_201 = tpu.dynamic_gather %add3A_196[%rev3A_200] in [0] : vector<16xi32>, vector<16xi32> -> vector<16xi32>
    %add3A_202 = arith.constant 0 : i32
    %add3A_203 = vector.broadcast %add3A_202 : i32 to vector<16xi32>
    %add3A_204 = arith.addi %rev3A_201, %add3A_203 : vector<16xi32>
    %broadcast_in_dim3A_205 = arith.constant true
    %broadcast_in_dim3A_206 = vector.broadcast %broadcast_in_dim3A_205 : i1 to vector<16xi1>
    %unique3A_207, %unique3A_208 = tpu.scan_count mask(%broadcast_in_dim3A_206 : vector<16xi1>) value(%add3A_204 : vector<16xi32>) : vector<16xi1>, vector<16xi32>
    %mul3A_209 = arith.constant 128 : i32
    %mul3A_210 = arith.muli %add3A_42, %mul3A_209 : i32
    %add3A_211 = arith.constant 32 : i32
    %add3A_212 = arith.addi %mul3A_210, %add3A_211 : i32
    %add3A_213 = vector.broadcast %add3A_212 : i32 to vector<16xi32>
    %add3A_214 = arith.addi %add3A_213, %sub3A_1 : vector<16xi32>
    tpu.vector_store_idx %arg7[%add3A_204], %add3A_214 masked %unique3A_207 : memref<8192xi32, #tpu.memory_space<vmem>>[vector<16xi32>], vector<16xi32>, vector<16xi1>
    %mul3A_215 = arith.constant 128 : i32
    %mul3A_216 = arith.muli %add3A_42, %mul3A_215 : i32
    %add3A_217 = arith.constant 16 : i32
    %add3A_218 = arith.addi %mul3A_216, %add3A_217 : i32
    %get3A_219 = arith.index_cast %add3A_218 : i32 to index
    %get3A_220 = tpu.vector_load %arg4[%get3A_219] {strides = array<i32>} : memref<16384xf32, #tpu.memory_space<vmem>>, vector<16xf32>,
    %convert_element_type3A_221 = arith.fptosi %get3A_220 : vector<16xf32> to vector<16xi32>
    %mul3A_222 = arith.constant 128 : i32
    %mul3A_223 = vector.broadcast %mul3A_222 : i32 to vector<16xi32>
    %mul3A_224 = arith.muli %convert_element_type3A_221, %mul3A_223 : vector<16xi32>
    %add3A_225 = arith.addi %mul3A_224, %get3A_22 : vector<16xi32>
    %rev3A_226 = arith.constant 15 : i32
    %rev3A_227 = vector.broadcast %rev3A_226 : i32 to vector<16xi32>
    %rev3A_228 = tpu.iota {dimensions = array<i32: 0>} : vector<16xi32>
    %rev3A_229 = arith.subi %rev3A_227, %rev3A_228 : vector<16xi32>
    %rev3A_230 = tpu.dynamic_gather %add3A_225[%rev3A_229] in [0] : vector<16xi32>, vector<16xi32> -> vector<16xi32>
    %add3A_231 = arith.constant 0 : i32
    %add3A_232 = vector.broadcast %add3A_231 : i32 to vector<16xi32>
    %add3A_233 = arith.addi %rev3A_230, %add3A_232 : vector<16xi32>
    %broadcast_in_dim3A_234 = arith.constant true
    %broadcast_in_dim3A_235 = vector.broadcast %broadcast_in_dim3A_234 : i1 to vector<16xi1>
    %unique3A_236, %unique3A_237 = tpu.scan_count mask(%broadcast_in_dim3A_235 : vector<16xi1>) value(%add3A_233 : vector<16xi32>) : vector<16xi1>, vector<16xi32>
    %mul3A_238 = arith.constant 128 : i32
    %mul3A_239 = arith.muli %add3A_42, %mul3A_238 : i32
    %add3A_240 = arith.constant 16 : i32
    %add3A_241 = arith.addi %mul3A_239, %add3A_240 : i32
    %add3A_242 = vector.broadcast %add3A_241 : i32 to vector<16xi32>
    %add3A_243 = arith.addi %add3A_242, %sub3A_1 : vector<16xi32>
    tpu.vector_store_idx %arg7[%add3A_233], %add3A_243 masked %unique3A_236 : memref<8192xi32, #tpu.memory_space<vmem>>[vector<16xi32>], vector<16xi32>, vector<16xi1>
    %mul3A_244 = arith.constant 128 : i32
    %mul3A_245 = arith.muli %add3A_42, %mul3A_244 : i32
    %add3A_246 = arith.constant 0 : i32
    %add3A_247 = arith.addi %mul3A_245, %add3A_246 : i32
    %get3A_248 = arith.index_cast %add3A_247 : i32 to index
    %get3A_249 = tpu.vector_load %arg4[%get3A_248] {strides = array<i32>} : memref<16384xf32, #tpu.memory_space<vmem>>, vector<16xf32>,
    %convert_element_type3A_250 = arith.fptosi %get3A_249 : vector<16xf32> to vector<16xi32>
    %mul3A_251 = arith.constant 128 : i32
    %mul3A_252 = vector.broadcast %mul3A_251 : i32 to vector<16xi32>
    %mul3A_253 = arith.muli %convert_element_type3A_250, %mul3A_252 : vector<16xi32>
    %add3A_254 = arith.addi %mul3A_253, %get3A_20 : vector<16xi32>
    %rev3A_255 = arith.constant 15 : i32
    %rev3A_256 = vector.broadcast %rev3A_255 : i32 to vector<16xi32>
    %rev3A_257 = tpu.iota {dimensions = array<i32: 0>} : vector<16xi32>
    %rev3A_258 = arith.subi %rev3A_256, %rev3A_257 : vector<16xi32>
    %rev3A_259 = tpu.dynamic_gather %add3A_254[%rev3A_258] in [0] : vector<16xi32>, vector<16xi32> -> vector<16xi32>
    %add3A_260 = arith.constant 0 : i32
    %add3A_261 = vector.broadcast %add3A_260 : i32 to vector<16xi32>
    %add3A_262 = arith.addi %rev3A_259, %add3A_261 : vector<16xi32>
    %broadcast_in_dim3A_263 = arith.constant true
    %broadcast_in_dim3A_264 = vector.broadcast %broadcast_in_dim3A_263 : i1 to vector<16xi1>
    %unique3A_265, %unique3A_266 = tpu.scan_count mask(%broadcast_in_dim3A_264 : vector<16xi1>) value(%add3A_262 : vector<16xi32>) : vector<16xi1>, vector<16xi32>
    %mul3A_267 = arith.constant 128 : i32
    %mul3A_268 = arith.muli %add3A_42, %mul3A_267 : i32
    %add3A_269 = arith.constant 0 : i32
    %add3A_270 = arith.addi %mul3A_268, %add3A_269 : i32
    %add3A_271 = vector.broadcast %add3A_270 : i32 to vector<16xi32>
    %add3A_272 = arith.addi %add3A_271, %sub3A_1 : vector<16xi32>
    tpu.vector_store_idx %arg7[%add3A_262], %add3A_272 masked %unique3A_265 : memref<8192xi32, #tpu.memory_space<vmem>>[vector<16xi32>], vector<16xi32>, vector<16xi1>
    %mul3A_273 = arith.constant 1024 : i32
    %mul3A_274 = arith.muli %add3A_42, %mul3A_273 : i32
    %dma_start3A = arith.constant 0 : i32
    %dma_start3A_275 = tpu.memref_slice %arg7[%dma_start3A] : memref<8192xi32, #tpu.memory_space<vmem>> -> memref<1024xi32, #tpu.memory_space<vmem>>
    %dma_start3A_276 = tpu.memref_slice %arg16[%mul3A_274] : memref<131072xi32, #tpu.memory_space<vmem_shared>> -> memref<1024xi32, #tpu.memory_space<vmem_shared>>
    %dma_start3A_277 = tpu.memref_slice %arg16[%mul3A_274] : memref<131072xi32, #tpu.memory_space<vmem_shared>> -> memref<1024xi32, #tpu.memory_space<vmem_shared>>
    %dma_start3A_278 = arith.constant 0 : i32
    %dma_start3A_279 = tpu.memref_slice %arg7[%dma_start3A_278] : memref<8192xi32, #tpu.memory_space<vmem>> -> memref<1024xi32, #tpu.memory_space<vmem>>
    tpu.enqueue_dma source(%dma_start3A_279 : memref<1024xi32, #tpu.memory_space<vmem>>) target(%dma_start3A_277 : memref<1024xi32, #tpu.memory_space<vmem_shared>>) target_semaphore(%arg20 : memref<!tpu.dma_semaphore, #tpu.memory_space<semaphore_mem>>)
    %mul3A_280 = arith.constant 8 : i32
    %mul3A_281 = arith.muli %arg1, %mul3A_280 : i32
    %add3A_282 = arith.constant 1 : i32
    %add3A_283 = arith.addi %mul3A_281, %add3A_282 : i32
    %mul3A_284 = arith.constant 128 : i32
    %mul3A_285 = arith.muli %add3A_283, %mul3A_284 : i32
    %add3A_286 = arith.constant 112 : i32
    %add3A_287 = arith.addi %mul3A_285, %add3A_286 : i32
    %get3A_288 = arith.index_cast %add3A_287 : i32 to index
    %get3A_289 = tpu.vector_load %arg4[%get3A_288] {strides = array<i32>} : memref<16384xf32, #tpu.memory_space<vmem>>, vector<16xf32>,
    %convert_element_type3A_290 = arith.fptosi %get3A_289 : vector<16xf32> to vector<16xi32>
    %mul3A_291 = arith.constant 128 : i32
    %mul3A_292 = vector.broadcast %mul3A_291 : i32 to vector<16xi32>
    %mul3A_293 = arith.muli %convert_element_type3A_290, %mul3A_292 : vector<16xi32>
    %add3A_294 = arith.addi %mul3A_293, %get3A_34 : vector<16xi32>
    %rev3A_295 = arith.constant 15 : i32
    %rev3A_296 = vector.broadcast %rev3A_295 : i32 to vector<16xi32>
    %rev3A_297 = tpu.iota {dimensions = array<i32: 0>} : vector<16xi32>
    %rev3A_298 = arith.subi %rev3A_296, %rev3A_297 : vector<16xi32>
    %rev3A_299 = tpu.dynamic_gather %add3A_294[%rev3A_298] in [0] : vector<16xi32>, vector<16xi32> -> vector<16xi32>
    %add3A_300 = arith.constant 1024 : i32
    %add3A_301 = vector.broadcast %add3A_300 : i32 to vector<16xi32>
    %add3A_302 = arith.addi %rev3A_299, %add3A_301 : vector<16xi32>
    %broadcast_in_dim3A_303 = arith.constant true
    %broadcast_in_dim3A_304 = vector.broadcast %broadcast_in_dim3A_303 : i1 to vector<16xi1>
    %unique3A_305, %unique3A_306 = tpu.scan_count mask(%broadcast_in_dim3A_304 : vector<16xi1>) value(%add3A_302 : vector<16xi32>) : vector<16xi1>, vector<16xi32>
    %mul3A_307 = arith.constant 128 : i32
    %mul3A_308 = arith.muli %add3A_283, %mul3A_307 : i32
    %add3A_309 = arith.constant 112 : i32
    %add3A_310 = arith.addi %mul3A_308, %add3A_309 : i32
    %add3A_311 = vector.broadcast %add3A_310 : i32 to vector<16xi32>
    %add3A_312 = arith.addi %add3A_311, %sub3A_1 : vector<16xi32>
    tpu.vector_store_idx %arg7[%add3A_302], %add3A_312 masked %unique3A_305 : memref<8192xi32, #tpu.memory_space<vmem>>[vector<16xi32>], vector<16xi32>, vector<16xi1>
    %mul3A_313 = arith.constant 128 : i32
    %mul3A_314 = arith.muli %add3A_283, %mul3A_313 : i32
    %add3A_315 = arith.constant 96 : i32
    %add3A_316 = arith.addi %mul3A_314, %add3A_315 : i32
    %get3A_317 = arith.index_cast %add3A_316 : i32 to index
    %get3A_318 = tpu.vector_load %arg4[%get3A_317] {strides = array<i32>} : memref<16384xf32, #tpu.memory_space<vmem>>, vector<16xf32>,
    %convert_element_type3A_319 = arith.fptosi %get3A_318 : vector<16xf32> to vector<16xi32>
    %mul3A_320 = arith.constant 128 : i32
    %mul3A_321 = vector.broadcast %mul3A_320 : i32 to vector<16xi32>
    %mul3A_322 = arith.muli %convert_element_type3A_319, %mul3A_321 : vector<16xi32>
    %add3A_323 = arith.addi %mul3A_322, %get3A_32 : vector<16xi32>
    %rev3A_324 = arith.constant 15 : i32
    %rev3A_325 = vector.broadcast %rev3A_324 : i32 to vector<16xi32>
    %rev3A_326 = tpu.iota {dimensions = array<i32: 0>} : vector<16xi32>
    %rev3A_327 = arith.subi %rev3A_325, %rev3A_326 : vector<16xi32>
    %rev3A_328 = tpu.dynamic_gather %add3A_323[%rev3A_327] in [0] : vector<16xi32>, vector<16xi32> -> vector<16xi32>
    %add3A_329 = arith.constant 1024 : i32
    %add3A_330 = vector.broadcast %add3A_329 : i32 to vector<16xi32>
    %add3A_331 = arith.addi %rev3A_328, %add3A_330 : vector<16xi32>
    %broadcast_in_dim3A_332 = arith.constant true
    %broadcast_in_dim3A_333 = vector.broadcast %broadcast_in_dim3A_332 : i1 to vector<16xi1>
    %unique3A_334, %unique3A_335 = tpu.scan_count mask(%broadcast_in_dim3A_333 : vector<16xi1>) value(%add3A_331 : vector<16xi32>) : vector<16xi1>, vector<16xi32>
    %mul3A_336 = arith.constant 128 : i32
    %mul3A_337 = arith.muli %add3A_283, %mul3A_336 : i32
    %add3A_338 = arith.constant 96 : i32
    %add3A_339 = arith.addi %mul3A_337, %add3A_338 : i32
    %add3A_340 = vector.broadcast %add3A_339 : i32 to vector<16xi32>
    %add3A_341 = arith.addi %add3A_340, %sub3A_1 : vector<16xi32>
    tpu.vector_store_idx %arg7[%add3A_331], %add3A_341 masked %unique3A_334 : memref<8192xi32, #tpu.memory_space<vmem>>[vector<16xi32>], vector<16xi32>, vector<16xi1>
    %mul3A_342 = arith.constant 128 : i32
    %mul3A_343 = arith.muli %add3A_283, %mul3A_342 : i32
    %add3A_344 = arith.constant 80 : i32
    %add3A_345 = arith.addi %mul3A_343, %add3A_344 : i32
    %get3A_346 = arith.index_cast %add3A_345 : i32 to index
    %get3A_347 = tpu.vector_load %arg4[%get3A_346] {strides = array<i32>} : memref<16384xf32, #tpu.memory_space<vmem>>, vector<16xf32>,
    %convert_element_type3A_348 = arith.fptosi %get3A_347 : vector<16xf32> to vector<16xi32>
    %mul3A_349 = arith.constant 128 : i32
    %mul3A_350 = vector.broadcast %mul3A_349 : i32 to vector<16xi32>
    %mul3A_351 = arith.muli %convert_element_type3A_348, %mul3A_350 : vector<16xi32>
    %add3A_352 = arith.addi %mul3A_351, %get3A_30 : vector<16xi32>
    %rev3A_353 = arith.constant 15 : i32
    %rev3A_354 = vector.broadcast %rev3A_353 : i32 to vector<16xi32>
    %rev3A_355 = tpu.iota {dimensions = array<i32: 0>} : vector<16xi32>
    %rev3A_356 = arith.subi %rev3A_354, %rev3A_355 : vector<16xi32>
    %rev3A_357 = tpu.dynamic_gather %add3A_352[%rev3A_356] in [0] : vector<16xi32>, vector<16xi32> -> vector<16xi32>
    %add3A_358 = arith.constant 1024 : i32
    %add3A_359 = vector.broadcast %add3A_358 : i32 to vector<16xi32>
    %add3A_360 = arith.addi %rev3A_357, %add3A_359 : vector<16xi32>
    %broadcast_in_dim3A_361 = arith.constant true
    %broadcast_in_dim3A_362 = vector.broadcast %broadcast_in_dim3A_361 : i1 to vector<16xi1>
    %unique3A_363, %unique3A_364 = tpu.scan_count mask(%broadcast_in_dim3A_362 : vector<16xi1>) value(%add3A_360 : vector<16xi32>) : vector<16xi1>, vector<16xi32>
    %mul3A_365 = arith.constant 128 : i32
    %mul3A_366 = arith.muli %add3A_283, %mul3A_365 : i32
    %add3A_367 = arith.constant 80 : i32
    %add3A_368 = arith.addi %mul3A_366, %add3A_367 : i32
    %add3A_369 = vector.broadcast %add3A_368 : i32 to vector<16xi32>
    %add3A_370 = arith.addi %add3A_369, %sub3A_1 : vector<16xi32>
    tpu.vector_store_idx %arg7[%add3A_360], %add3A_370 masked %unique3A_363 : memref<8192xi32, #tpu.memory_space<vmem>>[vector<16xi32>], vector<16xi32>, vector<16xi1>
    %mul3A_371 = arith.constant 128 : i32
    %mul3A_372 = arith.muli %add3A_283, %mul3A_371 : i32
    %add3A_373 = arith.constant 64 : i32
    %add3A_374 = arith.addi %mul3A_372, %add3A_373 : i32
    %get3A_375 = arith.index_cast %add3A_374 : i32 to index
    %get3A_376 = tpu.vector_load %arg4[%get3A_375] {strides = array<i32>} : memref<16384xf32, #tpu.memory_space<vmem>>, vector<16xf32>,
    %convert_element_type3A_377 = arith.fptosi %get3A_376 : vector<16xf32> to vector<16xi32>
    %mul3A_378 = arith.constant 128 : i32
    %mul3A_379 = vector.broadcast %mul3A_378 : i32 to vector<16xi32>
    %mul3A_380 = arith.muli %convert_element_type3A_377, %mul3A_379 : vector<16xi32>
    %add3A_381 = arith.addi %mul3A_380, %get3A_28 : vector<16xi32>
    %rev3A_382 = arith.constant 15 : i32
    %rev3A_383 = vector.broadcast %rev3A_382 : i32 to vector<16xi32>
    %rev3A_384 = tpu.iota {dimensions = array<i32: 0>} : vector<16xi32>
    %rev3A_385 = arith.subi %rev3A_383, %rev3A_384 : vector<16xi32>
    %rev3A_386 = tpu.dynamic_gather %add3A_381[%rev3A_385] in [0] : vector<16xi32>, vector<16xi32> -> vector<16xi32>
    %add3A_387 = arith.constant 1024 : i32
    %add3A_388 = vector.broadcast %add3A_387 : i32 to vector<16xi32>
    %add3A_389 = arith.addi %rev3A_386, %add3A_388 : vector<16xi32>
    %broadcast_in_dim3A_390 = arith.constant true
    %broadcast_in_dim3A_391 = vector.broadcast %broadcast_in_dim3A_390 : i1 to vector<16xi1>
    %unique3A_392, %unique3A_393 = tpu.scan_count mask(%broadcast_in_dim3A_391 : vector<16xi1>) value(%add3A_389 : vector<16xi32>) : vector<16xi1>, vector<16xi32>
    %mul3A_394 = arith.constant 128 : i32
    %mul3A_395 = arith.muli %add3A_283, %mul3A_394 : i32
    %add3A_396 = arith.constant 64 : i32
    %add3A_397 = arith.addi %mul3A_395, %add3A_396 : i32
    %add3A_398 = vector.broadcast %add3A_397 : i32 to vector<16xi32>
    %add3A_399 = arith.addi %add3A_398, %sub3A_1 : vector<16xi32>
    tpu.vector_store_idx %arg7[%add3A_389], %add3A_399 masked %unique3A_392 : memref<8192xi32, #tpu.memory_space<vmem>>[vector<16xi32>], vector<16xi32>, vector<16xi1>
    %mul3A_400 = arith.constant 128 : i32
    %mul3A_401 = arith.muli %add3A_283, %mul3A_400 : i32
    %add3A_402 = arith.constant 48 : i32
    %add3A_403 = arith.addi %mul3A_401, %add3A_402 : i32
    %get3A_404 = arith.index_cast %add3A_403 : i32 to index
    %get3A_405 = tpu.vector_load %arg4[%get3A_404] {strides = array<i32>} : memref<16384xf32, #tpu.memory_space<vmem>>, vector<16xf32>,
    %convert_element_type3A_406 = arith.fptosi %get3A_405 : vector<16xf32> to vector<16xi32>
    %mul3A_407 = arith.constant 128 : i32
    %mul3A_408 = vector.broadcast %mul3A_407 : i32 to vector<16xi32>
    %mul3A_409 = arith.muli %convert_element_type3A_406, %mul3A_408 : vector<16xi32>
    %add3A_410 = arith.addi %mul3A_409, %get3A_26 : vector<16xi32>
    %rev3A_411 = arith.constant 15 : i32
    %rev3A_412 = vector.broadcast %rev3A_411 : i32 to vector<16xi32>
    %rev3A_413 = tpu.iota {dimensions = array<i32: 0>} : vector<16xi32>
    %rev3A_414 = arith.subi %rev3A_412, %rev3A_413 : vector<16xi32>
    %rev3A_415 = tpu.dynamic_gather %add3A_410[%rev3A_414] in [0] : vector<16xi32>, vector<16xi32> -> vector<16xi32>
    %add3A_416 = arith.constant 1024 : i32
    %add3A_417 = vector.broadcast %add3A_416 : i32 to vector<16xi32>
    %add3A_418 = arith.addi %rev3A_415, %add3A_417 : vector<16xi32>
    %broadcast_in_dim3A_419 = arith.constant true
    %broadcast_in_dim3A_420 = vector.broadcast %broadcast_in_dim3A_419 : i1 to vector<16xi1>
    %unique3A_421, %unique3A_422 = tpu.scan_count mask(%broadcast_in_dim3A_420 : vector<16xi1>) value(%add3A_418 : vector<16xi32>) : vector<16xi1>, vector<16xi32>
    %mul3A_423 = arith.constant 128 : i32
    %mul3A_424 = arith.muli %add3A_283, %mul3A_423 : i32
    %add3A_425 = arith.constant 48 : i32
    %add3A_426 = arith.addi %mul3A_424, %add3A_425 : i32
    %add3A_427 = vector.broadcast %add3A_426 : i32 to vector<16xi32>
    %add3A_428 = arith.addi %add3A_427, %sub3A_1 : vector<16xi32>
    tpu.vector_store_idx %arg7[%add3A_418], %add3A_428 masked %unique3A_421 : memref<8192xi32, #tpu.memory_space<vmem>>[vector<16xi32>], vector<16xi32>, vector<16xi1>
    %mul3A_429 = arith.constant 128 : i32
    %mul3A_430 = arith.muli %add3A_283, %mul3A_429 : i32
    %add3A_431 = arith.constant 32 : i32
    %add3A_432 = arith.addi %mul3A_430, %add3A_431 : i32
    %get3A_433 = arith.index_cast %add3A_432 : i32 to index
    %get3A_434 = tpu.vector_load %arg4[%get3A_433] {strides = array<i32>} : memref<16384xf32, #tpu.memory_space<vmem>>, vector<16xf32>,
    %convert_element_type3A_435 = arith.fptosi %get3A_434 : vector<16xf32> to vector<16xi32>
    %mul3A_436 = arith.constant 128 : i32
    %mul3A_437 = vector.broadcast %mul3A_436 : i32 to vector<16xi32>
    %mul3A_438 = arith.muli %convert_element_type3A_435, %mul3A_437 : vector<16xi32>
    %add3A_439 = arith.addi %mul3A_438, %get3A_24 : vector<16xi32>
    %rev3A_440 = arith.constant 15 : i32
    %rev3A_441 = vector.broadcast %rev3A_440 : i32 to vector<16xi32>
    %rev3A_442 = tpu.iota {dimensions = array<i32: 0>} : vector<16xi32>
    %rev3A_443 = arith.subi %rev3A_441, %rev3A_442 : vector<16xi32>
    %rev3A_444 = tpu.dynamic_gather %add3A_439[%rev3A_443] in [0] : vector<16xi32>, vector<16xi32> -> vector<16xi32>
    %add3A_445 = arith.constant 1024 : i32
    %add3A_446 = vector.broadcast %add3A_445 : i32 to vector<16xi32>
    %add3A_447 = arith.addi %rev3A_444, %add3A_446 : vector<16xi32>
    %broadcast_in_dim3A_448 = arith.constant true
    %broadcast_in_dim3A_449 = vector.broadcast %broadcast_in_dim3A_448 : i1 to vector<16xi1>
    %unique3A_450, %unique3A_451 = tpu.scan_count mask(%broadcast_in_dim3A_449 : vector<16xi1>) value(%add3A_447 : vector<16xi32>) : vector<16xi1>, vector<16xi32>
    %mul3A_452 = arith.constant 128 : i32
    %mul3A_453 = arith.muli %add3A_283, %mul3A_452 : i32
    %add3A_454 = arith.constant 32 : i32
    %add3A_455 = arith.addi %mul3A_453, %add3A_454 : i32
    %add3A_456 = vector.broadcast %add3A_455 : i32 to vector<16xi32>
    %add3A_457 = arith.addi %add3A_456, %sub3A_1 : vector<16xi32>
    tpu.vector_store_idx %arg7[%add3A_447], %add3A_457 masked %unique3A_450 : memref<8192xi32, #tpu.memory_space<vmem>>[vector<16xi32>], vector<16xi32>, vector<16xi1>
    %mul3A_458 = arith.constant 128 : i32
    %mul3A_459 = arith.muli %add3A_283, %mul3A_458 : i32
    %add3A_460 = arith.constant 16 : i32
    %add3A_461 = arith.addi %mul3A_459, %add3A_460 : i32
    %get3A_462 = arith.index_cast %add3A_461 : i32 to index
    %get3A_463 = tpu.vector_load %arg4[%get3A_462] {strides = array<i32>} : memref<16384xf32, #tpu.memory_space<vmem>>, vector<16xf32>,
    %convert_element_type3A_464 = arith.fptosi %get3A_463 : vector<16xf32> to vector<16xi32>
    %mul3A_465 = arith.constant 128 : i32
    %mul3A_466 = vector.broadcast %mul3A_465 : i32 to vector<16xi32>
    %mul3A_467 = arith.muli %convert_element_type3A_464, %mul3A_466 : vector<16xi32>
    %add3A_468 = arith.addi %mul3A_467, %get3A_22 : vector<16xi32>
    %rev3A_469 = arith.constant 15 : i32
    %rev3A_470 = vector.broadcast %rev3A_469 : i32 to vector<16xi32>
    %rev3A_471 = tpu.iota {dimensions = array<i32: 0>} : vector<16xi32>
    %rev3A_472 = arith.subi %rev3A_470, %rev3A_471 : vector<16xi32>
    %rev3A_473 = tpu.dynamic_gather %add3A_468[%rev3A_472] in [0] : vector<16xi32>, vector<16xi32> -> vector<16xi32>
    %add3A_474 = arith.constant 1024 : i32
    %add3A_475 = vector.broadcast %add3A_474 : i32 to vector<16xi32>
    %add3A_476 = arith.addi %rev3A_473, %add3A_475 : vector<16xi32>
    %broadcast_in_dim3A_477 = arith.constant true
    %broadcast_in_dim3A_478 = vector.broadcast %broadcast_in_dim3A_477 : i1 to vector<16xi1>
    %unique3A_479, %unique3A_480 = tpu.scan_count mask(%broadcast_in_dim3A_478 : vector<16xi1>) value(%add3A_476 : vector<16xi32>) : vector<16xi1>, vector<16xi32>
    %mul3A_481 = arith.constant 128 : i32
    %mul3A_482 = arith.muli %add3A_283, %mul3A_481 : i32
    %add3A_483 = arith.constant 16 : i32
    %add3A_484 = arith.addi %mul3A_482, %add3A_483 : i32
    %add3A_485 = vector.broadcast %add3A_484 : i32 to vector<16xi32>
    %add3A_486 = arith.addi %add3A_485, %sub3A_1 : vector<16xi32>
    tpu.vector_store_idx %arg7[%add3A_476], %add3A_486 masked %unique3A_479 : memref<8192xi32, #tpu.memory_space<vmem>>[vector<16xi32>], vector<16xi32>, vector<16xi1>
    %mul3A_487 = arith.constant 128 : i32
    %mul3A_488 = arith.muli %add3A_283, %mul3A_487 : i32
    %add3A_489 = arith.constant 0 : i32
    %add3A_490 = arith.addi %mul3A_488, %add3A_489 : i32
    %get3A_491 = arith.index_cast %add3A_490 : i32 to index
    %get3A_492 = tpu.vector_load %arg4[%get3A_491] {strides = array<i32>} : memref<16384xf32, #tpu.memory_space<vmem>>, vector<16xf32>,
    %convert_element_type3A_493 = arith.fptosi %get3A_492 : vector<16xf32> to vector<16xi32>
    %mul3A_494 = arith.constant 128 : i32
    %mul3A_495 = vector.broadcast %mul3A_494 : i32 to vector<16xi32>
    %mul3A_496 = arith.muli %convert_element_type3A_493, %mul3A_495 : vector<16xi32>
    %add3A_497 = arith.addi %mul3A_496, %get3A_20 : vector<16xi32>
    %rev3A_498 = arith.constant 15 : i32
    %rev3A_499 = vector.broadcast %rev3A_498 : i32 to vector<16xi32>
    %rev3A_500 = tpu.iota {dimensions = array<i32: 0>} : vector<16xi32>
    %rev3A_501 = arith.subi %rev3A_499, %rev3A_500 : vector<16xi32>
    %rev3A_502 = tpu.dynamic_gather %add3A_497[%rev3A_501] in [0] : vector<16xi32>, vector<16xi32> -> vector<16xi32>
    %add3A_503 = arith.constant 1024 : i32
    %add3A_504 = vector.broadcast %add3A_503 : i32 to vector<16xi32>
    %add3A_505 = arith.addi %rev3A_502, %add3A_504 : vector<16xi32>
    %broadcast_in_dim3A_506 = arith.constant true
    %broadcast_in_dim3A_507 = vector.broadcast %broadcast_in_dim3A_506 : i1 to vector<16xi1>
    %unique3A_508, %unique3A_509 = tpu.scan_count mask(%broadcast_in_dim3A_507 : vector<16xi1>) value(%add3A_505 : vector<16xi32>) : vector<16xi1>, vector<16xi32>
    %mul3A_510 = arith.constant 128 : i32
    %mul3A_511 = arith.muli %add3A_283, %mul3A_510 : i32
    %add3A_512 = arith.constant 0 : i32
    %add3A_513 = arith.addi %mul3A_511, %add3A_512 : i32
    %add3A_514 = vector.broadcast %add3A_513 : i32 to vector<16xi32>
    %add3A_515 = arith.addi %add3A_514, %sub3A_1 : vector<16xi32>
    tpu.vector_store_idx %arg7[%add3A_505], %add3A_515 masked %unique3A_508 : memref<8192xi32, #tpu.memory_space<vmem>>[vector<16xi32>], vector<16xi32>, vector<16xi1>
    %mul3A_516 = arith.constant 1024 : i32
    %mul3A_517 = arith.muli %add3A_283, %mul3A_516 : i32
    %dma_start3A_518 = arith.constant 1024 : i32
    %dma_start3A_519 = tpu.memref_slice %arg7[%dma_start3A_518] : memref<8192xi32, #tpu.memory_space<vmem>> -> memref<1024xi32, #tpu.memory_space<vmem>>
    %dma_start3A_520 = tpu.memref_slice %arg16[%mul3A_517] : memref<131072xi32, #tpu.memory_space<vmem_shared>> -> memref<1024xi32, #tpu.memory_space<vmem_shared>>
    %dma_start3A_521 = tpu.memref_slice %arg16[%mul3A_517] : memref<131072xi32, #tpu.memory_space<vmem_shared>> -> memref<1024xi32, #tpu.memory_space<vmem_shared>>
    %dma_start3A_522 = arith.constant 1024 : i32
    %dma_start3A_523 = tpu.memref_slice %arg7[%dma_start3A_522] : memref<8192xi32, #tpu.memory_space<vmem>> -> memref<1024xi32, #tpu.memory_space<vmem>>
    tpu.enqueue_dma source(%dma_start3A_523 : memref<1024xi32, #tpu.memory_space<vmem>>) target(%dma_start3A_521 : memref<1024xi32, #tpu.memory_space<vmem_shared>>) target_semaphore(%arg20 : memref<!tpu.dma_semaphore, #tpu.memory_space<semaphore_mem>>)
    %mul3A_524 = arith.constant 8 : i32
    %mul3A_525 = arith.muli %arg1, %mul3A_524 : i32
    %add3A_526 = arith.constant 2 : i32
    %add3A_527 = arith.addi %mul3A_525, %add3A_526 : i32
    %mul3A_528 = arith.constant 128 : i32
    %mul3A_529 = arith.muli %add3A_527, %mul3A_528 : i32
    %add3A_530 = arith.constant 112 : i32
    %add3A_531 = arith.addi %mul3A_529, %add3A_530 : i32
    %get3A_532 = arith.index_cast %add3A_531 : i32 to index
    %get3A_533 = tpu.vector_load %arg4[%get3A_532] {strides = array<i32>} : memref<16384xf32, #tpu.memory_space<vmem>>, vector<16xf32>,
    %convert_element_type3A_534 = arith.fptosi %get3A_533 : vector<16xf32> to vector<16xi32>
    %mul3A_535 = arith.constant 128 : i32
    %mul3A_536 = vector.broadcast %mul3A_535 : i32 to vector<16xi32>
    %mul3A_537 = arith.muli %convert_element_type3A_534, %mul3A_536 : vector<16xi32>
    %add3A_538 = arith.addi %mul3A_537, %get3A_34 : vector<16xi32>
    %rev3A_539 = arith.constant 15 : i32
    %rev3A_540 = vector.broadcast %rev3A_539 : i32 to vector<16xi32>
    %rev3A_541 = tpu.iota {dimensions = array<i32: 0>} : vector<16xi32>
    %rev3A_542 = arith.subi %rev3A_540, %rev3A_541 : vector<16xi32>
    %rev3A_543 = tpu.dynamic_gather %add3A_538[%rev3A_542] in [0] : vector<16xi32>, vector<16xi32> -> vector<16xi32>
    %add3A_544 = arith.constant 2048 : i32
    %add3A_545 = vector.broadcast %add3A_544 : i32 to vector<16xi32>
    %add3A_546 = arith.addi %rev3A_543, %add3A_545 : vector<16xi32>
    %broadcast_in_dim3A_547 = arith.constant true
    %broadcast_in_dim3A_548 = vector.broadcast %broadcast_in_dim3A_547 : i1 to vector<16xi1>
    %unique3A_549, %unique3A_550 = tpu.scan_count mask(%broadcast_in_dim3A_548 : vector<16xi1>) value(%add3A_546 : vector<16xi32>) : vector<16xi1>, vector<16xi32>
    %mul3A_551 = arith.constant 128 : i32
    %mul3A_552 = arith.muli %add3A_527, %mul3A_551 : i32
    %add3A_553 = arith.constant 112 : i32
    %add3A_554 = arith.addi %mul3A_552, %add3A_553 : i32
    %add3A_555 = vector.broadcast %add3A_554 : i32 to vector<16xi32>
    %add3A_556 = arith.addi %add3A_555, %sub3A_1 : vector<16xi32>
    tpu.vector_store_idx %arg7[%add3A_546], %add3A_556 masked %unique3A_549 : memref<8192xi32, #tpu.memory_space<vmem>>[vector<16xi32>], vector<16xi32>, vector<16xi1>
    %mul3A_557 = arith.constant 128 : i32
    %mul3A_558 = arith.muli %add3A_527, %mul3A_557 : i32
    %add3A_559 = arith.constant 96 : i32
    %add3A_560 = arith.addi %mul3A_558, %add3A_559 : i32
    %get3A_561 = arith.index_cast %add3A_560 : i32 to index
    %get3A_562 = tpu.vector_load %arg4[%get3A_561] {strides = array<i32>} : memref<16384xf32, #tpu.memory_space<vmem>>, vector<16xf32>,
    %convert_element_type3A_563 = arith.fptosi %get3A_562 : vector<16xf32> to vector<16xi32>
    %mul3A_564 = arith.constant 128 : i32
    %mul3A_565 = vector.broadcast %mul3A_564 : i32 to vector<16xi32>
    %mul3A_566 = arith.muli %convert_element_type3A_563, %mul3A_565 : vector<16xi32>
    %add3A_567 = arith.addi %mul3A_566, %get3A_32 : vector<16xi32>
    %rev3A_568 = arith.constant 15 : i32
    %rev3A_569 = vector.broadcast %rev3A_568 : i32 to vector<16xi32>
    %rev3A_570 = tpu.iota {dimensions = array<i32: 0>} : vector<16xi32>
    %rev3A_571 = arith.subi %rev3A_569, %rev3A_570 : vector<16xi32>
    %rev3A_572 = tpu.dynamic_gather %add3A_567[%rev3A_571] in [0] : vector<16xi32>, vector<16xi32> -> vector<16xi32>
    %add3A_573 = arith.constant 2048 : i32
    %add3A_574 = vector.broadcast %add3A_573 : i32 to vector<16xi32>
    %add3A_575 = arith.addi %rev3A_572, %add3A_574 : vector<16xi32>
    %broadcast_in_dim3A_576 = arith.constant true
    %broadcast_in_dim3A_577 = vector.broadcast %broadcast_in_dim3A_576 : i1 to vector<16xi1>
    %unique3A_578, %unique3A_579 = tpu.scan_count mask(%broadcast_in_dim3A_577 : vector<16xi1>) value(%add3A_575 : vector<16xi32>) : vector<16xi1>, vector<16xi32>
    %mul3A_580 = arith.constant 128 : i32
    %mul3A_581 = arith.muli %add3A_527, %mul3A_580 : i32
    %add3A_582 = arith.constant 96 : i32
    %add3A_583 = arith.addi %mul3A_581, %add3A_582 : i32
    %add3A_584 = vector.broadcast %add3A_583 : i32 to vector<16xi32>
    %add3A_585 = arith.addi %add3A_584, %sub3A_1 : vector<16xi32>
    tpu.vector_store_idx %arg7[%add3A_575], %add3A_585 masked %unique3A_578 : memref<8192xi32, #tpu.memory_space<vmem>>[vector<16xi32>], vector<16xi32>, vector<16xi1>
    %mul3A_586 = arith.constant 128 : i32
    %mul3A_587 = arith.muli %add3A_527, %mul3A_586 : i32
    %add3A_588 = arith.constant 80 : i32
    %add3A_589 = arith.addi %mul3A_587, %add3A_588 : i32
    %get3A_590 = arith.index_cast %add3A_589 : i32 to index
    %get3A_591 = tpu.vector_load %arg4[%get3A_590] {strides = array<i32>} : memref<16384xf32, #tpu.memory_space<vmem>>, vector<16xf32>,
    %convert_element_type3A_592 = arith.fptosi %get3A_591 : vector<16xf32> to vector<16xi32>
    %mul3A_593 = arith.constant 128 : i32
    %mul3A_594 = vector.broadcast %mul3A_593 : i32 to vector<16xi32>
    %mul3A_595 = arith.muli %convert_element_type3A_592, %mul3A_594 : vector<16xi32>
    %add3A_596 = arith.addi %mul3A_595, %get3A_30 : vector<16xi32>
    %rev3A_597 = arith.constant 15 : i32
    %rev3A_598 = vector.broadcast %rev3A_597 : i32 to vector<16xi32>
    %rev3A_599 = tpu.iota {dimensions = array<i32: 0>} : vector<16xi32>
    %rev3A_600 = arith.subi %rev3A_598, %rev3A_599 : vector<16xi32>
    %rev3A_601 = tpu.dynamic_gather %add3A_596[%rev3A_600] in [0] : vector<16xi32>, vector<16xi32> -> vector<16xi32>
    %add3A_602 = arith.constant 2048 : i32
    %add3A_603 = vector.broadcast %add3A_602 : i32 to vector<16xi32>
    %add3A_604 = arith.addi %rev3A_601, %add3A_603 : vector<16xi32>
    %broadcast_in_dim3A_605 = arith.constant true
    %broadcast_in_dim3A_606 = vector.broadcast %broadcast_in_dim3A_605 : i1 to vector<16xi1>
    %unique3A_607, %unique3A_608 = tpu.scan_count mask(%broadcast_in_dim3A_606 : vector<16xi1>) value(%add3A_604 : vector<16xi32>) : vector<16xi1>, vector<16xi32>
    %mul3A_609 = arith.constant 128 : i32
    %mul3A_610 = arith.muli %add3A_527, %mul3A_609 : i32
    %add3A_611 = arith.constant 80 : i32
    %add3A_612 = arith.addi %mul3A_610, %add3A_611 : i32
    %add3A_613 = vector.broadcast %add3A_612 : i32 to vector<16xi32>
    %add3A_614 = arith.addi %add3A_613, %sub3A_1 : vector<16xi32>
    tpu.vector_store_idx %arg7[%add3A_604], %add3A_614 masked %unique3A_607 : memref<8192xi32, #tpu.memory_space<vmem>>[vector<16xi32>], vector<16xi32>, vector<16xi1>
    %mul3A_615 = arith.constant 128 : i32
    %mul3A_616 = arith.muli %add3A_527, %mul3A_615 : i32
    %add3A_617 = arith.constant 64 : i32
    %add3A_618 = arith.addi %mul3A_616, %add3A_617 : i32
    %get3A_619 = arith.index_cast %add3A_618 : i32 to index
    %get3A_620 = tpu.vector_load %arg4[%get3A_619] {strides = array<i32>} : memref<16384xf32, #tpu.memory_space<vmem>>, vector<16xf32>,
    %convert_element_type3A_621 = arith.fptosi %get3A_620 : vector<16xf32> to vector<16xi32>
    %mul3A_622 = arith.constant 128 : i32
    %mul3A_623 = vector.broadcast %mul3A_622 : i32 to vector<16xi32>
    %mul3A_624 = arith.muli %convert_element_type3A_621, %mul3A_623 : vector<16xi32>
    %add3A_625 = arith.addi %mul3A_624, %get3A_28 : vector<16xi32>
    %rev3A_626 = arith.constant 15 : i32
    %rev3A_627 = vector.broadcast %rev3A_626 : i32 to vector<16xi32>
    %rev3A_628 = tpu.iota {dimensions = array<i32: 0>} : vector<16xi32>
    %rev3A_629 = arith.subi %rev3A_627, %rev3A_628 : vector<16xi32>
    %rev3A_630 = tpu.dynamic_gather %add3A_625[%rev3A_629] in [0] : vector<16xi32>, vector<16xi32> -> vector<16xi32>
    %add3A_631 = arith.constant 2048 : i32
    %add3A_632 = vector.broadcast %add3A_631 : i32 to vector<16xi32>
    %add3A_633 = arith.addi %rev3A_630, %add3A_632 : vector<16xi32>
    %broadcast_in_dim3A_634 = arith.constant true
    %broadcast_in_dim3A_635 = vector.broadcast %broadcast_in_dim3A_634 : i1 to vector<16xi1>
    %unique3A_636, %unique3A_637 = tpu.scan_count mask(%broadcast_in_dim3A_635 : vector<16xi1>) value(%add3A_633 : vector<16xi32>) : vector<16xi1>, vector<16xi32>
    %mul3A_638 = arith.constant 128 : i32
    %mul3A_639 = arith.muli %add3A_527, %mul3A_638 : i32
    %add3A_640 = arith.constant 64 : i32
    %add3A_641 = arith.addi %mul3A_639, %add3A_640 : i32
    %add3A_642 = vector.broadcast %add3A_641 : i32 to vector<16xi32>
    %add3A_643 = arith.addi %add3A_642, %sub3A_1 : vector<16xi32>
    tpu.vector_store_idx %arg7[%add3A_633], %add3A_643 masked %unique3A_636 : memref<8192xi32, #tpu.memory_space<vmem>>[vector<16xi32>], vector<16xi32>, vector<16xi1>
    %mul3A_644 = arith.constant 128 : i32
    %mul3A_645 = arith.muli %add3A_527, %mul3A_644 : i32
    %add3A_646 = arith.constant 48 : i32
    %add3A_647 = arith.addi %mul3A_645, %add3A_646 : i32
    %get3A_648 = arith.index_cast %add3A_647 : i32 to index
    %get3A_649 = tpu.vector_load %arg4[%get3A_648] {strides = array<i32>} : memref<16384xf32, #tpu.memory_space<vmem>>, vector<16xf32>,
    %convert_element_type3A_650 = arith.fptosi %get3A_649 : vector<16xf32> to vector<16xi32>
    %mul3A_651 = arith.constant 128 : i32
    %mul3A_652 = vector.broadcast %mul3A_651 : i32 to vector<16xi32>
    %mul3A_653 = arith.muli %convert_element_type3A_650, %mul3A_652 : vector<16xi32>
    %add3A_654 = arith.addi %mul3A_653, %get3A_26 : vector<16xi32>
    %rev3A_655 = arith.constant 15 : i32
    %rev3A_656 = vector.broadcast %rev3A_655 : i32 to vector<16xi32>
    %rev3A_657 = tpu.iota {dimensions = array<i32: 0>} : vector<16xi32>
    %rev3A_658 = arith.subi %rev3A_656, %rev3A_657 : vector<16xi32>
    %rev3A_659 = tpu.dynamic_gather %add3A_654[%rev3A_658] in [0] : vector<16xi32>, vector<16xi32> -> vector<16xi32>
    %add3A_660 = arith.constant 2048 : i32
    %add3A_661 = vector.broadcast %add3A_660 : i32 to vector<16xi32>
    %add3A_662 = arith.addi %rev3A_659, %add3A_661 : vector<16xi32>
    %broadcast_in_dim3A_663 = arith.constant true
    %broadcast_in_dim3A_664 = vector.broadcast %broadcast_in_dim3A_663 : i1 to vector<16xi1>
    %unique3A_665, %unique3A_666 = tpu.scan_count mask(%broadcast_in_dim3A_664 : vector<16xi1>) value(%add3A_662 : vector<16xi32>) : vector<16xi1>, vector<16xi32>
    %mul3A_667 = arith.constant 128 : i32
    %mul3A_668 = arith.muli %add3A_527, %mul3A_667 : i32
    %add3A_669 = arith.constant 48 : i32
    %add3A_670 = arith.addi %mul3A_668, %add3A_669 : i32
    %add3A_671 = vector.broadcast %add3A_670 : i32 to vector<16xi32>
    %add3A_672 = arith.addi %add3A_671, %sub3A_1 : vector<16xi32>
    tpu.vector_store_idx %arg7[%add3A_662], %add3A_672 masked %unique3A_665 : memref<8192xi32, #tpu.memory_space<vmem>>[vector<16xi32>], vector<16xi32>, vector<16xi1>
    %mul3A_673 = arith.constant 128 : i32
    %mul3A_674 = arith.muli %add3A_527, %mul3A_673 : i32
    %add3A_675 = arith.constant 32 : i32
    %add3A_676 = arith.addi %mul3A_674, %add3A_675 : i32
    %get3A_677 = arith.index_cast %add3A_676 : i32 to index
    %get3A_678 = tpu.vector_load %arg4[%get3A_677] {strides = array<i32>} : memref<16384xf32, #tpu.memory_space<vmem>>, vector<16xf32>,
    %convert_element_type3A_679 = arith.fptosi %get3A_678 : vector<16xf32> to vector<16xi32>
    %mul3A_680 = arith.constant 128 : i32
    %mul3A_681 = vector.broadcast %mul3A_680 : i32 to vector<16xi32>
    %mul3A_682 = arith.muli %convert_element_type3A_679, %mul3A_681 : vector<16xi32>
    %add3A_683 = arith.addi %mul3A_682, %get3A_24 : vector<16xi32>
    %rev3A_684 = arith.constant 15 : i32
    %rev3A_685 = vector.broadcast %rev3A_684 : i32 to vector<16xi32>
    %rev3A_686 = tpu.iota {dimensions = array<i32: 0>} : vector<16xi32>
    %rev3A_687 = arith.subi %rev3A_685, %rev3A_686 : vector<16xi32>
    %rev3A_688 = tpu.dynamic_gather %add3A_683[%rev3A_687] in [0] : vector<16xi32>, vector<16xi32> -> vector<16xi32>
    %add3A_689 = arith.constant 2048 : i32
    %add3A_690 = vector.broadcast %add3A_689 : i32 to vector<16xi32>
    %add3A_691 = arith.addi %rev3A_688, %add3A_690 : vector<16xi32>
    %broadcast_in_dim3A_692 = arith.constant true
    %broadcast_in_dim3A_693 = vector.broadcast %broadcast_in_dim3A_692 : i1 to vector<16xi1>
    %unique3A_694, %unique3A_695 = tpu.scan_count mask(%broadcast_in_dim3A_693 : vector<16xi1>) value(%add3A_691 : vector<16xi32>) : vector<16xi1>, vector<16xi32>
    %mul3A_696 = arith.constant 128 : i32
    %mul3A_697 = arith.muli %add3A_527, %mul3A_696 : i32
    %add3A_698 = arith.constant 32 : i32
    %add3A_699 = arith.addi %mul3A_697, %add3A_698 : i32
    %add3A_700 = vector.broadcast %add3A_699 : i32 to vector<16xi32>
    %add3A_701 = arith.addi %add3A_700, %sub3A_1 : vector<16xi32>
    tpu.vector_store_idx %arg7[%add3A_691], %add3A_701 masked %unique3A_694 : memref<8192xi32, #tpu.memory_space<vmem>>[vector<16xi32>], vector<16xi32>, vector<16xi1>
    %mul3A_702 = arith.constant 128 : i32
    %mul3A_703 = arith.muli %add3A_527, %mul3A_702 : i32
    %add3A_704 = arith.constant 16 : i32
    %add3A_705 = arith.addi %mul3A_703, %add3A_704 : i32
    %get3A_706 = arith.index_cast %add3A_705 : i32 to index
    %get3A_707 = tpu.vector_load %arg4[%get3A_706] {strides = array<i32>} : memref<16384xf32, #tpu.memory_space<vmem>>, vector<16xf32>,
    %convert_element_type3A_708 = arith.fptosi %get3A_707 : vector<16xf32> to vector<16xi32>
    %mul3A_709 = arith.constant 128 : i32
    %mul3A_710 = vector.broadcast %mul3A_709 : i32 to vector<16xi32>
    %mul3A_711 = arith.muli %convert_element_type3A_708, %mul3A_710 : vector<16xi32>
    %add3A_712 = arith.addi %mul3A_711, %get3A_22 : vector<16xi32>
    %rev3A_713 = arith.constant 15 : i32
    %rev3A_714 = vector.broadcast %rev3A_713 : i32 to vector<16xi32>
    %rev3A_715 = tpu.iota {dimensions = array<i32: 0>} : vector<16xi32>
    %rev3A_716 = arith.subi %rev3A_714, %rev3A_715 : vector<16xi32>
    %rev3A_717 = tpu.dynamic_gather %add3A_712[%rev3A_716] in [0] : vector<16xi32>, vector<16xi32> -> vector<16xi32>
    %add3A_718 = arith.constant 2048 : i32
    %add3A_719 = vector.broadcast %add3A_718 : i32 to vector<16xi32>
    %add3A_720 = arith.addi %rev3A_717, %add3A_719 : vector<16xi32>
    %broadcast_in_dim3A_721 = arith.constant true
    %broadcast_in_dim3A_722 = vector.broadcast %broadcast_in_dim3A_721 : i1 to vector<16xi1>
    %unique3A_723, %unique3A_724 = tpu.scan_count mask(%broadcast_in_dim3A_722 : vector<16xi1>) value(%add3A_720 : vector<16xi32>) : vector<16xi1>, vector<16xi32>
    %mul3A_725 = arith.constant 128 : i32
    %mul3A_726 = arith.muli %add3A_527, %mul3A_725 : i32
    %add3A_727 = arith.constant 16 : i32
    %add3A_728 = arith.addi %mul3A_726, %add3A_727 : i32
    %add3A_729 = vector.broadcast %add3A_728 : i32 to vector<16xi32>
    %add3A_730 = arith.addi %add3A_729, %sub3A_1 : vector<16xi32>
    tpu.vector_store_idx %arg7[%add3A_720], %add3A_730 masked %unique3A_723 : memref<8192xi32, #tpu.memory_space<vmem>>[vector<16xi32>], vector<16xi32>, vector<16xi1>
    %mul3A_731 = arith.constant 128 : i32
    %mul3A_732 = arith.muli %add3A_527, %mul3A_731 : i32
    %add3A_733 = arith.constant 0 : i32
    %add3A_734 = arith.addi %mul3A_732, %add3A_733 : i32
    %get3A_735 = arith.index_cast %add3A_734 : i32 to index
    %get3A_736 = tpu.vector_load %arg4[%get3A_735] {strides = array<i32>} : memref<16384xf32, #tpu.memory_space<vmem>>, vector<16xf32>,
    %convert_element_type3A_737 = arith.fptosi %get3A_736 : vector<16xf32> to vector<16xi32>
    %mul3A_738 = arith.constant 128 : i32
    %mul3A_739 = vector.broadcast %mul3A_738 : i32 to vector<16xi32>
    %mul3A_740 = arith.muli %convert_element_type3A_737, %mul3A_739 : vector<16xi32>
    %add3A_741 = arith.addi %mul3A_740, %get3A_20 : vector<16xi32>
    %rev3A_742 = arith.constant 15 : i32
    %rev3A_743 = vector.broadcast %rev3A_742 : i32 to vector<16xi32>
    %rev3A_744 = tpu.iota {dimensions = array<i32: 0>} : vector<16xi32>
    %rev3A_745 = arith.subi %rev3A_743, %rev3A_744 : vector<16xi32>
    %rev3A_746 = tpu.dynamic_gather %add3A_741[%rev3A_745] in [0] : vector<16xi32>, vector<16xi32> -> vector<16xi32>
    %add3A_747 = arith.constant 2048 : i32
    %add3A_748 = vector.broadcast %add3A_747 : i32 to vector<16xi32>
    %add3A_749 = arith.addi %rev3A_746, %add3A_748 : vector<16xi32>
    %broadcast_in_dim3A_750 = arith.constant true
    %broadcast_in_dim3A_751 = vector.broadcast %broadcast_in_dim3A_750 : i1 to vector<16xi1>
    %unique3A_752, %unique3A_753 = tpu.scan_count mask(%broadcast_in_dim3A_751 : vector<16xi1>) value(%add3A_749 : vector<16xi32>) : vector<16xi1>, vector<16xi32>
    %mul3A_754 = arith.constant 128 : i32
    %mul3A_755 = arith.muli %add3A_527, %mul3A_754 : i32
    %add3A_756 = arith.constant 0 : i32
    %add3A_757 = arith.addi %mul3A_755, %add3A_756 : i32
    %add3A_758 = vector.broadcast %add3A_757 : i32 to vector<16xi32>
    %add3A_759 = arith.addi %add3A_758, %sub3A_1 : vector<16xi32>
    tpu.vector_store_idx %arg7[%add3A_749], %add3A_759 masked %unique3A_752 : memref<8192xi32, #tpu.memory_space<vmem>>[vector<16xi32>], vector<16xi32>, vector<16xi1>
    %mul3A_760 = arith.constant 1024 : i32
    %mul3A_761 = arith.muli %add3A_527, %mul3A_760 : i32
    %dma_start3A_762 = arith.constant 2048 : i32
    %dma_start3A_763 = tpu.memref_slice %arg7[%dma_start3A_762] : memref<8192xi32, #tpu.memory_space<vmem>> -> memref<1024xi32, #tpu.memory_space<vmem>>
    %dma_start3A_764 = tpu.memref_slice %arg16[%mul3A_761] : memref<131072xi32, #tpu.memory_space<vmem_shared>> -> memref<1024xi32, #tpu.memory_space<vmem_shared>>
    %dma_start3A_765 = tpu.memref_slice %arg16[%mul3A_761] : memref<131072xi32, #tpu.memory_space<vmem_shared>> -> memref<1024xi32, #tpu.memory_space<vmem_shared>>
    %dma_start3A_766 = arith.constant 2048 : i32
    %dma_start3A_767 = tpu.memref_slice %arg7[%dma_start3A_766] : memref<8192xi32, #tpu.memory_space<vmem>> -> memref<1024xi32, #tpu.memory_space<vmem>>
    tpu.enqueue_dma source(%dma_start3A_767 : memref<1024xi32, #tpu.memory_space<vmem>>) target(%dma_start3A_765 : memref<1024xi32, #tpu.memory_space<vmem_shared>>) target_semaphore(%arg20 : memref<!tpu.dma_semaphore, #tpu.memory_space<semaphore_mem>>)
    %mul3A_768 = arith.constant 8 : i32
    %mul3A_769 = arith.muli %arg1, %mul3A_768 : i32
    %add3A_770 = arith.constant 3 : i32
    %add3A_771 = arith.addi %mul3A_769, %add3A_770 : i32
    %mul3A_772 = arith.constant 128 : i32
    %mul3A_773 = arith.muli %add3A_771, %mul3A_772 : i32
    %add3A_774 = arith.constant 112 : i32
    %add3A_775 = arith.addi %mul3A_773, %add3A_774 : i32
    %get3A_776 = arith.index_cast %add3A_775 : i32 to index
    %get3A_777 = tpu.vector_load %arg4[%get3A_776] {strides = array<i32>} : memref<16384xf32, #tpu.memory_space<vmem>>, vector<16xf32>,
    %convert_element_type3A_778 = arith.fptosi %get3A_777 : vector<16xf32> to vector<16xi32>
    %mul3A_779 = arith.constant 128 : i32
    %mul3A_780 = vector.broadcast %mul3A_779 : i32 to vector<16xi32>
    %mul3A_781 = arith.muli %convert_element_type3A_778, %mul3A_780 : vector<16xi32>
    %add3A_782 = arith.addi %mul3A_781, %get3A_34 : vector<16xi32>
    %rev3A_783 = arith.constant 15 : i32
    %rev3A_784 = vector.broadcast %rev3A_783 : i32 to vector<16xi32>
    %rev3A_785 = tpu.iota {dimensions = array<i32: 0>} : vector<16xi32>
    %rev3A_786 = arith.subi %rev3A_784, %rev3A_785 : vector<16xi32>
    %rev3A_787 = tpu.dynamic_gather %add3A_782[%rev3A_786] in [0] : vector<16xi32>, vector<16xi32> -> vector<16xi32>
    %add3A_788 = arith.constant 3072 : i32
    %add3A_789 = vector.broadcast %add3A_788 : i32 to vector<16xi32>
    %add3A_790 = arith.addi %rev3A_787, %add3A_789 : vector<16xi32>
    %broadcast_in_dim3A_791 = arith.constant true
    %broadcast_in_dim3A_792 = vector.broadcast %broadcast_in_dim3A_791 : i1 to vector<16xi1>
    %unique3A_793, %unique3A_794 = tpu.scan_count mask(%broadcast_in_dim3A_792 : vector<16xi1>) value(%add3A_790 : vector<16xi32>) : vector<16xi1>, vector<16xi32>
    %mul3A_795 = arith.constant 128 : i32
    %mul3A_796 = arith.muli %add3A_771, %mul3A_795 : i32
    %add3A_797 = arith.constant 112 : i32
    %add3A_798 = arith.addi %mul3A_796, %add3A_797 : i32
    %add3A_799 = vector.broadcast %add3A_798 : i32 to vector<16xi32>
    %add3A_800 = arith.addi %add3A_799, %sub3A_1 : vector<16xi32>
    tpu.vector_store_idx %arg7[%add3A_790], %add3A_800 masked %unique3A_793 : memref<8192xi32, #tpu.memory_space<vmem>>[vector<16xi32>], vector<16xi32>, vector<16xi1>
    %mul3A_801 = arith.constant 128 : i32
    %mul3A_802 = arith.muli %add3A_771, %mul3A_801 : i32
    %add3A_803 = arith.constant 96 : i32
    %add3A_804 = arith.addi %mul3A_802, %add3A_803 : i32
    %get3A_805 = arith.index_cast %add3A_804 : i32 to index
    %get3A_806 = tpu.vector_load %arg4[%get3A_805] {strides = array<i32>} : memref<16384xf32, #tpu.memory_space<vmem>>, vector<16xf32>,
    %convert_element_type3A_807 = arith.fptosi %get3A_806 : vector<16xf32> to vector<16xi32>
    %mul3A_808 = arith.constant 128 : i32
    %mul3A_809 = vector.broadcast %mul3A_808 : i32 to vector<16xi32>
    %mul3A_810 = arith.muli %convert_element_type3A_807, %mul3A_809 : vector<16xi32>
    %add3A_811 = arith.addi %mul3A_810, %get3A_32 : vector<16xi32>
    %rev3A_812 = arith.constant 15 : i32
    %rev3A_813 = vector.broadcast %rev3A_812 : i32 to vector<16xi32>
    %rev3A_814 = tpu.iota {dimensions = array<i32: 0>} : vector<16xi32>
    %rev3A_815 = arith.subi %rev3A_813, %rev3A_814 : vector<16xi32>
    %rev3A_816 = tpu.dynamic_gather %add3A_811[%rev3A_815] in [0] : vector<16xi32>, vector<16xi32> -> vector<16xi32>
    %add3A_817 = arith.constant 3072 : i32
    %add3A_818 = vector.broadcast %add3A_817 : i32 to vector<16xi32>
    %add3A_819 = arith.addi %rev3A_816, %add3A_818 : vector<16xi32>
    %broadcast_in_dim3A_820 = arith.constant true
    %broadcast_in_dim3A_821 = vector.broadcast %broadcast_in_dim3A_820 : i1 to vector<16xi1>
    %unique3A_822, %unique3A_823 = tpu.scan_count mask(%broadcast_in_dim3A_821 : vector<16xi1>) value(%add3A_819 : vector<16xi32>) : vector<16xi1>, vector<16xi32>
    %mul3A_824 = arith.constant 128 : i32
    %mul3A_825 = arith.muli %add3A_771, %mul3A_824 : i32
    %add3A_826 = arith.constant 96 : i32
    %add3A_827 = arith.addi %mul3A_825, %add3A_826 : i32
    %add3A_828 = vector.broadcast %add3A_827 : i32 to vector<16xi32>
    %add3A_829 = arith.addi %add3A_828, %sub3A_1 : vector<16xi32>
    tpu.vector_store_idx %arg7[%add3A_819], %add3A_829 masked %unique3A_822 : memref<8192xi32, #tpu.memory_space<vmem>>[vector<16xi32>], vector<16xi32>, vector<16xi1>
    %mul3A_830 = arith.constant 128 : i32
    %mul3A_831 = arith.muli %add3A_771, %mul3A_830 : i32
    %add3A_832 = arith.constant 80 : i32
    %add3A_833 = arith.addi %mul3A_831, %add3A_832 : i32
    %get3A_834 = arith.index_cast %add3A_833 : i32 to index
    %get3A_835 = tpu.vector_load %arg4[%get3A_834] {strides = array<i32>} : memref<16384xf32, #tpu.memory_space<vmem>>, vector<16xf32>,
    %convert_element_type3A_836 = arith.fptosi %get3A_835 : vector<16xf32> to vector<16xi32>
    %mul3A_837 = arith.constant 128 : i32
    %mul3A_838 = vector.broadcast %mul3A_837 : i32 to vector<16xi32>
    %mul3A_839 = arith.muli %convert_element_type3A_836, %mul3A_838 : vector<16xi32>
    %add3A_840 = arith.addi %mul3A_839, %get3A_30 : vector<16xi32>
    %rev3A_841 = arith.constant 15 : i32
    %rev3A_842 = vector.broadcast %rev3A_841 : i32 to vector<16xi32>
    %rev3A_843 = tpu.iota {dimensions = array<i32: 0>} : vector<16xi32>
    %rev3A_844 = arith.subi %rev3A_842, %rev3A_843 : vector<16xi32>
    %rev3A_845 = tpu.dynamic_gather %add3A_840[%rev3A_844] in [0] : vector<16xi32>, vector<16xi32> -> vector<16xi32>
    %add3A_846 = arith.constant 3072 : i32
    %add3A_847 = vector.broadcast %add3A_846 : i32 to vector<16xi32>
    %add3A_848 = arith.addi %rev3A_845, %add3A_847 : vector<16xi32>
    %broadcast_in_dim3A_849 = arith.constant true
    %broadcast_in_dim3A_850 = vector.broadcast %broadcast_in_dim3A_849 : i1 to vector<16xi1>
    %unique3A_851, %unique3A_852 = tpu.scan_count mask(%broadcast_in_dim3A_850 : vector<16xi1>) value(%add3A_848 : vector<16xi32>) : vector<16xi1>, vector<16xi32>
    %mul3A_853 = arith.constant 128 : i32
    %mul3A_854 = arith.muli %add3A_771, %mul3A_853 : i32
    %add3A_855 = arith.constant 80 : i32
    %add3A_856 = arith.addi %mul3A_854, %add3A_855 : i32
    %add3A_857 = vector.broadcast %add3A_856 : i32 to vector<16xi32>
    %add3A_858 = arith.addi %add3A_857, %sub3A_1 : vector<16xi32>
    tpu.vector_store_idx %arg7[%add3A_848], %add3A_858 masked %unique3A_851 : memref<8192xi32, #tpu.memory_space<vmem>>[vector<16xi32>], vector<16xi32>, vector<16xi1>
    %mul3A_859 = arith.constant 128 : i32
    %mul3A_860 = arith.muli %add3A_771, %mul3A_859 : i32
    %add3A_861 = arith.constant 64 : i32
    %add3A_862 = arith.addi %mul3A_860, %add3A_861 : i32
    %get3A_863 = arith.index_cast %add3A_862 : i32 to index
    %get3A_864 = tpu.vector_load %arg4[%get3A_863] {strides = array<i32>} : memref<16384xf32, #tpu.memory_space<vmem>>, vector<16xf32>,
    %convert_element_type3A_865 = arith.fptosi %get3A_864 : vector<16xf32> to vector<16xi32>
    %mul3A_866 = arith.constant 128 : i32
    %mul3A_867 = vector.broadcast %mul3A_866 : i32 to vector<16xi32>
    %mul3A_868 = arith.muli %convert_element_type3A_865, %mul3A_867 : vector<16xi32>
    %add3A_869 = arith.addi %mul3A_868, %get3A_28 : vector<16xi32>
    %rev3A_870 = arith.constant 15 : i32
    %rev3A_871 = vector.broadcast %rev3A_870 : i32 to vector<16xi32>
    %rev3A_872 = tpu.iota {dimensions = array<i32: 0>} : vector<16xi32>
    %rev3A_873 = arith.subi %rev3A_871, %rev3A_872 : vector<16xi32>
    %rev3A_874 = tpu.dynamic_gather %add3A_869[%rev3A_873] in [0] : vector<16xi32>, vector<16xi32> -> vector<16xi32>
    %add3A_875 = arith.constant 3072 : i32
    %add3A_876 = vector.broadcast %add3A_875 : i32 to vector<16xi32>
    %add3A_877 = arith.addi %rev3A_874, %add3A_876 : vector<16xi32>
    %broadcast_in_dim3A_878 = arith.constant true
    %broadcast_in_dim3A_879 = vector.broadcast %broadcast_in_dim3A_878 : i1 to vector<16xi1>
    %unique3A_880, %unique3A_881 = tpu.scan_count mask(%broadcast_in_dim3A_879 : vector<16xi1>) value(%add3A_877 : vector<16xi32>) : vector<16xi1>, vector<16xi32>
    %mul3A_882 = arith.constant 128 : i32
    %mul3A_883 = arith.muli %add3A_771, %mul3A_882 : i32
    %add3A_884 = arith.constant 64 : i32
    %add3A_885 = arith.addi %mul3A_883, %add3A_884 : i32
    %add3A_886 = vector.broadcast %add3A_885 : i32 to vector<16xi32>
    %add3A_887 = arith.addi %add3A_886, %sub3A_1 : vector<16xi32>
    tpu.vector_store_idx %arg7[%add3A_877], %add3A_887 masked %unique3A_880 : memref<8192xi32, #tpu.memory_space<vmem>>[vector<16xi32>], vector<16xi32>, vector<16xi1>
    %mul3A_888 = arith.constant 128 : i32
    %mul3A_889 = arith.muli %add3A_771, %mul3A_888 : i32
    %add3A_890 = arith.constant 48 : i32
    %add3A_891 = arith.addi %mul3A_889, %add3A_890 : i32
    %get3A_892 = arith.index_cast %add3A_891 : i32 to index
    %get3A_893 = tpu.vector_load %arg4[%get3A_892] {strides = array<i32>} : memref<16384xf32, #tpu.memory_space<vmem>>, vector<16xf32>,
    %convert_element_type3A_894 = arith.fptosi %get3A_893 : vector<16xf32> to vector<16xi32>
    %mul3A_895 = arith.constant 128 : i32
    %mul3A_896 = vector.broadcast %mul3A_895 : i32 to vector<16xi32>
    %mul3A_897 = arith.muli %convert_element_type3A_894, %mul3A_896 : vector<16xi32>
    %add3A_898 = arith.addi %mul3A_897, %get3A_26 : vector<16xi32>
    %rev3A_899 = arith.constant 15 : i32
    %rev3A_900 = vector.broadcast %rev3A_899 : i32 to vector<16xi32>
    %rev3A_901 = tpu.iota {dimensions = array<i32: 0>} : vector<16xi32>
    %rev3A_902 = arith.subi %rev3A_900, %rev3A_901 : vector<16xi32>
    %rev3A_903 = tpu.dynamic_gather %add3A_898[%rev3A_902] in [0] : vector<16xi32>, vector<16xi32> -> vector<16xi32>
    %add3A_904 = arith.constant 3072 : i32
    %add3A_905 = vector.broadcast %add3A_904 : i32 to vector<16xi32>
    %add3A_906 = arith.addi %rev3A_903, %add3A_905 : vector<16xi32>
    %broadcast_in_dim3A_907 = arith.constant true
    %broadcast_in_dim3A_908 = vector.broadcast %broadcast_in_dim3A_907 : i1 to vector<16xi1>
    %unique3A_909, %unique3A_910 = tpu.scan_count mask(%broadcast_in_dim3A_908 : vector<16xi1>) value(%add3A_906 : vector<16xi32>) : vector<16xi1>, vector<16xi32>
    %mul3A_911 = arith.constant 128 : i32
    %mul3A_912 = arith.muli %add3A_771, %mul3A_911 : i32
    %add3A_913 = arith.constant 48 : i32
    %add3A_914 = arith.addi %mul3A_912, %add3A_913 : i32
    %add3A_915 = vector.broadcast %add3A_914 : i32 to vector<16xi32>
    %add3A_916 = arith.addi %add3A_915, %sub3A_1 : vector<16xi32>
    tpu.vector_store_idx %arg7[%add3A_906], %add3A_916 masked %unique3A_909 : memref<8192xi32, #tpu.memory_space<vmem>>[vector<16xi32>], vector<16xi32>, vector<16xi1>
    %mul3A_917 = arith.constant 128 : i32
    %mul3A_918 = arith.muli %add3A_771, %mul3A_917 : i32
    %add3A_919 = arith.constant 32 : i32
    %add3A_920 = arith.addi %mul3A_918, %add3A_919 : i32
    %get3A_921 = arith.index_cast %add3A_920 : i32 to index
    %get3A_922 = tpu.vector_load %arg4[%get3A_921] {strides = array<i32>} : memref<16384xf32, #tpu.memory_space<vmem>>, vector<16xf32>,
    %convert_element_type3A_923 = arith.fptosi %get3A_922 : vector<16xf32> to vector<16xi32>
    %mul3A_924 = arith.constant 128 : i32
    %mul3A_925 = vector.broadcast %mul3A_924 : i32 to vector<16xi32>
    %mul3A_926 = arith.muli %convert_element_type3A_923, %mul3A_925 : vector<16xi32>
    %add3A_927 = arith.addi %mul3A_926, %get3A_24 : vector<16xi32>
    %rev3A_928 = arith.constant 15 : i32
    %rev3A_929 = vector.broadcast %rev3A_928 : i32 to vector<16xi32>
    %rev3A_930 = tpu.iota {dimensions = array<i32: 0>} : vector<16xi32>
    %rev3A_931 = arith.subi %rev3A_929, %rev3A_930 : vector<16xi32>
    %rev3A_932 = tpu.dynamic_gather %add3A_927[%rev3A_931] in [0] : vector<16xi32>, vector<16xi32> -> vector<16xi32>
    %add3A_933 = arith.constant 3072 : i32
    %add3A_934 = vector.broadcast %add3A_933 : i32 to vector<16xi32>
    %add3A_935 = arith.addi %rev3A_932, %add3A_934 : vector<16xi32>
    %broadcast_in_dim3A_936 = arith.constant true
    %broadcast_in_dim3A_937 = vector.broadcast %broadcast_in_dim3A_936 : i1 to vector<16xi1>
    %unique3A_938, %unique3A_939 = tpu.scan_count mask(%broadcast_in_dim3A_937 : vector<16xi1>) value(%add3A_935 : vector<16xi32>) : vector<16xi1>, vector<16xi32>
    %mul3A_940 = arith.constant 128 : i32
    %mul3A_941 = arith.muli %add3A_771, %mul3A_940 : i32
    %add3A_942 = arith.constant 32 : i32
    %add3A_943 = arith.addi %mul3A_941, %add3A_942 : i32
    %add3A_944 = vector.broadcast %add3A_943 : i32 to vector<16xi32>
    %add3A_945 = arith.addi %add3A_944, %sub3A_1 : vector<16xi32>
    tpu.vector_store_idx %arg7[%add3A_935], %add3A_945 masked %unique3A_938 : memref<8192xi32, #tpu.memory_space<vmem>>[vector<16xi32>], vector<16xi32>, vector<16xi1>
    %mul3A_946 = arith.constant 128 : i32
    %mul3A_947 = arith.muli %add3A_771, %mul3A_946 : i32
    %add3A_948 = arith.constant 16 : i32
    %add3A_949 = arith.addi %mul3A_947, %add3A_948 : i32
    %get3A_950 = arith.index_cast %add3A_949 : i32 to index
    %get3A_951 = tpu.vector_load %arg4[%get3A_950] {strides = array<i32>} : memref<16384xf32, #tpu.memory_space<vmem>>, vector<16xf32>,
    %convert_element_type3A_952 = arith.fptosi %get3A_951 : vector<16xf32> to vector<16xi32>
    %mul3A_953 = arith.constant 128 : i32
    %mul3A_954 = vector.broadcast %mul3A_953 : i32 to vector<16xi32>
    %mul3A_955 = arith.muli %convert_element_type3A_952, %mul3A_954 : vector<16xi32>
    %add3A_956 = arith.addi %mul3A_955, %get3A_22 : vector<16xi32>
    %rev3A_957 = arith.constant 15 : i32
    %rev3A_958 = vector.broadcast %rev3A_957 : i32 to vector<16xi32>
    %rev3A_959 = tpu.iota {dimensions = array<i32: 0>} : vector<16xi32>
    %rev3A_960 = arith.subi %rev3A_958, %rev3A_959 : vector<16xi32>
    %rev3A_961 = tpu.dynamic_gather %add3A_956[%rev3A_960] in [0] : vector<16xi32>, vector<16xi32> -> vector<16xi32>
    %add3A_962 = arith.constant 3072 : i32
    %add3A_963 = vector.broadcast %add3A_962 : i32 to vector<16xi32>
    %add3A_964 = arith.addi %rev3A_961, %add3A_963 : vector<16xi32>
    %broadcast_in_dim3A_965 = arith.constant true
    %broadcast_in_dim3A_966 = vector.broadcast %broadcast_in_dim3A_965 : i1 to vector<16xi1>
    %unique3A_967, %unique3A_968 = tpu.scan_count mask(%broadcast_in_dim3A_966 : vector<16xi1>) value(%add3A_964 : vector<16xi32>) : vector<16xi1>, vector<16xi32>
    %mul3A_969 = arith.constant 128 : i32
    %mul3A_970 = arith.muli %add3A_771, %mul3A_969 : i32
    %add3A_971 = arith.constant 16 : i32
    %add3A_972 = arith.addi %mul3A_970, %add3A_971 : i32
    %add3A_973 = vector.broadcast %add3A_972 : i32 to vector<16xi32>
    %add3A_974 = arith.addi %add3A_973, %sub3A_1 : vector<16xi32>
    tpu.vector_store_idx %arg7[%add3A_964], %add3A_974 masked %unique3A_967 : memref<8192xi32, #tpu.memory_space<vmem>>[vector<16xi32>], vector<16xi32>, vector<16xi1>
    %mul3A_975 = arith.constant 128 : i32
    %mul3A_976 = arith.muli %add3A_771, %mul3A_975 : i32
    %add3A_977 = arith.constant 0 : i32
    %add3A_978 = arith.addi %mul3A_976, %add3A_977 : i32
    %get3A_979 = arith.index_cast %add3A_978 : i32 to index
    %get3A_980 = tpu.vector_load %arg4[%get3A_979] {strides = array<i32>} : memref<16384xf32, #tpu.memory_space<vmem>>, vector<16xf32>,
    %convert_element_type3A_981 = arith.fptosi %get3A_980 : vector<16xf32> to vector<16xi32>
    %mul3A_982 = arith.constant 128 : i32
    %mul3A_983 = vector.broadcast %mul3A_982 : i32 to vector<16xi32>
    %mul3A_984 = arith.muli %convert_element_type3A_981, %mul3A_983 : vector<16xi32>
    %add3A_985 = arith.addi %mul3A_984, %get3A_20 : vector<16xi32>
    %rev3A_986 = arith.constant 15 : i32
    %rev3A_987 = vector.broadcast %rev3A_986 : i32 to vector<16xi32>
    %rev3A_988 = tpu.iota {dimensions = array<i32: 0>} : vector<16xi32>
    %rev3A_989 = arith.subi %rev3A_987, %rev3A_988 : vector<16xi32>
    %rev3A_990 = tpu.dynamic_gather %add3A_985[%rev3A_989] in [0] : vector<16xi32>, vector<16xi32> -> vector<16xi32>
    %add3A_991 = arith.constant 3072 : i32
    %add3A_992 = vector.broadcast %add3A_991 : i32 to vector<16xi32>
    %add3A_993 = arith.addi %rev3A_990, %add3A_992 : vector<16xi32>
    %broadcast_in_dim3A_994 = arith.constant true
    %broadcast_in_dim3A_995 = vector.broadcast %broadcast_in_dim3A_994 : i1 to vector<16xi1>
    %unique3A_996, %unique3A_997 = tpu.scan_count mask(%broadcast_in_dim3A_995 : vector<16xi1>) value(%add3A_993 : vector<16xi32>) : vector<16xi1>, vector<16xi32>
    %mul3A_998 = arith.constant 128 : i32
    %mul3A_999 = arith.muli %add3A_771, %mul3A_998 : i32
    %add3A_1000 = arith.constant 0 : i32
    %add3A_1001 = arith.addi %mul3A_999, %add3A_1000 : i32
    %add3A_1002 = vector.broadcast %add3A_1001 : i32 to vector<16xi32>
    %add3A_1003 = arith.addi %add3A_1002, %sub3A_1 : vector<16xi32>
    tpu.vector_store_idx %arg7[%add3A_993], %add3A_1003 masked %unique3A_996 : memref<8192xi32, #tpu.memory_space<vmem>>[vector<16xi32>], vector<16xi32>, vector<16xi1>
    %mul3A_1004 = arith.constant 1024 : i32
    %mul3A_1005 = arith.muli %add3A_771, %mul3A_1004 : i32
    %dma_start3A_1006 = arith.constant 3072 : i32
    %dma_start3A_1007 = tpu.memref_slice %arg7[%dma_start3A_1006] : memref<8192xi32, #tpu.memory_space<vmem>> -> memref<1024xi32, #tpu.memory_space<vmem>>
    %dma_start3A_1008 = tpu.memref_slice %arg16[%mul3A_1005] : memref<131072xi32, #tpu.memory_space<vmem_shared>> -> memref<1024xi32, #tpu.memory_space<vmem_shared>>
    %dma_start3A_1009 = tpu.memref_slice %arg16[%mul3A_1005] : memref<131072xi32, #tpu.memory_space<vmem_shared>> -> memref<1024xi32, #tpu.memory_space<vmem_shared>>
    %dma_start3A_1010 = arith.constant 3072 : i32
    %dma_start3A_1011 = tpu.memref_slice %arg7[%dma_start3A_1010] : memref<8192xi32, #tpu.memory_space<vmem>> -> memref<1024xi32, #tpu.memory_space<vmem>>
    tpu.enqueue_dma source(%dma_start3A_1011 : memref<1024xi32, #tpu.memory_space<vmem>>) target(%dma_start3A_1009 : memref<1024xi32, #tpu.memory_space<vmem_shared>>) target_semaphore(%arg20 : memref<!tpu.dma_semaphore, #tpu.memory_space<semaphore_mem>>)
    %mul3A_1012 = arith.constant 8 : i32
    %mul3A_1013 = arith.muli %arg1, %mul3A_1012 : i32
    %add3A_1014 = arith.constant 4 : i32
    %add3A_1015 = arith.addi %mul3A_1013, %add3A_1014 : i32
    %mul3A_1016 = arith.constant 128 : i32
    %mul3A_1017 = arith.muli %add3A_1015, %mul3A_1016 : i32
    %add3A_1018 = arith.constant 112 : i32
    %add3A_1019 = arith.addi %mul3A_1017, %add3A_1018 : i32
    %get3A_1020 = arith.index_cast %add3A_1019 : i32 to index
    %get3A_1021 = tpu.vector_load %arg4[%get3A_1020] {strides = array<i32>} : memref<16384xf32, #tpu.memory_space<vmem>>, vector<16xf32>,
    %convert_element_type3A_1022 = arith.fptosi %get3A_1021 : vector<16xf32> to vector<16xi32>
    %mul3A_1023 = arith.constant 128 : i32
    %mul3A_1024 = vector.broadcast %mul3A_1023 : i32 to vector<16xi32>
    %mul3A_1025 = arith.muli %convert_element_type3A_1022, %mul3A_1024 : vector<16xi32>
    %add3A_1026 = arith.addi %mul3A_1025, %get3A_34 : vector<16xi32>
    %rev3A_1027 = arith.constant 15 : i32
    %rev3A_1028 = vector.broadcast %rev3A_1027 : i32 to vector<16xi32>
    %rev3A_1029 = tpu.iota {dimensions = array<i32: 0>} : vector<16xi32>
    %rev3A_1030 = arith.subi %rev3A_1028, %rev3A_1029 : vector<16xi32>
    %rev3A_1031 = tpu.dynamic_gather %add3A_1026[%rev3A_1030] in [0] : vector<16xi32>, vector<16xi32> -> vector<16xi32>
    %add3A_1032 = arith.constant 4096 : i32
    %add3A_1033 = vector.broadcast %add3A_1032 : i32 to vector<16xi32>
    %add3A_1034 = arith.addi %rev3A_1031, %add3A_1033 : vector<16xi32>
    %broadcast_in_dim3A_1035 = arith.constant true
    %broadcast_in_dim3A_1036 = vector.broadcast %broadcast_in_dim3A_1035 : i1 to vector<16xi1>
    %unique3A_1037, %unique3A_1038 = tpu.scan_count mask(%broadcast_in_dim3A_1036 : vector<16xi1>) value(%add3A_1034 : vector<16xi32>) : vector<16xi1>, vector<16xi32>
    %mul3A_1039 = arith.constant 128 : i32
    %mul3A_1040 = arith.muli %add3A_1015, %mul3A_1039 : i32
    %add3A_1041 = arith.constant 112 : i32
    %add3A_1042 = arith.addi %mul3A_1040, %add3A_1041 : i32
    %add3A_1043 = vector.broadcast %add3A_1042 : i32 to vector<16xi32>
    %add3A_1044 = arith.addi %add3A_1043, %sub3A_1 : vector<16xi32>
    tpu.vector_store_idx %arg7[%add3A_1034], %add3A_1044 masked %unique3A_1037 : memref<8192xi32, #tpu.memory_space<vmem>>[vector<16xi32>], vector<16xi32>, vector<16xi1>
    %mul3A_1045 = arith.constant 128 : i32
    %mul3A_1046 = arith.muli %add3A_1015, %mul3A_1045 : i32
    %add3A_1047 = arith.constant 96 : i32
    %add3A_1048 = arith.addi %mul3A_1046, %add3A_1047 : i32
    %get3A_1049 = arith.index_cast %add3A_1048 : i32 to index
    %get3A_1050 = tpu.vector_load %arg4[%get3A_1049] {strides = array<i32>} : memref<16384xf32, #tpu.memory_space<vmem>>, vector<16xf32>,
    %convert_element_type3A_1051 = arith.fptosi %get3A_1050 : vector<16xf32> to vector<16xi32>
    %mul3A_1052 = arith.constant 128 : i32
    %mul3A_1053 = vector.broadcast %mul3A_1052 : i32 to vector<16xi32>
    %mul3A_1054 = arith.muli %convert_element_type3A_1051, %mul3A_1053 : vector<16xi32>
    %add3A_1055 = arith.addi %mul3A_1054, %get3A_32 : vector<16xi32>
    %rev3A_1056 = arith.constant 15 : i32
    %rev3A_1057 = vector.broadcast %rev3A_1056 : i32 to vector<16xi32>
    %rev3A_1058 = tpu.iota {dimensions = array<i32: 0>} : vector<16xi32>
    %rev3A_1059 = arith.subi %rev3A_1057, %rev3A_1058 : vector<16xi32>
    %rev3A_1060 = tpu.dynamic_gather %add3A_1055[%rev3A_1059] in [0] : vector<16xi32>, vector<16xi32> -> vector<16xi32>
    %add3A_1061 = arith.constant 4096 : i32
    %add3A_1062 = vector.broadcast %add3A_1061 : i32 to vector<16xi32>
    %add3A_1063 = arith.addi %rev3A_1060, %add3A_1062 : vector<16xi32>
    %broadcast_in_dim3A_1064 = arith.constant true
    %broadcast_in_dim3A_1065 = vector.broadcast %broadcast_in_dim3A_1064 : i1 to vector<16xi1>
    %unique3A_1066, %unique3A_1067 = tpu.scan_count mask(%broadcast_in_dim3A_1065 : vector<16xi1>) value(%add3A_1063 : vector<16xi32>) : vector<16xi1>, vector<16xi32>
    %mul3A_1068 = arith.constant 128 : i32
    %mul3A_1069 = arith.muli %add3A_1015, %mul3A_1068 : i32
    %add3A_1070 = arith.constant 96 : i32
    %add3A_1071 = arith.addi %mul3A_1069, %add3A_1070 : i32
    %add3A_1072 = vector.broadcast %add3A_1071 : i32 to vector<16xi32>
    %add3A_1073 = arith.addi %add3A_1072, %sub3A_1 : vector<16xi32>
    tpu.vector_store_idx %arg7[%add3A_1063], %add3A_1073 masked %unique3A_1066 : memref<8192xi32, #tpu.memory_space<vmem>>[vector<16xi32>], vector<16xi32>, vector<16xi1>
    %mul3A_1074 = arith.constant 128 : i32
    %mul3A_1075 = arith.muli %add3A_1015, %mul3A_1074 : i32
    %add3A_1076 = arith.constant 80 : i32
    %add3A_1077 = arith.addi %mul3A_1075, %add3A_1076 : i32
    %get3A_1078 = arith.index_cast %add3A_1077 : i32 to index
    %get3A_1079 = tpu.vector_load %arg4[%get3A_1078] {strides = array<i32>} : memref<16384xf32, #tpu.memory_space<vmem>>, vector<16xf32>,
    %convert_element_type3A_1080 = arith.fptosi %get3A_1079 : vector<16xf32> to vector<16xi32>
    %mul3A_1081 = arith.constant 128 : i32
    %mul3A_1082 = vector.broadcast %mul3A_1081 : i32 to vector<16xi32>
    %mul3A_1083 = arith.muli %convert_element_type3A_1080, %mul3A_1082 : vector<16xi32>
    %add3A_1084 = arith.addi %mul3A_1083, %get3A_30 : vector<16xi32>
    %rev3A_1085 = arith.constant 15 : i32
    %rev3A_1086 = vector.broadcast %rev3A_1085 : i32 to vector<16xi32>
    %rev3A_1087 = tpu.iota {dimensions = array<i32: 0>} : vector<16xi32>
    %rev3A_1088 = arith.subi %rev3A_1086, %rev3A_1087 : vector<16xi32>
    %rev3A_1089 = tpu.dynamic_gather %add3A_1084[%rev3A_1088] in [0] : vector<16xi32>, vector<16xi32> -> vector<16xi32>
    %add3A_1090 = arith.constant 4096 : i32
    %add3A_1091 = vector.broadcast %add3A_1090 : i32 to vector<16xi32>
    %add3A_1092 = arith.addi %rev3A_1089, %add3A_1091 : vector<16xi32>
    %broadcast_in_dim3A_1093 = arith.constant true
    %broadcast_in_dim3A_1094 = vector.broadcast %broadcast_in_dim3A_1093 : i1 to vector<16xi1>
    %unique3A_1095, %unique3A_1096 = tpu.scan_count mask(%broadcast_in_dim3A_1094 : vector<16xi1>) value(%add3A_1092 : vector<16xi32>) : vector<16xi1>, vector<16xi32>
    %mul3A_1097 = arith.constant 128 : i32
    %mul3A_1098 = arith.muli %add3A_1015, %mul3A_1097 : i32
    %add3A_1099 = arith.constant 80 : i32
    %add3A_1100 = arith.addi %mul3A_1098, %add3A_1099 : i32
    %add3A_1101 = vector.broadcast %add3A_1100 : i32 to vector<16xi32>
    %add3A_1102 = arith.addi %add3A_1101, %sub3A_1 : vector<16xi32>
    tpu.vector_store_idx %arg7[%add3A_1092], %add3A_1102 masked %unique3A_1095 : memref<8192xi32, #tpu.memory_space<vmem>>[vector<16xi32>], vector<16xi32>, vector<16xi1>
    %mul3A_1103 = arith.constant 128 : i32
    %mul3A_1104 = arith.muli %add3A_1015, %mul3A_1103 : i32
    %add3A_1105 = arith.constant 64 : i32
    %add3A_1106 = arith.addi %mul3A_1104, %add3A_1105 : i32
    %get3A_1107 = arith.index_cast %add3A_1106 : i32 to index
    %get3A_1108 = tpu.vector_load %arg4[%get3A_1107] {strides = array<i32>} : memref<16384xf32, #tpu.memory_space<vmem>>, vector<16xf32>,
    %convert_element_type3A_1109 = arith.fptosi %get3A_1108 : vector<16xf32> to vector<16xi32>
    %mul3A_1110 = arith.constant 128 : i32
    %mul3A_1111 = vector.broadcast %mul3A_1110 : i32 to vector<16xi32>
    %mul3A_1112 = arith.muli %convert_element_type3A_1109, %mul3A_1111 : vector<16xi32>
    %add3A_1113 = arith.addi %mul3A_1112, %get3A_28 : vector<16xi32>
    %rev3A_1114 = arith.constant 15 : i32
    %rev3A_1115 = vector.broadcast %rev3A_1114 : i32 to vector<16xi32>
    %rev3A_1116 = tpu.iota {dimensions = array<i32: 0>} : vector<16xi32>
    %rev3A_1117 = arith.subi %rev3A_1115, %rev3A_1116 : vector<16xi32>
    %rev3A_1118 = tpu.dynamic_gather %add3A_1113[%rev3A_1117] in [0] : vector<16xi32>, vector<16xi32> -> vector<16xi32>
    %add3A_1119 = arith.constant 4096 : i32
    %add3A_1120 = vector.broadcast %add3A_1119 : i32 to vector<16xi32>
    %add3A_1121 = arith.addi %rev3A_1118, %add3A_1120 : vector<16xi32>
    %broadcast_in_dim3A_1122 = arith.constant true
    %broadcast_in_dim3A_1123 = vector.broadcast %broadcast_in_dim3A_1122 : i1 to vector<16xi1>
    %unique3A_1124, %unique3A_1125 = tpu.scan_count mask(%broadcast_in_dim3A_1123 : vector<16xi1>) value(%add3A_1121 : vector<16xi32>) : vector<16xi1>, vector<16xi32>
    %mul3A_1126 = arith.constant 128 : i32
    %mul3A_1127 = arith.muli %add3A_1015, %mul3A_1126 : i32
    %add3A_1128 = arith.constant 64 : i32
    %add3A_1129 = arith.addi %mul3A_1127, %add3A_1128 : i32
    %add3A_1130 = vector.broadcast %add3A_1129 : i32 to vector<16xi32>
    %add3A_1131 = arith.addi %add3A_1130, %sub3A_1 : vector<16xi32>
    tpu.vector_store_idx %arg7[%add3A_1121], %add3A_1131 masked %unique3A_1124 : memref<8192xi32, #tpu.memory_space<vmem>>[vector<16xi32>], vector<16xi32>, vector<16xi1>
    %mul3A_1132 = arith.constant 128 : i32
    %mul3A_1133 = arith.muli %add3A_1015, %mul3A_1132 : i32
    %add3A_1134 = arith.constant 48 : i32
    %add3A_1135 = arith.addi %mul3A_1133, %add3A_1134 : i32
    %get3A_1136 = arith.index_cast %add3A_1135 : i32 to index
    %get3A_1137 = tpu.vector_load %arg4[%get3A_1136] {strides = array<i32>} : memref<16384xf32, #tpu.memory_space<vmem>>, vector<16xf32>,
    %convert_element_type3A_1138 = arith.fptosi %get3A_1137 : vector<16xf32> to vector<16xi32>
    %mul3A_1139 = arith.constant 128 : i32
    %mul3A_1140 = vector.broadcast %mul3A_1139 : i32 to vector<16xi32>
    %mul3A_1141 = arith.muli %convert_element_type3A_1138, %mul3A_1140 : vector<16xi32>
    %add3A_1142 = arith.addi %mul3A_1141, %get3A_26 : vector<16xi32>
    %rev3A_1143 = arith.constant 15 : i32
    %rev3A_1144 = vector.broadcast %rev3A_1143 : i32 to vector<16xi32>
    %rev3A_1145 = tpu.iota {dimensions = array<i32: 0>} : vector<16xi32>
    %rev3A_1146 = arith.subi %rev3A_1144, %rev3A_1145 : vector<16xi32>
    %rev3A_1147 = tpu.dynamic_gather %add3A_1142[%rev3A_1146] in [0] : vector<16xi32>, vector<16xi32> -> vector<16xi32>
    %add3A_1148 = arith.constant 4096 : i32
    %add3A_1149 = vector.broadcast %add3A_1148 : i32 to vector<16xi32>
    %add3A_1150 = arith.addi %rev3A_1147, %add3A_1149 : vector<16xi32>
    %broadcast_in_dim3A_1151 = arith.constant true
    %broadcast_in_dim3A_1152 = vector.broadcast %broadcast_in_dim3A_1151 : i1 to vector<16xi1>
    %unique3A_1153, %unique3A_1154 = tpu.scan_count mask(%broadcast_in_dim3A_1152 : vector<16xi1>) value(%add3A_1150 : vector<16xi32>) : vector<16xi1>, vector<16xi32>
    %mul3A_1155 = arith.constant 128 : i32
    %mul3A_1156 = arith.muli %add3A_1015, %mul3A_1155 : i32
    %add3A_1157 = arith.constant 48 : i32
    %add3A_1158 = arith.addi %mul3A_1156, %add3A_1157 : i32
    %add3A_1159 = vector.broadcast %add3A_1158 : i32 to vector<16xi32>
    %add3A_1160 = arith.addi %add3A_1159, %sub3A_1 : vector<16xi32>
    tpu.vector_store_idx %arg7[%add3A_1150], %add3A_1160 masked %unique3A_1153 : memref<8192xi32, #tpu.memory_space<vmem>>[vector<16xi32>], vector<16xi32>, vector<16xi1>
    %mul3A_1161 = arith.constant 128 : i32
    %mul3A_1162 = arith.muli %add3A_1015, %mul3A_1161 : i32
    %add3A_1163 = arith.constant 32 : i32
    %add3A_1164 = arith.addi %mul3A_1162, %add3A_1163 : i32
    %get3A_1165 = arith.index_cast %add3A_1164 : i32 to index
    %get3A_1166 = tpu.vector_load %arg4[%get3A_1165] {strides = array<i32>} : memref<16384xf32, #tpu.memory_space<vmem>>, vector<16xf32>,
    %convert_element_type3A_1167 = arith.fptosi %get3A_1166 : vector<16xf32> to vector<16xi32>
    %mul3A_1168 = arith.constant 128 : i32
    %mul3A_1169 = vector.broadcast %mul3A_1168 : i32 to vector<16xi32>
    %mul3A_1170 = arith.muli %convert_element_type3A_1167, %mul3A_1169 : vector<16xi32>
    %add3A_1171 = arith.addi %mul3A_1170, %get3A_24 : vector<16xi32>
    %rev3A_1172 = arith.constant 15 : i32
    %rev3A_1173 = vector.broadcast %rev3A_1172 : i32 to vector<16xi32>
    %rev3A_1174 = tpu.iota {dimensions = array<i32: 0>} : vector<16xi32>
    %rev3A_1175 = arith.subi %rev3A_1173, %rev3A_1174 : vector<16xi32>
    %rev3A_1176 = tpu.dynamic_gather %add3A_1171[%rev3A_1175] in [0] : vector<16xi32>, vector<16xi32> -> vector<16xi32>
    %add3A_1177 = arith.constant 4096 : i32
    %add3A_1178 = vector.broadcast %add3A_1177 : i32 to vector<16xi32>
    %add3A_1179 = arith.addi %rev3A_1176, %add3A_1178 : vector<16xi32>
    %broadcast_in_dim3A_1180 = arith.constant true
    %broadcast_in_dim3A_1181 = vector.broadcast %broadcast_in_dim3A_1180 : i1 to vector<16xi1>
    %unique3A_1182, %unique3A_1183 = tpu.scan_count mask(%broadcast_in_dim3A_1181 : vector<16xi1>) value(%add3A_1179 : vector<16xi32>) : vector<16xi1>, vector<16xi32>
    %mul3A_1184 = arith.constant 128 : i32
    %mul3A_1185 = arith.muli %add3A_1015, %mul3A_1184 : i32
    %add3A_1186 = arith.constant 32 : i32
    %add3A_1187 = arith.addi %mul3A_1185, %add3A_1186 : i32
    %add3A_1188 = vector.broadcast %add3A_1187 : i32 to vector<16xi32>
    %add3A_1189 = arith.addi %add3A_1188, %sub3A_1 : vector<16xi32>
    tpu.vector_store_idx %arg7[%add3A_1179], %add3A_1189 masked %unique3A_1182 : memref<8192xi32, #tpu.memory_space<vmem>>[vector<16xi32>], vector<16xi32>, vector<16xi1>
    %mul3A_1190 = arith.constant 128 : i32
    %mul3A_1191 = arith.muli %add3A_1015, %mul3A_1190 : i32
    %add3A_1192 = arith.constant 16 : i32
    %add3A_1193 = arith.addi %mul3A_1191, %add3A_1192 : i32
    %get3A_1194 = arith.index_cast %add3A_1193 : i32 to index
    %get3A_1195 = tpu.vector_load %arg4[%get3A_1194] {strides = array<i32>} : memref<16384xf32, #tpu.memory_space<vmem>>, vector<16xf32>,
    %convert_element_type3A_1196 = arith.fptosi %get3A_1195 : vector<16xf32> to vector<16xi32>
    %mul3A_1197 = arith.constant 128 : i32
    %mul3A_1198 = vector.broadcast %mul3A_1197 : i32 to vector<16xi32>
    %mul3A_1199 = arith.muli %convert_element_type3A_1196, %mul3A_1198 : vector<16xi32>
    %add3A_1200 = arith.addi %mul3A_1199, %get3A_22 : vector<16xi32>
    %rev3A_1201 = arith.constant 15 : i32
    %rev3A_1202 = vector.broadcast %rev3A_1201 : i32 to vector<16xi32>
    %rev3A_1203 = tpu.iota {dimensions = array<i32: 0>} : vector<16xi32>
    %rev3A_1204 = arith.subi %rev3A_1202, %rev3A_1203 : vector<16xi32>
    %rev3A_1205 = tpu.dynamic_gather %add3A_1200[%rev3A_1204] in [0] : vector<16xi32>, vector<16xi32> -> vector<16xi32>
    %add3A_1206 = arith.constant 4096 : i32
    %add3A_1207 = vector.broadcast %add3A_1206 : i32 to vector<16xi32>
    %add3A_1208 = arith.addi %rev3A_1205, %add3A_1207 : vector<16xi32>
    %broadcast_in_dim3A_1209 = arith.constant true
    %broadcast_in_dim3A_1210 = vector.broadcast %broadcast_in_dim3A_1209 : i1 to vector<16xi1>
    %unique3A_1211, %unique3A_1212 = tpu.scan_count mask(%broadcast_in_dim3A_1210 : vector<16xi1>) value(%add3A_1208 : vector<16xi32>) : vector<16xi1>, vector<16xi32>
    %mul3A_1213 = arith.constant 128 : i32
    %mul3A_1214 = arith.muli %add3A_1015, %mul3A_1213 : i32
    %add3A_1215 = arith.constant 16 : i32
    %add3A_1216 = arith.addi %mul3A_1214, %add3A_1215 : i32
    %add3A_1217 = vector.broadcast %add3A_1216 : i32 to vector<16xi32>
    %add3A_1218 = arith.addi %add3A_1217, %sub3A_1 : vector<16xi32>
    tpu.vector_store_idx %arg7[%add3A_1208], %add3A_1218 masked %unique3A_1211 : memref<8192xi32, #tpu.memory_space<vmem>>[vector<16xi32>], vector<16xi32>, vector<16xi1>
    %mul3A_1219 = arith.constant 128 : i32
    %mul3A_1220 = arith.muli %add3A_1015, %mul3A_1219 : i32
    %add3A_1221 = arith.constant 0 : i32
    %add3A_1222 = arith.addi %mul3A_1220, %add3A_1221 : i32
    %get3A_1223 = arith.index_cast %add3A_1222 : i32 to index
    %get3A_1224 = tpu.vector_load %arg4[%get3A_1223] {strides = array<i32>} : memref<16384xf32, #tpu.memory_space<vmem>>, vector<16xf32>,
    %convert_element_type3A_1225 = arith.fptosi %get3A_1224 : vector<16xf32> to vector<16xi32>
    %mul3A_1226 = arith.constant 128 : i32
    %mul3A_1227 = vector.broadcast %mul3A_1226 : i32 to vector<16xi32>
    %mul3A_1228 = arith.muli %convert_element_type3A_1225, %mul3A_1227 : vector<16xi32>
    %add3A_1229 = arith.addi %mul3A_1228, %get3A_20 : vector<16xi32>
    %rev3A_1230 = arith.constant 15 : i32
    %rev3A_1231 = vector.broadcast %rev3A_1230 : i32 to vector<16xi32>
    %rev3A_1232 = tpu.iota {dimensions = array<i32: 0>} : vector<16xi32>
    %rev3A_1233 = arith.subi %rev3A_1231, %rev3A_1232 : vector<16xi32>
    %rev3A_1234 = tpu.dynamic_gather %add3A_1229[%rev3A_1233] in [0] : vector<16xi32>, vector<16xi32> -> vector<16xi32>
    %add3A_1235 = arith.constant 4096 : i32
    %add3A_1236 = vector.broadcast %add3A_1235 : i32 to vector<16xi32>
    %add3A_1237 = arith.addi %rev3A_1234, %add3A_1236 : vector<16xi32>
    %broadcast_in_dim3A_1238 = arith.constant true
    %broadcast_in_dim3A_1239 = vector.broadcast %broadcast_in_dim3A_1238 : i1 to vector<16xi1>
    %unique3A_1240, %unique3A_1241 = tpu.scan_count mask(%broadcast_in_dim3A_1239 : vector<16xi1>) value(%add3A_1237 : vector<16xi32>) : vector<16xi1>, vector<16xi32>
    %mul3A_1242 = arith.constant 128 : i32
    %mul3A_1243 = arith.muli %add3A_1015, %mul3A_1242 : i32
    %add3A_1244 = arith.constant 0 : i32
    %add3A_1245 = arith.addi %mul3A_1243, %add3A_1244 : i32
    %add3A_1246 = vector.broadcast %add3A_1245 : i32 to vector<16xi32>
    %add3A_1247 = arith.addi %add3A_1246, %sub3A_1 : vector<16xi32>
    tpu.vector_store_idx %arg7[%add3A_1237], %add3A_1247 masked %unique3A_1240 : memref<8192xi32, #tpu.memory_space<vmem>>[vector<16xi32>], vector<16xi32>, vector<16xi1>
    %mul3A_1248 = arith.constant 1024 : i32
    %mul3A_1249 = arith.muli %add3A_1015, %mul3A_1248 : i32
    %dma_start3A_1250 = arith.constant 4096 : i32
    %dma_start3A_1251 = tpu.memref_slice %arg7[%dma_start3A_1250] : memref<8192xi32, #tpu.memory_space<vmem>> -> memref<1024xi32, #tpu.memory_space<vmem>>
    %dma_start3A_1252 = tpu.memref_slice %arg16[%mul3A_1249] : memref<131072xi32, #tpu.memory_space<vmem_shared>> -> memref<1024xi32, #tpu.memory_space<vmem_shared>>
    %dma_start3A_1253 = tpu.memref_slice %arg16[%mul3A_1249] : memref<131072xi32, #tpu.memory_space<vmem_shared>> -> memref<1024xi32, #tpu.memory_space<vmem_shared>>
    %dma_start3A_1254 = arith.constant 4096 : i32
    %dma_start3A_1255 = tpu.memref_slice %arg7[%dma_start3A_1254] : memref<8192xi32, #tpu.memory_space<vmem>> -> memref<1024xi32, #tpu.memory_space<vmem>>
    tpu.enqueue_dma source(%dma_start3A_1255 : memref<1024xi32, #tpu.memory_space<vmem>>) target(%dma_start3A_1253 : memref<1024xi32, #tpu.memory_space<vmem_shared>>) target_semaphore(%arg20 : memref<!tpu.dma_semaphore, #tpu.memory_space<semaphore_mem>>)
    %mul3A_1256 = arith.constant 8 : i32
    %mul3A_1257 = arith.muli %arg1, %mul3A_1256 : i32
    %add3A_1258 = arith.constant 5 : i32
    %add3A_1259 = arith.addi %mul3A_1257, %add3A_1258 : i32
    %mul3A_1260 = arith.constant 128 : i32
    %mul3A_1261 = arith.muli %add3A_1259, %mul3A_1260 : i32
    %add3A_1262 = arith.constant 112 : i32
    %add3A_1263 = arith.addi %mul3A_1261, %add3A_1262 : i32
    %get3A_1264 = arith.index_cast %add3A_1263 : i32 to index
    %get3A_1265 = tpu.vector_load %arg4[%get3A_1264] {strides = array<i32>} : memref<16384xf32, #tpu.memory_space<vmem>>, vector<16xf32>,
    %convert_element_type3A_1266 = arith.fptosi %get3A_1265 : vector<16xf32> to vector<16xi32>
    %mul3A_1267 = arith.constant 128 : i32
    %mul3A_1268 = vector.broadcast %mul3A_1267 : i32 to vector<16xi32>
    %mul3A_1269 = arith.muli %convert_element_type3A_1266, %mul3A_1268 : vector<16xi32>
    %add3A_1270 = arith.addi %mul3A_1269, %get3A_34 : vector<16xi32>
    %rev3A_1271 = arith.constant 15 : i32
    %rev3A_1272 = vector.broadcast %rev3A_1271 : i32 to vector<16xi32>
    %rev3A_1273 = tpu.iota {dimensions = array<i32: 0>} : vector<16xi32>
    %rev3A_1274 = arith.subi %rev3A_1272, %rev3A_1273 : vector<16xi32>
    %rev3A_1275 = tpu.dynamic_gather %add3A_1270[%rev3A_1274] in [0] : vector<16xi32>, vector<16xi32> -> vector<16xi32>
    %add3A_1276 = arith.constant 5120 : i32
    %add3A_1277 = vector.broadcast %add3A_1276 : i32 to vector<16xi32>
    %add3A_1278 = arith.addi %rev3A_1275, %add3A_1277 : vector<16xi32>
    %broadcast_in_dim3A_1279 = arith.constant true
    %broadcast_in_dim3A_1280 = vector.broadcast %broadcast_in_dim3A_1279 : i1 to vector<16xi1>
    %unique3A_1281, %unique3A_1282 = tpu.scan_count mask(%broadcast_in_dim3A_1280 : vector<16xi1>) value(%add3A_1278 : vector<16xi32>) : vector<16xi1>, vector<16xi32>
    %mul3A_1283 = arith.constant 128 : i32
    %mul3A_1284 = arith.muli %add3A_1259, %mul3A_1283 : i32
    %add3A_1285 = arith.constant 112 : i32
    %add3A_1286 = arith.addi %mul3A_1284, %add3A_1285 : i32
    %add3A_1287 = vector.broadcast %add3A_1286 : i32 to vector<16xi32>
    %add3A_1288 = arith.addi %add3A_1287, %sub3A_1 : vector<16xi32>
    tpu.vector_store_idx %arg7[%add3A_1278], %add3A_1288 masked %unique3A_1281 : memref<8192xi32, #tpu.memory_space<vmem>>[vector<16xi32>], vector<16xi32>, vector<16xi1>
    %mul3A_1289 = arith.constant 128 : i32
    %mul3A_1290 = arith.muli %add3A_1259, %mul3A_1289 : i32
    %add3A_1291 = arith.constant 96 : i32
    %add3A_1292 = arith.addi %mul3A_1290, %add3A_1291 : i32
    %get3A_1293 = arith.index_cast %add3A_1292 : i32 to index
    %get3A_1294 = tpu.vector_load %arg4[%get3A_1293] {strides = array<i32>} : memref<16384xf32, #tpu.memory_space<vmem>>, vector<16xf32>,
    %convert_element_type3A_1295 = arith.fptosi %get3A_1294 : vector<16xf32> to vector<16xi32>
    %mul3A_1296 = arith.constant 128 : i32
    %mul3A_1297 = vector.broadcast %mul3A_1296 : i32 to vector<16xi32>
    %mul3A_1298 = arith.muli %convert_element_type3A_1295, %mul3A_1297 : vector<16xi32>
    %add3A_1299 = arith.addi %mul3A_1298, %get3A_32 : vector<16xi32>
    %rev3A_1300 = arith.constant 15 : i32
    %rev3A_1301 = vector.broadcast %rev3A_1300 : i32 to vector<16xi32>
    %rev3A_1302 = tpu.iota {dimensions = array<i32: 0>} : vector<16xi32>
    %rev3A_1303 = arith.subi %rev3A_1301, %rev3A_1302 : vector<16xi32>
    %rev3A_1304 = tpu.dynamic_gather %add3A_1299[%rev3A_1303] in [0] : vector<16xi32>, vector<16xi32> -> vector<16xi32>
    %add3A_1305 = arith.constant 5120 : i32
    %add3A_1306 = vector.broadcast %add3A_1305 : i32 to vector<16xi32>
    %add3A_1307 = arith.addi %rev3A_1304, %add3A_1306 : vector<16xi32>
    %broadcast_in_dim3A_1308 = arith.constant true
    %broadcast_in_dim3A_1309 = vector.broadcast %broadcast_in_dim3A_1308 : i1 to vector<16xi1>
    %unique3A_1310, %unique3A_1311 = tpu.scan_count mask(%broadcast_in_dim3A_1309 : vector<16xi1>) value(%add3A_1307 : vector<16xi32>) : vector<16xi1>, vector<16xi32>
    %mul3A_1312 = arith.constant 128 : i32
    %mul3A_1313 = arith.muli %add3A_1259, %mul3A_1312 : i32
    %add3A_1314 = arith.constant 96 : i32
    %add3A_1315 = arith.addi %mul3A_1313, %add3A_1314 : i32
    %add3A_1316 = vector.broadcast %add3A_1315 : i32 to vector<16xi32>
    %add3A_1317 = arith.addi %add3A_1316, %sub3A_1 : vector<16xi32>
    tpu.vector_store_idx %arg7[%add3A_1307], %add3A_1317 masked %unique3A_1310 : memref<8192xi32, #tpu.memory_space<vmem>>[vector<16xi32>], vector<16xi32>, vector<16xi1>
    %mul3A_1318 = arith.constant 128 : i32
    %mul3A_1319 = arith.muli %add3A_1259, %mul3A_1318 : i32
    %add3A_1320 = arith.constant 80 : i32
    %add3A_1321 = arith.addi %mul3A_1319, %add3A_1320 : i32
    %get3A_1322 = arith.index_cast %add3A_1321 : i32 to index
    %get3A_1323 = tpu.vector_load %arg4[%get3A_1322] {strides = array<i32>} : memref<16384xf32, #tpu.memory_space<vmem>>, vector<16xf32>,
    %convert_element_type3A_1324 = arith.fptosi %get3A_1323 : vector<16xf32> to vector<16xi32>
    %mul3A_1325 = arith.constant 128 : i32
    %mul3A_1326 = vector.broadcast %mul3A_1325 : i32 to vector<16xi32>
    %mul3A_1327 = arith.muli %convert_element_type3A_1324, %mul3A_1326 : vector<16xi32>
    %add3A_1328 = arith.addi %mul3A_1327, %get3A_30 : vector<16xi32>
    %rev3A_1329 = arith.constant 15 : i32
    %rev3A_1330 = vector.broadcast %rev3A_1329 : i32 to vector<16xi32>
    %rev3A_1331 = tpu.iota {dimensions = array<i32: 0>} : vector<16xi32>
    %rev3A_1332 = arith.subi %rev3A_1330, %rev3A_1331 : vector<16xi32>
    %rev3A_1333 = tpu.dynamic_gather %add3A_1328[%rev3A_1332] in [0] : vector<16xi32>, vector<16xi32> -> vector<16xi32>
    %add3A_1334 = arith.constant 5120 : i32
    %add3A_1335 = vector.broadcast %add3A_1334 : i32 to vector<16xi32>
    %add3A_1336 = arith.addi %rev3A_1333, %add3A_1335 : vector<16xi32>
    %broadcast_in_dim3A_1337 = arith.constant true
    %broadcast_in_dim3A_1338 = vector.broadcast %broadcast_in_dim3A_1337 : i1 to vector<16xi1>
    %unique3A_1339, %unique3A_1340 = tpu.scan_count mask(%broadcast_in_dim3A_1338 : vector<16xi1>) value(%add3A_1336 : vector<16xi32>) : vector<16xi1>, vector<16xi32>
    %mul3A_1341 = arith.constant 128 : i32
    %mul3A_1342 = arith.muli %add3A_1259, %mul3A_1341 : i32
    %add3A_1343 = arith.constant 80 : i32
    %add3A_1344 = arith.addi %mul3A_1342, %add3A_1343 : i32
    %add3A_1345 = vector.broadcast %add3A_1344 : i32 to vector<16xi32>
    %add3A_1346 = arith.addi %add3A_1345, %sub3A_1 : vector<16xi32>
    tpu.vector_store_idx %arg7[%add3A_1336], %add3A_1346 masked %unique3A_1339 : memref<8192xi32, #tpu.memory_space<vmem>>[vector<16xi32>], vector<16xi32>, vector<16xi1>
    %mul3A_1347 = arith.constant 128 : i32
    %mul3A_1348 = arith.muli %add3A_1259, %mul3A_1347 : i32
    %add3A_1349 = arith.constant 64 : i32
    %add3A_1350 = arith.addi %mul3A_1348, %add3A_1349 : i32
    %get3A_1351 = arith.index_cast %add3A_1350 : i32 to index
    %get3A_1352 = tpu.vector_load %arg4[%get3A_1351] {strides = array<i32>} : memref<16384xf32, #tpu.memory_space<vmem>>, vector<16xf32>,
    %convert_element_type3A_1353 = arith.fptosi %get3A_1352 : vector<16xf32> to vector<16xi32>
    %mul3A_1354 = arith.constant 128 : i32
    %mul3A_1355 = vector.broadcast %mul3A_1354 : i32 to vector<16xi32>
    %mul3A_1356 = arith.muli %convert_element_type3A_1353, %mul3A_1355 : vector<16xi32>
    %add3A_1357 = arith.addi %mul3A_1356, %get3A_28 : vector<16xi32>
    %rev3A_1358 = arith.constant 15 : i32
    %rev3A_1359 = vector.broadcast %rev3A_1358 : i32 to vector<16xi32>
    %rev3A_1360 = tpu.iota {dimensions = array<i32: 0>} : vector<16xi32>
    %rev3A_1361 = arith.subi %rev3A_1359, %rev3A_1360 : vector<16xi32>
    %rev3A_1362 = tpu.dynamic_gather %add3A_1357[%rev3A_1361] in [0] : vector<16xi32>, vector<16xi32> -> vector<16xi32>
    %add3A_1363 = arith.constant 5120 : i32
    %add3A_1364 = vector.broadcast %add3A_1363 : i32 to vector<16xi32>
    %add3A_1365 = arith.addi %rev3A_1362, %add3A_1364 : vector<16xi32>
    %broadcast_in_dim3A_1366 = arith.constant true
    %broadcast_in_dim3A_1367 = vector.broadcast %broadcast_in_dim3A_1366 : i1 to vector<16xi1>
    %unique3A_1368, %unique3A_1369 = tpu.scan_count mask(%broadcast_in_dim3A_1367 : vector<16xi1>) value(%add3A_1365 : vector<16xi32>) : vector<16xi1>, vector<16xi32>
    %mul3A_1370 = arith.constant 128 : i32
    %mul3A_1371 = arith.muli %add3A_1259, %mul3A_1370 : i32
    %add3A_1372 = arith.constant 64 : i32
    %add3A_1373 = arith.addi %mul3A_1371, %add3A_1372 : i32
    %add3A_1374 = vector.broadcast %add3A_1373 : i32 to vector<16xi32>
    %add3A_1375 = arith.addi %add3A_1374, %sub3A_1 : vector<16xi32>
    tpu.vector_store_idx %arg7[%add3A_1365], %add3A_1375 masked %unique3A_1368 : memref<8192xi32, #tpu.memory_space<vmem>>[vector<16xi32>], vector<16xi32>, vector<16xi1>
    %mul3A_1376 = arith.constant 128 : i32
    %mul3A_1377 = arith.muli %add3A_1259, %mul3A_1376 : i32
    %add3A_1378 = arith.constant 48 : i32
    %add3A_1379 = arith.addi %mul3A_1377, %add3A_1378 : i32
    %get3A_1380 = arith.index_cast %add3A_1379 : i32 to index
    %get3A_1381 = tpu.vector_load %arg4[%get3A_1380] {strides = array<i32>} : memref<16384xf32, #tpu.memory_space<vmem>>, vector<16xf32>,
    %convert_element_type3A_1382 = arith.fptosi %get3A_1381 : vector<16xf32> to vector<16xi32>
    %mul3A_1383 = arith.constant 128 : i32
    %mul3A_1384 = vector.broadcast %mul3A_1383 : i32 to vector<16xi32>
    %mul3A_1385 = arith.muli %convert_element_type3A_1382, %mul3A_1384 : vector<16xi32>
    %add3A_1386 = arith.addi %mul3A_1385, %get3A_26 : vector<16xi32>
    %rev3A_1387 = arith.constant 15 : i32
    %rev3A_1388 = vector.broadcast %rev3A_1387 : i32 to vector<16xi32>
    %rev3A_1389 = tpu.iota {dimensions = array<i32: 0>} : vector<16xi32>
    %rev3A_1390 = arith.subi %rev3A_1388, %rev3A_1389 : vector<16xi32>
    %rev3A_1391 = tpu.dynamic_gather %add3A_1386[%rev3A_1390] in [0] : vector<16xi32>, vector<16xi32> -> vector<16xi32>
    %add3A_1392 = arith.constant 5120 : i32
    %add3A_1393 = vector.broadcast %add3A_1392 : i32 to vector<16xi32>
    %add3A_1394 = arith.addi %rev3A_1391, %add3A_1393 : vector<16xi32>
    %broadcast_in_dim3A_1395 = arith.constant true
    %broadcast_in_dim3A_1396 = vector.broadcast %broadcast_in_dim3A_1395 : i1 to vector<16xi1>
    %unique3A_1397, %unique3A_1398 = tpu.scan_count mask(%broadcast_in_dim3A_1396 : vector<16xi1>) value(%add3A_1394 : vector<16xi32>) : vector<16xi1>, vector<16xi32>
    %mul3A_1399 = arith.constant 128 : i32
    %mul3A_1400 = arith.muli %add3A_1259, %mul3A_1399 : i32
    %add3A_1401 = arith.constant 48 : i32
    %add3A_1402 = arith.addi %mul3A_1400, %add3A_1401 : i32
    %add3A_1403 = vector.broadcast %add3A_1402 : i32 to vector<16xi32>
    %add3A_1404 = arith.addi %add3A_1403, %sub3A_1 : vector<16xi32>
    tpu.vector_store_idx %arg7[%add3A_1394], %add3A_1404 masked %unique3A_1397 : memref<8192xi32, #tpu.memory_space<vmem>>[vector<16xi32>], vector<16xi32>, vector<16xi1>
    %mul3A_1405 = arith.constant 128 : i32
    %mul3A_1406 = arith.muli %add3A_1259, %mul3A_1405 : i32
    %add3A_1407 = arith.constant 32 : i32
    %add3A_1408 = arith.addi %mul3A_1406, %add3A_1407 : i32
    %get3A_1409 = arith.index_cast %add3A_1408 : i32 to index
    %get3A_1410 = tpu.vector_load %arg4[%get3A_1409] {strides = array<i32>} : memref<16384xf32, #tpu.memory_space<vmem>>, vector<16xf32>,
    %convert_element_type3A_1411 = arith.fptosi %get3A_1410 : vector<16xf32> to vector<16xi32>
    %mul3A_1412 = arith.constant 128 : i32
    %mul3A_1413 = vector.broadcast %mul3A_1412 : i32 to vector<16xi32>
    %mul3A_1414 = arith.muli %convert_element_type3A_1411, %mul3A_1413 : vector<16xi32>
    %add3A_1415 = arith.addi %mul3A_1414, %get3A_24 : vector<16xi32>
    %rev3A_1416 = arith.constant 15 : i32
    %rev3A_1417 = vector.broadcast %rev3A_1416 : i32 to vector<16xi32>
    %rev3A_1418 = tpu.iota {dimensions = array<i32: 0>} : vector<16xi32>
    %rev3A_1419 = arith.subi %rev3A_1417, %rev3A_1418 : vector<16xi32>
    %rev3A_1420 = tpu.dynamic_gather %add3A_1415[%rev3A_1419] in [0] : vector<16xi32>, vector<16xi32> -> vector<16xi32>
    %add3A_1421 = arith.constant 5120 : i32
    %add3A_1422 = vector.broadcast %add3A_1421 : i32 to vector<16xi32>
    %add3A_1423 = arith.addi %rev3A_1420, %add3A_1422 : vector<16xi32>
    %broadcast_in_dim3A_1424 = arith.constant true
    %broadcast_in_dim3A_1425 = vector.broadcast %broadcast_in_dim3A_1424 : i1 to vector<16xi1>
    %unique3A_1426, %unique3A_1427 = tpu.scan_count mask(%broadcast_in_dim3A_1425 : vector<16xi1>) value(%add3A_1423 : vector<16xi32>) : vector<16xi1>, vector<16xi32>
    %mul3A_1428 = arith.constant 128 : i32
    %mul3A_1429 = arith.muli %add3A_1259, %mul3A_1428 : i32
    %add3A_1430 = arith.constant 32 : i32
    %add3A_1431 = arith.addi %mul3A_1429, %add3A_1430 : i32
    %add3A_1432 = vector.broadcast %add3A_1431 : i32 to vector<16xi32>
    %add3A_1433 = arith.addi %add3A_1432, %sub3A_1 : vector<16xi32>
    tpu.vector_store_idx %arg7[%add3A_1423], %add3A_1433 masked %unique3A_1426 : memref<8192xi32, #tpu.memory_space<vmem>>[vector<16xi32>], vector<16xi32>, vector<16xi1>
    %mul3A_1434 = arith.constant 128 : i32
    %mul3A_1435 = arith.muli %add3A_1259, %mul3A_1434 : i32
    %add3A_1436 = arith.constant 16 : i32
    %add3A_1437 = arith.addi %mul3A_1435, %add3A_1436 : i32
    %get3A_1438 = arith.index_cast %add3A_1437 : i32 to index
    %get3A_1439 = tpu.vector_load %arg4[%get3A_1438] {strides = array<i32>} : memref<16384xf32, #tpu.memory_space<vmem>>, vector<16xf32>,
    %convert_element_type3A_1440 = arith.fptosi %get3A_1439 : vector<16xf32> to vector<16xi32>
    %mul3A_1441 = arith.constant 128 : i32
    %mul3A_1442 = vector.broadcast %mul3A_1441 : i32 to vector<16xi32>
    %mul3A_1443 = arith.muli %convert_element_type3A_1440, %mul3A_1442 : vector<16xi32>
    %add3A_1444 = arith.addi %mul3A_1443, %get3A_22 : vector<16xi32>
    %rev3A_1445 = arith.constant 15 : i32
    %rev3A_1446 = vector.broadcast %rev3A_1445 : i32 to vector<16xi32>
    %rev3A_1447 = tpu.iota {dimensions = array<i32: 0>} : vector<16xi32>
    %rev3A_1448 = arith.subi %rev3A_1446, %rev3A_1447 : vector<16xi32>
    %rev3A_1449 = tpu.dynamic_gather %add3A_1444[%rev3A_1448] in [0] : vector<16xi32>, vector<16xi32> -> vector<16xi32>
    %add3A_1450 = arith.constant 5120 : i32
    %add3A_1451 = vector.broadcast %add3A_1450 : i32 to vector<16xi32>
    %add3A_1452 = arith.addi %rev3A_1449, %add3A_1451 : vector<16xi32>
    %broadcast_in_dim3A_1453 = arith.constant true
    %broadcast_in_dim3A_1454 = vector.broadcast %broadcast_in_dim3A_1453 : i1 to vector<16xi1>
    %unique3A_1455, %unique3A_1456 = tpu.scan_count mask(%broadcast_in_dim3A_1454 : vector<16xi1>) value(%add3A_1452 : vector<16xi32>) : vector<16xi1>, vector<16xi32>
    %mul3A_1457 = arith.constant 128 : i32
    %mul3A_1458 = arith.muli %add3A_1259, %mul3A_1457 : i32
    %add3A_1459 = arith.constant 16 : i32
    %add3A_1460 = arith.addi %mul3A_1458, %add3A_1459 : i32
    %add3A_1461 = vector.broadcast %add3A_1460 : i32 to vector<16xi32>
    %add3A_1462 = arith.addi %add3A_1461, %sub3A_1 : vector<16xi32>
    tpu.vector_store_idx %arg7[%add3A_1452], %add3A_1462 masked %unique3A_1455 : memref<8192xi32, #tpu.memory_space<vmem>>[vector<16xi32>], vector<16xi32>, vector<16xi1>
    %mul3A_1463 = arith.constant 128 : i32
    %mul3A_1464 = arith.muli %add3A_1259, %mul3A_1463 : i32
    %add3A_1465 = arith.constant 0 : i32
    %add3A_1466 = arith.addi %mul3A_1464, %add3A_1465 : i32
    %get3A_1467 = arith.index_cast %add3A_1466 : i32 to index
    %get3A_1468 = tpu.vector_load %arg4[%get3A_1467] {strides = array<i32>} : memref<16384xf32, #tpu.memory_space<vmem>>, vector<16xf32>,
    %convert_element_type3A_1469 = arith.fptosi %get3A_1468 : vector<16xf32> to vector<16xi32>
    %mul3A_1470 = arith.constant 128 : i32
    %mul3A_1471 = vector.broadcast %mul3A_1470 : i32 to vector<16xi32>
    %mul3A_1472 = arith.muli %convert_element_type3A_1469, %mul3A_1471 : vector<16xi32>
    %add3A_1473 = arith.addi %mul3A_1472, %get3A_20 : vector<16xi32>
    %rev3A_1474 = arith.constant 15 : i32
    %rev3A_1475 = vector.broadcast %rev3A_1474 : i32 to vector<16xi32>
    %rev3A_1476 = tpu.iota {dimensions = array<i32: 0>} : vector<16xi32>
    %rev3A_1477 = arith.subi %rev3A_1475, %rev3A_1476 : vector<16xi32>
    %rev3A_1478 = tpu.dynamic_gather %add3A_1473[%rev3A_1477] in [0] : vector<16xi32>, vector<16xi32> -> vector<16xi32>
    %add3A_1479 = arith.constant 5120 : i32
    %add3A_1480 = vector.broadcast %add3A_1479 : i32 to vector<16xi32>
    %add3A_1481 = arith.addi %rev3A_1478, %add3A_1480 : vector<16xi32>
    %broadcast_in_dim3A_1482 = arith.constant true
    %broadcast_in_dim3A_1483 = vector.broadcast %broadcast_in_dim3A_1482 : i1 to vector<16xi1>
    %unique3A_1484, %unique3A_1485 = tpu.scan_count mask(%broadcast_in_dim3A_1483 : vector<16xi1>) value(%add3A_1481 : vector<16xi32>) : vector<16xi1>, vector<16xi32>
    %mul3A_1486 = arith.constant 128 : i32
    %mul3A_1487 = arith.muli %add3A_1259, %mul3A_1486 : i32
    %add3A_1488 = arith.constant 0 : i32
    %add3A_1489 = arith.addi %mul3A_1487, %add3A_1488 : i32
    %add3A_1490 = vector.broadcast %add3A_1489 : i32 to vector<16xi32>
    %add3A_1491 = arith.addi %add3A_1490, %sub3A_1 : vector<16xi32>
    tpu.vector_store_idx %arg7[%add3A_1481], %add3A_1491 masked %unique3A_1484 : memref<8192xi32, #tpu.memory_space<vmem>>[vector<16xi32>], vector<16xi32>, vector<16xi1>
    %mul3A_1492 = arith.constant 1024 : i32
    %mul3A_1493 = arith.muli %add3A_1259, %mul3A_1492 : i32
    %dma_start3A_1494 = arith.constant 5120 : i32
    %dma_start3A_1495 = tpu.memref_slice %arg7[%dma_start3A_1494] : memref<8192xi32, #tpu.memory_space<vmem>> -> memref<1024xi32, #tpu.memory_space<vmem>>
    %dma_start3A_1496 = tpu.memref_slice %arg16[%mul3A_1493] : memref<131072xi32, #tpu.memory_space<vmem_shared>> -> memref<1024xi32, #tpu.memory_space<vmem_shared>>
    %dma_start3A_1497 = tpu.memref_slice %arg16[%mul3A_1493] : memref<131072xi32, #tpu.memory_space<vmem_shared>> -> memref<1024xi32, #tpu.memory_space<vmem_shared>>
    %dma_start3A_1498 = arith.constant 5120 : i32
    %dma_start3A_1499 = tpu.memref_slice %arg7[%dma_start3A_1498] : memref<8192xi32, #tpu.memory_space<vmem>> -> memref<1024xi32, #tpu.memory_space<vmem>>
    tpu.enqueue_dma source(%dma_start3A_1499 : memref<1024xi32, #tpu.memory_space<vmem>>) target(%dma_start3A_1497 : memref<1024xi32, #tpu.memory_space<vmem_shared>>) target_semaphore(%arg20 : memref<!tpu.dma_semaphore, #tpu.memory_space<semaphore_mem>>)
    %mul3A_1500 = arith.constant 8 : i32
    %mul3A_1501 = arith.muli %arg1, %mul3A_1500 : i32
    %add3A_1502 = arith.constant 6 : i32
    %add3A_1503 = arith.addi %mul3A_1501, %add3A_1502 : i32
    %mul3A_1504 = arith.constant 128 : i32
    %mul3A_1505 = arith.muli %add3A_1503, %mul3A_1504 : i32
    %add3A_1506 = arith.constant 112 : i32
    %add3A_1507 = arith.addi %mul3A_1505, %add3A_1506 : i32
    %get3A_1508 = arith.index_cast %add3A_1507 : i32 to index
    %get3A_1509 = tpu.vector_load %arg4[%get3A_1508] {strides = array<i32>} : memref<16384xf32, #tpu.memory_space<vmem>>, vector<16xf32>,
    %convert_element_type3A_1510 = arith.fptosi %get3A_1509 : vector<16xf32> to vector<16xi32>
    %mul3A_1511 = arith.constant 128 : i32
    %mul3A_1512 = vector.broadcast %mul3A_1511 : i32 to vector<16xi32>
    %mul3A_1513 = arith.muli %convert_element_type3A_1510, %mul3A_1512 : vector<16xi32>
    %add3A_1514 = arith.addi %mul3A_1513, %get3A_34 : vector<16xi32>
    %rev3A_1515 = arith.constant 15 : i32
    %rev3A_1516 = vector.broadcast %rev3A_1515 : i32 to vector<16xi32>
    %rev3A_1517 = tpu.iota {dimensions = array<i32: 0>} : vector<16xi32>
    %rev3A_1518 = arith.subi %rev3A_1516, %rev3A_1517 : vector<16xi32>
    %rev3A_1519 = tpu.dynamic_gather %add3A_1514[%rev3A_1518] in [0] : vector<16xi32>, vector<16xi32> -> vector<16xi32>
    %add3A_1520 = arith.constant 6144 : i32
    %add3A_1521 = vector.broadcast %add3A_1520 : i32 to vector<16xi32>
    %add3A_1522 = arith.addi %rev3A_1519, %add3A_1521 : vector<16xi32>
    %broadcast_in_dim3A_1523 = arith.constant true
    %broadcast_in_dim3A_1524 = vector.broadcast %broadcast_in_dim3A_1523 : i1 to vector<16xi1>
    %unique3A_1525, %unique3A_1526 = tpu.scan_count mask(%broadcast_in_dim3A_1524 : vector<16xi1>) value(%add3A_1522 : vector<16xi32>) : vector<16xi1>, vector<16xi32>
    %mul3A_1527 = arith.constant 128 : i32
    %mul3A_1528 = arith.muli %add3A_1503, %mul3A_1527 : i32
    %add3A_1529 = arith.constant 112 : i32
    %add3A_1530 = arith.addi %mul3A_1528, %add3A_1529 : i32
    %add3A_1531 = vector.broadcast %add3A_1530 : i32 to vector<16xi32>
    %add3A_1532 = arith.addi %add3A_1531, %sub3A_1 : vector<16xi32>
    tpu.vector_store_idx %arg7[%add3A_1522], %add3A_1532 masked %unique3A_1525 : memref<8192xi32, #tpu.memory_space<vmem>>[vector<16xi32>], vector<16xi32>, vector<16xi1>
    %mul3A_1533 = arith.constant 128 : i32
    %mul3A_1534 = arith.muli %add3A_1503, %mul3A_1533 : i32
    %add3A_1535 = arith.constant 96 : i32
    %add3A_1536 = arith.addi %mul3A_1534, %add3A_1535 : i32
    %get3A_1537 = arith.index_cast %add3A_1536 : i32 to index
    %get3A_1538 = tpu.vector_load %arg4[%get3A_1537] {strides = array<i32>} : memref<16384xf32, #tpu.memory_space<vmem>>, vector<16xf32>,
    %convert_element_type3A_1539 = arith.fptosi %get3A_1538 : vector<16xf32> to vector<16xi32>
    %mul3A_1540 = arith.constant 128 : i32
    %mul3A_1541 = vector.broadcast %mul3A_1540 : i32 to vector<16xi32>
    %mul3A_1542 = arith.muli %convert_element_type3A_1539, %mul3A_1541 : vector<16xi32>
    %add3A_1543 = arith.addi %mul3A_1542, %get3A_32 : vector<16xi32>
    %rev3A_1544 = arith.constant 15 : i32
    %rev3A_1545 = vector.broadcast %rev3A_1544 : i32 to vector<16xi32>
    %rev3A_1546 = tpu.iota {dimensions = array<i32: 0>} : vector<16xi32>
    %rev3A_1547 = arith.subi %rev3A_1545, %rev3A_1546 : vector<16xi32>
    %rev3A_1548 = tpu.dynamic_gather %add3A_1543[%rev3A_1547] in [0] : vector<16xi32>, vector<16xi32> -> vector<16xi32>
    %add3A_1549 = arith.constant 6144 : i32
    %add3A_1550 = vector.broadcast %add3A_1549 : i32 to vector<16xi32>
    %add3A_1551 = arith.addi %rev3A_1548, %add3A_1550 : vector<16xi32>
    %broadcast_in_dim3A_1552 = arith.constant true
    %broadcast_in_dim3A_1553 = vector.broadcast %broadcast_in_dim3A_1552 : i1 to vector<16xi1>
    %unique3A_1554, %unique3A_1555 = tpu.scan_count mask(%broadcast_in_dim3A_1553 : vector<16xi1>) value(%add3A_1551 : vector<16xi32>) : vector<16xi1>, vector<16xi32>
    %mul3A_1556 = arith.constant 128 : i32
    %mul3A_1557 = arith.muli %add3A_1503, %mul3A_1556 : i32
    %add3A_1558 = arith.constant 96 : i32
    %add3A_1559 = arith.addi %mul3A_1557, %add3A_1558 : i32
    %add3A_1560 = vector.broadcast %add3A_1559 : i32 to vector<16xi32>
    %add3A_1561 = arith.addi %add3A_1560, %sub3A_1 : vector<16xi32>
    tpu.vector_store_idx %arg7[%add3A_1551], %add3A_1561 masked %unique3A_1554 : memref<8192xi32, #tpu.memory_space<vmem>>[vector<16xi32>], vector<16xi32>, vector<16xi1>
    %mul3A_1562 = arith.constant 128 : i32
    %mul3A_1563 = arith.muli %add3A_1503, %mul3A_1562 : i32
    %add3A_1564 = arith.constant 80 : i32
    %add3A_1565 = arith.addi %mul3A_1563, %add3A_1564 : i32
    %get3A_1566 = arith.index_cast %add3A_1565 : i32 to index
    %get3A_1567 = tpu.vector_load %arg4[%get3A_1566] {strides = array<i32>} : memref<16384xf32, #tpu.memory_space<vmem>>, vector<16xf32>,
    %convert_element_type3A_1568 = arith.fptosi %get3A_1567 : vector<16xf32> to vector<16xi32>
    %mul3A_1569 = arith.constant 128 : i32
    %mul3A_1570 = vector.broadcast %mul3A_1569 : i32 to vector<16xi32>
    %mul3A_1571 = arith.muli %convert_element_type3A_1568, %mul3A_1570 : vector<16xi32>
    %add3A_1572 = arith.addi %mul3A_1571, %get3A_30 : vector<16xi32>
    %rev3A_1573 = arith.constant 15 : i32
    %rev3A_1574 = vector.broadcast %rev3A_1573 : i32 to vector<16xi32>
    %rev3A_1575 = tpu.iota {dimensions = array<i32: 0>} : vector<16xi32>
    %rev3A_1576 = arith.subi %rev3A_1574, %rev3A_1575 : vector<16xi32>
    %rev3A_1577 = tpu.dynamic_gather %add3A_1572[%rev3A_1576] in [0] : vector<16xi32>, vector<16xi32> -> vector<16xi32>
    %add3A_1578 = arith.constant 6144 : i32
    %add3A_1579 = vector.broadcast %add3A_1578 : i32 to vector<16xi32>
    %add3A_1580 = arith.addi %rev3A_1577, %add3A_1579 : vector<16xi32>
    %broadcast_in_dim3A_1581 = arith.constant true
    %broadcast_in_dim3A_1582 = vector.broadcast %broadcast_in_dim3A_1581 : i1 to vector<16xi1>
    %unique3A_1583, %unique3A_1584 = tpu.scan_count mask(%broadcast_in_dim3A_1582 : vector<16xi1>) value(%add3A_1580 : vector<16xi32>) : vector<16xi1>, vector<16xi32>
    %mul3A_1585 = arith.constant 128 : i32
    %mul3A_1586 = arith.muli %add3A_1503, %mul3A_1585 : i32
    %add3A_1587 = arith.constant 80 : i32
    %add3A_1588 = arith.addi %mul3A_1586, %add3A_1587 : i32
    %add3A_1589 = vector.broadcast %add3A_1588 : i32 to vector<16xi32>
    %add3A_1590 = arith.addi %add3A_1589, %sub3A_1 : vector<16xi32>
    tpu.vector_store_idx %arg7[%add3A_1580], %add3A_1590 masked %unique3A_1583 : memref<8192xi32, #tpu.memory_space<vmem>>[vector<16xi32>], vector<16xi32>, vector<16xi1>
    %mul3A_1591 = arith.constant 128 : i32
    %mul3A_1592 = arith.muli %add3A_1503, %mul3A_1591 : i32
    %add3A_1593 = arith.constant 64 : i32
    %add3A_1594 = arith.addi %mul3A_1592, %add3A_1593 : i32
    %get3A_1595 = arith.index_cast %add3A_1594 : i32 to index
    %get3A_1596 = tpu.vector_load %arg4[%get3A_1595] {strides = array<i32>} : memref<16384xf32, #tpu.memory_space<vmem>>, vector<16xf32>,
    %convert_element_type3A_1597 = arith.fptosi %get3A_1596 : vector<16xf32> to vector<16xi32>
    %mul3A_1598 = arith.constant 128 : i32
    %mul3A_1599 = vector.broadcast %mul3A_1598 : i32 to vector<16xi32>
    %mul3A_1600 = arith.muli %convert_element_type3A_1597, %mul3A_1599 : vector<16xi32>
    %add3A_1601 = arith.addi %mul3A_1600, %get3A_28 : vector<16xi32>
    %rev3A_1602 = arith.constant 15 : i32
    %rev3A_1603 = vector.broadcast %rev3A_1602 : i32 to vector<16xi32>
    %rev3A_1604 = tpu.iota {dimensions = array<i32: 0>} : vector<16xi32>
    %rev3A_1605 = arith.subi %rev3A_1603, %rev3A_1604 : vector<16xi32>
    %rev3A_1606 = tpu.dynamic_gather %add3A_1601[%rev3A_1605] in [0] : vector<16xi32>, vector<16xi32> -> vector<16xi32>
    %add3A_1607 = arith.constant 6144 : i32
    %add3A_1608 = vector.broadcast %add3A_1607 : i32 to vector<16xi32>
    %add3A_1609 = arith.addi %rev3A_1606, %add3A_1608 : vector<16xi32>
    %broadcast_in_dim3A_1610 = arith.constant true
    %broadcast_in_dim3A_1611 = vector.broadcast %broadcast_in_dim3A_1610 : i1 to vector<16xi1>
    %unique3A_1612, %unique3A_1613 = tpu.scan_count mask(%broadcast_in_dim3A_1611 : vector<16xi1>) value(%add3A_1609 : vector<16xi32>) : vector<16xi1>, vector<16xi32>
    %mul3A_1614 = arith.constant 128 : i32
    %mul3A_1615 = arith.muli %add3A_1503, %mul3A_1614 : i32
    %add3A_1616 = arith.constant 64 : i32
    %add3A_1617 = arith.addi %mul3A_1615, %add3A_1616 : i32
    %add3A_1618 = vector.broadcast %add3A_1617 : i32 to vector<16xi32>
    %add3A_1619 = arith.addi %add3A_1618, %sub3A_1 : vector<16xi32>
    tpu.vector_store_idx %arg7[%add3A_1609], %add3A_1619 masked %unique3A_1612 : memref<8192xi32, #tpu.memory_space<vmem>>[vector<16xi32>], vector<16xi32>, vector<16xi1>
    %mul3A_1620 = arith.constant 128 : i32
    %mul3A_1621 = arith.muli %add3A_1503, %mul3A_1620 : i32
    %add3A_1622 = arith.constant 48 : i32
    %add3A_1623 = arith.addi %mul3A_1621, %add3A_1622 : i32
    %get3A_1624 = arith.index_cast %add3A_1623 : i32 to index
    %get3A_1625 = tpu.vector_load %arg4[%get3A_1624] {strides = array<i32>} : memref<16384xf32, #tpu.memory_space<vmem>>, vector<16xf32>,
    %convert_element_type3A_1626 = arith.fptosi %get3A_1625 : vector<16xf32> to vector<16xi32>
    %mul3A_1627 = arith.constant 128 : i32
    %mul3A_1628 = vector.broadcast %mul3A_1627 : i32 to vector<16xi32>
    %mul3A_1629 = arith.muli %convert_element_type3A_1626, %mul3A_1628 : vector<16xi32>
    %add3A_1630 = arith.addi %mul3A_1629, %get3A_26 : vector<16xi32>
    %rev3A_1631 = arith.constant 15 : i32
    %rev3A_1632 = vector.broadcast %rev3A_1631 : i32 to vector<16xi32>
    %rev3A_1633 = tpu.iota {dimensions = array<i32: 0>} : vector<16xi32>
    %rev3A_1634 = arith.subi %rev3A_1632, %rev3A_1633 : vector<16xi32>
    %rev3A_1635 = tpu.dynamic_gather %add3A_1630[%rev3A_1634] in [0] : vector<16xi32>, vector<16xi32> -> vector<16xi32>
    %add3A_1636 = arith.constant 6144 : i32
    %add3A_1637 = vector.broadcast %add3A_1636 : i32 to vector<16xi32>
    %add3A_1638 = arith.addi %rev3A_1635, %add3A_1637 : vector<16xi32>
    %broadcast_in_dim3A_1639 = arith.constant true
    %broadcast_in_dim3A_1640 = vector.broadcast %broadcast_in_dim3A_1639 : i1 to vector<16xi1>
    %unique3A_1641, %unique3A_1642 = tpu.scan_count mask(%broadcast_in_dim3A_1640 : vector<16xi1>) value(%add3A_1638 : vector<16xi32>) : vector<16xi1>, vector<16xi32>
    %mul3A_1643 = arith.constant 128 : i32
    %mul3A_1644 = arith.muli %add3A_1503, %mul3A_1643 : i32
    %add3A_1645 = arith.constant 48 : i32
    %add3A_1646 = arith.addi %mul3A_1644, %add3A_1645 : i32
    %add3A_1647 = vector.broadcast %add3A_1646 : i32 to vector<16xi32>
    %add3A_1648 = arith.addi %add3A_1647, %sub3A_1 : vector<16xi32>
    tpu.vector_store_idx %arg7[%add3A_1638], %add3A_1648 masked %unique3A_1641 : memref<8192xi32, #tpu.memory_space<vmem>>[vector<16xi32>], vector<16xi32>, vector<16xi1>
    %mul3A_1649 = arith.constant 128 : i32
    %mul3A_1650 = arith.muli %add3A_1503, %mul3A_1649 : i32
    %add3A_1651 = arith.constant 32 : i32
    %add3A_1652 = arith.addi %mul3A_1650, %add3A_1651 : i32
    %get3A_1653 = arith.index_cast %add3A_1652 : i32 to index
    %get3A_1654 = tpu.vector_load %arg4[%get3A_1653] {strides = array<i32>} : memref<16384xf32, #tpu.memory_space<vmem>>, vector<16xf32>,
    %convert_element_type3A_1655 = arith.fptosi %get3A_1654 : vector<16xf32> to vector<16xi32>
    %mul3A_1656 = arith.constant 128 : i32
    %mul3A_1657 = vector.broadcast %mul3A_1656 : i32 to vector<16xi32>
    %mul3A_1658 = arith.muli %convert_element_type3A_1655, %mul3A_1657 : vector<16xi32>
    %add3A_1659 = arith.addi %mul3A_1658, %get3A_24 : vector<16xi32>
    %rev3A_1660 = arith.constant 15 : i32
    %rev3A_1661 = vector.broadcast %rev3A_1660 : i32 to vector<16xi32>
    %rev3A_1662 = tpu.iota {dimensions = array<i32: 0>} : vector<16xi32>
    %rev3A_1663 = arith.subi %rev3A_1661, %rev3A_1662 : vector<16xi32>
    %rev3A_1664 = tpu.dynamic_gather %add3A_1659[%rev3A_1663] in [0] : vector<16xi32>, vector<16xi32> -> vector<16xi32>
    %add3A_1665 = arith.constant 6144 : i32
    %add3A_1666 = vector.broadcast %add3A_1665 : i32 to vector<16xi32>
    %add3A_1667 = arith.addi %rev3A_1664, %add3A_1666 : vector<16xi32>
    %broadcast_in_dim3A_1668 = arith.constant true
    %broadcast_in_dim3A_1669 = vector.broadcast %broadcast_in_dim3A_1668 : i1 to vector<16xi1>
    %unique3A_1670, %unique3A_1671 = tpu.scan_count mask(%broadcast_in_dim3A_1669 : vector<16xi1>) value(%add3A_1667 : vector<16xi32>) : vector<16xi1>, vector<16xi32>
    %mul3A_1672 = arith.constant 128 : i32
    %mul3A_1673 = arith.muli %add3A_1503, %mul3A_1672 : i32
    %add3A_1674 = arith.constant 32 : i32
    %add3A_1675 = arith.addi %mul3A_1673, %add3A_1674 : i32
    %add3A_1676 = vector.broadcast %add3A_1675 : i32 to vector<16xi32>
    %add3A_1677 = arith.addi %add3A_1676, %sub3A_1 : vector<16xi32>
    tpu.vector_store_idx %arg7[%add3A_1667], %add3A_1677 masked %unique3A_1670 : memref<8192xi32, #tpu.memory_space<vmem>>[vector<16xi32>], vector<16xi32>, vector<16xi1>
    %mul3A_1678 = arith.constant 128 : i32
    %mul3A_1679 = arith.muli %add3A_1503, %mul3A_1678 : i32
    %add3A_1680 = arith.constant 16 : i32
    %add3A_1681 = arith.addi %mul3A_1679, %add3A_1680 : i32
    %get3A_1682 = arith.index_cast %add3A_1681 : i32 to index
    %get3A_1683 = tpu.vector_load %arg4[%get3A_1682] {strides = array<i32>} : memref<16384xf32, #tpu.memory_space<vmem>>, vector<16xf32>,
    %convert_element_type3A_1684 = arith.fptosi %get3A_1683 : vector<16xf32> to vector<16xi32>
    %mul3A_1685 = arith.constant 128 : i32
    %mul3A_1686 = vector.broadcast %mul3A_1685 : i32 to vector<16xi32>
    %mul3A_1687 = arith.muli %convert_element_type3A_1684, %mul3A_1686 : vector<16xi32>
    %add3A_1688 = arith.addi %mul3A_1687, %get3A_22 : vector<16xi32>
    %rev3A_1689 = arith.constant 15 : i32
    %rev3A_1690 = vector.broadcast %rev3A_1689 : i32 to vector<16xi32>
    %rev3A_1691 = tpu.iota {dimensions = array<i32: 0>} : vector<16xi32>
    %rev3A_1692 = arith.subi %rev3A_1690, %rev3A_1691 : vector<16xi32>
    %rev3A_1693 = tpu.dynamic_gather %add3A_1688[%rev3A_1692] in [0] : vector<16xi32>, vector<16xi32> -> vector<16xi32>
    %add3A_1694 = arith.constant 6144 : i32
    %add3A_1695 = vector.broadcast %add3A_1694 : i32 to vector<16xi32>
    %add3A_1696 = arith.addi %rev3A_1693, %add3A_1695 : vector<16xi32>
    %broadcast_in_dim3A_1697 = arith.constant true
    %broadcast_in_dim3A_1698 = vector.broadcast %broadcast_in_dim3A_1697 : i1 to vector<16xi1>
    %unique3A_1699, %unique3A_1700 = tpu.scan_count mask(%broadcast_in_dim3A_1698 : vector<16xi1>) value(%add3A_1696 : vector<16xi32>) : vector<16xi1>, vector<16xi32>
    %mul3A_1701 = arith.constant 128 : i32
    %mul3A_1702 = arith.muli %add3A_1503, %mul3A_1701 : i32
    %add3A_1703 = arith.constant 16 : i32
    %add3A_1704 = arith.addi %mul3A_1702, %add3A_1703 : i32
    %add3A_1705 = vector.broadcast %add3A_1704 : i32 to vector<16xi32>
    %add3A_1706 = arith.addi %add3A_1705, %sub3A_1 : vector<16xi32>
    tpu.vector_store_idx %arg7[%add3A_1696], %add3A_1706 masked %unique3A_1699 : memref<8192xi32, #tpu.memory_space<vmem>>[vector<16xi32>], vector<16xi32>, vector<16xi1>
    %mul3A_1707 = arith.constant 128 : i32
    %mul3A_1708 = arith.muli %add3A_1503, %mul3A_1707 : i32
    %add3A_1709 = arith.constant 0 : i32
    %add3A_1710 = arith.addi %mul3A_1708, %add3A_1709 : i32
    %get3A_1711 = arith.index_cast %add3A_1710 : i32 to index
    %get3A_1712 = tpu.vector_load %arg4[%get3A_1711] {strides = array<i32>} : memref<16384xf32, #tpu.memory_space<vmem>>, vector<16xf32>,
    %convert_element_type3A_1713 = arith.fptosi %get3A_1712 : vector<16xf32> to vector<16xi32>
    %mul3A_1714 = arith.constant 128 : i32
    %mul3A_1715 = vector.broadcast %mul3A_1714 : i32 to vector<16xi32>
    %mul3A_1716 = arith.muli %convert_element_type3A_1713, %mul3A_1715 : vector<16xi32>
    %add3A_1717 = arith.addi %mul3A_1716, %get3A_20 : vector<16xi32>
    %rev3A_1718 = arith.constant 15 : i32
    %rev3A_1719 = vector.broadcast %rev3A_1718 : i32 to vector<16xi32>
    %rev3A_1720 = tpu.iota {dimensions = array<i32: 0>} : vector<16xi32>
    %rev3A_1721 = arith.subi %rev3A_1719, %rev3A_1720 : vector<16xi32>
    %rev3A_1722 = tpu.dynamic_gather %add3A_1717[%rev3A_1721] in [0] : vector<16xi32>, vector<16xi32> -> vector<16xi32>
    %add3A_1723 = arith.constant 6144 : i32
    %add3A_1724 = vector.broadcast %add3A_1723 : i32 to vector<16xi32>
    %add3A_1725 = arith.addi %rev3A_1722, %add3A_1724 : vector<16xi32>
    %broadcast_in_dim3A_1726 = arith.constant true
    %broadcast_in_dim3A_1727 = vector.broadcast %broadcast_in_dim3A_1726 : i1 to vector<16xi1>
    %unique3A_1728, %unique3A_1729 = tpu.scan_count mask(%broadcast_in_dim3A_1727 : vector<16xi1>) value(%add3A_1725 : vector<16xi32>) : vector<16xi1>, vector<16xi32>
    %mul3A_1730 = arith.constant 128 : i32
    %mul3A_1731 = arith.muli %add3A_1503, %mul3A_1730 : i32
    %add3A_1732 = arith.constant 0 : i32
    %add3A_1733 = arith.addi %mul3A_1731, %add3A_1732 : i32
    %add3A_1734 = vector.broadcast %add3A_1733 : i32 to vector<16xi32>
    %add3A_1735 = arith.addi %add3A_1734, %sub3A_1 : vector<16xi32>
    tpu.vector_store_idx %arg7[%add3A_1725], %add3A_1735 masked %unique3A_1728 : memref<8192xi32, #tpu.memory_space<vmem>>[vector<16xi32>], vector<16xi32>, vector<16xi1>
    %mul3A_1736 = arith.constant 1024 : i32
    %mul3A_1737 = arith.muli %add3A_1503, %mul3A_1736 : i32
    %dma_start3A_1738 = arith.constant 6144 : i32
    %dma_start3A_1739 = tpu.memref_slice %arg7[%dma_start3A_1738] : memref<8192xi32, #tpu.memory_space<vmem>> -> memref<1024xi32, #tpu.memory_space<vmem>>
    %dma_start3A_1740 = tpu.memref_slice %arg16[%mul3A_1737] : memref<131072xi32, #tpu.memory_space<vmem_shared>> -> memref<1024xi32, #tpu.memory_space<vmem_shared>>
    %dma_start3A_1741 = tpu.memref_slice %arg16[%mul3A_1737] : memref<131072xi32, #tpu.memory_space<vmem_shared>> -> memref<1024xi32, #tpu.memory_space<vmem_shared>>
    %dma_start3A_1742 = arith.constant 6144 : i32
    %dma_start3A_1743 = tpu.memref_slice %arg7[%dma_start3A_1742] : memref<8192xi32, #tpu.memory_space<vmem>> -> memref<1024xi32, #tpu.memory_space<vmem>>
    tpu.enqueue_dma source(%dma_start3A_1743 : memref<1024xi32, #tpu.memory_space<vmem>>) target(%dma_start3A_1741 : memref<1024xi32, #tpu.memory_space<vmem_shared>>) target_semaphore(%arg20 : memref<!tpu.dma_semaphore, #tpu.memory_space<semaphore_mem>>)
    %mul3A_1744 = arith.constant 8 : i32
    %mul3A_1745 = arith.muli %arg1, %mul3A_1744 : i32
    %add3A_1746 = arith.constant 7 : i32
    %add3A_1747 = arith.addi %mul3A_1745, %add3A_1746 : i32
    %mul3A_1748 = arith.constant 128 : i32
    %mul3A_1749 = arith.muli %add3A_1747, %mul3A_1748 : i32
    %add3A_1750 = arith.constant 112 : i32
    %add3A_1751 = arith.addi %mul3A_1749, %add3A_1750 : i32
    %get3A_1752 = arith.index_cast %add3A_1751 : i32 to index
    %get3A_1753 = tpu.vector_load %arg4[%get3A_1752] {strides = array<i32>} : memref<16384xf32, #tpu.memory_space<vmem>>, vector<16xf32>,
    %convert_element_type3A_1754 = arith.fptosi %get3A_1753 : vector<16xf32> to vector<16xi32>
    %mul3A_1755 = arith.constant 128 : i32
    %mul3A_1756 = vector.broadcast %mul3A_1755 : i32 to vector<16xi32>
    %mul3A_1757 = arith.muli %convert_element_type3A_1754, %mul3A_1756 : vector<16xi32>
    %add3A_1758 = arith.addi %mul3A_1757, %get3A_34 : vector<16xi32>
    %rev3A_1759 = arith.constant 15 : i32
    %rev3A_1760 = vector.broadcast %rev3A_1759 : i32 to vector<16xi32>
    %rev3A_1761 = tpu.iota {dimensions = array<i32: 0>} : vector<16xi32>
    %rev3A_1762 = arith.subi %rev3A_1760, %rev3A_1761 : vector<16xi32>
    %rev3A_1763 = tpu.dynamic_gather %add3A_1758[%rev3A_1762] in [0] : vector<16xi32>, vector<16xi32> -> vector<16xi32>
    %add3A_1764 = arith.constant 7168 : i32
    %add3A_1765 = vector.broadcast %add3A_1764 : i32 to vector<16xi32>
    %add3A_1766 = arith.addi %rev3A_1763, %add3A_1765 : vector<16xi32>
    %broadcast_in_dim3A_1767 = arith.constant true
    %broadcast_in_dim3A_1768 = vector.broadcast %broadcast_in_dim3A_1767 : i1 to vector<16xi1>
    %unique3A_1769, %unique3A_1770 = tpu.scan_count mask(%broadcast_in_dim3A_1768 : vector<16xi1>) value(%add3A_1766 : vector<16xi32>) : vector<16xi1>, vector<16xi32>
    %mul3A_1771 = arith.constant 128 : i32
    %mul3A_1772 = arith.muli %add3A_1747, %mul3A_1771 : i32
    %add3A_1773 = arith.constant 112 : i32
    %add3A_1774 = arith.addi %mul3A_1772, %add3A_1773 : i32
    %add3A_1775 = vector.broadcast %add3A_1774 : i32 to vector<16xi32>
    %add3A_1776 = arith.addi %add3A_1775, %sub3A_1 : vector<16xi32>
    tpu.vector_store_idx %arg7[%add3A_1766], %add3A_1776 masked %unique3A_1769 : memref<8192xi32, #tpu.memory_space<vmem>>[vector<16xi32>], vector<16xi32>, vector<16xi1>
    %mul3A_1777 = arith.constant 128 : i32
    %mul3A_1778 = arith.muli %add3A_1747, %mul3A_1777 : i32
    %add3A_1779 = arith.constant 96 : i32
    %add3A_1780 = arith.addi %mul3A_1778, %add3A_1779 : i32
    %get3A_1781 = arith.index_cast %add3A_1780 : i32 to index
    %get3A_1782 = tpu.vector_load %arg4[%get3A_1781] {strides = array<i32>} : memref<16384xf32, #tpu.memory_space<vmem>>, vector<16xf32>,
    %convert_element_type3A_1783 = arith.fptosi %get3A_1782 : vector<16xf32> to vector<16xi32>
    %mul3A_1784 = arith.constant 128 : i32
    %mul3A_1785 = vector.broadcast %mul3A_1784 : i32 to vector<16xi32>
    %mul3A_1786 = arith.muli %convert_element_type3A_1783, %mul3A_1785 : vector<16xi32>
    %add3A_1787 = arith.addi %mul3A_1786, %get3A_32 : vector<16xi32>
    %rev3A_1788 = arith.constant 15 : i32
    %rev3A_1789 = vector.broadcast %rev3A_1788 : i32 to vector<16xi32>
    %rev3A_1790 = tpu.iota {dimensions = array<i32: 0>} : vector<16xi32>
    %rev3A_1791 = arith.subi %rev3A_1789, %rev3A_1790 : vector<16xi32>
    %rev3A_1792 = tpu.dynamic_gather %add3A_1787[%rev3A_1791] in [0] : vector<16xi32>, vector<16xi32> -> vector<16xi32>
    %add3A_1793 = arith.constant 7168 : i32
    %add3A_1794 = vector.broadcast %add3A_1793 : i32 to vector<16xi32>
    %add3A_1795 = arith.addi %rev3A_1792, %add3A_1794 : vector<16xi32>
    %broadcast_in_dim3A_1796 = arith.constant true
    %broadcast_in_dim3A_1797 = vector.broadcast %broadcast_in_dim3A_1796 : i1 to vector<16xi1>
    %unique3A_1798, %unique3A_1799 = tpu.scan_count mask(%broadcast_in_dim3A_1797 : vector<16xi1>) value(%add3A_1795 : vector<16xi32>) : vector<16xi1>, vector<16xi32>
    %mul3A_1800 = arith.constant 128 : i32
    %mul3A_1801 = arith.muli %add3A_1747, %mul3A_1800 : i32
    %add3A_1802 = arith.constant 96 : i32
    %add3A_1803 = arith.addi %mul3A_1801, %add3A_1802 : i32
    %add3A_1804 = vector.broadcast %add3A_1803 : i32 to vector<16xi32>
    %add3A_1805 = arith.addi %add3A_1804, %sub3A_1 : vector<16xi32>
    tpu.vector_store_idx %arg7[%add3A_1795], %add3A_1805 masked %unique3A_1798 : memref<8192xi32, #tpu.memory_space<vmem>>[vector<16xi32>], vector<16xi32>, vector<16xi1>
    %mul3A_1806 = arith.constant 128 : i32
    %mul3A_1807 = arith.muli %add3A_1747, %mul3A_1806 : i32
    %add3A_1808 = arith.constant 80 : i32
    %add3A_1809 = arith.addi %mul3A_1807, %add3A_1808 : i32
    %get3A_1810 = arith.index_cast %add3A_1809 : i32 to index
    %get3A_1811 = tpu.vector_load %arg4[%get3A_1810] {strides = array<i32>} : memref<16384xf32, #tpu.memory_space<vmem>>, vector<16xf32>,
    %convert_element_type3A_1812 = arith.fptosi %get3A_1811 : vector<16xf32> to vector<16xi32>
    %mul3A_1813 = arith.constant 128 : i32
    %mul3A_1814 = vector.broadcast %mul3A_1813 : i32 to vector<16xi32>
    %mul3A_1815 = arith.muli %convert_element_type3A_1812, %mul3A_1814 : vector<16xi32>
    %add3A_1816 = arith.addi %mul3A_1815, %get3A_30 : vector<16xi32>
    %rev3A_1817 = arith.constant 15 : i32
    %rev3A_1818 = vector.broadcast %rev3A_1817 : i32 to vector<16xi32>
    %rev3A_1819 = tpu.iota {dimensions = array<i32: 0>} : vector<16xi32>
    %rev3A_1820 = arith.subi %rev3A_1818, %rev3A_1819 : vector<16xi32>
    %rev3A_1821 = tpu.dynamic_gather %add3A_1816[%rev3A_1820] in [0] : vector<16xi32>, vector<16xi32> -> vector<16xi32>
    %add3A_1822 = arith.constant 7168 : i32
    %add3A_1823 = vector.broadcast %add3A_1822 : i32 to vector<16xi32>
    %add3A_1824 = arith.addi %rev3A_1821, %add3A_1823 : vector<16xi32>
    %broadcast_in_dim3A_1825 = arith.constant true
    %broadcast_in_dim3A_1826 = vector.broadcast %broadcast_in_dim3A_1825 : i1 to vector<16xi1>
    %unique3A_1827, %unique3A_1828 = tpu.scan_count mask(%broadcast_in_dim3A_1826 : vector<16xi1>) value(%add3A_1824 : vector<16xi32>) : vector<16xi1>, vector<16xi32>
    %mul3A_1829 = arith.constant 128 : i32
    %mul3A_1830 = arith.muli %add3A_1747, %mul3A_1829 : i32
    %add3A_1831 = arith.constant 80 : i32
    %add3A_1832 = arith.addi %mul3A_1830, %add3A_1831 : i32
    %add3A_1833 = vector.broadcast %add3A_1832 : i32 to vector<16xi32>
    %add3A_1834 = arith.addi %add3A_1833, %sub3A_1 : vector<16xi32>
    tpu.vector_store_idx %arg7[%add3A_1824], %add3A_1834 masked %unique3A_1827 : memref<8192xi32, #tpu.memory_space<vmem>>[vector<16xi32>], vector<16xi32>, vector<16xi1>
    %mul3A_1835 = arith.constant 128 : i32
    %mul3A_1836 = arith.muli %add3A_1747, %mul3A_1835 : i32
    %add3A_1837 = arith.constant 64 : i32
    %add3A_1838 = arith.addi %mul3A_1836, %add3A_1837 : i32
    %get3A_1839 = arith.index_cast %add3A_1838 : i32 to index
    %get3A_1840 = tpu.vector_load %arg4[%get3A_1839] {strides = array<i32>} : memref<16384xf32, #tpu.memory_space<vmem>>, vector<16xf32>,
    %convert_element_type3A_1841 = arith.fptosi %get3A_1840 : vector<16xf32> to vector<16xi32>
    %mul3A_1842 = arith.constant 128 : i32
    %mul3A_1843 = vector.broadcast %mul3A_1842 : i32 to vector<16xi32>
    %mul3A_1844 = arith.muli %convert_element_type3A_1841, %mul3A_1843 : vector<16xi32>
    %add3A_1845 = arith.addi %mul3A_1844, %get3A_28 : vector<16xi32>
    %rev3A_1846 = arith.constant 15 : i32
    %rev3A_1847 = vector.broadcast %rev3A_1846 : i32 to vector<16xi32>
    %rev3A_1848 = tpu.iota {dimensions = array<i32: 0>} : vector<16xi32>
    %rev3A_1849 = arith.subi %rev3A_1847, %rev3A_1848 : vector<16xi32>
    %rev3A_1850 = tpu.dynamic_gather %add3A_1845[%rev3A_1849] in [0] : vector<16xi32>, vector<16xi32> -> vector<16xi32>
    %add3A_1851 = arith.constant 7168 : i32
    %add3A_1852 = vector.broadcast %add3A_1851 : i32 to vector<16xi32>
    %add3A_1853 = arith.addi %rev3A_1850, %add3A_1852 : vector<16xi32>
    %broadcast_in_dim3A_1854 = arith.constant true
    %broadcast_in_dim3A_1855 = vector.broadcast %broadcast_in_dim3A_1854 : i1 to vector<16xi1>
    %unique3A_1856, %unique3A_1857 = tpu.scan_count mask(%broadcast_in_dim3A_1855 : vector<16xi1>) value(%add3A_1853 : vector<16xi32>) : vector<16xi1>, vector<16xi32>
    %mul3A_1858 = arith.constant 128 : i32
    %mul3A_1859 = arith.muli %add3A_1747, %mul3A_1858 : i32
    %add3A_1860 = arith.constant 64 : i32
    %add3A_1861 = arith.addi %mul3A_1859, %add3A_1860 : i32
    %add3A_1862 = vector.broadcast %add3A_1861 : i32 to vector<16xi32>
    %add3A_1863 = arith.addi %add3A_1862, %sub3A_1 : vector<16xi32>
    tpu.vector_store_idx %arg7[%add3A_1853], %add3A_1863 masked %unique3A_1856 : memref<8192xi32, #tpu.memory_space<vmem>>[vector<16xi32>], vector<16xi32>, vector<16xi1>
    %mul3A_1864 = arith.constant 128 : i32
    %mul3A_1865 = arith.muli %add3A_1747, %mul3A_1864 : i32
    %add3A_1866 = arith.constant 48 : i32
    %add3A_1867 = arith.addi %mul3A_1865, %add3A_1866 : i32
    %get3A_1868 = arith.index_cast %add3A_1867 : i32 to index
    %get3A_1869 = tpu.vector_load %arg4[%get3A_1868] {strides = array<i32>} : memref<16384xf32, #tpu.memory_space<vmem>>, vector<16xf32>,
    %convert_element_type3A_1870 = arith.fptosi %get3A_1869 : vector<16xf32> to vector<16xi32>
    %mul3A_1871 = arith.constant 128 : i32
    %mul3A_1872 = vector.broadcast %mul3A_1871 : i32 to vector<16xi32>
    %mul3A_1873 = arith.muli %convert_element_type3A_1870, %mul3A_1872 : vector<16xi32>
    %add3A_1874 = arith.addi %mul3A_1873, %get3A_26 : vector<16xi32>
    %rev3A_1875 = arith.constant 15 : i32
    %rev3A_1876 = vector.broadcast %rev3A_1875 : i32 to vector<16xi32>
    %rev3A_1877 = tpu.iota {dimensions = array<i32: 0>} : vector<16xi32>
    %rev3A_1878 = arith.subi %rev3A_1876, %rev3A_1877 : vector<16xi32>
    %rev3A_1879 = tpu.dynamic_gather %add3A_1874[%rev3A_1878] in [0] : vector<16xi32>, vector<16xi32> -> vector<16xi32>
    %add3A_1880 = arith.constant 7168 : i32
    %add3A_1881 = vector.broadcast %add3A_1880 : i32 to vector<16xi32>
    %add3A_1882 = arith.addi %rev3A_1879, %add3A_1881 : vector<16xi32>
    %broadcast_in_dim3A_1883 = arith.constant true
    %broadcast_in_dim3A_1884 = vector.broadcast %broadcast_in_dim3A_1883 : i1 to vector<16xi1>
    %unique3A_1885, %unique3A_1886 = tpu.scan_count mask(%broadcast_in_dim3A_1884 : vector<16xi1>) value(%add3A_1882 : vector<16xi32>) : vector<16xi1>, vector<16xi32>
    %mul3A_1887 = arith.constant 128 : i32
    %mul3A_1888 = arith.muli %add3A_1747, %mul3A_1887 : i32
    %add3A_1889 = arith.constant 48 : i32
    %add3A_1890 = arith.addi %mul3A_1888, %add3A_1889 : i32
    %add3A_1891 = vector.broadcast %add3A_1890 : i32 to vector<16xi32>
    %add3A_1892 = arith.addi %add3A_1891, %sub3A_1 : vector<16xi32>
    tpu.vector_store_idx %arg7[%add3A_1882], %add3A_1892 masked %unique3A_1885 : memref<8192xi32, #tpu.memory_space<vmem>>[vector<16xi32>], vector<16xi32>, vector<16xi1>
    %mul3A_1893 = arith.constant 128 : i32
    %mul3A_1894 = arith.muli %add3A_1747, %mul3A_1893 : i32
    %add3A_1895 = arith.constant 32 : i32
    %add3A_1896 = arith.addi %mul3A_1894, %add3A_1895 : i32
    %get3A_1897 = arith.index_cast %add3A_1896 : i32 to index
    %get3A_1898 = tpu.vector_load %arg4[%get3A_1897] {strides = array<i32>} : memref<16384xf32, #tpu.memory_space<vmem>>, vector<16xf32>,
    %convert_element_type3A_1899 = arith.fptosi %get3A_1898 : vector<16xf32> to vector<16xi32>
    %mul3A_1900 = arith.constant 128 : i32
    %mul3A_1901 = vector.broadcast %mul3A_1900 : i32 to vector<16xi32>
    %mul3A_1902 = arith.muli %convert_element_type3A_1899, %mul3A_1901 : vector<16xi32>
    %add3A_1903 = arith.addi %mul3A_1902, %get3A_24 : vector<16xi32>
    %rev3A_1904 = arith.constant 15 : i32
    %rev3A_1905 = vector.broadcast %rev3A_1904 : i32 to vector<16xi32>
    %rev3A_1906 = tpu.iota {dimensions = array<i32: 0>} : vector<16xi32>
    %rev3A_1907 = arith.subi %rev3A_1905, %rev3A_1906 : vector<16xi32>
    %rev3A_1908 = tpu.dynamic_gather %add3A_1903[%rev3A_1907] in [0] : vector<16xi32>, vector<16xi32> -> vector<16xi32>
    %add3A_1909 = arith.constant 7168 : i32
    %add3A_1910 = vector.broadcast %add3A_1909 : i32 to vector<16xi32>
    %add3A_1911 = arith.addi %rev3A_1908, %add3A_1910 : vector<16xi32>
    %broadcast_in_dim3A_1912 = arith.constant true
    %broadcast_in_dim3A_1913 = vector.broadcast %broadcast_in_dim3A_1912 : i1 to vector<16xi1>
    %unique3A_1914, %unique3A_1915 = tpu.scan_count mask(%broadcast_in_dim3A_1913 : vector<16xi1>) value(%add3A_1911 : vector<16xi32>) : vector<16xi1>, vector<16xi32>
    %mul3A_1916 = arith.constant 128 : i32
    %mul3A_1917 = arith.muli %add3A_1747, %mul3A_1916 : i32
    %add3A_1918 = arith.constant 32 : i32
    %add3A_1919 = arith.addi %mul3A_1917, %add3A_1918 : i32
    %add3A_1920 = vector.broadcast %add3A_1919 : i32 to vector<16xi32>
    %add3A_1921 = arith.addi %add3A_1920, %sub3A_1 : vector<16xi32>
    tpu.vector_store_idx %arg7[%add3A_1911], %add3A_1921 masked %unique3A_1914 : memref<8192xi32, #tpu.memory_space<vmem>>[vector<16xi32>], vector<16xi32>, vector<16xi1>
    %mul3A_1922 = arith.constant 128 : i32
    %mul3A_1923 = arith.muli %add3A_1747, %mul3A_1922 : i32
    %add3A_1924 = arith.constant 16 : i32
    %add3A_1925 = arith.addi %mul3A_1923, %add3A_1924 : i32
    %get3A_1926 = arith.index_cast %add3A_1925 : i32 to index
    %get3A_1927 = tpu.vector_load %arg4[%get3A_1926] {strides = array<i32>} : memref<16384xf32, #tpu.memory_space<vmem>>, vector<16xf32>,
    %convert_element_type3A_1928 = arith.fptosi %get3A_1927 : vector<16xf32> to vector<16xi32>
    %mul3A_1929 = arith.constant 128 : i32
    %mul3A_1930 = vector.broadcast %mul3A_1929 : i32 to vector<16xi32>
    %mul3A_1931 = arith.muli %convert_element_type3A_1928, %mul3A_1930 : vector<16xi32>
    %add3A_1932 = arith.addi %mul3A_1931, %get3A_22 : vector<16xi32>
    %rev3A_1933 = arith.constant 15 : i32
    %rev3A_1934 = vector.broadcast %rev3A_1933 : i32 to vector<16xi32>
    %rev3A_1935 = tpu.iota {dimensions = array<i32: 0>} : vector<16xi32>
    %rev3A_1936 = arith.subi %rev3A_1934, %rev3A_1935 : vector<16xi32>
    %rev3A_1937 = tpu.dynamic_gather %add3A_1932[%rev3A_1936] in [0] : vector<16xi32>, vector<16xi32> -> vector<16xi32>
    %add3A_1938 = arith.constant 7168 : i32
    %add3A_1939 = vector.broadcast %add3A_1938 : i32 to vector<16xi32>
    %add3A_1940 = arith.addi %rev3A_1937, %add3A_1939 : vector<16xi32>
    %broadcast_in_dim3A_1941 = arith.constant true
    %broadcast_in_dim3A_1942 = vector.broadcast %broadcast_in_dim3A_1941 : i1 to vector<16xi1>
    %unique3A_1943, %unique3A_1944 = tpu.scan_count mask(%broadcast_in_dim3A_1942 : vector<16xi1>) value(%add3A_1940 : vector<16xi32>) : vector<16xi1>, vector<16xi32>
    %mul3A_1945 = arith.constant 128 : i32
    %mul3A_1946 = arith.muli %add3A_1747, %mul3A_1945 : i32
    %add3A_1947 = arith.constant 16 : i32
    %add3A_1948 = arith.addi %mul3A_1946, %add3A_1947 : i32
    %add3A_1949 = vector.broadcast %add3A_1948 : i32 to vector<16xi32>
    %add3A_1950 = arith.addi %add3A_1949, %sub3A_1 : vector<16xi32>
    tpu.vector_store_idx %arg7[%add3A_1940], %add3A_1950 masked %unique3A_1943 : memref<8192xi32, #tpu.memory_space<vmem>>[vector<16xi32>], vector<16xi32>, vector<16xi1>
    %mul3A_1951 = arith.constant 128 : i32
    %mul3A_1952 = arith.muli %add3A_1747, %mul3A_1951 : i32
    %add3A_1953 = arith.constant 0 : i32
    %add3A_1954 = arith.addi %mul3A_1952, %add3A_1953 : i32
    %get3A_1955 = arith.index_cast %add3A_1954 : i32 to index
    %get3A_1956 = tpu.vector_load %arg4[%get3A_1955] {strides = array<i32>} : memref<16384xf32, #tpu.memory_space<vmem>>, vector<16xf32>,
    %convert_element_type3A_1957 = arith.fptosi %get3A_1956 : vector<16xf32> to vector<16xi32>
    %mul3A_1958 = arith.constant 128 : i32
    %mul3A_1959 = vector.broadcast %mul3A_1958 : i32 to vector<16xi32>
    %mul3A_1960 = arith.muli %convert_element_type3A_1957, %mul3A_1959 : vector<16xi32>
    %add3A_1961 = arith.addi %mul3A_1960, %get3A_20 : vector<16xi32>
    %rev3A_1962 = arith.constant 15 : i32
    %rev3A_1963 = vector.broadcast %rev3A_1962 : i32 to vector<16xi32>
    %rev3A_1964 = tpu.iota {dimensions = array<i32: 0>} : vector<16xi32>
    %rev3A_1965 = arith.subi %rev3A_1963, %rev3A_1964 : vector<16xi32>
    %rev3A_1966 = tpu.dynamic_gather %add3A_1961[%rev3A_1965] in [0] : vector<16xi32>, vector<16xi32> -> vector<16xi32>
    %add3A_1967 = arith.constant 7168 : i32
    %add3A_1968 = vector.broadcast %add3A_1967 : i32 to vector<16xi32>
    %add3A_1969 = arith.addi %rev3A_1966, %add3A_1968 : vector<16xi32>
    %broadcast_in_dim3A_1970 = arith.constant true
    %broadcast_in_dim3A_1971 = vector.broadcast %broadcast_in_dim3A_1970 : i1 to vector<16xi1>
    %unique3A_1972, %unique3A_1973 = tpu.scan_count mask(%broadcast_in_dim3A_1971 : vector<16xi1>) value(%add3A_1969 : vector<16xi32>) : vector<16xi1>, vector<16xi32>
    %mul3A_1974 = arith.constant 128 : i32
    %mul3A_1975 = arith.muli %add3A_1747, %mul3A_1974 : i32
    %add3A_1976 = arith.constant 0 : i32
    %add3A_1977 = arith.addi %mul3A_1975, %add3A_1976 : i32
    %add3A_1978 = vector.broadcast %add3A_1977 : i32 to vector<16xi32>
    %add3A_1979 = arith.addi %add3A_1978, %sub3A_1 : vector<16xi32>
    tpu.vector_store_idx %arg7[%add3A_1969], %add3A_1979 masked %unique3A_1972 : memref<8192xi32, #tpu.memory_space<vmem>>[vector<16xi32>], vector<16xi32>, vector<16xi1>
    %mul3A_1980 = arith.constant 1024 : i32
    %mul3A_1981 = arith.muli %add3A_1747, %mul3A_1980 : i32
    %dma_start3A_1982 = arith.constant 7168 : i32
    %dma_start3A_1983 = tpu.memref_slice %arg7[%dma_start3A_1982] : memref<8192xi32, #tpu.memory_space<vmem>> -> memref<1024xi32, #tpu.memory_space<vmem>>
    %dma_start3A_1984 = tpu.memref_slice %arg16[%mul3A_1981] : memref<131072xi32, #tpu.memory_space<vmem_shared>> -> memref<1024xi32, #tpu.memory_space<vmem_shared>>
    %dma_start3A_1985 = tpu.memref_slice %arg16[%mul3A_1981] : memref<131072xi32, #tpu.memory_space<vmem_shared>> -> memref<1024xi32, #tpu.memory_space<vmem_shared>>
    %dma_start3A_1986 = arith.constant 7168 : i32
    %dma_start3A_1987 = tpu.memref_slice %arg7[%dma_start3A_1986] : memref<8192xi32, #tpu.memory_space<vmem>> -> memref<1024xi32, #tpu.memory_space<vmem>>
    tpu.enqueue_dma source(%dma_start3A_1987 : memref<1024xi32, #tpu.memory_space<vmem>>) target(%dma_start3A_1985 : memref<1024xi32, #tpu.memory_space<vmem_shared>>) target_semaphore(%arg20 : memref<!tpu.dma_semaphore, #tpu.memory_space<semaphore_mem>>)
    %dma_wait3A = arith.constant 0 : i32
    %dma_wait3A_1988 = tpu.memref_slice %arg7[%dma_wait3A] : memref<8192xi32, #tpu.memory_space<vmem>> -> memref<1024xi32, #tpu.memory_space<vmem>>
    %dma_wait3A_1989 = tpu.memref_slice %arg16[%mul3A_274] : memref<131072xi32, #tpu.memory_space<vmem_shared>> -> memref<1024xi32, #tpu.memory_space<vmem_shared>>
    %dma_wait3A_1990 = tpu.memref_slice %arg16[%mul3A_274] : memref<131072xi32, #tpu.memory_space<vmem_shared>> -> memref<1024xi32, #tpu.memory_space<vmem_shared>>
    %dma_wait3A_1991 = arith.constant 0 : i32
    %dma_wait3A_1992 = tpu.memref_slice %arg7[%dma_wait3A_1991] : memref<8192xi32, #tpu.memory_space<vmem>> -> memref<1024xi32, #tpu.memory_space<vmem>>
    tpu.wait_dma2 semaphore(%arg20 : memref<!tpu.dma_semaphore, #tpu.memory_space<semaphore_mem>>) src(%dma_wait3A_1992 : memref<1024xi32, #tpu.memory_space<vmem>>) dst(%dma_wait3A_1990 : memref<1024xi32, #tpu.memory_space<vmem_shared>>)
    %dma_wait3A_1993 = arith.constant 1024 : i32
    %dma_wait3A_1994 = tpu.memref_slice %arg7[%dma_wait3A_1993] : memref<8192xi32, #tpu.memory_space<vmem>> -> memref<1024xi32, #tpu.memory_space<vmem>>
    %dma_wait3A_1995 = tpu.memref_slice %arg16[%mul3A_517] : memref<131072xi32, #tpu.memory_space<vmem_shared>> -> memref<1024xi32, #tpu.memory_space<vmem_shared>>
    %dma_wait3A_1996 = tpu.memref_slice %arg16[%mul3A_517] : memref<131072xi32, #tpu.memory_space<vmem_shared>> -> memref<1024xi32, #tpu.memory_space<vmem_shared>>
    %dma_wait3A_1997 = arith.constant 1024 : i32
    %dma_wait3A_1998 = tpu.memref_slice %arg7[%dma_wait3A_1997] : memref<8192xi32, #tpu.memory_space<vmem>> -> memref<1024xi32, #tpu.memory_space<vmem>>
    tpu.wait_dma2 semaphore(%arg20 : memref<!tpu.dma_semaphore, #tpu.memory_space<semaphore_mem>>) src(%dma_wait3A_1998 : memref<1024xi32, #tpu.memory_space<vmem>>) dst(%dma_wait3A_1996 : memref<1024xi32, #tpu.memory_space<vmem_shared>>)
    %dma_wait3A_1999 = arith.constant 2048 : i32
    %dma_wait3A_2000 = tpu.memref_slice %arg7[%dma_wait3A_1999] : memref<8192xi32, #tpu.memory_space<vmem>> -> memref<1024xi32, #tpu.memory_space<vmem>>
    %dma_wait3A_2001 = tpu.memref_slice %arg16[%mul3A_761] : memref<131072xi32, #tpu.memory_space<vmem_shared>> -> memref<1024xi32, #tpu.memory_space<vmem_shared>>
    %dma_wait3A_2002 = tpu.memref_slice %arg16[%mul3A_761] : memref<131072xi32, #tpu.memory_space<vmem_shared>> -> memref<1024xi32, #tpu.memory_space<vmem_shared>>
    %dma_wait3A_2003 = arith.constant 2048 : i32
    %dma_wait3A_2004 = tpu.memref_slice %arg7[%dma_wait3A_2003] : memref<8192xi32, #tpu.memory_space<vmem>> -> memref<1024xi32, #tpu.memory_space<vmem>>
    tpu.wait_dma2 semaphore(%arg20 : memref<!tpu.dma_semaphore, #tpu.memory_space<semaphore_mem>>) src(%dma_wait3A_2004 : memref<1024xi32, #tpu.memory_space<vmem>>) dst(%dma_wait3A_2002 : memref<1024xi32, #tpu.memory_space<vmem_shared>>)
    %dma_wait3A_2005 = arith.constant 3072 : i32
    %dma_wait3A_2006 = tpu.memref_slice %arg7[%dma_wait3A_2005] : memref<8192xi32, #tpu.memory_space<vmem>> -> memref<1024xi32, #tpu.memory_space<vmem>>
    %dma_wait3A_2007 = tpu.memref_slice %arg16[%mul3A_1005] : memref<131072xi32, #tpu.memory_space<vmem_shared>> -> memref<1024xi32, #tpu.memory_space<vmem_shared>>
    %dma_wait3A_2008 = tpu.memref_slice %arg16[%mul3A_1005] : memref<131072xi32, #tpu.memory_space<vmem_shared>> -> memref<1024xi32, #tpu.memory_space<vmem_shared>>
    %dma_wait3A_2009 = arith.constant 3072 : i32
    %dma_wait3A_2010 = tpu.memref_slice %arg7[%dma_wait3A_2009] : memref<8192xi32, #tpu.memory_space<vmem>> -> memref<1024xi32, #tpu.memory_space<vmem>>
    tpu.wait_dma2 semaphore(%arg20 : memref<!tpu.dma_semaphore, #tpu.memory_space<semaphore_mem>>) src(%dma_wait3A_2010 : memref<1024xi32, #tpu.memory_space<vmem>>) dst(%dma_wait3A_2008 : memref<1024xi32, #tpu.memory_space<vmem_shared>>)
    %dma_wait3A_2011 = arith.constant 4096 : i32
    %dma_wait3A_2012 = tpu.memref_slice %arg7[%dma_wait3A_2011] : memref<8192xi32, #tpu.memory_space<vmem>> -> memref<1024xi32, #tpu.memory_space<vmem>>
    %dma_wait3A_2013 = tpu.memref_slice %arg16[%mul3A_1249] : memref<131072xi32, #tpu.memory_space<vmem_shared>> -> memref<1024xi32, #tpu.memory_space<vmem_shared>>
    %dma_wait3A_2014 = tpu.memref_slice %arg16[%mul3A_1249] : memref<131072xi32, #tpu.memory_space<vmem_shared>> -> memref<1024xi32, #tpu.memory_space<vmem_shared>>
    %dma_wait3A_2015 = arith.constant 4096 : i32
    %dma_wait3A_2016 = tpu.memref_slice %arg7[%dma_wait3A_2015] : memref<8192xi32, #tpu.memory_space<vmem>> -> memref<1024xi32, #tpu.memory_space<vmem>>
    tpu.wait_dma2 semaphore(%arg20 : memref<!tpu.dma_semaphore, #tpu.memory_space<semaphore_mem>>) src(%dma_wait3A_2016 : memref<1024xi32, #tpu.memory_space<vmem>>) dst(%dma_wait3A_2014 : memref<1024xi32, #tpu.memory_space<vmem_shared>>)
    %dma_wait3A_2017 = arith.constant 5120 : i32
    %dma_wait3A_2018 = tpu.memref_slice %arg7[%dma_wait3A_2017] : memref<8192xi32, #tpu.memory_space<vmem>> -> memref<1024xi32, #tpu.memory_space<vmem>>
    %dma_wait3A_2019 = tpu.memref_slice %arg16[%mul3A_1493] : memref<131072xi32, #tpu.memory_space<vmem_shared>> -> memref<1024xi32, #tpu.memory_space<vmem_shared>>
    %dma_wait3A_2020 = tpu.memref_slice %arg16[%mul3A_1493] : memref<131072xi32, #tpu.memory_space<vmem_shared>> -> memref<1024xi32, #tpu.memory_space<vmem_shared>>
    %dma_wait3A_2021 = arith.constant 5120 : i32
    %dma_wait3A_2022 = tpu.memref_slice %arg7[%dma_wait3A_2021] : memref<8192xi32, #tpu.memory_space<vmem>> -> memref<1024xi32, #tpu.memory_space<vmem>>
    tpu.wait_dma2 semaphore(%arg20 : memref<!tpu.dma_semaphore, #tpu.memory_space<semaphore_mem>>) src(%dma_wait3A_2022 : memref<1024xi32, #tpu.memory_space<vmem>>) dst(%dma_wait3A_2020 : memref<1024xi32, #tpu.memory_space<vmem_shared>>)
    %dma_wait3A_2023 = arith.constant 6144 : i32
    %dma_wait3A_2024 = tpu.memref_slice %arg7[%dma_wait3A_2023] : memref<8192xi32, #tpu.memory_space<vmem>> -> memref<1024xi32, #tpu.memory_space<vmem>>
    %dma_wait3A_2025 = tpu.memref_slice %arg16[%mul3A_1737] : memref<131072xi32, #tpu.memory_space<vmem_shared>> -> memref<1024xi32, #tpu.memory_space<vmem_shared>>
    %dma_wait3A_2026 = tpu.memref_slice %arg16[%mul3A_1737] : memref<131072xi32, #tpu.memory_space<vmem_shared>> -> memref<1024xi32, #tpu.memory_space<vmem_shared>>
    %dma_wait3A_2027 = arith.constant 6144 : i32
    %dma_wait3A_2028 = tpu.memref_slice %arg7[%dma_wait3A_2027] : memref<8192xi32, #tpu.memory_space<vmem>> -> memref<1024xi32, #tpu.memory_space<vmem>>
    tpu.wait_dma2 semaphore(%arg20 : memref<!tpu.dma_semaphore, #tpu.memory_space<semaphore_mem>>) src(%dma_wait3A_2028 : memref<1024xi32, #tpu.memory_space<vmem>>) dst(%dma_wait3A_2026 : memref<1024xi32, #tpu.memory_space<vmem_shared>>)
    %dma_wait3A_2029 = arith.constant 7168 : i32
    %dma_wait3A_2030 = tpu.memref_slice %arg7[%dma_wait3A_2029] : memref<8192xi32, #tpu.memory_space<vmem>> -> memref<1024xi32, #tpu.memory_space<vmem>>
    %dma_wait3A_2031 = tpu.memref_slice %arg16[%mul3A_1981] : memref<131072xi32, #tpu.memory_space<vmem_shared>> -> memref<1024xi32, #tpu.memory_space<vmem_shared>>
    %dma_wait3A_2032 = tpu.memref_slice %arg16[%mul3A_1981] : memref<131072xi32, #tpu.memory_space<vmem_shared>> -> memref<1024xi32, #tpu.memory_space<vmem_shared>>
    %dma_wait3A_2033 = arith.constant 7168 : i32
    %dma_wait3A_2034 = tpu.memref_slice %arg7[%dma_wait3A_2033] : memref<8192xi32, #tpu.memory_space<vmem>> -> memref<1024xi32, #tpu.memory_space<vmem>>
    tpu.wait_dma2 semaphore(%arg20 : memref<!tpu.dma_semaphore, #tpu.memory_space<semaphore_mem>>) src(%dma_wait3A_2034 : memref<1024xi32, #tpu.memory_space<vmem>>) dst(%dma_wait3A_2032 : memref<1024xi32, #tpu.memory_space<vmem_shared>>)
    %barrier3A_2035 = arith.constant 0 : index
    tpu.barrier barrier_id(%barrier3A_2035)
    %mul3A_2036 = arith.constant 8 : i32
    %mul3A_2037 = arith.muli %arg1, %mul3A_2036 : i32
    %scan3A_2038 = arith.constant 0 : i32
    %scan3A_2039 = arith.constant 0 : i32
    %scan3A_2040 = arith.constant 128 : i32
    %scan3A_2041 = arith.addi %scan3A_2039, %scan3A_2040 : i32
    %scan3A_2042 = arith.constant 1 : i32
    %scan3A_2043 = scf.for %scan3A_2415 = %scan3A_2039 to %scan3A_2041 step %scan3A_2042 iter_args(%scan3A_2416 = %scan3A_2038) -> (i32)  : i32 {
      %add3A_2417 = vector.broadcast %scan3A_2415 : i32 to vector<16xi32>
      %add3A_2418 = arith.addi %broadcast_in_dim3A_2, %add3A_2417 : vector<16xi32>
      %gather3A_2419 = tpu.vector_load_idx %arg6[%add3A_2418] : memref<256xi32, #tpu.memory_space<vmem>>[vector<16xi32>], vector<16xi32>,
      %slice3A = vector.extract_strided_slice %gather3A_2419 {offsets = [0], sizes = [1], strides = [1]} : vector<16xi32> to vector<1xi32>
      %squeeze3A = vector.extract %slice3A[0] : i32 from vector<1xi32>
      %ge3A_2420 = arith.cmpi sge, %squeeze3A, %mul3A_2037 : i32
      %add3A_2421 = arith.constant 8 : i32
      %add3A_2422 = arith.addi %mul3A_2037, %add3A_2421 : i32
      %lt3A_2423 = arith.cmpi slt, %squeeze3A, %add3A_2422 : i32
      %and3A = arith.andi %ge3A_2420, %lt3A_2423 : i1
      %ne3A = arith.cmpi ne, %squeeze3A, %scan3A_2415 : i32
      %and3A_2424 = arith.andi %and3A, %ne3A : i1
      %convert_element_type3A_2425 = arith.extui %and3A_2424 : i1 to i32
      %cond3A_2426 = arith.constant 0 : i32
      %cond3A_2427 = arith.cmpi ne, %convert_element_type3A_2425, %cond3A_2426 : i32
      scf.if %cond3A_2427 {
        %mul3A_2429 = arith.constant 1024 : i32
        %mul3A_2430 = arith.muli %scan3A_2415, %mul3A_2429 : i32
        "tpu.region"() ({
          %run_scoped3A = tpu.sem_alloc : memref<!tpu.dma_semaphore, #tpu.memory_space<semaphore_mem>>
          %dma_start3A_2441 = tpu.memref_slice %arg16[%mul3A_2430] : memref<131072xi32, #tpu.memory_space<vmem_shared>> -> memref<1024xi32, #tpu.memory_space<vmem_shared>>
          %dma_start3A_2442 = tpu.memref_slice %arg16[%mul3A_2430] : memref<131072xi32, #tpu.memory_space<vmem_shared>> -> memref<1024xi32, #tpu.memory_space<vmem_shared>>
          tpu.enqueue_dma source(%dma_start3A_2442 : memref<1024xi32, #tpu.memory_space<vmem_shared>>) target(%arg12 : memref<1024xi32, #tpu.memory_space<vmem>>) target_semaphore(%run_scoped3A : memref<!tpu.dma_semaphore, #tpu.memory_space<semaphore_mem>>)
          %dma_wait3A_2443 = tpu.memref_slice %arg16[%mul3A_2430] : memref<131072xi32, #tpu.memory_space<vmem_shared>> -> memref<1024xi32, #tpu.memory_space<vmem_shared>>
          %dma_wait3A_2444 = tpu.memref_slice %arg16[%mul3A_2430] : memref<131072xi32, #tpu.memory_space<vmem_shared>> -> memref<1024xi32, #tpu.memory_space<vmem_shared>>
          tpu.wait_dma2 semaphore(%run_scoped3A : memref<!tpu.dma_semaphore, #tpu.memory_space<semaphore_mem>>) src(%dma_wait3A_2444 : memref<1024xi32, #tpu.memory_space<vmem_shared>>) dst(%arg12 : memref<1024xi32, #tpu.memory_space<vmem>>)
          tpu.yield
        }) : () -> ()
        %sub3A_2431 = arith.subi %squeeze3A, %mul3A_2037 : i32
        %mul3A_2432 = arith.constant 1024 : i32
        %mul3A_2433 = arith.muli %sub3A_2431, %mul3A_2432 : i32
        %scan3A_2434 = arith.constant 0 : i32
        %scan3A_2435 = arith.constant 0 : i32
        %scan3A_2436 = arith.constant 64 : i32
        %scan3A_2437 = arith.addi %scan3A_2435, %scan3A_2436 : i32
        %scan3A_2438 = arith.constant 1 : i32
        %scan3A_2439 = scf.for %scan3A_2441 = %scan3A_2435 to %scan3A_2437 step %scan3A_2438 iter_args(%scan3A_2442 = %scan3A_2434) -> (i32)  : i32 {
          %mul3A_2443 = arith.constant 16 : i32
          %mul3A_2444 = arith.muli %scan3A_2441, %mul3A_2443 : i32
          %add3A_2445 = arith.addi %mul3A_2433, %mul3A_2444 : i32
          %get3A_2446 = arith.index_cast %add3A_2445 : i32 to index
          %get3A_2447 = tpu.vector_load %arg7[%get3A_2446] {strides = array<i32>} : memref<8192xi32, #tpu.memory_space<vmem>>, vector<16xi32>,
          %mul3A_2448 = arith.constant 16 : i32
          %mul3A_2449 = arith.muli %scan3A_2441, %mul3A_2448 : i32
          %get3A_2450 = arith.index_cast %mul3A_2449 : i32 to index
          %get3A_2451 = tpu.vector_load %arg12[%get3A_2450] {strides = array<i32>} : memref<1024xi32, #tpu.memory_space<vmem>>, vector<16xi32>,
          %min3A = arith.minsi %get3A_2447, %get3A_2451 : vector<16xi32>
          %mul3A_2452 = arith.constant 16 : i32
          %mul3A_2453 = arith.muli %scan3A_2441, %mul3A_2452 : i32
          %add3A_2454 = arith.addi %mul3A_2433, %mul3A_2453 : i32
          %swap3A_2455 = arith.index_cast %add3A_2454 : i32 to index
          %swap3A_2456 = tpu.vector_load %arg7[%swap3A_2455] {strides = array<i32>} : memref<8192xi32, #tpu.memory_space<vmem>>, vector<16xi32>,
          tpu.vector_store %arg7[%swap3A_2455], %min3A {strides = array<i32>} : memref<8192xi32, #tpu.memory_space<vmem>>, vector<16xi32>,
          %scan3A_2457 = arith.constant 0 : i32
          scf.yield %scan3A_2457 : i32
        }
        %scan3A_2440 = arith.constant 64 : i32
      } else {
      }
      %scan3A_2428 = arith.constant 0 : i32
      scf.yield %scan3A_2428 : i32
    }
    %scan3A_2044 = arith.constant 128 : i32
    %add3A_2045 = arith.constant 0 : i32
    %add3A_2046 = arith.addi %mul3A_2037, %add3A_2045 : i32
    %mul3A_2047 = arith.constant 1024 : i32
    %mul3A_2048 = arith.muli %add3A_2046, %mul3A_2047 : i32
    %dma_start3A_2049 = arith.constant 0 : i32
    %dma_start3A_2050 = tpu.memref_slice %arg7[%dma_start3A_2049] : memref<8192xi32, #tpu.memory_space<vmem>> -> memref<1024xi32, #tpu.memory_space<vmem>>
    %dma_start3A_2051 = tpu.memref_slice %arg17[%mul3A_2048] : memref<131072xi32, #tpu.memory_space<vmem_shared>> -> memref<1024xi32, #tpu.memory_space<vmem_shared>>
    %dma_start3A_2052 = tpu.memref_slice %arg17[%mul3A_2048] : memref<131072xi32, #tpu.memory_space<vmem_shared>> -> memref<1024xi32, #tpu.memory_space<vmem_shared>>
    %dma_start3A_2053 = arith.constant 0 : i32
    %dma_start3A_2054 = tpu.memref_slice %arg7[%dma_start3A_2053] : memref<8192xi32, #tpu.memory_space<vmem>> -> memref<1024xi32, #tpu.memory_space<vmem>>
    tpu.enqueue_dma source(%dma_start3A_2054 : memref<1024xi32, #tpu.memory_space<vmem>>) target(%dma_start3A_2052 : memref<1024xi32, #tpu.memory_space<vmem_shared>>) target_semaphore(%arg20 : memref<!tpu.dma_semaphore, #tpu.memory_space<semaphore_mem>>)
    %add3A_2055 = arith.constant 1 : i32
    %add3A_2056 = arith.addi %mul3A_2037, %add3A_2055 : i32
    %mul3A_2057 = arith.constant 1024 : i32
    %mul3A_2058 = arith.muli %add3A_2056, %mul3A_2057 : i32
    %dma_start3A_2059 = arith.constant 1024 : i32
    %dma_start3A_2060 = tpu.memref_slice %arg7[%dma_start3A_2059] : memref<8192xi32, #tpu.memory_space<vmem>> -> memref<1024xi32, #tpu.memory_space<vmem>>
    %dma_start3A_2061 = tpu.memref_slice %arg17[%mul3A_2058] : memref<131072xi32, #tpu.memory_space<vmem_shared>> -> memref<1024xi32, #tpu.memory_space<vmem_shared>>
    %dma_start3A_2062 = tpu.memref_slice %arg17[%mul3A_2058] : memref<131072xi32, #tpu.memory_space<vmem_shared>> -> memref<1024xi32, #tpu.memory_space<vmem_shared>>
    %dma_start3A_2063 = arith.constant 1024 : i32
    %dma_start3A_2064 = tpu.memref_slice %arg7[%dma_start3A_2063] : memref<8192xi32, #tpu.memory_space<vmem>> -> memref<1024xi32, #tpu.memory_space<vmem>>
    tpu.enqueue_dma source(%dma_start3A_2064 : memref<1024xi32, #tpu.memory_space<vmem>>) target(%dma_start3A_2062 : memref<1024xi32, #tpu.memory_space<vmem_shared>>) target_semaphore(%arg20 : memref<!tpu.dma_semaphore, #tpu.memory_space<semaphore_mem>>)
    %add3A_2065 = arith.constant 2 : i32
    %add3A_2066 = arith.addi %mul3A_2037, %add3A_2065 : i32
    %mul3A_2067 = arith.constant 1024 : i32
    %mul3A_2068 = arith.muli %add3A_2066, %mul3A_2067 : i32
    %dma_start3A_2069 = arith.constant 2048 : i32
    %dma_start3A_2070 = tpu.memref_slice %arg7[%dma_start3A_2069] : memref<8192xi32, #tpu.memory_space<vmem>> -> memref<1024xi32, #tpu.memory_space<vmem>>
    %dma_start3A_2071 = tpu.memref_slice %arg17[%mul3A_2068] : memref<131072xi32, #tpu.memory_space<vmem_shared>> -> memref<1024xi32, #tpu.memory_space<vmem_shared>>
    %dma_start3A_2072 = tpu.memref_slice %arg17[%mul3A_2068] : memref<131072xi32, #tpu.memory_space<vmem_shared>> -> memref<1024xi32, #tpu.memory_space<vmem_shared>>
    %dma_start3A_2073 = arith.constant 2048 : i32
    %dma_start3A_2074 = tpu.memref_slice %arg7[%dma_start3A_2073] : memref<8192xi32, #tpu.memory_space<vmem>> -> memref<1024xi32, #tpu.memory_space<vmem>>
    tpu.enqueue_dma source(%dma_start3A_2074 : memref<1024xi32, #tpu.memory_space<vmem>>) target(%dma_start3A_2072 : memref<1024xi32, #tpu.memory_space<vmem_shared>>) target_semaphore(%arg20 : memref<!tpu.dma_semaphore, #tpu.memory_space<semaphore_mem>>)
    %add3A_2075 = arith.constant 3 : i32
    %add3A_2076 = arith.addi %mul3A_2037, %add3A_2075 : i32
    %mul3A_2077 = arith.constant 1024 : i32
    %mul3A_2078 = arith.muli %add3A_2076, %mul3A_2077 : i32
    %dma_start3A_2079 = arith.constant 3072 : i32
    %dma_start3A_2080 = tpu.memref_slice %arg7[%dma_start3A_2079] : memref<8192xi32, #tpu.memory_space<vmem>> -> memref<1024xi32, #tpu.memory_space<vmem>>
    %dma_start3A_2081 = tpu.memref_slice %arg17[%mul3A_2078] : memref<131072xi32, #tpu.memory_space<vmem_shared>> -> memref<1024xi32, #tpu.memory_space<vmem_shared>>
    %dma_start3A_2082 = tpu.memref_slice %arg17[%mul3A_2078] : memref<131072xi32, #tpu.memory_space<vmem_shared>> -> memref<1024xi32, #tpu.memory_space<vmem_shared>>
    %dma_start3A_2083 = arith.constant 3072 : i32
    %dma_start3A_2084 = tpu.memref_slice %arg7[%dma_start3A_2083] : memref<8192xi32, #tpu.memory_space<vmem>> -> memref<1024xi32, #tpu.memory_space<vmem>>
    tpu.enqueue_dma source(%dma_start3A_2084 : memref<1024xi32, #tpu.memory_space<vmem>>) target(%dma_start3A_2082 : memref<1024xi32, #tpu.memory_space<vmem_shared>>) target_semaphore(%arg20 : memref<!tpu.dma_semaphore, #tpu.memory_space<semaphore_mem>>)
    %add3A_2085 = arith.constant 4 : i32
    %add3A_2086 = arith.addi %mul3A_2037, %add3A_2085 : i32
    %mul3A_2087 = arith.constant 1024 : i32
    %mul3A_2088 = arith.muli %add3A_2086, %mul3A_2087 : i32
    %dma_start3A_2089 = arith.constant 4096 : i32
    %dma_start3A_2090 = tpu.memref_slice %arg7[%dma_start3A_2089] : memref<8192xi32, #tpu.memory_space<vmem>> -> memref<1024xi32, #tpu.memory_space<vmem>>
    %dma_start3A_2091 = tpu.memref_slice %arg17[%mul3A_2088] : memref<131072xi32, #tpu.memory_space<vmem_shared>> -> memref<1024xi32, #tpu.memory_space<vmem_shared>>
    %dma_start3A_2092 = tpu.memref_slice %arg17[%mul3A_2088] : memref<131072xi32, #tpu.memory_space<vmem_shared>> -> memref<1024xi32, #tpu.memory_space<vmem_shared>>
    %dma_start3A_2093 = arith.constant 4096 : i32
    %dma_start3A_2094 = tpu.memref_slice %arg7[%dma_start3A_2093] : memref<8192xi32, #tpu.memory_space<vmem>> -> memref<1024xi32, #tpu.memory_space<vmem>>
    tpu.enqueue_dma source(%dma_start3A_2094 : memref<1024xi32, #tpu.memory_space<vmem>>) target(%dma_start3A_2092 : memref<1024xi32, #tpu.memory_space<vmem_shared>>) target_semaphore(%arg20 : memref<!tpu.dma_semaphore, #tpu.memory_space<semaphore_mem>>)
    %add3A_2095 = arith.constant 5 : i32
    %add3A_2096 = arith.addi %mul3A_2037, %add3A_2095 : i32
    %mul3A_2097 = arith.constant 1024 : i32
    %mul3A_2098 = arith.muli %add3A_2096, %mul3A_2097 : i32
    %dma_start3A_2099 = arith.constant 5120 : i32
    %dma_start3A_2100 = tpu.memref_slice %arg7[%dma_start3A_2099] : memref<8192xi32, #tpu.memory_space<vmem>> -> memref<1024xi32, #tpu.memory_space<vmem>>
    %dma_start3A_2101 = tpu.memref_slice %arg17[%mul3A_2098] : memref<131072xi32, #tpu.memory_space<vmem_shared>> -> memref<1024xi32, #tpu.memory_space<vmem_shared>>
    %dma_start3A_2102 = tpu.memref_slice %arg17[%mul3A_2098] : memref<131072xi32, #tpu.memory_space<vmem_shared>> -> memref<1024xi32, #tpu.memory_space<vmem_shared>>
    %dma_start3A_2103 = arith.constant 5120 : i32
    %dma_start3A_2104 = tpu.memref_slice %arg7[%dma_start3A_2103] : memref<8192xi32, #tpu.memory_space<vmem>> -> memref<1024xi32, #tpu.memory_space<vmem>>
    tpu.enqueue_dma source(%dma_start3A_2104 : memref<1024xi32, #tpu.memory_space<vmem>>) target(%dma_start3A_2102 : memref<1024xi32, #tpu.memory_space<vmem_shared>>) target_semaphore(%arg20 : memref<!tpu.dma_semaphore, #tpu.memory_space<semaphore_mem>>)
    %add3A_2105 = arith.constant 6 : i32
    %add3A_2106 = arith.addi %mul3A_2037, %add3A_2105 : i32
    %mul3A_2107 = arith.constant 1024 : i32
    %mul3A_2108 = arith.muli %add3A_2106, %mul3A_2107 : i32
    %dma_start3A_2109 = arith.constant 6144 : i32
    %dma_start3A_2110 = tpu.memref_slice %arg7[%dma_start3A_2109] : memref<8192xi32, #tpu.memory_space<vmem>> -> memref<1024xi32, #tpu.memory_space<vmem>>
    %dma_start3A_2111 = tpu.memref_slice %arg17[%mul3A_2108] : memref<131072xi32, #tpu.memory_space<vmem_shared>> -> memref<1024xi32, #tpu.memory_space<vmem_shared>>
    %dma_start3A_2112 = tpu.memref_slice %arg17[%mul3A_2108] : memref<131072xi32, #tpu.memory_space<vmem_shared>> -> memref<1024xi32, #tpu.memory_space<vmem_shared>>
    %dma_start3A_2113 = arith.constant 6144 : i32
    %dma_start3A_2114 = tpu.memref_slice %arg7[%dma_start3A_2113] : memref<8192xi32, #tpu.memory_space<vmem>> -> memref<1024xi32, #tpu.memory_space<vmem>>
    tpu.enqueue_dma source(%dma_start3A_2114 : memref<1024xi32, #tpu.memory_space<vmem>>) target(%dma_start3A_2112 : memref<1024xi32, #tpu.memory_space<vmem_shared>>) target_semaphore(%arg20 : memref<!tpu.dma_semaphore, #tpu.memory_space<semaphore_mem>>)
    %add3A_2115 = arith.constant 7 : i32
    %add3A_2116 = arith.addi %mul3A_2037, %add3A_2115 : i32
    %mul3A_2117 = arith.constant 1024 : i32
    %mul3A_2118 = arith.muli %add3A_2116, %mul3A_2117 : i32
    %dma_start3A_2119 = arith.constant 7168 : i32
    %dma_start3A_2120 = tpu.memref_slice %arg7[%dma_start3A_2119] : memref<8192xi32, #tpu.memory_space<vmem>> -> memref<1024xi32, #tpu.memory_space<vmem>>
    %dma_start3A_2121 = tpu.memref_slice %arg17[%mul3A_2118] : memref<131072xi32, #tpu.memory_space<vmem_shared>> -> memref<1024xi32, #tpu.memory_space<vmem_shared>>
    %dma_start3A_2122 = tpu.memref_slice %arg17[%mul3A_2118] : memref<131072xi32, #tpu.memory_space<vmem_shared>> -> memref<1024xi32, #tpu.memory_space<vmem_shared>>
    %dma_start3A_2123 = arith.constant 7168 : i32
    %dma_start3A_2124 = tpu.memref_slice %arg7[%dma_start3A_2123] : memref<8192xi32, #tpu.memory_space<vmem>> -> memref<1024xi32, #tpu.memory_space<vmem>>
    tpu.enqueue_dma source(%dma_start3A_2124 : memref<1024xi32, #tpu.memory_space<vmem>>) target(%dma_start3A_2122 : memref<1024xi32, #tpu.memory_space<vmem_shared>>) target_semaphore(%arg20 : memref<!tpu.dma_semaphore, #tpu.memory_space<semaphore_mem>>)
    %dma_wait3A_2125 = arith.constant 0 : i32
    %dma_wait3A_2126 = tpu.memref_slice %arg7[%dma_wait3A_2125] : memref<8192xi32, #tpu.memory_space<vmem>> -> memref<1024xi32, #tpu.memory_space<vmem>>
    %dma_wait3A_2127 = tpu.memref_slice %arg17[%mul3A_2048] : memref<131072xi32, #tpu.memory_space<vmem_shared>> -> memref<1024xi32, #tpu.memory_space<vmem_shared>>
    %dma_wait3A_2128 = tpu.memref_slice %arg17[%mul3A_2048] : memref<131072xi32, #tpu.memory_space<vmem_shared>> -> memref<1024xi32, #tpu.memory_space<vmem_shared>>
    %dma_wait3A_2129 = arith.constant 0 : i32
    %dma_wait3A_2130 = tpu.memref_slice %arg7[%dma_wait3A_2129] : memref<8192xi32, #tpu.memory_space<vmem>> -> memref<1024xi32, #tpu.memory_space<vmem>>
    tpu.wait_dma2 semaphore(%arg20 : memref<!tpu.dma_semaphore, #tpu.memory_space<semaphore_mem>>) src(%dma_wait3A_2130 : memref<1024xi32, #tpu.memory_space<vmem>>) dst(%dma_wait3A_2128 : memref<1024xi32, #tpu.memory_space<vmem_shared>>)
    %dma_wait3A_2131 = arith.constant 1024 : i32
    %dma_wait3A_2132 = tpu.memref_slice %arg7[%dma_wait3A_2131] : memref<8192xi32, #tpu.memory_space<vmem>> -> memref<1024xi32, #tpu.memory_space<vmem>>
    %dma_wait3A_2133 = tpu.memref_slice %arg17[%mul3A_2058] : memref<131072xi32, #tpu.memory_space<vmem_shared>> -> memref<1024xi32, #tpu.memory_space<vmem_shared>>
    %dma_wait3A_2134 = tpu.memref_slice %arg17[%mul3A_2058] : memref<131072xi32, #tpu.memory_space<vmem_shared>> -> memref<1024xi32, #tpu.memory_space<vmem_shared>>
    %dma_wait3A_2135 = arith.constant 1024 : i32
    %dma_wait3A_2136 = tpu.memref_slice %arg7[%dma_wait3A_2135] : memref<8192xi32, #tpu.memory_space<vmem>> -> memref<1024xi32, #tpu.memory_space<vmem>>
    tpu.wait_dma2 semaphore(%arg20 : memref<!tpu.dma_semaphore, #tpu.memory_space<semaphore_mem>>) src(%dma_wait3A_2136 : memref<1024xi32, #tpu.memory_space<vmem>>) dst(%dma_wait3A_2134 : memref<1024xi32, #tpu.memory_space<vmem_shared>>)
    %dma_wait3A_2137 = arith.constant 2048 : i32
    %dma_wait3A_2138 = tpu.memref_slice %arg7[%dma_wait3A_2137] : memref<8192xi32, #tpu.memory_space<vmem>> -> memref<1024xi32, #tpu.memory_space<vmem>>
    %dma_wait3A_2139 = tpu.memref_slice %arg17[%mul3A_2068] : memref<131072xi32, #tpu.memory_space<vmem_shared>> -> memref<1024xi32, #tpu.memory_space<vmem_shared>>
    %dma_wait3A_2140 = tpu.memref_slice %arg17[%mul3A_2068] : memref<131072xi32, #tpu.memory_space<vmem_shared>> -> memref<1024xi32, #tpu.memory_space<vmem_shared>>
    %dma_wait3A_2141 = arith.constant 2048 : i32
    %dma_wait3A_2142 = tpu.memref_slice %arg7[%dma_wait3A_2141] : memref<8192xi32, #tpu.memory_space<vmem>> -> memref<1024xi32, #tpu.memory_space<vmem>>
    tpu.wait_dma2 semaphore(%arg20 : memref<!tpu.dma_semaphore, #tpu.memory_space<semaphore_mem>>) src(%dma_wait3A_2142 : memref<1024xi32, #tpu.memory_space<vmem>>) dst(%dma_wait3A_2140 : memref<1024xi32, #tpu.memory_space<vmem_shared>>)
    %dma_wait3A_2143 = arith.constant 3072 : i32
    %dma_wait3A_2144 = tpu.memref_slice %arg7[%dma_wait3A_2143] : memref<8192xi32, #tpu.memory_space<vmem>> -> memref<1024xi32, #tpu.memory_space<vmem>>
    %dma_wait3A_2145 = tpu.memref_slice %arg17[%mul3A_2078] : memref<131072xi32, #tpu.memory_space<vmem_shared>> -> memref<1024xi32, #tpu.memory_space<vmem_shared>>
    %dma_wait3A_2146 = tpu.memref_slice %arg17[%mul3A_2078] : memref<131072xi32, #tpu.memory_space<vmem_shared>> -> memref<1024xi32, #tpu.memory_space<vmem_shared>>
    %dma_wait3A_2147 = arith.constant 3072 : i32
    %dma_wait3A_2148 = tpu.memref_slice %arg7[%dma_wait3A_2147] : memref<8192xi32, #tpu.memory_space<vmem>> -> memref<1024xi32, #tpu.memory_space<vmem>>
    tpu.wait_dma2 semaphore(%arg20 : memref<!tpu.dma_semaphore, #tpu.memory_space<semaphore_mem>>) src(%dma_wait3A_2148 : memref<1024xi32, #tpu.memory_space<vmem>>) dst(%dma_wait3A_2146 : memref<1024xi32, #tpu.memory_space<vmem_shared>>)
    %dma_wait3A_2149 = arith.constant 4096 : i32
    %dma_wait3A_2150 = tpu.memref_slice %arg7[%dma_wait3A_2149] : memref<8192xi32, #tpu.memory_space<vmem>> -> memref<1024xi32, #tpu.memory_space<vmem>>
    %dma_wait3A_2151 = tpu.memref_slice %arg17[%mul3A_2088] : memref<131072xi32, #tpu.memory_space<vmem_shared>> -> memref<1024xi32, #tpu.memory_space<vmem_shared>>
    %dma_wait3A_2152 = tpu.memref_slice %arg17[%mul3A_2088] : memref<131072xi32, #tpu.memory_space<vmem_shared>> -> memref<1024xi32, #tpu.memory_space<vmem_shared>>
    %dma_wait3A_2153 = arith.constant 4096 : i32
    %dma_wait3A_2154 = tpu.memref_slice %arg7[%dma_wait3A_2153] : memref<8192xi32, #tpu.memory_space<vmem>> -> memref<1024xi32, #tpu.memory_space<vmem>>
    tpu.wait_dma2 semaphore(%arg20 : memref<!tpu.dma_semaphore, #tpu.memory_space<semaphore_mem>>) src(%dma_wait3A_2154 : memref<1024xi32, #tpu.memory_space<vmem>>) dst(%dma_wait3A_2152 : memref<1024xi32, #tpu.memory_space<vmem_shared>>)
    %dma_wait3A_2155 = arith.constant 5120 : i32
    %dma_wait3A_2156 = tpu.memref_slice %arg7[%dma_wait3A_2155] : memref<8192xi32, #tpu.memory_space<vmem>> -> memref<1024xi32, #tpu.memory_space<vmem>>
    %dma_wait3A_2157 = tpu.memref_slice %arg17[%mul3A_2098] : memref<131072xi32, #tpu.memory_space<vmem_shared>> -> memref<1024xi32, #tpu.memory_space<vmem_shared>>
    %dma_wait3A_2158 = tpu.memref_slice %arg17[%mul3A_2098] : memref<131072xi32, #tpu.memory_space<vmem_shared>> -> memref<1024xi32, #tpu.memory_space<vmem_shared>>
    %dma_wait3A_2159 = arith.constant 5120 : i32
    %dma_wait3A_2160 = tpu.memref_slice %arg7[%dma_wait3A_2159] : memref<8192xi32, #tpu.memory_space<vmem>> -> memref<1024xi32, #tpu.memory_space<vmem>>
    tpu.wait_dma2 semaphore(%arg20 : memref<!tpu.dma_semaphore, #tpu.memory_space<semaphore_mem>>) src(%dma_wait3A_2160 : memref<1024xi32, #tpu.memory_space<vmem>>) dst(%dma_wait3A_2158 : memref<1024xi32, #tpu.memory_space<vmem_shared>>)
    %dma_wait3A_2161 = arith.constant 6144 : i32
    %dma_wait3A_2162 = tpu.memref_slice %arg7[%dma_wait3A_2161] : memref<8192xi32, #tpu.memory_space<vmem>> -> memref<1024xi32, #tpu.memory_space<vmem>>
    %dma_wait3A_2163 = tpu.memref_slice %arg17[%mul3A_2108] : memref<131072xi32, #tpu.memory_space<vmem_shared>> -> memref<1024xi32, #tpu.memory_space<vmem_shared>>
    %dma_wait3A_2164 = tpu.memref_slice %arg17[%mul3A_2108] : memref<131072xi32, #tpu.memory_space<vmem_shared>> -> memref<1024xi32, #tpu.memory_space<vmem_shared>>
    %dma_wait3A_2165 = arith.constant 6144 : i32
    %dma_wait3A_2166 = tpu.memref_slice %arg7[%dma_wait3A_2165] : memref<8192xi32, #tpu.memory_space<vmem>> -> memref<1024xi32, #tpu.memory_space<vmem>>
    tpu.wait_dma2 semaphore(%arg20 : memref<!tpu.dma_semaphore, #tpu.memory_space<semaphore_mem>>) src(%dma_wait3A_2166 : memref<1024xi32, #tpu.memory_space<vmem>>) dst(%dma_wait3A_2164 : memref<1024xi32, #tpu.memory_space<vmem_shared>>)
    %dma_wait3A_2167 = arith.constant 7168 : i32
    %dma_wait3A_2168 = tpu.memref_slice %arg7[%dma_wait3A_2167] : memref<8192xi32, #tpu.memory_space<vmem>> -> memref<1024xi32, #tpu.memory_space<vmem>>
    %dma_wait3A_2169 = tpu.memref_slice %arg17[%mul3A_2118] : memref<131072xi32, #tpu.memory_space<vmem_shared>> -> memref<1024xi32, #tpu.memory_space<vmem_shared>>
    %dma_wait3A_2170 = tpu.memref_slice %arg17[%mul3A_2118] : memref<131072xi32, #tpu.memory_space<vmem_shared>> -> memref<1024xi32, #tpu.memory_space<vmem_shared>>
    %dma_wait3A_2171 = arith.constant 7168 : i32
    %dma_wait3A_2172 = tpu.memref_slice %arg7[%dma_wait3A_2171] : memref<8192xi32, #tpu.memory_space<vmem>> -> memref<1024xi32, #tpu.memory_space<vmem>>
    tpu.wait_dma2 semaphore(%arg20 : memref<!tpu.dma_semaphore, #tpu.memory_space<semaphore_mem>>) src(%dma_wait3A_2172 : memref<1024xi32, #tpu.memory_space<vmem>>) dst(%dma_wait3A_2170 : memref<1024xi32, #tpu.memory_space<vmem_shared>>)
    %barrier3A_2173 = arith.constant 0 : index
    tpu.barrier barrier_id(%barrier3A_2173)
    %scan3A_2174 = arith.constant 0 : i32
    %scan3A_2175 = arith.constant 0 : i32
    %scan3A_2176 = arith.constant 8 : i32
    %scan3A_2177 = arith.addi %scan3A_2175, %scan3A_2176 : i32
    %scan3A_2178 = arith.constant 1 : i32
    %scan3A_2179 = scf.for %scan3A_2415 = %scan3A_2175 to %scan3A_2177 step %scan3A_2178 iter_args(%scan3A_2416 = %scan3A_2174) -> (i32)  : i32 {
      %mul3A_2417 = arith.constant 8 : i32
      %mul3A_2418 = arith.muli %arg1, %mul3A_2417 : i32
      %add3A_2419 = arith.addi %mul3A_2418, %scan3A_2415 : i32
      %add3A_2420 = vector.broadcast %add3A_2419 : i32 to vector<16xi32>
      %add3A_2421 = arith.addi %broadcast_in_dim3A_2, %add3A_2420 : vector<16xi32>
      %gather3A_2422 = tpu.vector_load_idx %arg6[%add3A_2421] : memref<256xi32, #tpu.memory_space<vmem>>[vector<16xi32>], vector<16xi32>,
      %mul3A_2423 = arith.constant 1024 : i32
      %mul3A_2424 = vector.broadcast %mul3A_2423 : i32 to vector<16xi32>
      %mul3A_2425 = arith.muli %gather3A_2422, %mul3A_2424 : vector<16xi32>
      %mul3A_2426 = arith.constant 128 : i32
      %mul3A_2427 = arith.muli %add3A_2419, %mul3A_2426 : i32
      %add3A_2428 = arith.constant 0 : i32
      %add3A_2429 = arith.addi %mul3A_2427, %add3A_2428 : i32
      %get3A_2430 = arith.index_cast %add3A_2429 : i32 to index
      %get3A_2431 = tpu.vector_load %arg4[%get3A_2430] {strides = array<i32>} : memref<16384xf32, #tpu.memory_space<vmem>>, vector<16xf32>,
      %convert_element_type3A_2432 = arith.fptosi %get3A_2431 : vector<16xf32> to vector<16xi32>
      %mul3A_2433 = arith.constant 128 : i32
      %mul3A_2434 = vector.broadcast %mul3A_2433 : i32 to vector<16xi32>
      %mul3A_2435 = arith.muli %convert_element_type3A_2432, %mul3A_2434 : vector<16xi32>
      %add3A_2436 = arith.addi %mul3A_2435, %get3A_20 : vector<16xi32>
      %add3A_2437 = arith.addi %add3A_2436, %mul3A_2425 : vector<16xi32>
      %mul3A_2438 = arith.constant 128 : i32
      %mul3A_2439 = arith.muli %scan3A_2415, %mul3A_2438 : i32
      %add3A_2440 = arith.constant 0 : i32
      %add3A_2441 = arith.addi %mul3A_2439, %add3A_2440 : i32
      %swap3A_2442 = arith.index_cast %add3A_2441 : i32 to index
      %swap3A_2443 = tpu.vector_load %arg8[%swap3A_2442] {strides = array<i32>} : memref<1024xi32, #tpu.memory_space<vmem>>, vector<16xi32>,
      tpu.vector_store %arg8[%swap3A_2442], %add3A_2437 {strides = array<i32>} : memref<1024xi32, #tpu.memory_space<vmem>>, vector<16xi32>,
      %mul3A_2444 = arith.constant 128 : i32
      %mul3A_2445 = arith.muli %add3A_2419, %mul3A_2444 : i32
      %add3A_2446 = arith.constant 16 : i32
      %add3A_2447 = arith.addi %mul3A_2445, %add3A_2446 : i32
      %get3A_2448 = arith.index_cast %add3A_2447 : i32 to index
      %get3A_2449 = tpu.vector_load %arg4[%get3A_2448] {strides = array<i32>} : memref<16384xf32, #tpu.memory_space<vmem>>, vector<16xf32>,
      %convert_element_type3A_2450 = arith.fptosi %get3A_2449 : vector<16xf32> to vector<16xi32>
      %mul3A_2451 = arith.constant 128 : i32
      %mul3A_2452 = vector.broadcast %mul3A_2451 : i32 to vector<16xi32>
      %mul3A_2453 = arith.muli %convert_element_type3A_2450, %mul3A_2452 : vector<16xi32>
      %add3A_2454 = arith.addi %mul3A_2453, %get3A_22 : vector<16xi32>
      %add3A_2455 = arith.addi %add3A_2454, %mul3A_2425 : vector<16xi32>
      %mul3A_2456 = arith.constant 128 : i32
      %mul3A_2457 = arith.muli %scan3A_2415, %mul3A_2456 : i32
      %add3A_2458 = arith.constant 16 : i32
      %add3A_2459 = arith.addi %mul3A_2457, %add3A_2458 : i32
      %swap3A_2460 = arith.index_cast %add3A_2459 : i32 to index
      %swap3A_2461 = tpu.vector_load %arg8[%swap3A_2460] {strides = array<i32>} : memref<1024xi32, #tpu.memory_space<vmem>>, vector<16xi32>,
      tpu.vector_store %arg8[%swap3A_2460], %add3A_2455 {strides = array<i32>} : memref<1024xi32, #tpu.memory_space<vmem>>, vector<16xi32>,
      %mul3A_2462 = arith.constant 128 : i32
      %mul3A_2463 = arith.muli %add3A_2419, %mul3A_2462 : i32
      %add3A_2464 = arith.constant 32 : i32
      %add3A_2465 = arith.addi %mul3A_2463, %add3A_2464 : i32
      %get3A_2466 = arith.index_cast %add3A_2465 : i32 to index
      %get3A_2467 = tpu.vector_load %arg4[%get3A_2466] {strides = array<i32>} : memref<16384xf32, #tpu.memory_space<vmem>>, vector<16xf32>,
      %convert_element_type3A_2468 = arith.fptosi %get3A_2467 : vector<16xf32> to vector<16xi32>
      %mul3A_2469 = arith.constant 128 : i32
      %mul3A_2470 = vector.broadcast %mul3A_2469 : i32 to vector<16xi32>
      %mul3A_2471 = arith.muli %convert_element_type3A_2468, %mul3A_2470 : vector<16xi32>
      %add3A_2472 = arith.addi %mul3A_2471, %get3A_24 : vector<16xi32>
      %add3A_2473 = arith.addi %add3A_2472, %mul3A_2425 : vector<16xi32>
      %mul3A_2474 = arith.constant 128 : i32
      %mul3A_2475 = arith.muli %scan3A_2415, %mul3A_2474 : i32
      %add3A_2476 = arith.constant 32 : i32
      %add3A_2477 = arith.addi %mul3A_2475, %add3A_2476 : i32
      %swap3A_2478 = arith.index_cast %add3A_2477 : i32 to index
      %swap3A_2479 = tpu.vector_load %arg8[%swap3A_2478] {strides = array<i32>} : memref<1024xi32, #tpu.memory_space<vmem>>, vector<16xi32>,
      tpu.vector_store %arg8[%swap3A_2478], %add3A_2473 {strides = array<i32>} : memref<1024xi32, #tpu.memory_space<vmem>>, vector<16xi32>,
      %mul3A_2480 = arith.constant 128 : i32
      %mul3A_2481 = arith.muli %add3A_2419, %mul3A_2480 : i32
      %add3A_2482 = arith.constant 48 : i32
      %add3A_2483 = arith.addi %mul3A_2481, %add3A_2482 : i32
      %get3A_2484 = arith.index_cast %add3A_2483 : i32 to index
      %get3A_2485 = tpu.vector_load %arg4[%get3A_2484] {strides = array<i32>} : memref<16384xf32, #tpu.memory_space<vmem>>, vector<16xf32>,
      %convert_element_type3A_2486 = arith.fptosi %get3A_2485 : vector<16xf32> to vector<16xi32>
      %mul3A_2487 = arith.constant 128 : i32
      %mul3A_2488 = vector.broadcast %mul3A_2487 : i32 to vector<16xi32>
      %mul3A_2489 = arith.muli %convert_element_type3A_2486, %mul3A_2488 : vector<16xi32>
      %add3A_2490 = arith.addi %mul3A_2489, %get3A_26 : vector<16xi32>
      %add3A_2491 = arith.addi %add3A_2490, %mul3A_2425 : vector<16xi32>
      %mul3A_2492 = arith.constant 128 : i32
      %mul3A_2493 = arith.muli %scan3A_2415, %mul3A_2492 : i32
      %add3A_2494 = arith.constant 48 : i32
      %add3A_2495 = arith.addi %mul3A_2493, %add3A_2494 : i32
      %swap3A_2496 = arith.index_cast %add3A_2495 : i32 to index
      %swap3A_2497 = tpu.vector_load %arg8[%swap3A_2496] {strides = array<i32>} : memref<1024xi32, #tpu.memory_space<vmem>>, vector<16xi32>,
      tpu.vector_store %arg8[%swap3A_2496], %add3A_2491 {strides = array<i32>} : memref<1024xi32, #tpu.memory_space<vmem>>, vector<16xi32>,
      %mul3A_2498 = arith.constant 128 : i32
      %mul3A_2499 = arith.muli %add3A_2419, %mul3A_2498 : i32
      %add3A_2500 = arith.constant 64 : i32
      %add3A_2501 = arith.addi %mul3A_2499, %add3A_2500 : i32
      %get3A_2502 = arith.index_cast %add3A_2501 : i32 to index
      %get3A_2503 = tpu.vector_load %arg4[%get3A_2502] {strides = array<i32>} : memref<16384xf32, #tpu.memory_space<vmem>>, vector<16xf32>,
      %convert_element_type3A_2504 = arith.fptosi %get3A_2503 : vector<16xf32> to vector<16xi32>
      %mul3A_2505 = arith.constant 128 : i32
      %mul3A_2506 = vector.broadcast %mul3A_2505 : i32 to vector<16xi32>
      %mul3A_2507 = arith.muli %convert_element_type3A_2504, %mul3A_2506 : vector<16xi32>
      %add3A_2508 = arith.addi %mul3A_2507, %get3A_28 : vector<16xi32>
      %add3A_2509 = arith.addi %add3A_2508, %mul3A_2425 : vector<16xi32>
      %mul3A_2510 = arith.constant 128 : i32
      %mul3A_2511 = arith.muli %scan3A_2415, %mul3A_2510 : i32
      %add3A_2512 = arith.constant 64 : i32
      %add3A_2513 = arith.addi %mul3A_2511, %add3A_2512 : i32
      %swap3A_2514 = arith.index_cast %add3A_2513 : i32 to index
      %swap3A_2515 = tpu.vector_load %arg8[%swap3A_2514] {strides = array<i32>} : memref<1024xi32, #tpu.memory_space<vmem>>, vector<16xi32>,
      tpu.vector_store %arg8[%swap3A_2514], %add3A_2509 {strides = array<i32>} : memref<1024xi32, #tpu.memory_space<vmem>>, vector<16xi32>,
      %mul3A_2516 = arith.constant 128 : i32
      %mul3A_2517 = arith.muli %add3A_2419, %mul3A_2516 : i32
      %add3A_2518 = arith.constant 80 : i32
      %add3A_2519 = arith.addi %mul3A_2517, %add3A_2518 : i32
      %get3A_2520 = arith.index_cast %add3A_2519 : i32 to index
      %get3A_2521 = tpu.vector_load %arg4[%get3A_2520] {strides = array<i32>} : memref<16384xf32, #tpu.memory_space<vmem>>, vector<16xf32>,
      %convert_element_type3A_2522 = arith.fptosi %get3A_2521 : vector<16xf32> to vector<16xi32>
      %mul3A_2523 = arith.constant 128 : i32
      %mul3A_2524 = vector.broadcast %mul3A_2523 : i32 to vector<16xi32>
      %mul3A_2525 = arith.muli %convert_element_type3A_2522, %mul3A_2524 : vector<16xi32>
      %add3A_2526 = arith.addi %mul3A_2525, %get3A_30 : vector<16xi32>
      %add3A_2527 = arith.addi %add3A_2526, %mul3A_2425 : vector<16xi32>
      %mul3A_2528 = arith.constant 128 : i32
      %mul3A_2529 = arith.muli %scan3A_2415, %mul3A_2528 : i32
      %add3A_2530 = arith.constant 80 : i32
      %add3A_2531 = arith.addi %mul3A_2529, %add3A_2530 : i32
      %swap3A_2532 = arith.index_cast %add3A_2531 : i32 to index
      %swap3A_2533 = tpu.vector_load %arg8[%swap3A_2532] {strides = array<i32>} : memref<1024xi32, #tpu.memory_space<vmem>>, vector<16xi32>,
      tpu.vector_store %arg8[%swap3A_2532], %add3A_2527 {strides = array<i32>} : memref<1024xi32, #tpu.memory_space<vmem>>, vector<16xi32>,
      %mul3A_2534 = arith.constant 128 : i32
      %mul3A_2535 = arith.muli %add3A_2419, %mul3A_2534 : i32
      %add3A_2536 = arith.constant 96 : i32
      %add3A_2537 = arith.addi %mul3A_2535, %add3A_2536 : i32
      %get3A_2538 = arith.index_cast %add3A_2537 : i32 to index
      %get3A_2539 = tpu.vector_load %arg4[%get3A_2538] {strides = array<i32>} : memref<16384xf32, #tpu.memory_space<vmem>>, vector<16xf32>,
      %convert_element_type3A_2540 = arith.fptosi %get3A_2539 : vector<16xf32> to vector<16xi32>
      %mul3A_2541 = arith.constant 128 : i32
      %mul3A_2542 = vector.broadcast %mul3A_2541 : i32 to vector<16xi32>
      %mul3A_2543 = arith.muli %convert_element_type3A_2540, %mul3A_2542 : vector<16xi32>
      %add3A_2544 = arith.addi %mul3A_2543, %get3A_32 : vector<16xi32>
      %add3A_2545 = arith.addi %add3A_2544, %mul3A_2425 : vector<16xi32>
      %mul3A_2546 = arith.constant 128 : i32
      %mul3A_2547 = arith.muli %scan3A_2415, %mul3A_2546 : i32
      %add3A_2548 = arith.constant 96 : i32
      %add3A_2549 = arith.addi %mul3A_2547, %add3A_2548 : i32
      %swap3A_2550 = arith.index_cast %add3A_2549 : i32 to index
      %swap3A_2551 = tpu.vector_load %arg8[%swap3A_2550] {strides = array<i32>} : memref<1024xi32, #tpu.memory_space<vmem>>, vector<16xi32>,
      tpu.vector_store %arg8[%swap3A_2550], %add3A_2545 {strides = array<i32>} : memref<1024xi32, #tpu.memory_space<vmem>>, vector<16xi32>,
      %mul3A_2552 = arith.constant 128 : i32
      %mul3A_2553 = arith.muli %add3A_2419, %mul3A_2552 : i32
      %add3A_2554 = arith.constant 112 : i32
      %add3A_2555 = arith.addi %mul3A_2553, %add3A_2554 : i32
      %get3A_2556 = arith.index_cast %add3A_2555 : i32 to index
      %get3A_2557 = tpu.vector_load %arg4[%get3A_2556] {strides = array<i32>} : memref<16384xf32, #tpu.memory_space<vmem>>, vector<16xf32>,
      %convert_element_type3A_2558 = arith.fptosi %get3A_2557 : vector<16xf32> to vector<16xi32>
      %mul3A_2559 = arith.constant 128 : i32
      %mul3A_2560 = vector.broadcast %mul3A_2559 : i32 to vector<16xi32>
      %mul3A_2561 = arith.muli %convert_element_type3A_2558, %mul3A_2560 : vector<16xi32>
      %add3A_2562 = arith.addi %mul3A_2561, %get3A_34 : vector<16xi32>
      %add3A_2563 = arith.addi %add3A_2562, %mul3A_2425 : vector<16xi32>
      %mul3A_2564 = arith.constant 128 : i32
      %mul3A_2565 = arith.muli %scan3A_2415, %mul3A_2564 : i32
      %add3A_2566 = arith.constant 112 : i32
      %add3A_2567 = arith.addi %mul3A_2565, %add3A_2566 : i32
      %swap3A_2568 = arith.index_cast %add3A_2567 : i32 to index
      %swap3A_2569 = tpu.vector_load %arg8[%swap3A_2568] {strides = array<i32>} : memref<1024xi32, #tpu.memory_space<vmem>>, vector<16xi32>,
      tpu.vector_store %arg8[%swap3A_2568], %add3A_2563 {strides = array<i32>} : memref<1024xi32, #tpu.memory_space<vmem>>, vector<16xi32>,
      %scan3A_2570 = arith.constant 0 : i32
      scf.yield %scan3A_2570 : i32
    }
    %scan3A_2180 = arith.constant 8 : i32
    %dma_start3A_2181 = arith.constant 0 : i32
    %dma_start3A_2182 = tpu.memref_slice %arg9[%dma_start3A_2181] : memref<1024xi32, #tpu.memory_space<vmem>> -> memref<128xi32, #tpu.memory_space<vmem>>
    %dma_start3A_2183 = arith.constant 0 : i32
    %dma_start3A_2184 = tpu.memref_slice %arg8[%dma_start3A_2183] : memref<1024xi32, #tpu.memory_space<vmem>> -> memref<128xi32, #tpu.memory_space<vmem>>
    %dma_start3A_2185 = arith.constant 0 : i32
    %dma_start3A_2186 = tpu.memref_slice %arg17[%dma_start3A_2185] : memref<131072xi32, #tpu.memory_space<vmem_shared>> -> memref<131072xi32, #tpu.memory_space<vmem_shared>>
    tpu.enqueue_indirect_dma source(%dma_start3A_2186 : memref<131072xi32, #tpu.memory_space<vmem_shared>>) target(%dma_start3A_2182 : memref<128xi32, #tpu.memory_space<vmem>>) offsets(%dma_start3A_2184 : memref<128xi32, #tpu.memory_space<vmem>>) semaphore(%arg20 : memref<!tpu.dma_semaphore, #tpu.memory_space<semaphore_mem>>)
    %dma_start3A_2187 = arith.constant 128 : i32
    %dma_start3A_2188 = tpu.memref_slice %arg9[%dma_start3A_2187] : memref<1024xi32, #tpu.memory_space<vmem>> -> memref<128xi32, #tpu.memory_space<vmem>>
    %dma_start3A_2189 = arith.constant 128 : i32
    %dma_start3A_2190 = tpu.memref_slice %arg8[%dma_start3A_2189] : memref<1024xi32, #tpu.memory_space<vmem>> -> memref<128xi32, #tpu.memory_space<vmem>>
    %dma_start3A_2191 = arith.constant 0 : i32
    %dma_start3A_2192 = tpu.memref_slice %arg17[%dma_start3A_2191] : memref<131072xi32, #tpu.memory_space<vmem_shared>> -> memref<131072xi32, #tpu.memory_space<vmem_shared>>
    tpu.enqueue_indirect_dma source(%dma_start3A_2192 : memref<131072xi32, #tpu.memory_space<vmem_shared>>) target(%dma_start3A_2188 : memref<128xi32, #tpu.memory_space<vmem>>) offsets(%dma_start3A_2190 : memref<128xi32, #tpu.memory_space<vmem>>) semaphore(%arg20 : memref<!tpu.dma_semaphore, #tpu.memory_space<semaphore_mem>>)
    %dma_start3A_2193 = arith.constant 256 : i32
    %dma_start3A_2194 = tpu.memref_slice %arg9[%dma_start3A_2193] : memref<1024xi32, #tpu.memory_space<vmem>> -> memref<128xi32, #tpu.memory_space<vmem>>
    %dma_start3A_2195 = arith.constant 256 : i32
    %dma_start3A_2196 = tpu.memref_slice %arg8[%dma_start3A_2195] : memref<1024xi32, #tpu.memory_space<vmem>> -> memref<128xi32, #tpu.memory_space<vmem>>
    %dma_start3A_2197 = arith.constant 0 : i32
    %dma_start3A_2198 = tpu.memref_slice %arg17[%dma_start3A_2197] : memref<131072xi32, #tpu.memory_space<vmem_shared>> -> memref<131072xi32, #tpu.memory_space<vmem_shared>>
    tpu.enqueue_indirect_dma source(%dma_start3A_2198 : memref<131072xi32, #tpu.memory_space<vmem_shared>>) target(%dma_start3A_2194 : memref<128xi32, #tpu.memory_space<vmem>>) offsets(%dma_start3A_2196 : memref<128xi32, #tpu.memory_space<vmem>>) semaphore(%arg20 : memref<!tpu.dma_semaphore, #tpu.memory_space<semaphore_mem>>)
    %dma_start3A_2199 = arith.constant 384 : i32
    %dma_start3A_2200 = tpu.memref_slice %arg9[%dma_start3A_2199] : memref<1024xi32, #tpu.memory_space<vmem>> -> memref<128xi32, #tpu.memory_space<vmem>>
    %dma_start3A_2201 = arith.constant 384 : i32
    %dma_start3A_2202 = tpu.memref_slice %arg8[%dma_start3A_2201] : memref<1024xi32, #tpu.memory_space<vmem>> -> memref<128xi32, #tpu.memory_space<vmem>>
    %dma_start3A_2203 = arith.constant 0 : i32
    %dma_start3A_2204 = tpu.memref_slice %arg17[%dma_start3A_2203] : memref<131072xi32, #tpu.memory_space<vmem_shared>> -> memref<131072xi32, #tpu.memory_space<vmem_shared>>
    tpu.enqueue_indirect_dma source(%dma_start3A_2204 : memref<131072xi32, #tpu.memory_space<vmem_shared>>) target(%dma_start3A_2200 : memref<128xi32, #tpu.memory_space<vmem>>) offsets(%dma_start3A_2202 : memref<128xi32, #tpu.memory_space<vmem>>) semaphore(%arg20 : memref<!tpu.dma_semaphore, #tpu.memory_space<semaphore_mem>>)
    %dma_start3A_2205 = arith.constant 512 : i32
    %dma_start3A_2206 = tpu.memref_slice %arg9[%dma_start3A_2205] : memref<1024xi32, #tpu.memory_space<vmem>> -> memref<128xi32, #tpu.memory_space<vmem>>
    %dma_start3A_2207 = arith.constant 512 : i32
    %dma_start3A_2208 = tpu.memref_slice %arg8[%dma_start3A_2207] : memref<1024xi32, #tpu.memory_space<vmem>> -> memref<128xi32, #tpu.memory_space<vmem>>
    %dma_start3A_2209 = arith.constant 0 : i32
    %dma_start3A_2210 = tpu.memref_slice %arg17[%dma_start3A_2209] : memref<131072xi32, #tpu.memory_space<vmem_shared>> -> memref<131072xi32, #tpu.memory_space<vmem_shared>>
    tpu.enqueue_indirect_dma source(%dma_start3A_2210 : memref<131072xi32, #tpu.memory_space<vmem_shared>>) target(%dma_start3A_2206 : memref<128xi32, #tpu.memory_space<vmem>>) offsets(%dma_start3A_2208 : memref<128xi32, #tpu.memory_space<vmem>>) semaphore(%arg20 : memref<!tpu.dma_semaphore, #tpu.memory_space<semaphore_mem>>)
    %dma_start3A_2211 = arith.constant 640 : i32
    %dma_start3A_2212 = tpu.memref_slice %arg9[%dma_start3A_2211] : memref<1024xi32, #tpu.memory_space<vmem>> -> memref<128xi32, #tpu.memory_space<vmem>>
    %dma_start3A_2213 = arith.constant 640 : i32
    %dma_start3A_2214 = tpu.memref_slice %arg8[%dma_start3A_2213] : memref<1024xi32, #tpu.memory_space<vmem>> -> memref<128xi32, #tpu.memory_space<vmem>>
    %dma_start3A_2215 = arith.constant 0 : i32
    %dma_start3A_2216 = tpu.memref_slice %arg17[%dma_start3A_2215] : memref<131072xi32, #tpu.memory_space<vmem_shared>> -> memref<131072xi32, #tpu.memory_space<vmem_shared>>
    tpu.enqueue_indirect_dma source(%dma_start3A_2216 : memref<131072xi32, #tpu.memory_space<vmem_shared>>) target(%dma_start3A_2212 : memref<128xi32, #tpu.memory_space<vmem>>) offsets(%dma_start3A_2214 : memref<128xi32, #tpu.memory_space<vmem>>) semaphore(%arg20 : memref<!tpu.dma_semaphore, #tpu.memory_space<semaphore_mem>>)
    %dma_start3A_2217 = arith.constant 768 : i32
    %dma_start3A_2218 = tpu.memref_slice %arg9[%dma_start3A_2217] : memref<1024xi32, #tpu.memory_space<vmem>> -> memref<128xi32, #tpu.memory_space<vmem>>
    %dma_start3A_2219 = arith.constant 768 : i32
    %dma_start3A_2220 = tpu.memref_slice %arg8[%dma_start3A_2219] : memref<1024xi32, #tpu.memory_space<vmem>> -> memref<128xi32, #tpu.memory_space<vmem>>
    %dma_start3A_2221 = arith.constant 0 : i32
    %dma_start3A_2222 = tpu.memref_slice %arg17[%dma_start3A_2221] : memref<131072xi32, #tpu.memory_space<vmem_shared>> -> memref<131072xi32, #tpu.memory_space<vmem_shared>>
    tpu.enqueue_indirect_dma source(%dma_start3A_2222 : memref<131072xi32, #tpu.memory_space<vmem_shared>>) target(%dma_start3A_2218 : memref<128xi32, #tpu.memory_space<vmem>>) offsets(%dma_start3A_2220 : memref<128xi32, #tpu.memory_space<vmem>>) semaphore(%arg20 : memref<!tpu.dma_semaphore, #tpu.memory_space<semaphore_mem>>)
    %dma_start3A_2223 = arith.constant 896 : i32
    %dma_start3A_2224 = tpu.memref_slice %arg9[%dma_start3A_2223] : memref<1024xi32, #tpu.memory_space<vmem>> -> memref<128xi32, #tpu.memory_space<vmem>>
    %dma_start3A_2225 = arith.constant 896 : i32
    %dma_start3A_2226 = tpu.memref_slice %arg8[%dma_start3A_2225] : memref<1024xi32, #tpu.memory_space<vmem>> -> memref<128xi32, #tpu.memory_space<vmem>>
    %dma_start3A_2227 = arith.constant 0 : i32
    %dma_start3A_2228 = tpu.memref_slice %arg17[%dma_start3A_2227] : memref<131072xi32, #tpu.memory_space<vmem_shared>> -> memref<131072xi32, #tpu.memory_space<vmem_shared>>
    tpu.enqueue_indirect_dma source(%dma_start3A_2228 : memref<131072xi32, #tpu.memory_space<vmem_shared>>) target(%dma_start3A_2224 : memref<128xi32, #tpu.memory_space<vmem>>) offsets(%dma_start3A_2226 : memref<128xi32, #tpu.memory_space<vmem>>) semaphore(%arg20 : memref<!tpu.dma_semaphore, #tpu.memory_space<semaphore_mem>>)
    %dma_wait3A_2229 = arith.constant 0 : i32
    %dma_wait3A_2230 = tpu.memref_slice %arg9[%dma_wait3A_2229] : memref<1024xi32, #tpu.memory_space<vmem>> -> memref<128xi32, #tpu.memory_space<vmem>>
    %dma_wait3A_2231 = arith.constant 0 : i32
    %dma_wait3A_2232 = tpu.memref_slice %arg8[%dma_wait3A_2231] : memref<1024xi32, #tpu.memory_space<vmem>> -> memref<128xi32, #tpu.memory_space<vmem>>
    %dma_wait3A_2233 = arith.constant 0 : i32
    %dma_wait3A_2234 = tpu.memref_slice %arg17[%dma_wait3A_2233] : memref<131072xi32, #tpu.memory_space<vmem_shared>> -> memref<131072xi32, #tpu.memory_space<vmem_shared>>
    tpu.wait_indirect_dma semaphore(%arg20 : memref<!tpu.dma_semaphore, #tpu.memory_space<semaphore_mem>>) src(%dma_wait3A_2234 : memref<131072xi32, #tpu.memory_space<vmem_shared>>) dst(%dma_wait3A_2230 : memref<128xi32, #tpu.memory_space<vmem>>)
    %dma_wait3A_2235 = arith.constant 128 : i32
    %dma_wait3A_2236 = tpu.memref_slice %arg9[%dma_wait3A_2235] : memref<1024xi32, #tpu.memory_space<vmem>> -> memref<128xi32, #tpu.memory_space<vmem>>
    %dma_wait3A_2237 = arith.constant 128 : i32
    %dma_wait3A_2238 = tpu.memref_slice %arg8[%dma_wait3A_2237] : memref<1024xi32, #tpu.memory_space<vmem>> -> memref<128xi32, #tpu.memory_space<vmem>>
    %dma_wait3A_2239 = arith.constant 0 : i32
    %dma_wait3A_2240 = tpu.memref_slice %arg17[%dma_wait3A_2239] : memref<131072xi32, #tpu.memory_space<vmem_shared>> -> memref<131072xi32, #tpu.memory_space<vmem_shared>>
    tpu.wait_indirect_dma semaphore(%arg20 : memref<!tpu.dma_semaphore, #tpu.memory_space<semaphore_mem>>) src(%dma_wait3A_2240 : memref<131072xi32, #tpu.memory_space<vmem_shared>>) dst(%dma_wait3A_2236 : memref<128xi32, #tpu.memory_space<vmem>>)
    %dma_wait3A_2241 = arith.constant 256 : i32
    %dma_wait3A_2242 = tpu.memref_slice %arg9[%dma_wait3A_2241] : memref<1024xi32, #tpu.memory_space<vmem>> -> memref<128xi32, #tpu.memory_space<vmem>>
    %dma_wait3A_2243 = arith.constant 256 : i32
    %dma_wait3A_2244 = tpu.memref_slice %arg8[%dma_wait3A_2243] : memref<1024xi32, #tpu.memory_space<vmem>> -> memref<128xi32, #tpu.memory_space<vmem>>
    %dma_wait3A_2245 = arith.constant 0 : i32
    %dma_wait3A_2246 = tpu.memref_slice %arg17[%dma_wait3A_2245] : memref<131072xi32, #tpu.memory_space<vmem_shared>> -> memref<131072xi32, #tpu.memory_space<vmem_shared>>
    tpu.wait_indirect_dma semaphore(%arg20 : memref<!tpu.dma_semaphore, #tpu.memory_space<semaphore_mem>>) src(%dma_wait3A_2246 : memref<131072xi32, #tpu.memory_space<vmem_shared>>) dst(%dma_wait3A_2242 : memref<128xi32, #tpu.memory_space<vmem>>)
    %dma_wait3A_2247 = arith.constant 384 : i32
    %dma_wait3A_2248 = tpu.memref_slice %arg9[%dma_wait3A_2247] : memref<1024xi32, #tpu.memory_space<vmem>> -> memref<128xi32, #tpu.memory_space<vmem>>
    %dma_wait3A_2249 = arith.constant 384 : i32
    %dma_wait3A_2250 = tpu.memref_slice %arg8[%dma_wait3A_2249] : memref<1024xi32, #tpu.memory_space<vmem>> -> memref<128xi32, #tpu.memory_space<vmem>>
    %dma_wait3A_2251 = arith.constant 0 : i32
    %dma_wait3A_2252 = tpu.memref_slice %arg17[%dma_wait3A_2251] : memref<131072xi32, #tpu.memory_space<vmem_shared>> -> memref<131072xi32, #tpu.memory_space<vmem_shared>>
    tpu.wait_indirect_dma semaphore(%arg20 : memref<!tpu.dma_semaphore, #tpu.memory_space<semaphore_mem>>) src(%dma_wait3A_2252 : memref<131072xi32, #tpu.memory_space<vmem_shared>>) dst(%dma_wait3A_2248 : memref<128xi32, #tpu.memory_space<vmem>>)
    %dma_wait3A_2253 = arith.constant 512 : i32
    %dma_wait3A_2254 = tpu.memref_slice %arg9[%dma_wait3A_2253] : memref<1024xi32, #tpu.memory_space<vmem>> -> memref<128xi32, #tpu.memory_space<vmem>>
    %dma_wait3A_2255 = arith.constant 512 : i32
    %dma_wait3A_2256 = tpu.memref_slice %arg8[%dma_wait3A_2255] : memref<1024xi32, #tpu.memory_space<vmem>> -> memref<128xi32, #tpu.memory_space<vmem>>
    %dma_wait3A_2257 = arith.constant 0 : i32
    %dma_wait3A_2258 = tpu.memref_slice %arg17[%dma_wait3A_2257] : memref<131072xi32, #tpu.memory_space<vmem_shared>> -> memref<131072xi32, #tpu.memory_space<vmem_shared>>
    tpu.wait_indirect_dma semaphore(%arg20 : memref<!tpu.dma_semaphore, #tpu.memory_space<semaphore_mem>>) src(%dma_wait3A_2258 : memref<131072xi32, #tpu.memory_space<vmem_shared>>) dst(%dma_wait3A_2254 : memref<128xi32, #tpu.memory_space<vmem>>)
    %dma_wait3A_2259 = arith.constant 640 : i32
    %dma_wait3A_2260 = tpu.memref_slice %arg9[%dma_wait3A_2259] : memref<1024xi32, #tpu.memory_space<vmem>> -> memref<128xi32, #tpu.memory_space<vmem>>
    %dma_wait3A_2261 = arith.constant 640 : i32
    %dma_wait3A_2262 = tpu.memref_slice %arg8[%dma_wait3A_2261] : memref<1024xi32, #tpu.memory_space<vmem>> -> memref<128xi32, #tpu.memory_space<vmem>>
    %dma_wait3A_2263 = arith.constant 0 : i32
    %dma_wait3A_2264 = tpu.memref_slice %arg17[%dma_wait3A_2263] : memref<131072xi32, #tpu.memory_space<vmem_shared>> -> memref<131072xi32, #tpu.memory_space<vmem_shared>>
    tpu.wait_indirect_dma semaphore(%arg20 : memref<!tpu.dma_semaphore, #tpu.memory_space<semaphore_mem>>) src(%dma_wait3A_2264 : memref<131072xi32, #tpu.memory_space<vmem_shared>>) dst(%dma_wait3A_2260 : memref<128xi32, #tpu.memory_space<vmem>>)
    %dma_wait3A_2265 = arith.constant 768 : i32
    %dma_wait3A_2266 = tpu.memref_slice %arg9[%dma_wait3A_2265] : memref<1024xi32, #tpu.memory_space<vmem>> -> memref<128xi32, #tpu.memory_space<vmem>>
    %dma_wait3A_2267 = arith.constant 768 : i32
    %dma_wait3A_2268 = tpu.memref_slice %arg8[%dma_wait3A_2267] : memref<1024xi32, #tpu.memory_space<vmem>> -> memref<128xi32, #tpu.memory_space<vmem>>
    %dma_wait3A_2269 = arith.constant 0 : i32
    %dma_wait3A_2270 = tpu.memref_slice %arg17[%dma_wait3A_2269] : memref<131072xi32, #tpu.memory_space<vmem_shared>> -> memref<131072xi32, #tpu.memory_space<vmem_shared>>
    tpu.wait_indirect_dma semaphore(%arg20 : memref<!tpu.dma_semaphore, #tpu.memory_space<semaphore_mem>>) src(%dma_wait3A_2270 : memref<131072xi32, #tpu.memory_space<vmem_shared>>) dst(%dma_wait3A_2266 : memref<128xi32, #tpu.memory_space<vmem>>)
    %dma_wait3A_2271 = arith.constant 896 : i32
    %dma_wait3A_2272 = tpu.memref_slice %arg9[%dma_wait3A_2271] : memref<1024xi32, #tpu.memory_space<vmem>> -> memref<128xi32, #tpu.memory_space<vmem>>
    %dma_wait3A_2273 = arith.constant 896 : i32
    %dma_wait3A_2274 = tpu.memref_slice %arg8[%dma_wait3A_2273] : memref<1024xi32, #tpu.memory_space<vmem>> -> memref<128xi32, #tpu.memory_space<vmem>>
    %dma_wait3A_2275 = arith.constant 0 : i32
    %dma_wait3A_2276 = tpu.memref_slice %arg17[%dma_wait3A_2275] : memref<131072xi32, #tpu.memory_space<vmem_shared>> -> memref<131072xi32, #tpu.memory_space<vmem_shared>>
    tpu.wait_indirect_dma semaphore(%arg20 : memref<!tpu.dma_semaphore, #tpu.memory_space<semaphore_mem>>) src(%dma_wait3A_2276 : memref<131072xi32, #tpu.memory_space<vmem_shared>>) dst(%dma_wait3A_2272 : memref<128xi32, #tpu.memory_space<vmem>>)
    %mul3A_2277 = arith.constant 1024 : i32
    %mul3A_2278 = arith.muli %arg1, %mul3A_2277 : i32
    %scan3A_2279 = arith.constant 0 : i32
    %scan3A_2280 = arith.constant 0 : i32
    %scan3A_2281 = arith.constant 64 : i32
    %scan3A_2282 = arith.addi %scan3A_2280, %scan3A_2281 : i32
    %scan3A_2283 = arith.constant 1 : i32
    %scan3A_2284 = scf.for %scan3A_2415 = %scan3A_2280 to %scan3A_2282 step %scan3A_2283 iter_args(%scan3A_2416 = %scan3A_2279) -> (i32)  : i32 {
      %mul3A_2417 = arith.constant 16 : i32
      %mul3A_2418 = arith.muli %scan3A_2415, %mul3A_2417 : i32
      %get3A_2419 = arith.index_cast %mul3A_2418 : i32 to index
      %get3A_2420 = tpu.vector_load %arg9[%get3A_2419] {strides = array<i32>} : memref<1024xi32, #tpu.memory_space<vmem>>, vector<16xi32>,
      %mul3A_2421 = arith.constant 16 : i32
      %mul3A_2422 = arith.muli %scan3A_2415, %mul3A_2421 : i32
      %add3A_2423 = arith.addi %mul3A_2278, %mul3A_2422 : i32
      %add3A_2424 = vector.broadcast %add3A_2423 : i32 to vector<16xi32>
      %add3A_2425 = arith.addi %add3A_2424, %iota3A : vector<16xi32>
      %eq3A_2426 = arith.cmpi eq, %get3A_2420, %add3A_2425 : vector<16xi32>
      %jit3A = arith.constant 1 : i32
      %jit3A_2427 = arith.constant 0 : i32
      %broadcast_in_dim3A_2428 = vector.broadcast %jit3A : i32 to vector<16xi32>
      %broadcast_in_dim3A_2429 = vector.broadcast %jit3A_2427 : i32 to vector<16xi32>
      %select_n3A = arith.select %eq3A_2426, %broadcast_in_dim3A_2428, %broadcast_in_dim3A_2429 : vector<16xi1>, vector<16xi32>
      %broadcast_in_dim3A_2430 = arith.constant true
      %broadcast_in_dim3A_2431 = vector.broadcast %broadcast_in_dim3A_2430 : i1 to vector<16xi1>
      %masked_cumsum3A_2432 = tpu.scan <sum>, %select_n3A masked %broadcast_in_dim3A_2431 : vector<16xi32>, vector<16xi1> -> vector<16xi32>
      %add3A_2433 = vector.broadcast %scan3A_2416 : i32 to vector<16xi32>
      %add3A_2434 = arith.addi %masked_cumsum3A_2432, %add3A_2433 : vector<16xi32>
      %mul3A_2435 = arith.constant 16 : i32
      %mul3A_2436 = arith.muli %scan3A_2415, %mul3A_2435 : i32
      %swap3A_2437 = arith.index_cast %mul3A_2436 : i32 to index
      %swap3A_2438 = tpu.vector_load %arg11[%swap3A_2437] {strides = array<i32>} : memref<1024xi32, #tpu.memory_space<vmem>>, vector<16xi32>,
      tpu.vector_store %arg11[%swap3A_2437], %add3A_2434 {strides = array<i32>} : memref<1024xi32, #tpu.memory_space<vmem>>, vector<16xi32>,
      %reduce_sum3A = arith.constant true
      %reduce_sum3A_2439 = vector.broadcast %reduce_sum3A : i1 to vector<16xi1>
      %reduce_sum3A_2440 = tpu.scan <sum>, %select_n3A masked %reduce_sum3A_2439 : vector<16xi32>, vector<16xi1> -> vector<16xi32>
      %reduce_sum3A_2441 = vector.extract %reduce_sum3A_2440[15] : i32 from vector<16xi32>
      %add3A_2442 = arith.addi %scan3A_2416, %reduce_sum3A_2441 : i32
      scf.yield %add3A_2442 : i32
    }
    %scan3A_2285 = arith.constant 64 : i32
    %add3A_2286 = vector.broadcast %scan3A_2284 : i32 to vector<16xi32>
    %add3A_2287 = arith.addi %broadcast_in_dim3A_2, %add3A_2286 : vector<16xi32>
    %swap3A = arith.constant 0 : index
    %swap3A_2288 = tpu.vector_load %arg13[%swap3A] {strides = array<i32>} : memref<16xi32, #tpu.memory_space<vmem>>, vector<16xi32>,
    tpu.vector_store %arg13[%swap3A], %add3A_2287 {strides = array<i32>} : memref<16xi32, #tpu.memory_space<vmem>>, vector<16xi32>,
    %mul3A_2289 = arith.constant 16 : i32
    %mul3A_2290 = arith.muli %arg1, %mul3A_2289 : i32
    %dma_start3A_2291 = tpu.memref_slice %arg18[%mul3A_2290] : memref<256xi32, #tpu.memory_space<vmem_shared>> -> memref<16xi32, #tpu.memory_space<vmem_shared>>
    %dma_start3A_2292 = tpu.memref_slice %arg18[%mul3A_2290] : memref<256xi32, #tpu.memory_space<vmem_shared>> -> memref<16xi32, #tpu.memory_space<vmem_shared>>
    tpu.enqueue_dma source(%arg13 : memref<16xi32, #tpu.memory_space<vmem>>) target(%dma_start3A_2292 : memref<16xi32, #tpu.memory_space<vmem_shared>>) target_semaphore(%arg20 : memref<!tpu.dma_semaphore, #tpu.memory_space<semaphore_mem>>)
    %dma_start3A_2293 = tpu.memref_slice %arg19[%mul3A_2278] : memref<16384xi32, #tpu.memory_space<vmem_shared>> -> memref<1024xi32, #tpu.memory_space<vmem_shared>>
    %dma_start3A_2294 = tpu.memref_slice %arg19[%mul3A_2278] : memref<16384xi32, #tpu.memory_space<vmem_shared>> -> memref<1024xi32, #tpu.memory_space<vmem_shared>>
    tpu.enqueue_dma source(%arg11 : memref<1024xi32, #tpu.memory_space<vmem>>) target(%dma_start3A_2294 : memref<1024xi32, #tpu.memory_space<vmem_shared>>) target_semaphore(%arg20 : memref<!tpu.dma_semaphore, #tpu.memory_space<semaphore_mem>>)
    %dma_wait3A_2295 = tpu.memref_slice %arg18[%mul3A_2290] : memref<256xi32, #tpu.memory_space<vmem_shared>> -> memref<16xi32, #tpu.memory_space<vmem_shared>>
    %dma_wait3A_2296 = tpu.memref_slice %arg18[%mul3A_2290] : memref<256xi32, #tpu.memory_space<vmem_shared>> -> memref<16xi32, #tpu.memory_space<vmem_shared>>
    tpu.wait_dma2 semaphore(%arg20 : memref<!tpu.dma_semaphore, #tpu.memory_space<semaphore_mem>>) src(%arg13 : memref<16xi32, #tpu.memory_space<vmem>>) dst(%dma_wait3A_2296 : memref<16xi32, #tpu.memory_space<vmem_shared>>)
    %dma_wait3A_2297 = tpu.memref_slice %arg19[%mul3A_2278] : memref<16384xi32, #tpu.memory_space<vmem_shared>> -> memref<1024xi32, #tpu.memory_space<vmem_shared>>
    %dma_wait3A_2298 = tpu.memref_slice %arg19[%mul3A_2278] : memref<16384xi32, #tpu.memory_space<vmem_shared>> -> memref<1024xi32, #tpu.memory_space<vmem_shared>>
    tpu.wait_dma2 semaphore(%arg20 : memref<!tpu.dma_semaphore, #tpu.memory_space<semaphore_mem>>) src(%arg11 : memref<1024xi32, #tpu.memory_space<vmem>>) dst(%dma_wait3A_2298 : memref<1024xi32, #tpu.memory_space<vmem_shared>>)
    %barrier3A_2299 = arith.constant 0 : index
    tpu.barrier barrier_id(%barrier3A_2299)
    "tpu.region"() ({
      %run_scoped3A = tpu.sem_alloc : memref<!tpu.dma_semaphore, #tpu.memory_space<semaphore_mem>>
      %dma_start3A_2415 = arith.constant 0 : i32
      %dma_start3A_2416 = tpu.memref_slice %arg12[%dma_start3A_2415] : memref<1024xi32, #tpu.memory_space<vmem>> -> memref<256xi32, #tpu.memory_space<vmem>>
      %dma_start3A_2417 = arith.constant 0 : i32
      %dma_start3A_2418 = tpu.memref_slice %arg12[%dma_start3A_2417] : memref<1024xi32, #tpu.memory_space<vmem>> -> memref<256xi32, #tpu.memory_space<vmem>>
      tpu.enqueue_dma source(%arg18 : memref<256xi32, #tpu.memory_space<vmem_shared>>) target(%dma_start3A_2418 : memref<256xi32, #tpu.memory_space<vmem>>) target_semaphore(%run_scoped3A : memref<!tpu.dma_semaphore, #tpu.memory_space<semaphore_mem>>)
      %dma_wait3A_2419 = arith.constant 0 : i32
      %dma_wait3A_2420 = tpu.memref_slice %arg12[%dma_wait3A_2419] : memref<1024xi32, #tpu.memory_space<vmem>> -> memref<256xi32, #tpu.memory_space<vmem>>
      %dma_wait3A_2421 = arith.constant 0 : i32
      %dma_wait3A_2422 = tpu.memref_slice %arg12[%dma_wait3A_2421] : memref<1024xi32, #tpu.memory_space<vmem>> -> memref<256xi32, #tpu.memory_space<vmem>>
      tpu.wait_dma2 semaphore(%run_scoped3A : memref<!tpu.dma_semaphore, #tpu.memory_space<semaphore_mem>>) src(%arg18 : memref<256xi32, #tpu.memory_space<vmem_shared>>) dst(%dma_wait3A_2422 : memref<256xi32, #tpu.memory_space<vmem>>)
      tpu.yield
    }) : () -> ()
    %mul3A_2300 = arith.constant 16 : i32
    %mul3A_2301 = vector.broadcast %mul3A_2300 : i32 to vector<16xi32>
    %mul3A_2302 = arith.muli %iota3A, %mul3A_2301 : vector<16xi32>
    %gather3A = tpu.vector_load_idx %arg12[%mul3A_2302] : memref<1024xi32, #tpu.memory_space<vmem>>[vector<16xi32>], vector<16xi32>,
    %broadcast_in_dim3A_2303 = arith.constant true
    %broadcast_in_dim3A_2304 = vector.broadcast %broadcast_in_dim3A_2303 : i1 to vector<16xi1>
    %masked_cumsum3A = tpu.scan <sum>, %gather3A masked %broadcast_in_dim3A_2304 : vector<16xi32>, vector<16xi1> -> vector<16xi32>
    %sub3A_2305 = arith.subi %masked_cumsum3A, %gather3A : vector<16xi32>
    %swap3A_2306 = arith.constant 0 : index
    %swap3A_2307 = tpu.vector_load %arg13[%swap3A_2306] {strides = array<i32>} : memref<16xi32, #tpu.memory_space<vmem>>, vector<16xi32>,
    tpu.vector_store %arg13[%swap3A_2306], %sub3A_2305 {strides = array<i32>} : memref<16xi32, #tpu.memory_space<vmem>>, vector<16xi32>,
    %dma_start3A_2308 = arith.constant 0 : i32
    %dma_start3A_2309 = tpu.memref_slice %arg10[%dma_start3A_2308] : memref<1024xi32, #tpu.memory_space<vmem>> -> memref<128xi32, #tpu.memory_space<vmem>>
    %dma_start3A_2310 = arith.constant 0 : i32
    %dma_start3A_2311 = tpu.memref_slice %arg9[%dma_start3A_2310] : memref<1024xi32, #tpu.memory_space<vmem>> -> memref<128xi32, #tpu.memory_space<vmem>>
    %dma_start3A_2312 = arith.constant 0 : i32
    %dma_start3A_2313 = tpu.memref_slice %arg19[%dma_start3A_2312] : memref<16384xi32, #tpu.memory_space<vmem_shared>> -> memref<16384xi32, #tpu.memory_space<vmem_shared>>
    tpu.enqueue_indirect_dma source(%dma_start3A_2313 : memref<16384xi32, #tpu.memory_space<vmem_shared>>) target(%dma_start3A_2309 : memref<128xi32, #tpu.memory_space<vmem>>) offsets(%dma_start3A_2311 : memref<128xi32, #tpu.memory_space<vmem>>) semaphore(%arg20 : memref<!tpu.dma_semaphore, #tpu.memory_space<semaphore_mem>>)
    %dma_start3A_2314 = arith.constant 128 : i32
    %dma_start3A_2315 = tpu.memref_slice %arg10[%dma_start3A_2314] : memref<1024xi32, #tpu.memory_space<vmem>> -> memref<128xi32, #tpu.memory_space<vmem>>
    %dma_start3A_2316 = arith.constant 128 : i32
    %dma_start3A_2317 = tpu.memref_slice %arg9[%dma_start3A_2316] : memref<1024xi32, #tpu.memory_space<vmem>> -> memref<128xi32, #tpu.memory_space<vmem>>
    %dma_start3A_2318 = arith.constant 0 : i32
    %dma_start3A_2319 = tpu.memref_slice %arg19[%dma_start3A_2318] : memref<16384xi32, #tpu.memory_space<vmem_shared>> -> memref<16384xi32, #tpu.memory_space<vmem_shared>>
    tpu.enqueue_indirect_dma source(%dma_start3A_2319 : memref<16384xi32, #tpu.memory_space<vmem_shared>>) target(%dma_start3A_2315 : memref<128xi32, #tpu.memory_space<vmem>>) offsets(%dma_start3A_2317 : memref<128xi32, #tpu.memory_space<vmem>>) semaphore(%arg20 : memref<!tpu.dma_semaphore, #tpu.memory_space<semaphore_mem>>)
    %dma_start3A_2320 = arith.constant 256 : i32
    %dma_start3A_2321 = tpu.memref_slice %arg10[%dma_start3A_2320] : memref<1024xi32, #tpu.memory_space<vmem>> -> memref<128xi32, #tpu.memory_space<vmem>>
    %dma_start3A_2322 = arith.constant 256 : i32
    %dma_start3A_2323 = tpu.memref_slice %arg9[%dma_start3A_2322] : memref<1024xi32, #tpu.memory_space<vmem>> -> memref<128xi32, #tpu.memory_space<vmem>>
    %dma_start3A_2324 = arith.constant 0 : i32
    %dma_start3A_2325 = tpu.memref_slice %arg19[%dma_start3A_2324] : memref<16384xi32, #tpu.memory_space<vmem_shared>> -> memref<16384xi32, #tpu.memory_space<vmem_shared>>
    tpu.enqueue_indirect_dma source(%dma_start3A_2325 : memref<16384xi32, #tpu.memory_space<vmem_shared>>) target(%dma_start3A_2321 : memref<128xi32, #tpu.memory_space<vmem>>) offsets(%dma_start3A_2323 : memref<128xi32, #tpu.memory_space<vmem>>) semaphore(%arg20 : memref<!tpu.dma_semaphore, #tpu.memory_space<semaphore_mem>>)
    %dma_start3A_2326 = arith.constant 384 : i32
    %dma_start3A_2327 = tpu.memref_slice %arg10[%dma_start3A_2326] : memref<1024xi32, #tpu.memory_space<vmem>> -> memref<128xi32, #tpu.memory_space<vmem>>
    %dma_start3A_2328 = arith.constant 384 : i32
    %dma_start3A_2329 = tpu.memref_slice %arg9[%dma_start3A_2328] : memref<1024xi32, #tpu.memory_space<vmem>> -> memref<128xi32, #tpu.memory_space<vmem>>
    %dma_start3A_2330 = arith.constant 0 : i32
    %dma_start3A_2331 = tpu.memref_slice %arg19[%dma_start3A_2330] : memref<16384xi32, #tpu.memory_space<vmem_shared>> -> memref<16384xi32, #tpu.memory_space<vmem_shared>>
    tpu.enqueue_indirect_dma source(%dma_start3A_2331 : memref<16384xi32, #tpu.memory_space<vmem_shared>>) target(%dma_start3A_2327 : memref<128xi32, #tpu.memory_space<vmem>>) offsets(%dma_start3A_2329 : memref<128xi32, #tpu.memory_space<vmem>>) semaphore(%arg20 : memref<!tpu.dma_semaphore, #tpu.memory_space<semaphore_mem>>)
    %dma_start3A_2332 = arith.constant 512 : i32
    %dma_start3A_2333 = tpu.memref_slice %arg10[%dma_start3A_2332] : memref<1024xi32, #tpu.memory_space<vmem>> -> memref<128xi32, #tpu.memory_space<vmem>>
    %dma_start3A_2334 = arith.constant 512 : i32
    %dma_start3A_2335 = tpu.memref_slice %arg9[%dma_start3A_2334] : memref<1024xi32, #tpu.memory_space<vmem>> -> memref<128xi32, #tpu.memory_space<vmem>>
    %dma_start3A_2336 = arith.constant 0 : i32
    %dma_start3A_2337 = tpu.memref_slice %arg19[%dma_start3A_2336] : memref<16384xi32, #tpu.memory_space<vmem_shared>> -> memref<16384xi32, #tpu.memory_space<vmem_shared>>
    tpu.enqueue_indirect_dma source(%dma_start3A_2337 : memref<16384xi32, #tpu.memory_space<vmem_shared>>) target(%dma_start3A_2333 : memref<128xi32, #tpu.memory_space<vmem>>) offsets(%dma_start3A_2335 : memref<128xi32, #tpu.memory_space<vmem>>) semaphore(%arg20 : memref<!tpu.dma_semaphore, #tpu.memory_space<semaphore_mem>>)
    %dma_start3A_2338 = arith.constant 640 : i32
    %dma_start3A_2339 = tpu.memref_slice %arg10[%dma_start3A_2338] : memref<1024xi32, #tpu.memory_space<vmem>> -> memref<128xi32, #tpu.memory_space<vmem>>
    %dma_start3A_2340 = arith.constant 640 : i32
    %dma_start3A_2341 = tpu.memref_slice %arg9[%dma_start3A_2340] : memref<1024xi32, #tpu.memory_space<vmem>> -> memref<128xi32, #tpu.memory_space<vmem>>
    %dma_start3A_2342 = arith.constant 0 : i32
    %dma_start3A_2343 = tpu.memref_slice %arg19[%dma_start3A_2342] : memref<16384xi32, #tpu.memory_space<vmem_shared>> -> memref<16384xi32, #tpu.memory_space<vmem_shared>>
    tpu.enqueue_indirect_dma source(%dma_start3A_2343 : memref<16384xi32, #tpu.memory_space<vmem_shared>>) target(%dma_start3A_2339 : memref<128xi32, #tpu.memory_space<vmem>>) offsets(%dma_start3A_2341 : memref<128xi32, #tpu.memory_space<vmem>>) semaphore(%arg20 : memref<!tpu.dma_semaphore, #tpu.memory_space<semaphore_mem>>)
    %dma_start3A_2344 = arith.constant 768 : i32
    %dma_start3A_2345 = tpu.memref_slice %arg10[%dma_start3A_2344] : memref<1024xi32, #tpu.memory_space<vmem>> -> memref<128xi32, #tpu.memory_space<vmem>>
    %dma_start3A_2346 = arith.constant 768 : i32
    %dma_start3A_2347 = tpu.memref_slice %arg9[%dma_start3A_2346] : memref<1024xi32, #tpu.memory_space<vmem>> -> memref<128xi32, #tpu.memory_space<vmem>>
    %dma_start3A_2348 = arith.constant 0 : i32
    %dma_start3A_2349 = tpu.memref_slice %arg19[%dma_start3A_2348] : memref<16384xi32, #tpu.memory_space<vmem_shared>> -> memref<16384xi32, #tpu.memory_space<vmem_shared>>
    tpu.enqueue_indirect_dma source(%dma_start3A_2349 : memref<16384xi32, #tpu.memory_space<vmem_shared>>) target(%dma_start3A_2345 : memref<128xi32, #tpu.memory_space<vmem>>) offsets(%dma_start3A_2347 : memref<128xi32, #tpu.memory_space<vmem>>) semaphore(%arg20 : memref<!tpu.dma_semaphore, #tpu.memory_space<semaphore_mem>>)
    %dma_start3A_2350 = arith.constant 896 : i32
    %dma_start3A_2351 = tpu.memref_slice %arg10[%dma_start3A_2350] : memref<1024xi32, #tpu.memory_space<vmem>> -> memref<128xi32, #tpu.memory_space<vmem>>
    %dma_start3A_2352 = arith.constant 896 : i32
    %dma_start3A_2353 = tpu.memref_slice %arg9[%dma_start3A_2352] : memref<1024xi32, #tpu.memory_space<vmem>> -> memref<128xi32, #tpu.memory_space<vmem>>
    %dma_start3A_2354 = arith.constant 0 : i32
    %dma_start3A_2355 = tpu.memref_slice %arg19[%dma_start3A_2354] : memref<16384xi32, #tpu.memory_space<vmem_shared>> -> memref<16384xi32, #tpu.memory_space<vmem_shared>>
    tpu.enqueue_indirect_dma source(%dma_start3A_2355 : memref<16384xi32, #tpu.memory_space<vmem_shared>>) target(%dma_start3A_2351 : memref<128xi32, #tpu.memory_space<vmem>>) offsets(%dma_start3A_2353 : memref<128xi32, #tpu.memory_space<vmem>>) semaphore(%arg20 : memref<!tpu.dma_semaphore, #tpu.memory_space<semaphore_mem>>)
    %dma_wait3A_2356 = arith.constant 0 : i32
    %dma_wait3A_2357 = tpu.memref_slice %arg10[%dma_wait3A_2356] : memref<1024xi32, #tpu.memory_space<vmem>> -> memref<128xi32, #tpu.memory_space<vmem>>
    %dma_wait3A_2358 = arith.constant 0 : i32
    %dma_wait3A_2359 = tpu.memref_slice %arg9[%dma_wait3A_2358] : memref<1024xi32, #tpu.memory_space<vmem>> -> memref<128xi32, #tpu.memory_space<vmem>>
    %dma_wait3A_2360 = arith.constant 0 : i32
    %dma_wait3A_2361 = tpu.memref_slice %arg19[%dma_wait3A_2360] : memref<16384xi32, #tpu.memory_space<vmem_shared>> -> memref<16384xi32, #tpu.memory_space<vmem_shared>>
    tpu.wait_indirect_dma semaphore(%arg20 : memref<!tpu.dma_semaphore, #tpu.memory_space<semaphore_mem>>) src(%dma_wait3A_2361 : memref<16384xi32, #tpu.memory_space<vmem_shared>>) dst(%dma_wait3A_2357 : memref<128xi32, #tpu.memory_space<vmem>>)
    %dma_wait3A_2362 = arith.constant 128 : i32
    %dma_wait3A_2363 = tpu.memref_slice %arg10[%dma_wait3A_2362] : memref<1024xi32, #tpu.memory_space<vmem>> -> memref<128xi32, #tpu.memory_space<vmem>>
    %dma_wait3A_2364 = arith.constant 128 : i32
    %dma_wait3A_2365 = tpu.memref_slice %arg9[%dma_wait3A_2364] : memref<1024xi32, #tpu.memory_space<vmem>> -> memref<128xi32, #tpu.memory_space<vmem>>
    %dma_wait3A_2366 = arith.constant 0 : i32
    %dma_wait3A_2367 = tpu.memref_slice %arg19[%dma_wait3A_2366] : memref<16384xi32, #tpu.memory_space<vmem_shared>> -> memref<16384xi32, #tpu.memory_space<vmem_shared>>
    tpu.wait_indirect_dma semaphore(%arg20 : memref<!tpu.dma_semaphore, #tpu.memory_space<semaphore_mem>>) src(%dma_wait3A_2367 : memref<16384xi32, #tpu.memory_space<vmem_shared>>) dst(%dma_wait3A_2363 : memref<128xi32, #tpu.memory_space<vmem>>)
    %dma_wait3A_2368 = arith.constant 256 : i32
    %dma_wait3A_2369 = tpu.memref_slice %arg10[%dma_wait3A_2368] : memref<1024xi32, #tpu.memory_space<vmem>> -> memref<128xi32, #tpu.memory_space<vmem>>
    %dma_wait3A_2370 = arith.constant 256 : i32
    %dma_wait3A_2371 = tpu.memref_slice %arg9[%dma_wait3A_2370] : memref<1024xi32, #tpu.memory_space<vmem>> -> memref<128xi32, #tpu.memory_space<vmem>>
    %dma_wait3A_2372 = arith.constant 0 : i32
    %dma_wait3A_2373 = tpu.memref_slice %arg19[%dma_wait3A_2372] : memref<16384xi32, #tpu.memory_space<vmem_shared>> -> memref<16384xi32, #tpu.memory_space<vmem_shared>>
    tpu.wait_indirect_dma semaphore(%arg20 : memref<!tpu.dma_semaphore, #tpu.memory_space<semaphore_mem>>) src(%dma_wait3A_2373 : memref<16384xi32, #tpu.memory_space<vmem_shared>>) dst(%dma_wait3A_2369 : memref<128xi32, #tpu.memory_space<vmem>>)
    %dma_wait3A_2374 = arith.constant 384 : i32
    %dma_wait3A_2375 = tpu.memref_slice %arg10[%dma_wait3A_2374] : memref<1024xi32, #tpu.memory_space<vmem>> -> memref<128xi32, #tpu.memory_space<vmem>>
    %dma_wait3A_2376 = arith.constant 384 : i32
    %dma_wait3A_2377 = tpu.memref_slice %arg9[%dma_wait3A_2376] : memref<1024xi32, #tpu.memory_space<vmem>> -> memref<128xi32, #tpu.memory_space<vmem>>
    %dma_wait3A_2378 = arith.constant 0 : i32
    %dma_wait3A_2379 = tpu.memref_slice %arg19[%dma_wait3A_2378] : memref<16384xi32, #tpu.memory_space<vmem_shared>> -> memref<16384xi32, #tpu.memory_space<vmem_shared>>
    tpu.wait_indirect_dma semaphore(%arg20 : memref<!tpu.dma_semaphore, #tpu.memory_space<semaphore_mem>>) src(%dma_wait3A_2379 : memref<16384xi32, #tpu.memory_space<vmem_shared>>) dst(%dma_wait3A_2375 : memref<128xi32, #tpu.memory_space<vmem>>)
    %dma_wait3A_2380 = arith.constant 512 : i32
    %dma_wait3A_2381 = tpu.memref_slice %arg10[%dma_wait3A_2380] : memref<1024xi32, #tpu.memory_space<vmem>> -> memref<128xi32, #tpu.memory_space<vmem>>
    %dma_wait3A_2382 = arith.constant 512 : i32
    %dma_wait3A_2383 = tpu.memref_slice %arg9[%dma_wait3A_2382] : memref<1024xi32, #tpu.memory_space<vmem>> -> memref<128xi32, #tpu.memory_space<vmem>>
    %dma_wait3A_2384 = arith.constant 0 : i32
    %dma_wait3A_2385 = tpu.memref_slice %arg19[%dma_wait3A_2384] : memref<16384xi32, #tpu.memory_space<vmem_shared>> -> memref<16384xi32, #tpu.memory_space<vmem_shared>>
    tpu.wait_indirect_dma semaphore(%arg20 : memref<!tpu.dma_semaphore, #tpu.memory_space<semaphore_mem>>) src(%dma_wait3A_2385 : memref<16384xi32, #tpu.memory_space<vmem_shared>>) dst(%dma_wait3A_2381 : memref<128xi32, #tpu.memory_space<vmem>>)
    %dma_wait3A_2386 = arith.constant 640 : i32
    %dma_wait3A_2387 = tpu.memref_slice %arg10[%dma_wait3A_2386] : memref<1024xi32, #tpu.memory_space<vmem>> -> memref<128xi32, #tpu.memory_space<vmem>>
    %dma_wait3A_2388 = arith.constant 640 : i32
    %dma_wait3A_2389 = tpu.memref_slice %arg9[%dma_wait3A_2388] : memref<1024xi32, #tpu.memory_space<vmem>> -> memref<128xi32, #tpu.memory_space<vmem>>
    %dma_wait3A_2390 = arith.constant 0 : i32
    %dma_wait3A_2391 = tpu.memref_slice %arg19[%dma_wait3A_2390] : memref<16384xi32, #tpu.memory_space<vmem_shared>> -> memref<16384xi32, #tpu.memory_space<vmem_shared>>
    tpu.wait_indirect_dma semaphore(%arg20 : memref<!tpu.dma_semaphore, #tpu.memory_space<semaphore_mem>>) src(%dma_wait3A_2391 : memref<16384xi32, #tpu.memory_space<vmem_shared>>) dst(%dma_wait3A_2387 : memref<128xi32, #tpu.memory_space<vmem>>)
    %dma_wait3A_2392 = arith.constant 768 : i32
    %dma_wait3A_2393 = tpu.memref_slice %arg10[%dma_wait3A_2392] : memref<1024xi32, #tpu.memory_space<vmem>> -> memref<128xi32, #tpu.memory_space<vmem>>
    %dma_wait3A_2394 = arith.constant 768 : i32
    %dma_wait3A_2395 = tpu.memref_slice %arg9[%dma_wait3A_2394] : memref<1024xi32, #tpu.memory_space<vmem>> -> memref<128xi32, #tpu.memory_space<vmem>>
    %dma_wait3A_2396 = arith.constant 0 : i32
    %dma_wait3A_2397 = tpu.memref_slice %arg19[%dma_wait3A_2396] : memref<16384xi32, #tpu.memory_space<vmem_shared>> -> memref<16384xi32, #tpu.memory_space<vmem_shared>>
    tpu.wait_indirect_dma semaphore(%arg20 : memref<!tpu.dma_semaphore, #tpu.memory_space<semaphore_mem>>) src(%dma_wait3A_2397 : memref<16384xi32, #tpu.memory_space<vmem_shared>>) dst(%dma_wait3A_2393 : memref<128xi32, #tpu.memory_space<vmem>>)
    %dma_wait3A_2398 = arith.constant 896 : i32
    %dma_wait3A_2399 = tpu.memref_slice %arg10[%dma_wait3A_2398] : memref<1024xi32, #tpu.memory_space<vmem>> -> memref<128xi32, #tpu.memory_space<vmem>>
    %dma_wait3A_2400 = arith.constant 896 : i32
    %dma_wait3A_2401 = tpu.memref_slice %arg9[%dma_wait3A_2400] : memref<1024xi32, #tpu.memory_space<vmem>> -> memref<128xi32, #tpu.memory_space<vmem>>
    %dma_wait3A_2402 = arith.constant 0 : i32
    %dma_wait3A_2403 = tpu.memref_slice %arg19[%dma_wait3A_2402] : memref<16384xi32, #tpu.memory_space<vmem_shared>> -> memref<16384xi32, #tpu.memory_space<vmem_shared>>
    tpu.wait_indirect_dma semaphore(%arg20 : memref<!tpu.dma_semaphore, #tpu.memory_space<semaphore_mem>>) src(%dma_wait3A_2403 : memref<16384xi32, #tpu.memory_space<vmem_shared>>) dst(%dma_wait3A_2399 : memref<128xi32, #tpu.memory_space<vmem>>)
    %scan3A_2404 = arith.constant 0 : i32
    %scan3A_2405 = arith.constant 0 : i32
    %scan3A_2406 = arith.constant 64 : i32
    %scan3A_2407 = arith.addi %scan3A_2405, %scan3A_2406 : i32
    %scan3A_2408 = arith.constant 1 : i32
    %scan3A_2409 = scf.for %scan3A_2415 = %scan3A_2405 to %scan3A_2407 step %scan3A_2408 iter_args(%scan3A_2416 = %scan3A_2404) -> (i32)  : i32 {
      %mul3A_2417 = arith.constant 16 : i32
      %mul3A_2418 = arith.muli %scan3A_2415, %mul3A_2417 : i32
      %get3A_2419 = arith.index_cast %mul3A_2418 : i32 to index
      %get3A_2420 = tpu.vector_load %arg9[%get3A_2419] {strides = array<i32>} : memref<1024xi32, #tpu.memory_space<vmem>>, vector<16xi32>,
      %shift_right_arithmetic3A = arith.constant 10 : i32
      %shift_right_arithmetic3A_2421 = vector.broadcast %shift_right_arithmetic3A : i32 to vector<16xi32>
      %shift_right_arithmetic3A_2422 = arith.shrsi %get3A_2420, %shift_right_arithmetic3A_2421 : vector<16xi32>
      %gather3A_2423 = tpu.vector_load_idx %arg13[%shift_right_arithmetic3A_2422] : memref<16xi32, #tpu.memory_space<vmem>>[vector<16xi32>], vector<16xi32>,
      %mul3A_2424 = arith.constant 16 : i32
      %mul3A_2425 = arith.muli %scan3A_2415, %mul3A_2424 : i32
      %get3A_2426 = arith.index_cast %mul3A_2425 : i32 to index
      %get3A_2427 = tpu.vector_load %arg10[%get3A_2426] {strides = array<i32>} : memref<1024xi32, #tpu.memory_space<vmem>>, vector<16xi32>,
      %add3A_2428 = arith.addi %get3A_2427, %gather3A_2423 : vector<16xi32>
      %sub3A_2429 = arith.constant 1 : i32
      %sub3A_2430 = vector.broadcast %sub3A_2429 : i32 to vector<16xi32>
      %sub3A_2431 = arith.subi %add3A_2428, %sub3A_2430 : vector<16xi32>
      %mul3A_2432 = arith.constant 16 : i32
      %mul3A_2433 = arith.muli %scan3A_2415, %mul3A_2432 : i32
      %swap3A_2434 = arith.index_cast %mul3A_2433 : i32 to index
      %swap3A_2435 = tpu.vector_load %arg11[%swap3A_2434] {strides = array<i32>} : memref<1024xi32, #tpu.memory_space<vmem>>, vector<16xi32>,
      tpu.vector_store %arg11[%swap3A_2434], %sub3A_2431 {strides = array<i32>} : memref<1024xi32, #tpu.memory_space<vmem>>, vector<16xi32>,
      %scan3A_2436 = arith.constant 0 : i32
      scf.yield %scan3A_2436 : i32
    }
    %scan3A_2410 = arith.constant 64 : i32
    %eq3A = arith.constant 0 : i32
    %eq3A_2411 = arith.cmpi eq, %arg0, %eq3A : i32
    %convert_element_type3A_2412 = arith.extui %eq3A_2411 : i1 to i32
    %cond3A_2413 = arith.constant 0 : i32
    %cond3A_2414 = arith.cmpi ne, %convert_element_type3A_2412, %cond3A_2413 : i32
    scf.if %cond3A_2414 {
      "tpu.region"() ({
        %run_scoped3A = tpu.sem_alloc : memref<!tpu.dma_semaphore, #tpu.memory_space<semaphore_mem>>
        %dma_start3A_2415 = tpu.memref_slice %arg3[%mul3A_2278] : memref<16384xi32, #tpu.memory_space<hbm>> -> memref<1024xi32, #tpu.memory_space<hbm>>
        %dma_start3A_2416 = tpu.memref_slice %arg3[%mul3A_2278] : memref<16384xi32, #tpu.memory_space<hbm>> -> memref<1024xi32, #tpu.memory_space<hbm>>
        tpu.enqueue_dma source(%arg11 : memref<1024xi32, #tpu.memory_space<vmem>>) target(%dma_start3A_2416 : memref<1024xi32, #tpu.memory_space<hbm>>) target_semaphore(%run_scoped3A : memref<!tpu.dma_semaphore, #tpu.memory_space<semaphore_mem>>)
        %dma_wait3A_2417 = tpu.memref_slice %arg3[%mul3A_2278] : memref<16384xi32, #tpu.memory_space<hbm>> -> memref<1024xi32, #tpu.memory_space<hbm>>
        %dma_wait3A_2418 = tpu.memref_slice %arg3[%mul3A_2278] : memref<16384xi32, #tpu.memory_space<hbm>> -> memref<1024xi32, #tpu.memory_space<hbm>>
        tpu.wait_dma2 semaphore(%run_scoped3A : memref<!tpu.dma_semaphore, #tpu.memory_space<semaphore_mem>>) src(%arg11 : memref<1024xi32, #tpu.memory_space<vmem>>) dst(%dma_wait3A_2418 : memref<1024xi32, #tpu.memory_space<hbm>>)
        tpu.yield
      }) : () -> ()
    } else {
    }
    return
  }
}

</mosaic_0001>

<sc_bundles>
// kernel: kernel.3.cloned.1.call-start
scs
__scs_entry_jumppad:
0x0: {  	(pc) =	sbr.rel $0x88, $3  }
0x1: {  	(tag) =	ssettag $0x0;
	lr =	simm.s32 $0x1  }
0x2: {  	[smem:$0x3FA0] =	sst lr;
	_ =	strace $0xD0000000  }
0x3: {  	_ = 	snop  }
0x4: {  	_ = 	snop  }
0x5: {  	_ = 	snop  }
0x6: {  	_ = 	snop  }
0x7: {  	_ = 	snop  }
__scs_overlays_trampoline_lowered:
0x8: {  	[smem:$0x3FAF] =	sst s0  }
0x9: {  	[smem:$0x3FB0] =	sst s1  }
0xa: {  	[smem:$0x3FB1] =	sst s2  }
0xb: {  	[smem:$0x3FB2] =	sst s3  }
0xc: {  	[smem:$0x3FB3] =	sst s4  }
0xd: {  	[smem:$0x3FB4] =	sst s5  }
0xe: {  	[smem:$0x3FB5] =	sst s6  }
0xf: {  	[smem:$0x3FB6] =	sst s7  }
0x10: {  	[smem:$0x3FB7] =	sst s8  }
0x11: {  	[smem:$0x3FB8] =	sst s9;
	s0 =	simm.s32 @!p0 $0x0  }
0x12: {  	s1 =	sld [smem:$0x3F9E];
	s0 =	simm.s32 @p0 $0x1  }
0x13: {  	[smem:$0x3FB9] =	sst s0;
	s0 =	simm.s32 @!p1 $0x0  }
0x14: {  	s2 =	sld [smem:$0x3F9D];
	s0 =	simm.s32 @p1 $0x1  }
0x15: {  	[smem:$0x3FBA] =	sst s0;
	s0 =	simm.s32 @!p2 $0x0  }
0x16: {  	s3 =	sld [smem:$0x3FDB];
	s0 =	simm.s32 @p2 $0x1  }
0x17: {  	s4 =	simm.s32 $0x1BF5;
	[smem:$0x3FBC] =	sst s0  }
0x18: {  	s0 =	sld [smem:$0x3F9F];
	_ =	swait.ge [sflag:s4], $0x0  }
0x19: {  	s7 =	sld [smem:$0x3FA0]  }
0x1a: {  	s8 =	sadd.s32 $0xFFFFE003, lr  }
0x1b: {  	s9 =	sadd.s32 $0xFFFFFEF7, lr;
	s5 =	simm.s32 $0xFFFFFFFF;
	p2 =	slt.u32 s8, $0xFFFFF086  }
0x1c: {  	p1 =	slt.u32 s9, $0xF7A;
	s5 =	simm.s32 @!p2 $0x0  }
0x1d: {  	s5 =	simm.s32 @p1 $0x1;
	p0 =	seq.s32 s7, s2  }
0x1e: {  	s7 =	smul.u32 @!p0 $0xF7A, s2;
	p2 =	seq.s32 @!p0 s5, $0x0  }
0x1f: {  	s9 =	smul.u32 $0xF7A, s1;
	s8 =	simm.s32 @!p0 $0x1BF5;
	p2 =	por !p2, p0  }
0x20: {  	[sflag:s8] =	ssyncset.s32 @!p0 $0xFFFFF086;
	s6 =	sadd.s32 @!p0 s3, s7;
	s7 =	simm.s32 @!p0 $0x108  }
0x21: {  	s3 =	sadd.s32 s3, s9;
	s6 =	sadd.s32 @!p0 $0x88, s6;
	s7 =	simm.s32 @p2 $0x1082  }
0x22: {  	[simem:s7], [sflag:s8] =	dma.local @!p0 [hbm:s6], $0xF7A  }
0x23: {  	s9 =	sor.u32 $0xD0000000, s2;
	s6 =	simm.s32 $0x108;
	_ =	swait.ge @!p0 [sflag:s8], $0x0  }
0x24: {  	s3 =	sadd.s32 $0x88, s3;
	s6 =	simm.s32 @!p1 $0x1082;
	[sflag:s4] =	ssyncset.s32 $0xFFFFF086  }
0x25: {  	[simem:s6], [sflag:s4] =	dma.local [hbm:s3], $0xF7A  }
0x26: {  	[smem:$0x3FA0] =	sst s1;
	(tag) =	ssettag s2;
	_ =	strace s9  }
0x27: {  	s1 =	sld [smem:$0x3FB0]  }
0x28: {  	s2 =	sld [smem:$0x3FB1]  }
0x29: {  	s4 =	sld [smem:$0x3FB3]  }
0x2a: {  	p0 =	seq.s32 s5, $0x0;
	s5 =	sld [smem:$0x3FB4]  }
0x2b: {  	s6 =	sld [smem:$0x3FB5]  }
0x2c: {  	s7 =	sld [smem:$0x3FB6]  }
0x2d: {  	s3 =	simm.s32 $0x108;
	s8 =	sld [smem:$0x3FB7]  }
0x2e: {  	s3 =	simm.s32 @!p0 $0x1082;
	s9 =	sld [smem:$0x3FB8]  }
0x2f: {  	lr =	sadd.s32 s0, s3;
	s0 =	sld [smem:$0x3FAF]  }
0x30: {  	s3 =	sld [smem:$0x3FB2]  }
0x31: {  	[smem:$0x3FBB] =	sst s10  }
0x32: {  	s10 =	sld [smem:$0x3FB9];
	_ =	sdelay $0x3  }
0x33: {  	p0 =	seq.s32 s10, $0x1;
	s10 =	sld [smem:$0x3FBB];
	_ =	sdelay $0x3  }
0x34: {  	[smem:$0x3FBB] =	sst s10  }
0x35: {  	s10 =	sld [smem:$0x3FBA];
	_ =	sdelay $0x3  }
0x36: {  	p1 =	seq.s32 s10, $0x1;
	s10 =	sld [smem:$0x3FBB];
	_ =	sdelay $0x3  }
0x37: {  	[smem:$0x3FBB] =	sst s10  }
0x38: {  	s10 =	sld [smem:$0x3FBC]  }
0x39: {  	_ = 	snop;
	(pc) =	sbr.ind lr, $3  }
0x3a: {  	_ = 	snop  }
0x3b: {  	_ = 	snop  }
0x3c: {  	p2 =	seq.s32 s10, $0x1;
	s10 =	sld [smem:$0x3FBB]  }
0x3d: {  	_ =	shalt  }
0x3e: {  	_ =	shalt  }
0x3f: {  	_ =	shalt  }
0x40: {  	_ =	shalt  }
0x41: {  	_ =	shalt  }
0x42: {  	_ =	shalt  }
0x43: {  	_ =	shalt  }
0x44: {  	_ =	shalt  }
0x45: {  	_ =	shalt  }
0x46: {  	_ =	shalt  }
0x47: {  	_ =	shalt  }
0x48: {  	_ =	shalt  }
0x49: {  	_ =	shalt  }
0x4a: {  	_ =	shalt  }
0x4b: {  	_ =	shalt  }
0x4c: {  	_ =	shalt  }
0x4d: {  	_ =	shalt  }
0x4e: {  	_ =	shalt  }
0x4f: {  	_ =	shalt  }
0x50: {  	_ =	shalt  }
0x51: {  	_ =	shalt  }
0x52: {  	_ =	shalt  }
0x53: {  	_ =	shalt  }
0x54: {  	_ =	shalt  }
0x55: {  	_ =	shalt  }
0x56: {  	_ =	shalt  }
0x57: {  	_ =	shalt  }
0x58: {  	_ =	shalt  }
0x59: {  	_ =	shalt  }
0x5a: {  	_ =	shalt  }
0x5b: {  	_ =	shalt  }
0x5c: {  	_ =	shalt  }
0x5d: {  	_ =	shalt  }
0x5e: {  	_ =	shalt  }
0x5f: {  	_ =	shalt  }
0x60: {  	_ =	shalt  }
0x61: {  	_ =	shalt  }
0x62: {  	_ =	shalt  }
0x63: {  	_ =	shalt  }
0x64: {  	_ =	shalt  }
0x65: {  	_ =	shalt  }
0x66: {  	_ =	shalt  }
0x67: {  	_ =	shalt  }
0x68: {  	_ =	shalt  }
0x69: {  	_ =	shalt  }
0x6a: {  	_ =	shalt  }
0x6b: {  	_ =	shalt  }
0x6c: {  	_ =	shalt  }
0x6d: {  	_ =	shalt  }
0x6e: {  	_ =	shalt  }
0x6f: {  	_ =	shalt  }
0x70: {  	_ =	shalt  }
0x71: {  	_ =	shalt  }
0x72: {  	_ =	shalt  }
0x73: {  	_ =	shalt  }
0x74: {  	_ =	shalt  }
0x75: {  	_ =	shalt  }
0x76: {  	_ =	shalt  }
0x77: {  	_ =	shalt  }
0x78: {  	_ =	shalt  }
0x79: {  	_ =	shalt  }
0x7a: {  	_ =	shalt  }
0x7b: {  	_ =	shalt  }
0x7c: {  	_ =	shalt  }
0x7d: {  	_ =	shalt  }
0x7e: {  	_ =	shalt  }
0x7f: {  	_ =	shalt  }
0x80: {  	_ =	shalt  }
0x81: {  	_ =	shalt  }
0x82: {  	_ =	shalt  }
0x83: {  	_ =	shalt  }
0x84: {  	_ =	shalt  }
0x85: {  	_ =	shalt  }
0x86: {  	_ =	shalt  }
0x87: {  	_ =	shalt  }
.Lfunc_end0:
.L_simem_size_0:
called_computation_lowered:
.L_overlay_start_0:
0x88: {  	s2 =	sld [smem:$0x3FD9]  }
0x89: {  	s3 =	sld [smem:$0x3FFE];
	_ =	sdelay $0x1  }
0x8a: {  	s1 =	srdreg.scid  }
0x8b: {  	s0 =	sand.u32 $0x1, s1  }
0x8c: {  	s18 =	sshll.u32 s0, $0xA;
	s2 =	sadd.s32 s3, s2  }
0x8d: {  	s2 =	sadd.s32 s2, s18  }
0x8e: {  	[smem:$0x3FC7] =	sst s2  }
0x8f: {  	_ = 	snop  }
0x90: {  	s2 =	sld [smem:$0x3FC9]  }
0x91: {  	s19 =	sld [smem:$0x3FD0];
	(tm) =	ssettm $0x1  }
0x92: {  	s4 =	sld [smem:$0x3FFB];
	_ =	sdelay $0x3  }
0x93: {  	_ =	strace s4  }
0x94: {  	s4 =	sld [smem:$0x3FFC];
	_ =	sdelay $0x3  }
0x95: {  	_ =	strace s4  }
0x96: {  	s4 =	sld [smem:$0x3FFD];
	_ =	sdelay $0x3  }
0x97: {  	_ =	strace s4  }
0x98: {  	_ =	strace $0x8FFFFFFF  }
0x99: {  	s20 =	sld [smem:$0x3FDB];
	_ =	sdelay $0x1  }
0x9a: {  	s5 =	simm.s32 $_scs_section_size  }
0x9b: {  	s6 =	simm.s32 $_size__tile_overlayer_lowered;
	s7 =	simm.s32 $_tile_overlayer_lowered  }
0x9c: {  	s23 =	simm.s32 $0x1BFF;
	s22 =	sshll.u32 s7, $0x1;
	s4 =	sadd.s32 s5, s20  }
0x9d: {  	s8 =	simm.s32 $0x0;
	s21 =	sshll.u32 s6, $0x1;
	s6 =	sadd.s32 s22, s4  }
0x9e: {  	[timem:s8], [sflag:s23] =	dma.local [hbm:s6], s21  }
0x9f: {  	_ =	swait.ge [sflag:s23], s21  }
0xa0: {  	s5 =	ssub.s32 $0x0, s21;
	[sflag:s23] =	ssyncset.done $0x0  }
0xa1: {  	[sflag:s23] =	ssyncadd.s32 s5;
	_ =	sdelay $0x1  }
0xa2: {  	s24 =	simm.s32 $0x1B8B  }
0xa3: {  	_ =	swait.ge [sflag:s24], $0x1  }
0xa4: {  	[sflag:s24] =	ssyncset.done $0x0  }
0xa5: {  	s25 =	simm.s32 $0x1B8E;
	[sflag:s24] =	ssyncadd.s32 $0xFFFFFFFF  }
0xa6: {  	s26 =	simm.s32 $execute0_lowered;
	[smem:$0x3FD2] =	sst s25  }
0xa7: {  	s5 =	sshll.u32 s26, $0x1;
	_ =	strace $0x80000046;
	[dreg:$0x1] =	wrdreg $0xFFFFFFFF  }
0xa8: {  	s28 =	simm.s32 $_size_execute0_lowered;
	s4 =	sadd.s32 s4, s5;
	[dreg:$0x0] =	wrdreg $0x0  }
0xa9: {  	s5 =	sshll.u32 s28, $0x1;
	[dreg:$0x2] =	wrdreg s4  }
0xaa: {  	[dreg:$0x3] =	wrdreg s5  }
0xab: {  	[dreg:$0x4] =	wrdreg $0xC0  }
0xac: {  	_ =	task [dreg:s8], $0x5FFFF  }
0xad: {  	[dreg:$0x1] =	wrdreg $0xFFFFFFFF  }
0xae: {  	[dreg:$0x0] =	wrdreg $0x60  }
0xaf: {  	[dreg:$0x2] =	wrdreg s2  }
0xb0: {  	[dreg:$0x3] =	wrdreg s19  }
0xb1: {  	[dreg:$0x4] =	wrdreg $0x77800  }
0xb2: {  	[dreg:$0x5] =	wrdreg $0x77A00  }
0xb3: {  	[dreg:$0x6] =	wrdreg $0x77B00  }
0xb4: {  	[dreg:$0x7] =	wrdreg $0x97B00  }
0xb5: {  	[dreg:$0x8] =	wrdreg $0xB7B00  }
0xb6: {  	[dreg:$0x9] =	wrdreg $0xB7C00  }
0xb7: {  	[dreg:$0xa] =	wrdreg $0x9  }
0xb8: {  	_ =	task.clear_ibuf [dreg:s8], $0xBFFFF;
	_ =	strace $0x90000046  }
0xb9: {  	s29 =	simm.s32 $0x9;
	_ =	strace $0x80000048  }
0xba: {  	_ =	swait.ge [sflag:s29], $0x1  }
0xbb: {  	[sflag:s29] =	ssyncadd.s32 $0xFFFFFFFF  }
0xbc: {  	_ =	strace $0x90000048  }
0xbd: {  	_ =	sfence  }
0xbe: {  	s30 =	sld [smem:$0x0];
	_ =	sdelay $0x2  }
0xbf: {  	s31 =	sshll.u32 s1, $0xD;
	s1 =	sshrl.u32 s1, $0x2  }
0xc0: {  	s3 =	sand.u32 $0x4000, s31;
	s1 =	sadd.s32 s1, s30  }
0xc1: {  	s0 =	sor.u32 s3, s0;
	s1 =	sshll.u32 s1, $0x11  }
0xc2: {  	s0 =	sor.u32 s1, s0  }
0xc3: {  	s0 =	sadd.s32 $0x8F2B, s0  }
0xc4: {  	[sflag:s0] =	ssyncadd.remote.s32 $0x1  }
0xc5: {  	_ =	sfence.sel $0xFFFF  }
0xc6: {  	[dreg:$0x0] =	wrdreg $0xFFFFFFFF;
	(pc) =	sbr.abs _section_cstart, $3  }
0xc7: {  	[dreg:$0x1] =	wrdreg $0xFFFFFFFF  }
0xc8: {  	_ =	task.clear_ibuf [dreg:s8], $0x2FFFF;
	_ =	strace $0x9FFFFFFF  }
0xc9: {  	(tm) =	ssettm $0x7FFFFFFF  }
tec
execute0_lowered:
.L_overlay_start_1:
0x0: {  	(tag) =	ssettag $0x1  }
0x1: {  	s0 =	rddreg [dreg:$0x1]  }
0x2: {  	s7 =	rddreg [dreg:$0x2]  }
0x3: {  	s22 =	rddreg [dreg:$0x3]  }
0x4: {  	s4 =	rddreg [dreg:$0x4]  }
0x5: {  	s5 =	rddreg [dreg:$0x5];
	s1 =	srdreg.scid  }
0x6: {  	s9 =	simm.s32 $0x0;
	s21 =	stileid.u32;
	s1 =	sand.u32 $0x1, s1  }
0x7: {  	[smem:$0x7FF] =	sst s9;
	s10 =	sshll.u32 s21, $0x3;
	s19 =	sshll.u32 s21, $0x7  }
0x8: {  	s25 =	sshllo.u32 s21, $0x3;
	s26 =	sshll.u32 s21, $0xD;
	s2 =	ssub.s32 $0x2, s1  }
0x9: {  	_ =	strace $0x80000047;
	s24 =	sor.u32 $0x1, s10;
	s6 =	sor.u32 $0x2, s10  }
0xa: {  	s8 =	sor.u32 $0x3, s10;
	s15 =	sor.u32 $0x4, s10;
	s17 =	sor.u32 $0x5, s10  }
0xb: {  	s18 =	sor.u32 $0x6, s10;
	s0 =	sadd.s32 s0, s19;
	p0 =	sne.s32 s1, $0x0  }
0xc: {  	s1 =	sshll.u32 s25, $0xA;
	s23 =	sadd.s32 s26, s4;
	s19 =	sadd.s32 s26, s5  }
0xd: {  	s3 =	sshrl.u32 s2, $0x1;
	s11 =	sshll.u32 s24, $0x7;
	s12 =	sshll.u32 s6, $0x7  }
0xe: {  	s6 =	sshll.u32 s6, $0xA;
	s13 =	sshll.u32 s8, $0x7;
	s8 =	sshll.u32 s8, $0xA  }
0xf: {  	s14 =	sshll.u32 s15, $0x7;
	s16 =	sshll.u32 s15, $0xA;
	[dreg:$0x9] =	wrdreg s0  }
0x10: {  	s15 =	sshll.u32 s17, $0x7;
	s20 =	sshll.u32 s17, $0xA;
	[dreg:$0xa] =	wrdreg s23  }
0x11: {  	s17 =	sshll.u32 s18, $0x7;
	s0 =	sshll.u32 s18, $0xA;
	[dreg:$0xb] =	wrdreg s19  }
0x12: {  	s2 =	ssub.s32 s2, s3;
	s3 =	sshll.u32 s24, $0xA;
	s24 =	sadd.s32 s6, s4  }
0x13: {  	s18 =	sshll.u32 s25, $0x7;
	s25 =	sadd.s32 s6, s5;
	[dreg:$0xe] =	wrdreg s24  }
0x14: {  	s26 =	sadd.s32 s8, s4;
	[dreg:$0xf] =	wrdreg s25  }
0x15: {  	s6 =	sadd.s32 s8, s5;
	[dreg:$0x10] =	wrdreg s26  }
0x16: {  	s8 =	sadd.s32 s16, s4;
	[dreg:$0x11] =	wrdreg s6  }
0x17: {  	s16 =	sadd.s32 s16, s5;
	[dreg:$0x12] =	wrdreg s8  }
0x18: {  	s19 =	sadd.s32 s20, s4;
	[dreg:$0x13] =	wrdreg s16  }
0x19: {  	s20 =	sadd.s32 s20, s5;
	[dreg:$0x14] =	wrdreg s19  }
0x1a: {  	s23 =	sadd.s32 s3, s4;
	[dreg:$0x15] =	wrdreg s20  }
0x1b: {  	s3 =	sadd.s32 s3, s5;
	[dreg:$0xc] =	wrdreg s23  }
0x1c: {  	s24 =	sadd.s32 s1, s4;
	[dreg:$0xd] =	wrdreg s3  }
0x1d: {  	s1 =	sadd.s32 s1, s5;
	[dreg:$0x19] =	wrdreg s24  }
0x1e: {  	s2 =	smax.u32 s2, $0x1;
	[dreg:$0x1a] =	wrdreg s1  }
0x1f: {  	s23 =	sadd.s32 s0, s4;
	[dreg:$0x1c] =	wrdreg s2  }
0x20: {  	s0 =	sadd.s32 s0, s5;
	[dreg:$0x16] =	wrdreg s23  }
0x21: {  	s2 =	sor.u32 $0x70, s12;
	[dreg:$0x17] =	wrdreg s0;
	s0 =	sshll.u32 s21, $0x4  }
0x22: {  	[smem:$0x7DE] =	sst s2;
	s3 =	sadd.s32 $0xFFFFFF80, s0  }
0x23: {  	s6 =	sadd.s32 $0x4080, s0;
	[dreg:$0x1d] =	wrdreg s3  }
0x24: {  	s8 =	sadd.s32 s0, s7;
	[dreg:$0x1e] =	wrdreg s6  }
0x25: {  	s19 =	sor.u32 $0x4100, s0;
	[dreg:$0x1f] =	wrdreg s8  }
0x26: {  	s20 =	sor.u32 $0x4000, s0;
	[smem:$0x7D9] =	sst s19  }
0x27: {  	p1 =	sgt.u32 s21, $0x7;
	s23 =	sor.u32 $0x4080, s0;
	[smem:$0x7DA] =	sst s20  }
0x28: {  	s25 =	sadd.s32 $0x80, s0;
	s24 =	sor.u32 $0x4200, s0;
	[smem:$0x7DB] =	sst s23  }
0x29: {  	s16 =	sand.u32 $0x70, s0;
	s26 =	sadd.s32 s25, s7;
	[smem:$0x7DC] =	sst s24  }
0x2a: {  	s1 =	sand.u32 $0x180, s25;
	s25 =	sadd.s32 s0, s22;
	[dreg:$0x1b] =	wrdreg s26  }
0x2b: {  	v0 =	vlaneseq.u32;
	s3 =	sshll.u32 s21, $0xB;
	s7 =	sor.u32 $0x40, s12;
	[smem:$0x7DD] =	sst s25  }
0x2c: {  	v2 =	vmul.u32 $0xFFFFFFFF, v0;
	s21 =	sshll.u32 s21, $0xA;
	s1 =	sor.u32 s1, s16;
	[smem:$0x7DF] =	sst s7  }
0x2d: {  	s26 =	sor.u32 $0x70, s21;
	[smem:$0x7FC] =	sst s1  }
0x2e: {  	v2 =	vadd.s32 $0xF, v2;
	s24 =	sor.u32 $0x70, s11;
	s7 =	sor.u32 $0x30, s12;
	[smem:$0x7FD] =	sst s26  }
0x2f: {  	v36 =	vor.u32 s24, v2;
	s24 =	sor.u32 $0x70, s17;
	[smem:$0x7E0] =	sst s7  }
0x30: {  	s1 =	sadd.s32 $0x100, s8;
	[smem:$0x7F3] =	sst s24  }
0x31: {  	s19 =	sor.u32 $0x40, s21;
	s7 =	sor.u32 $0x20, s12;
	[smem:$0x7D8] =	sst s1  }
0x32: {  	s20 =	sor.u32 $0x30, s21;
	v32 =	vor.u32 s19, v2;
	s19 =	sor.u32 $0x30, s14;
	[smem:$0x7E1] =	sst s7  }
0x33: {  	v33 =	vor.u32 s20, v2;
	s20 =	sor.u32 $0x20, s14;
	[smem:$0x7EE] =	sst s19  }
0x34: {  	s24 =	sor.u32 $0x40, s17;
	[smem:$0x7EF] =	sst s20  }
0x35: {  	s7 =	sor.u32 $0x10, s12;
	[smem:$0x7F5] =	sst s24  }
0x36: {  	s19 =	sor.u32 $0x30, s15;
	[smem:$0x7E2] =	sst s7  }
0x37: {  	s20 =	sor.u32 $0x10, s15;
	[smem:$0x7F1] =	sst s19  }
0x38: {  	[smem:$0x7F2] =	sst s20  }
0x39: {  	s8 =	sor.u32 $0x50, s21;
	s24 =	sor.u32 $0x20, s17;
	s19 =	sld [smem:$0x7DE]  }
0x3a: {  	s26 =	sor.u32 $0x50, s11;
	v31 =	vor.u32 s8, v2;
	s8 =	sor.u32 $0x40, s14;
	[smem:$0x7F6] =	sst s24  }
0x3b: {  	v38 =	vor.u32 s26, v2;
	s26 =	sor.u32 $0x40, s15;
	v61 =	vor.u32 s8, v2;
	s8 =	rddreg [dreg:$0x7]  }
0x3c: {  	s7 =	sor.u32 $0x70, s13;
	v10 =	vor.u32 s26, v2;
	s26 =	sld [smem:$0x7F3]  }
0x3d: {  	[smem:$0x7E3] =	sst s7;
	s7 =	sor.u32 $0x60, s13  }
0x3e: {  	[smem:$0x7E4] =	sst s7;
	s7 =	sor.u32 $0x50, s13  }
0x3f: {  	[smem:$0x7E5] =	sst s7;
	s7 =	sor.u32 $0x40, s13  }
0x40: {  	[smem:$0x7E6] =	sst s7;
	s7 =	sor.u32 $0x30, s13  }
0x41: {  	[smem:$0x7E7] =	sst s7;
	s7 =	sor.u32 $0x20, s13  }
0x42: {  	[smem:$0x7E8] =	sst s7;
	s7 =	sor.u32 $0x10, s13  }
0x43: {  	[smem:$0x7E9] =	sst s7;
	s7 =	sor.u32 $0x60, s14  }
0x44: {  	[smem:$0x7EB] =	sst s7;
	s7 =	sor.u32 $0x50, s14  }
0x45: {  	[smem:$0x7EC] =	sst s7;
	s7 =	sor.u32 $0x60, s15  }
0x46: {  	[smem:$0x7F0] =	sst s7  }
0x47: {  	s20 =	sor.u32 $0x50, s17;
	s7 =	sld [smem:$0x7DF]  }
0x48: {  	[smem:$0x7F4] =	sst s20  }
0x49: {  	s23 =	sor.u32 $0x10, s21;
	s20 =	sld [smem:$0x7E1]  }
0x4a: {  	v35 =	vor.u32 s23, v2;
	s23 =	sor.u32 $0x70, s15;
	v46 =	vor.u32 s7, v2;
	s7 =	rddreg [dreg:$0x6]  }
0x4b: {  	v7 =	vor.u32 s23, v2;
	s23 =	sld [smem:$0x7F1];
	s7 =	sadd.s32 s0, s7  }
0x4c: {  	s25 =	sor.u32 $0x60, s11;
	[smem:$0x7EA] =	sst s7  }
0x4d: {  	v37 =	vor.u32 s25, v2;
	s25 =	sor.u32 $0x50, s15;
	s7 =	sld [smem:$0x7EB]  }
0x4e: {  	v9 =	vor.u32 s25, v2;
	s25 =	sld [smem:$0x7F2]  }
0x4f: {  	s24 =	sld [smem:$0x7E3]  }
0x50: {  	v58 =	vor.u32 s7, v2;
	s7 =	sld [smem:$0x7EC]  }
0x51: {  	s6 =	sor.u32 $0x60, s21;
	v43 =	vor.u32 s19, v2;
	s19 =	sld [smem:$0x7E0]  }
0x52: {  	v30 =	vor.u32 s6, v2;
	s6 =	sor.u32 $0x20, s15;
	v48 =	vor.u32 s20, v2;
	s20 =	sld [smem:$0x7E2]  }
0x53: {  	v12 =	vor.u32 s6, v2;
	v59 =	vor.u32 s7, v2;
	s7 =	sadd.s32 s21, s8;
	s8 =	sld [smem:$0x7EE]  }
0x54: {  	[tilespmem:$0x1FE60] =	vst v12;
	v12 =	vor.u32 s25, v2;
	s25 =	sld [smem:$0x7F5]  }
0x55: {  	[tilespmem:$0x1FE70] =	vst v12;
	v12 =	vor.u32 s26, v2;
	s26 =	sld [smem:$0x7F6]  }
0x56: {  	v50 =	vor.u32 s24, v2;
	s24 =	sor.u32 $0x50, s18;
	v63 =	vor.u32 s8, v2;
	s8 =	sld [smem:$0x7EF]  }
0x57: {  	[smem:$0x7F9] =	sst s24  }
0x58: {  	s24 =	sld [smem:$0x7E6]  }
0x59: {  	s1 =	sor.u32 $0x50, s12;
	v47 =	vor.u32 s19, v2;
	s19 =	sor.u32 $0x10, s17;
	v5 =	vor.u32 s8, v2;
	s8 =	sld [smem:$0x7F4]  }
0x5a: {  	v45 =	vor.u32 s1, v2;
	s1 =	sor.u32 $0x60, s17;
	[smem:$0x7F7] =	sst s19  }
0x5b: {  	[tilespmem:$0x1FE80] =	vst v12;
	v12 =	vor.u32 s1, v2;
	v49 =	vor.u32 s20, v2;
	s19 =	sld [smem:$0x7E4];
	s20 =	sor.u32 $0x60, s18  }
0x5c: {  	s2 =	sor.u32 $0x60, s12;
	[tilespmem:$0x1FE90] =	vst v12;
	[smem:$0x7F8] =	sst s20;
	v12 =	vor.u32 s8, v2  }
0x5d: {  	v44 =	vor.u32 s2, v2;
	s2 =	sor.u32 $0x30, s17;
	s20 =	sld [smem:$0x7E5];
	[tilespmem:$0x1FEA0] =	vst v12;
	v12 =	vor.u32 s25, v2  }
0x5e: {  	[tilespmem:$0x1FEB0] =	vst v12;
	v12 =	vor.u32 s2, v2;
	s2 =	sld [smem:$0x7F7]  }
0x5f: {  	s6 =	sld [smem:$0x7F8]  }
0x60: {  	v52 =	vor.u32 s20, v2;
	s20 =	sld [smem:$0x7E7];
	[tilespmem:$0x1FEC0] =	vst v12;
	v12 =	vor.u32 s26, v2  }
0x61: {  	v53 =	vor.u32 s24, v2;
	s24 =	sor.u32 $0x30, s18;
	v51 =	vor.u32 s19, v2;
	s19 =	sor.u32 $0x70, s18;
	s8 =	sld [smem:$0x7F9];
	[tilespmem:$0x1FED0] =	vst v12;
	v12 =	vor.u32 s2, v2  }
0x62: {  	[smem:$0x7FA] =	sst s24;
	s24 =	sor.u32 $0x20, s18;
	[tilespmem:$0x1FEE0] =	vst v12;
	v12 =	vor.u32 s19, v2  }
0x63: {  	[smem:$0x7FB] =	sst s24;
	[tilespmem:$0x1FEF0] =	vst v12;
	v12 =	vor.u32 s6, v2  }
0x64: {  	v54 =	vor.u32 s20, v2;
	s20 =	sor.u32 $0x40, s18;
	s19 =	sld [smem:$0x7FA];
	[tilespmem:$0x1FF00] =	vst v12;
	v12 =	vor.u32 s8, v2  }
0x65: {  	v1 =	vmul.u32 $0x80, v0;
	v11 =	vor.u32 s23, v2;
	[tilespmem:$0x1FF10] =	vst v12;
	v12 =	vor.u32 s20, v2;
	s20 =	sld [smem:$0x7FB]  }
0x66: {  	[tilespmem:$0x1FFF0] =	vst v11  }
0x67: {  	v3 =	vmov s3;
	v4 =	vor.u32 s3, v1;
	s3 =	sor.u32 $0x70, s14;
	s26 =	sld [smem:$0x7FD];
	[tilespmem:$0x1FF20] =	vst v12;
	v12 =	vor.u32 s19, v2  }
0x68: {  	v57 =	vor.u32 s3, v2;
	s3 =	sor.u32 $0x10, s18;
	[tilespmem:$0x1FF30] =	vst v12;
	v12 =	vor.u32 s20, v2  }
0x69: {  	[tilespmem:$0x1FF40] =	vst v12;
	v12 =	vor.u32 s3, v2  }
0x6a: {  	[tilespmem:$0x1FF50] =	vst v12;
	v12 =	vor.u32 s26, v2  }
0x6b: {  	[tilespmem:$0x1FF60] =	vst v12;
	v12 =	vor.u32 s21, v2  }
0x6c: {  	s22 =	sor.u32 $0x20, s21;
	s24 =	sld [smem:$0x7E8];
	[tilespmem:$0x1FF70] =	vst v12;
	v12 =	vor.u32 s11, v2  }
0x6d: {  	v13 =	vimm.s32 $0x100000;
	s28 =	sor.u32 $0x40, s11;
	v34 =	vor.u32 s22, v2;
	s22 =	sor.u32 $0x10, s14;
	[tilespmem:$0x1FF80] =	vst v12;
	v12 =	vor.u32 s12, v2  }
0x6e: {  	s29 =	sor.u32 $0x30, s11;
	s30 =	sor.u32 $0x20, s11;
	v39 =	vor.u32 s28, v2;
	v6 =	vor.u32 s22, v2;
	s22 =	sld [smem:$0x7F0];
	[tilespmem:$0x1FF90] =	vst v12;
	v12 =	vor.u32 s13, v2  }
0x6f: {  	s31 =	sor.u32 $0x10, s11;
	v40 =	vor.u32 s29, v2;
	s28 =	simm.s32 $0x2;
	v55 =	vor.u32 s24, v2;
	s24 =	sld [smem:$0x7E9];
	[tilespmem:$0x1FFA0] =	vst v12;
	v12 =	vor.u32 s14, v2  }
0x70: {  	v41 =	vor.u32 s30, v2;
	s29 =	simm.s32 $0x4000;
	s30 =	simm.s32 $0x4200;
	s25 =	sld [smem:$0x7FC];
	v62 =	vmov s26;
	[tilespmem:$0x1FFB0] =	vst v12;
	v12 =	vor.u32 s15, v2  }
0x71: {  	v42 =	vor.u32 s31, v2;
	s31 =	simm.s32 $0x4300;
	[dreg:$0x18] =	wrdreg s0;
	v15 =	vmov s0;
	s23 =	simm.s32 $0x80;
	[tilespmem:$0x1FFC0] =	vst v12;
	v12 =	vor.u32 s17, v2  }
0x72: {  	v8 =	vor.u32 s22, v2;
	s22 =	simm.s32 $0x1;
	v56 =	vor.u32 s24, v2;
	s24 =	sadd.s32 $0x8, s10;
	[smem:$0x7ED] =	sst s7;
	[tilespmem:$0x1FFD0] =	vst v12;
	v12 =	vor.u32 s18, v2  }
0x73: {  	v14 =	vimm.s32 $0x0;
	s7 =	simm.s32 $0x4700;
	v60 =	vmov s25;
	s2 =	simm.s32 $0x7700;
	s8 =	simm.s32 $0x0;
	[tilespmem:$0x1FFE0] =	vst v12;
	v12 =	vimm.s32 $0x1  }
.LBB2_1:
.Ltmp0:
0x74: {  	s0 =	rddreg [dreg:$0x0];
	(pc) =	sbr.rel @!p1 .LBB2_2-.Ltmp0, $4  }
0x75: {  	[tilespmem:s9], [sflag:$0x2] =	stream.linear.gather [hbm4b:s0+s9], $0x4000, $0x38;
	[tilespmem:$0xBBC0] =	vst v63  }
0x76: {  	_ =	swait.ge [sflag:s28], $0x4000  }
0x77: {  	[sflag:s28] =	ssyncset.done $0x0  }
0x78: {  	[sflag:s28] =	ssyncadd.s32 $0xFFFFC000  }
0x79: {  	_ =	sdelay $0x2  }
0x7a: {  	s25 =	simm.s32 $0x0  }
0x7b: {  	v17 =	vld.idx.msk [tilespmem:v15+s25+$0x0 ss:$0x1], $0xffff  }
0x7c: {  	s0 =	rddreg [dreg:$0x1d];
	v18 =	vld.idx.msk [tilespmem:v60+s25+$0x0 ss:$0x1], $0xffff  }
0x7d: {  	s1 =	sand.u32 $0xFFFFFF80, s0;
	v19 =	vld.idx.msk [tilespmem:v15+s25+$0x100 ss:$0x1], $0xffff  }
0x7e: {  	s1 =	sor.u32 s1, s16  }
0x7f: {  	v16 =	vld [tilespmem:s1+$0x0];
	_ =	sdelay $0x1  }
0x80: {  	s6 =	simm.s32 $0x200;
	v17 =	vtrunc.f32 v17  }
0x81: {  	v21 =	vld.idx.msk [tilespmem:v15+s6+$0x0 ss:$0x1], $0xffff;
	v18 =	vtrunc.f32 v18;
	v19 =	vtrunc.f32 v19  }
0x82: {  	s26 =	sadd.s32 $0x200, s0;
	v17 =	vcvt.f32.s32 v17;
	v18 =	vcvt.f32.s32 v18  }
0x83: {  	s3 =	sand.u32 $0xFFFFFF80, s26;
	v19 =	vcvt.f32.s32 v19;
	v16 =	vtrunc.f32 v16  }
0x84: {  	s3 =	sor.u32 s3, s16;
	v16 =	vcvt.f32.s32 v16;
	v22 =	vshll.u32 v17, $0x3;
	v23 =	vshll.u32 v18, $0x3  }
0x85: {  	v24 =	vld [tilespmem:s3+$0x0];
	v25 =	vshll.u32 v19, $0x3;
	vm14 =	vlt.s32 v19, $0x4;
	vm1 =	vlt.s32 v17, $0x4  }
0x86: {  	vm2 =	vlt.s32 v18, $0x4;
	v17 =	vtrunc.f32 v21;
	v20 =	vshll.u32 v16, $0x3  }
0x87: {  	v26 =	vld.idx.msk [tilespmem:v60+s6+$0x0 ss:$0x1], $0xffff;
	v22 =	vand.u32 $0x18, v22;
	vm0 =	vlt.s32 v16, $0x4;
	v16 =	vand.u32 $0x18, v20  }
0x88: {  	v23 =	vand.u32 $0x18, v23;
	v22 =	vshll.u32 v12, v22;
	v16 =	vshll.u32 v12, v16  }
0x89: {  	v27 =	vshll.u32 v12, v23;
	v20 =	vnsel vm0, $0x0, v16;
	v16 =	vsel vm0, $0x0, v16  }
0x8a: {  	v23 =	vand.u32 $0x18, v25;
	v19 =	vadd.s32 v14, v16;
	v16 =	vtrunc.f32 v24  }
0x8b: {  	v28 =	vshll.u32 v12, v23;
	v20 =	vadd.s32 v14, v20;
	v21 =	vcvt.f32.s32 v16  }
0x8c: {  	v24 =	vtrunc.f32 v26;
	v16 =	vcvt.f32.s32 v17;
	v17 =	vsel vm1, $0x0, v22  }
0x8d: {  	v22 =	vnsel vm1, $0x0, v22;
	v19 =	vadd.s32 v17, v19;
	v17 =	vshll.u32 v21, $0x3  }
0x8e: {  	v23 =	vadd.s32 v22, v20;
	v20 =	vand.u32 $0x18, v17;
	v17 =	vcvt.f32.s32 v24;
	v24 =	vld.idx.msk [tilespmem:v15+s6+$0x100 ss:$0x1], $0xffff  }
0x8f: {  	v18 =	vsel vm2, $0x0, v27;
	v25 =	vnsel vm2, $0x0, v27;
	vm15 =	vlt.s32 v21, $0x4  }
0x90: {  	v21 =	vnsel vm14, $0x0, v28;
	v19 =	vadd.s32 v18, v19;
	v22 =	vshll.u32 v12, v20  }
0x91: {  	s1 =	sadd.s32 $0x200, s26;
	s3 =	simm.s32 $0x1000;
	v20 =	vnsel vm15, $0x0, v22;
	v18 =	vsel vm15, $0x0, v22;
	v22 =	vsel vm14, $0x0, v28  }
.LBB2_6:
0x92: {  	s20 =	smov.u32 s3  }
0x93: {  	s6 =	sand.u32 $0xFFFFFF80, s1;
	s19 =	sshra.s32 s3, $0x2;
	v26 =	vshll.u32 v16, $0x3;
	v24 =	vtrunc.f32 v24;
	v23 =	vadd.s32 v25, v23;
	s20 =	sadd.s32 $0x800, s3  }
0x94: {  	p2 =	sne.s32 s3, $0xF800;
	v27 =	vshll.u32 v17, $0x3;
	s6 =	sor.u32 s6, s16;
	v26 =	vand.u32 $0x18, v26;
	v24 =	vcvt.f32.s32 v24;
	v25 =	vld.idx.msk [tilespmem:v15+s19+$0x0 ss:$0x1], $0xffff  }
0x95: {  	v27 =	vand.u32 $0x18, v27;
	v21 =	vadd.s32 v21, v23;
	v26 =	vshll.u32 v12, v26;
	v28 =	vld [tilespmem:s6+$0x0]  }
0x96: {  	v19 =	vadd.s32 v22, v19;
	v27 =	vshll.u32 v12, v27;
	v29 =	vshll.u32 v24, $0x3;
	v23 =	vld.idx.msk [tilespmem:v60+s19+$0x0 ss:$0x1], $0xffff  }
0x97: {  	v22 =	vand.u32 $0x18, v29  }
0x98: {  	v20 =	vadd.s32 v21, v20;
	vm0 =	vlt.s32 v24, $0x4;
	v22 =	vshll.u32 v12, v22  }
0x99: {  	vm1 =	vlt.s32 v16, $0x4;
	vm2 =	vlt.s32 v17, $0x4;
	v18 =	vadd.s32 v19, v18  }
0x9a: {  	v19 =	vsel vm2, $0x0, v27;
	v17 =	vtrunc.f32 v25;
	v16 =	vtrunc.f32 v28  }
0x9b: {  	v21 =	vcvt.f32.s32 v16;
	v16 =	vcvt.f32.s32 v17;
	v24 =	vld.idx.msk [tilespmem:v15+s19+$0x100 ss:$0x1], $0xffff;
	v17 =	vsel vm1, $0x0, v26  }
.Ltmp1:
0x9c: {  	v25 =	vtrunc.f32 v23;
	v23 =	vnsel vm1, $0x0, v26;
	v18 =	vadd.s32 v17, v18;
	(pc) =	sbr.rel @p2 .LBB2_6-.Ltmp1, $4  }
0x9d: {  	v23 =	vadd.s32 v23, v20;
	v17 =	vshll.u32 v21, $0x3;
	vm1 =	vlt.s32 v21, $0x4  }
0x9e: {  	v21 =	vnsel vm0, $0x0, v22;
	v20 =	vand.u32 $0x18, v17;
	v17 =	vcvt.f32.s32 v25  }
0x9f: {  	v19 =	vadd.s32 v19, v18;
	v25 =	vnsel vm2, $0x0, v27;
	v26 =	vshll.u32 v12, v20  }
0xa0: {  	s1 =	sadd.s32 $0x200, s1;
	s3 =	smov.u32 s20;
	v22 =	vsel vm0, $0x0, v22;
	v20 =	vnsel vm1, $0x0, v26;
	v18 =	vsel vm1, $0x0, v26  }
0xa1: {  	v24 =	vtrunc.f32 v24;
	v26 =	vshll.u32 v16, $0x3;
	v23 =	vadd.s32 v25, v23  }
0xa2: {  	v19 =	vadd.s32 v22, v19;
	vm1 =	vlt.s32 v16, $0x4;
	vm2 =	vlt.s32 v17, $0x4  }
0xa3: {  	v24 =	vcvt.f32.s32 v24;
	v25 =	vand.u32 $0x18, v26;
	v26 =	vshll.u32 v17, $0x3  }
0xa4: {  	v21 =	vadd.s32 v21, v23;
	v16 =	vadd.s32 v19, v18;
	v26 =	vand.u32 $0x18, v26  }
0xa5: {  	v25 =	vshll.u32 v12, v25;
	v20 =	vadd.s32 v21, v20;
	v23 =	vshll.u32 v24, $0x3  }
0xa6: {  	v26 =	vshll.u32 v12, v26;
	vm0 =	vlt.s32 v24, $0x4;
	v24 =	vnsel vm1, $0x0, v25  }
0xa7: {  	v25 =	vsel vm1, $0x0, v25;
	v23 =	vand.u32 $0x18, v23;
	v17 =	vsel vm2, $0x0, v26  }
0xa8: {  	v18 =	vadd.s32 v24, v20;
	v26 =	vnsel vm2, $0x0, v26;
	v21 =	vshll.u32 v12, v23  }
0xa9: {  	v16 =	vadd.s32 v25, v16;
	v18 =	vadd.s32 v26, v18;
	v27 =	vnsel vm0, $0x0, v21  }
0xaa: {  	v16 =	vadd.s32 v17, v16;
	v17 =	vsel vm0, $0x0, v21;
	v18 =	vadd.s32 v27, v18  }
0xab: {  	s0 =	rddreg [dreg:$0x1b];
	v16 =	vadd.s32 v17, v16;
	[tilespmem:s16+$0x4100] =	vst v18  }
0xac: {  	s1 =	rddreg [dreg:$0x1e];
	[tilespmem:s16+$0x4180] =	vst v16  }
0xad: {  	[spmem:s0] =	stream.linear.scatter [tilespmem:s1], [sflag:$0x2], $0x10, $0x38;
	[tilespmem:$0xBBC0] =	vst v63  }
0xae: {  	_ =	swait.ge [sflag:s28], $0x10  }
.Ltmp2:
0xaf: {  	s25 =	sld [smem:$0x7D8];
	(pc) =	sbr.rel .LBB2_8-.Ltmp2, $4  }
0xb0: {  	s26 =	sld [smem:$0x7D9]  }
0xb1: {  	[sflag:s28] =	ssyncset.done $0x0  }
0xb2: {  	[sflag:s28] =	ssyncadd.s32 $0xFFFFFFF0  }
0xb3: {  	[spmem:s25] =	stream.linear.scatter [tilespmem:s26], [sflag:$0x2], $0x10, $0x38;
	[tilespmem:$0xBBC0] =	vst v63  }
.LBB2_2:
0xb4: {  	s1 =	sadd.s32 $0x2, s9;
	s3 =	sadd.s32 $0x1, s9  }
0xb5: {  	v17 =	vmov s9;
	s19 =	sadd.s32 $0x3, s9;
	v16 =	vmov s1;
	v18 =	vmov s3  }
0xb6: {  	v17 =	vand.u32 $0x7C, v17;
	v19 =	vor.u32 s19, v4;
	v16 =	vand.u32 $0x7E, v16  }
0xb7: {  	v18 =	vand.u32 $0x7D, v18;
	v17 =	vbroadcast v17, $0x0;
	v16 =	vor.u32 v3, v16  }
0xb8: {  	v18 =	vor.u32 v3, v18;
	v16 =	vbroadcast v16, $0x0  }
0xb9: {  	v18 =	vbroadcast v18, $0x0;
	v17 =	vor.u32 v4, v17  }
0xba: {  	v16 =	vor.u32 v1, v16  }
0xbb: {  	s20 =	sadd.s32 $0x4, s9;
	v18 =	vor.u32 v1, v18;
	v19 =	vld.idx.msk [tilespmem:v19+s9+$0x0], $0xffff  }
0xbc: {  	s25 =	sadd.s32 $0x1, s20  }
0xbd: {  	s6 =	sadd.s32 $0x2, s20;
	v20 =	vmov s20;
	v21 =	vmov s25  }
0xbe: {  	v22 =	vmov s6;
	v23 =	vld.idx.msk [tilespmem:v17+s9+$0x0], $0xffff;
	v17 =	vand.u32 $0x7C, v20;
	v20 =	vand.u32 $0x7D, v21  }
0xbf: {  	v21 =	vand.u32 $0x7E, v22;
	v24 =	vld.idx.msk [tilespmem:v16+s9+$0x0], $0xffff;
	v16 =	vbroadcast v17, $0x0;
	v17 =	vor.u32 v3, v20  }
0xc0: {  	v20 =	vor.u32 v3, v21;
	v21 =	vld.idx.msk [tilespmem:v18+s9+$0x0], $0xffff;
	v18 =	vtrunc.f32 v19;
	v17 =	vbroadcast v17, $0x0  }
0xc1: {  	s26 =	sadd.s32 $0x3, s20;
	v19 =	vbroadcast v20, $0x0;
	v20 =	vcvt.f32.s32 v18  }
0xc2: {  	v22 =	vor.u32 s26, v4;
	v18 =	vor.u32 v4, v16;
	v16 =	vor.u32 v1, v17  }
0xc3: {  	v17 =	vor.u32 v1, v19;
	v19 =	vtrunc.f32 v23;
	v23 =	vshll.u32 v20, $0x3  }
0xc4: {  	vm0 =	vlt.s32 v20, $0x4;
	v19 =	vcvt.f32.s32 v19;
	v23 =	vand.u32 $0x18, v23  }
0xc5: {  	v20 =	vtrunc.f32 v24;
	v24 =	vtrunc.f32 v21;
	v21 =	vshll.u32 v12, v23  }
0xc6: {  	v20 =	vcvt.f32.s32 v20;
	v25 =	vshll.u32 v19, $0x3;
	v26 =	vcvt.f32.s32 v24  }
0xc7: {  	v23 =	vnsel vm0, $0x0, v21;
	vm3 =	vlt.s32 v19, $0x4;
	v19 =	vimm.s32 $0x0  }
0xc8: {  	v24 =	vand.u32 $0x18, v25;
	vm1 =	vlt.s32 v20, $0x4;
	v25 =	vshll.u32 v26, $0x3  }
0xc9: {  	s1 =	sadd.s32 $0x4, s20;
	vm2 =	vlt.s32 v26, $0x4;
	v26 =	vshll.u32 v20, $0x3;
	v20 =	vimm.s32 $0x0  }
.LBB2_3:
0xca: {  	p2 =	sne.s32 s1, $0x7C;
	v24 =	vshll.u32 v12, v24;
	v25 =	vand.u32 $0x18, v25;
	v26 =	vand.u32 $0x18, v26  }
0xcb: {  	v27 =	vnsel vm3, $0x0, v24;
	v25 =	vshll.u32 v12, v25;
	v26 =	vshll.u32 v12, v26  }
0xcc: {  	v24 =	vsel vm3, $0x0, v24;
	v28 =	vnsel vm2, $0x0, v25;
	v29 =	vnsel vm1, $0x0, v26  }
0xcd: {  	v19 =	vadd.s32 v19, v27;
	v20 =	vadd.s32 v20, v24;
	v24 =	vsel vm2, $0x0, v25  }
0xce: {  	v19 =	vadd.s32 v28, v19;
	v20 =	vadd.s32 v24, v20;
	v24 =	vsel vm1, $0x0, v26;
	v22 =	vld.idx.msk [tilespmem:v22+s9+$0x0], $0xffff  }
0xcf: {  	s3 =	sadd.s32 $0x2, s1;
	v21 =	vsel vm0, $0x0, v21;
	v19 =	vadd.s32 v29, v19;
	v20 =	vadd.s32 v24, v20  }
0xd0: {  	s6 =	sadd.s32 $0x1, s1;
	v24 =	vmov s3;
	v19 =	vadd.s32 v23, v19;
	v20 =	vadd.s32 v21, v20  }
0xd1: {  	v21 =	vmov s1;
	v23 =	vmov s6;
	v24 =	vand.u32 $0x7E, v24;
	v25 =	vld.idx.msk [tilespmem:v18+s9+$0x0], $0xffff  }
0xd2: {  	v18 =	vand.u32 $0x7C, v21;
	v21 =	vand.u32 $0x7D, v23;
	v23 =	vor.u32 v3, v24;
	v24 =	vld.idx.msk [tilespmem:v17+s9+$0x0], $0xffff  }
0xd3: {  	v17 =	vbroadcast v18, $0x0;
	v18 =	vor.u32 v3, v21;
	v21 =	vbroadcast v23, $0x0;
	v23 =	vld.idx.msk [tilespmem:v16+s9+$0x0], $0xffff  }
0xd4: {  	s3 =	sadd.s32 $0x3, s1;
	v16 =	vbroadcast v18, $0x0;
	v18 =	vtrunc.f32 v22  }
0xd5: {  	v22 =	vor.u32 s3, v4;
	v26 =	vcvt.f32.s32 v18  }
0xd6: {  	v18 =	vor.u32 v4, v17;
	v17 =	vor.u32 v1, v21;
	v16 =	vor.u32 v1, v16  }
0xd7: {  	v21 =	vtrunc.f32 v25;
	v25 =	vshll.u32 v26, $0x3;
	vm0 =	vlt.s32 v26, $0x4  }
.Ltmp3:
0xd8: {  	v26 =	vcvt.f32.s32 v21;
	v21 =	vtrunc.f32 v24;
	v24 =	vand.u32 $0x18, v25;
	(pc) =	sbr.rel @p2 .LBB2_3-.Ltmp3, $4  }
0xd9: {  	v23 =	vtrunc.f32 v23;
	v27 =	vcvt.f32.s32 v21;
	v21 =	vshll.u32 v12, v24  }
0xda: {  	v24 =	vshll.u32 v26, $0x3;
	v28 =	vcvt.f32.s32 v23;
	v23 =	vnsel vm0, $0x0, v21  }
0xdb: {  	vm3 =	vlt.s32 v26, $0x4;
	v24 =	vand.u32 $0x18, v24;
	vm1 =	vlt.s32 v27, $0x4  }
0xdc: {  	s1 =	sadd.s32 $0x4, s1;
	v26 =	vshll.u32 v27, $0x3;
	v25 =	vshll.u32 v28, $0x3;
	vm2 =	vlt.s32 v28, $0x4  }
0xdd: {  	_ =	sdelay $0x3  }
0xde: {  	v22 =	vld.idx.msk [tilespmem:v22+s9+$0x0], $0xffff;
	v24 =	vshll.u32 v12, v24;
	v25 =	vand.u32 $0x18, v25  }
0xdf: {  	v26 =	vand.u32 $0x18, v26;
	v18 =	vld.idx.msk [tilespmem:v18+s9+$0x0], $0xffff;
	v21 =	vsel vm0, $0x0, v21;
	v27 =	vnsel vm3, $0x0, v24  }
0xe0: {  	v17 =	vld.idx.msk [tilespmem:v17+s9+$0x0], $0xffff;
	v25 =	vshll.u32 v12, v25;
	v26 =	vshll.u32 v12, v26;
	v24 =	vsel vm3, $0x0, v24  }
0xe1: {  	v16 =	vld.idx.msk [tilespmem:v16+s9+$0x0], $0xffff;
	v28 =	vnsel vm2, $0x0, v25;
	v29 =	vnsel vm1, $0x0, v26;
	v19 =	vadd.s32 v19, v27  }
0xe2: {  	v20 =	vadd.s32 v20, v24;
	v24 =	vsel vm2, $0x0, v25;
	v19 =	vadd.s32 v28, v19  }
0xe3: {  	v20 =	vadd.s32 v24, v20;
	v24 =	vsel vm1, $0x0, v26;
	v19 =	vadd.s32 v29, v19  }
0xe4: {  	v20 =	vadd.s32 v24, v20;
	v22 =	vtrunc.f32 v22;
	v18 =	vtrunc.f32 v18  }
0xe5: {  	v19 =	vadd.s32 v23, v19;
	v17 =	vtrunc.f32 v17;
	v22 =	vcvt.f32.s32 v22  }
0xe6: {  	v16 =	vtrunc.f32 v16;
	v20 =	vadd.s32 v21, v20;
	v18 =	vcvt.f32.s32 v18  }
0xe7: {  	v17 =	vcvt.f32.s32 v17;
	v16 =	vcvt.f32.s32 v16;
	v27 =	vshll.u32 v22, $0x3  }
0xe8: {  	vm12 =	vlt.s32 v22, $0x4;
	v25 =	vshll.u32 v18, $0x3;
	vm13 =	vlt.s32 v18, $0x4  }
0xe9: {  	vm14 =	vlt.s32 v17, $0x4;
	v26 =	vshll.u32 v16, $0x3;
	vm15 =	vlt.s32 v16, $0x4  }
0xea: {  	v16 =	vshll.u32 v17, $0x3;
	v24 =	vand.u32 $0x18, v27;
	v23 =	vand.u32 $0x18, v25  }
0xeb: {  	v18 =	vand.u32 $0x18, v26;
	v16 =	vand.u32 $0x18, v16;
	v22 =	vshll.u32 v12, v24  }
0xec: {  	v17 =	vshll.u32 v12, v23;
	v18 =	vshll.u32 v12, v18;
	v16 =	vshll.u32 v12, v16  }
0xed: {  	v21 =	vnsel vm12, $0x0, v22;
	v23 =	vnsel vm13, $0x0, v17;
	v17 =	vsel vm13, $0x0, v17  }
0xee: {  	v24 =	vnsel vm15, $0x0, v18;
	v25 =	vnsel vm14, $0x0, v16;
	v19 =	vadd.s32 v19, v23  }
0xef: {  	v18 =	vsel vm15, $0x0, v18;
	v17 =	vadd.s32 v20, v17;
	v19 =	vadd.s32 v24, v19  }
0xf0: {  	s0 =	rddreg [dreg:$0x18];
	v16 =	vsel vm14, $0x0, v16;
	v17 =	vadd.s32 v18, v17;
	v27 =	vadd.s32 v25, v19  }
0xf1: {  	s1 =	sld [smem:$0x7DA];
	v16 =	vadd.s32 v16, v17;
	v17 =	vsel vm12, $0x0, v22;
	v18 =	vadd.s32 v21, v27  }
0xf2: {  	v16 =	vadd.s32 v17, v16;
	[tilespmem:s0+$0x4000] =	vst v18  }
0xf3: {  	s20 =	rddreg [dreg:$0x1f];
	[tilespmem:s0+$0x4080] =	vst v16  }
0xf4: {  	[spmem:s20] =	stream.linear.scatter [tilespmem:s1], [sflag:$0x2], $0x10, $0x38;
	[tilespmem:$0xBBC0] =	vst v63  }
0xf5: {  	_ =	swait.ge [sflag:s28], $0x10  }
0xf6: {  	s26 =	sld [smem:$0x7DB]  }
0xf7: {  	[sflag:s28] =	ssyncset.done $0x0  }
0xf8: {  	s25 =	rddreg [dreg:$0x1b];
	[sflag:s28] =	ssyncadd.s32 $0xFFFFFFF0  }
0xf9: {  	[spmem:s25] =	stream.linear.scatter [tilespmem:s26], [sflag:$0x2], $0x10, $0x38;
	[tilespmem:$0xBBC0] =	vst v63  }
.LBB2_8:
0xfa: {  	_ =	swait.ge [sflag:s28], $0x10  }
0xfb: {  	[sflag:s28] =	ssyncset.done $0x0  }
0xfc: {  	[sflag:s28] =	ssyncadd.s32 $0xFFFFFFF0  }
0xfd: {  	[bflag:$0x0] =	sbarrier.arrive $0xFFFF  }
.Ltmp4:
0xfe: {  	s0 =	rddreg [dreg:$0x2];
	(pc) =	sbr.rel @!p1 .LBB2_9-.Ltmp4, $4  }
0xff: {  	[tilespmem:s29], [sflag:$0x2] =	stream.linear.gather [spmem:s0], $0x200, $0x38;
	[tilespmem:$0xBBC0] =	vst v63  }
0x100: {  	_ =	swait.ge [sflag:s28], $0x200  }
0x101: {  	[sflag:s28] =	ssyncset.done $0x0  }
0x102: {  	[sflag:s28] =	ssyncadd.s32 $0xFFFFFE00  }
0x103: {  	s26 =	simm.s32 $0x0  }
0x104: {  	v16 =	vmov s26  }
0x105: {  	v11 =	vmov v10;
	v10 =	vmov v9;
	v18 =	vor.u32 $0x100, v16  }
0x106: {  	v9 =	vmovc v8;
	v8 =	vmovc v7;
	v7 =	vmov v6;
	v6 =	vmov v5;
	s20 =	simm.s32 $0x1;
	v19 =	vor.u32 $0x180, v16  }
0x107: {  	v5 =	vmovc v63;
	v63 =	vmovc v61;
	v61 =	vmov v59;
	v59 =	vmov v58;
	v20 =	vmov s20  }
0x108: {  	v58 =	vmovc v57;
	v57 =	vmovc v56;
	v56 =	vmov v55;
	v55 =	vmov v54;
	v17 =	vld [tilespmem:s16+$0x4180];
	v21 =	vor.u32 $0x100, v20  }
0x109: {  	v54 =	vmovc v53;
	v53 =	vmovc v52;
	v52 =	vmov v51;
	v51 =	vmov v50;
	s19 =	simm.s32 $0x2;
	v16 =	vld [tilespmem:s16+$0x4100];
	v23 =	vor.u32 $0x180, v20  }
0x10a: {  	v50 =	vmovc v49;
	v49 =	vmovc v48;
	v48 =	vmov v47;
	v47 =	vmov v46;
	v22 =	vmov s19;
	v25 =	vld.idx.msk [tilespmem:v18+s29+$0x0], $0xffff  }
0x10b: {  	v46 =	vmovc v45;
	v45 =	vmovc v44;
	v44 =	vmov v43;
	v43 =	vmov v42;
	s6 =	simm.s32 $0x3;
	v28 =	vor.u32 $0x100, v22;
	v29 =	vld.idx.msk [tilespmem:v19+s29+$0x0], $0xffff  }
0x10c: {  	v42 =	vmovc v41;
	v41 =	vmovc v40;
	v40 =	vmov v39;
	v22 =	vor.u32 $0x180, v22;
	v18 =	vmov s6  }
0x10d: {  	v39 =	vmovc v38;
	v38 =	vmovc v37;
	v37 =	vmov v36;
	v36 =	vmov v35;
	v21 =	vld.idx.msk [tilespmem:v21+s29+$0x0], $0xffff;
	v20 =	vor.u32 $0x100, v18  }
0x10e: {  	v35 =	vmovc v34;
	v34 =	vmovc v33;
	v33 =	vmov v32;
	s3 =	simm.s32 $0x4;
	v27 =	vimm.s32 $0x100000;
	s1 =	simm.s32 $0x5;
	v24 =	vld.idx.msk [tilespmem:v23+s29+$0x0], $0xffff;
	v23 =	vor.u32 $0x180, v18  }
0x10f: {  	v32 =	vmovc v31;
	v31 =	vmovc v30;
	v30 =	vmov s3;
	v26 =	vmov s1;
	vm2 =	vlt.s32 v27, s26  }
0x110: {  	v19 =	vld.idx.msk [tilespmem:v28+s29+$0x0], $0xffff;
	v18 =	vor.u32 $0x100, v30;
	vm0 =	veq.s32 v16, v25;
	vm1 =	veq.s32 v17, v29  }
0x111: {  	s25 =	simm.s32 $0x6;
	v22 =	vld.idx.msk [tilespmem:v22+s29+$0x0], $0xffff;
	v28 =	vnsel vm2, s26, v27;
	v25 =	vor.u32 $0x180, v30;
	vm0 =	vmand vm0, vm1  }
.LBB2_13:
0x112: {  	v29 =	vmov s25;
	v27 =	vsel vm0, v28, v27;
	v28 =	vmovc v21;
	v21 =	vld.idx.msk [tilespmem:v20+s29+$0x0], $0xffff;
	v20 =	vor.u32 $0x100, v26;
	s26 =	smov.u32 s25;
	p2 =	sne.s32 s25, $0x7E  }
.Ltmp5:
0x113: {  	vm1 =	veq.s32 v17, v24;
	vm0 =	veq.s32 v16, v28;
	v24 =	vld.idx.msk [tilespmem:v23+s29+$0x0], $0xffff;
	vm2 =	vlt.s32 v27, s20;
	(pc) =	sbr.rel @p2 .LBB2_13-.Ltmp5, $4  }
0x114: {  	v23 =	vor.u32 $0x180, v26;
	vm0 =	vmand vm0, vm1;
	v30 =	vnsel vm2, s20, v27;
	s20 =	smov.u32 s6;
	s6 =	smov.u32 s1;
	s1 =	sadd.s32 $0x1, s25  }
0x115: {  	v26 =	vmov s1;
	v27 =	vsel vm0, v30, v27;
	v28 =	vmovc v19;
	v19 =	vld.idx.msk [tilespmem:v18+s29+$0x0], $0xffff;
	v18 =	vor.u32 $0x100, v29  }
0x116: {  	s25 =	sadd.s32 $0x2, s25;
	vm1 =	veq.s32 v17, v22;
	vm0 =	veq.s32 v16, v28;
	v22 =	vld.idx.msk [tilespmem:v25+s29+$0x0], $0xffff;
	vm2 =	vlt.s32 v27, s19  }
0x117: {  	v25 =	vor.u32 $0x180, v29;
	vm0 =	vmand vm0, vm1;
	v28 =	vnsel vm2, s19, v27;
	s19 =	smov.u32 s3;
	s3 =	smov.u32 s26  }
0x118: {  	_ =	sdelay $0x2  }
0x119: {  	v27 =	vsel vm0, v28, v27  }
0x11a: {  	v20 =	vld.idx.msk [tilespmem:v20+s29+$0x0], $0xffff;
	vm15 =	veq.s32 v16, v21;
	vm1 =	veq.s32 v17, v24;
	vm2 =	vlt.s32 v27, s20  }
0x11b: {  	v21 =	vor.u32 $0x100, v26;
	v23 =	vld.idx.msk [tilespmem:v23+s29+$0x0], $0xffff;
	vm0 =	vmand vm15, vm1;
	v24 =	vnsel vm2, s20, v27  }
0x11c: {  	v26 =	vor.u32 $0x180, v26;
	v18 =	vld.idx.msk [tilespmem:v18+s29+$0x0], $0xffff;
	v30 =	vmovc v31;
	v31 =	vmovc v32;
	v32 =	vmov v33;
	v24 =	vsel vm0, v24, v27  }
0x11d: {  	v33 =	vmovc v34;
	v34 =	vmovc v35;
	vm4 =	veq.s32 v16, v19;
	vm5 =	veq.s32 v17, v22;
	vm6 =	vlt.s32 v24, s19  }
0x11e: {  	v35 =	vmovc v36;
	v36 =	vmovc v37;
	v37 =	vmov v38;
	v19 =	vld.idx.msk [tilespmem:v25+s29+$0x0], $0xffff;
	vm0 =	vmand vm4, vm5;
	v25 =	vnsel vm6, s19, v24  }
0x11f: {  	v38 =	vmovc v39;
	v39 =	vmovc v40;
	v40 =	vmov v41;
	v41 =	vmov v42;
	v22 =	vsel vm0, v25, v24  }
0x120: {  	v42 =	vmovc v43;
	v21 =	vld.idx.msk [tilespmem:v21+s29+$0x0], $0xffff;
	vm7 =	veq.s32 v16, v20;
	vm8 =	veq.s32 v17, v23;
	vm9 =	vlt.s32 v22, s6  }
0x121: {  	v43 =	vmovc v44;
	v44 =	vmovc v45;
	v45 =	vmov v46;
	v26 =	vld.idx.msk [tilespmem:v26+s29+$0x0], $0xffff;
	vm0 =	vmand vm7, vm8;
	v27 =	vnsel vm9, s6, v22  }
0x122: {  	v46 =	vmovc v47;
	v47 =	vmovc v48;
	v48 =	vmov v49;
	v49 =	vmov v50;
	v22 =	vsel vm0, v27, v22  }
0x123: {  	v50 =	vmovc v51;
	v51 =	vmovc v52;
	vm10 =	veq.s32 v16, v18;
	vm11 =	veq.s32 v17, v19;
	vm12 =	vlt.s32 v22, s3  }
.Ltmp6:
0x124: {  	v52 =	vmovc v53;
	v53 =	vmovc v54;
	v54 =	vmov v55;
	vm0 =	vmand vm10, vm11;
	v18 =	vnsel vm12, s3, v22;
	(pc) =	sbr.rel .LBB2_15-.Ltmp6, $4  }
0x125: {  	v55 =	vmovc v56;
	v56 =	vmovc v57;
	v57 =	vmov v58;
	v58 =	vmov v59;
	v18 =	vsel vm0, v18, v22  }
0x126: {  	v59 =	vmovc v61;
	v61 =	vmovc v63;
	vm13 =	veq.s32 v16, v21;
	vm14 =	veq.s32 v17, v26;
	vm15 =	vlt.s32 v18, s1  }
0x127: {  	v63 =	vmovc v5;
	v5 =	vmovc v6;
	v6 =	vmov v7;
	vm0 =	vmand vm13, vm14;
	v16 =	vnsel vm15, s1, v18  }
0x128: {  	v7 =	vmovc v8;
	v8 =	vmovc v9;
	v9 =	vmov v10;
	v10 =	vmov v11;
	v11 =	vld [tilespmem:$0x1FFF0];
	v16 =	vsel vm0, v16, v18  }
.LBB2_9:
0x129: {  	s20 =	simm.s32 $0x0  }
0x12a: {  	v18 =	vmov s20  }
0x12b: {  	v19 =	vor.u32 $0x80, v18  }
0x12c: {  	s25 =	simm.s32 $0x1;
	s0 =	rddreg [dreg:$0x18]  }
0x12d: {  	v16 =	vld [tilespmem:s0+$0x4000];
	v20 =	vmov s25  }
0x12e: {  	v17 =	vld [tilespmem:s0+$0x4080];
	v21 =	vor.u32 $0x80, v20  }
0x12f: {  	s19 =	simm.s32 $0x2;
	v18 =	vld.idx.msk [tilespmem:v18+s29+$0x0], $0xffff  }
0x130: {  	v22 =	vmov s19;
	v19 =	vld.idx.msk [tilespmem:v19+s29+$0x0], $0xffff  }
0x131: {  	v23 =	vor.u32 $0x80, v22  }
0x132: {  	s3 =	simm.s32 $0x3;
	v24 =	vld.idx.msk [tilespmem:v20+s29+$0x0], $0xffff  }
0x133: {  	v25 =	vmov s3;
	v27 =	vld.idx.msk [tilespmem:v21+s29+$0x0], $0xffff;
	v21 =	vimm.s32 $0x100000  }
0x134: {  	s1 =	simm.s32 $0x4;
	v28 =	vor.u32 $0x80, v25;
	vm2 =	vlt.s32 v21, s20  }
0x135: {  	v20 =	vld.idx.msk [tilespmem:v22+s29+$0x0], $0xffff;
	vm0 =	veq.s32 v16, v18;
	vm1 =	veq.s32 v17, v19;
	v19 =	vmov s1  }
0x136: {  	s6 =	simm.s32 $0x5;
	v22 =	vld.idx.msk [tilespmem:v23+s29+$0x0], $0xffff;
	v26 =	vnsel vm2, s20, v21;
	vm0 =	vmand vm0, vm1;
	v23 =	vor.u32 $0x80, v19  }
0x137: {  	v18 =	vmov s6;
	v26 =	vsel vm0, v26, v21  }
0x138: {  	vm1 =	veq.s32 v17, v27;
	v21 =	vld.idx.msk [tilespmem:v25+s29+$0x0], $0xffff;
	vm0 =	veq.s32 v16, v24;
	vm2 =	vlt.s32 v26, s25  }
0x139: {  	s20 =	simm.s32 $0x6;
	v24 =	vld.idx.msk [tilespmem:v28+s29+$0x0], $0xffff;
	v25 =	vor.u32 $0x80, v18;
	vm0 =	vmand vm0, vm1;
	v27 =	vnsel vm2, s25, v26  }
.LBB2_10:
0x13a: {  	v26 =	vsel vm0, v27, v26;
	v27 =	vmov v20;
	v20 =	vld.idx.msk [tilespmem:v19+s29+$0x0], $0xffff;
	v19 =	vmov s20;
	s25 =	smov.u32 s20;
	p2 =	seq.s32 s20, $0x7E  }
.Ltmp7:
0x13b: {  	s20 =	sadd.s32 $0x2, s20;
	vm1 =	veq.s32 v17, v22;
	vm0 =	veq.s32 v16, v27;
	v22 =	vld.idx.msk [tilespmem:v23+s29+$0x0], $0xffff;
	vm2 =	vlt.s32 v26, s19;
	(pc) =	sbr.rel @!p2 .LBB2_10-.Ltmp7, $4  }
0x13c: {  	v23 =	vor.u32 $0x80, v19;
	s26 =	sadd.s32 $0x1, s25;
	vm0 =	vmand vm0, vm1;
	v28 =	vnsel vm2, s19, v26;
	s19 =	smov.u32 s1;
	s1 =	smov.u32 s25  }
0x13d: {  	v26 =	vsel vm0, v28, v26;
	v27 =	vmov v21;
	v21 =	vld.idx.msk [tilespmem:v18+s29+$0x0], $0xffff;
	v18 =	vmov s26  }
0x13e: {  	vm1 =	veq.s32 v17, v24;
	vm0 =	veq.s32 v16, v27;
	v24 =	vld.idx.msk [tilespmem:v25+s29+$0x0], $0xffff;
	vm2 =	vlt.s32 v26, s3  }
0x13f: {  	v25 =	vor.u32 $0x80, v18;
	vm0 =	vmand vm0, vm1;
	v27 =	vnsel vm2, s3, v26;
	s3 =	smov.u32 s6;
	s6 =	smov.u32 s26  }
0x140: {  	_ =	sdelay $0x2  }
0x141: {  	v26 =	vsel vm0, v27, v26  }
0x142: {  	v19 =	vld.idx.msk [tilespmem:v19+s29+$0x0], $0xffff;
	vm6 =	veq.s32 v16, v20;
	vm1 =	veq.s32 v17, v22;
	vm2 =	vlt.s32 v26, s19  }
0x143: {  	v20 =	vld.idx.msk [tilespmem:v23+s29+$0x0], $0xffff;
	vm0 =	vmand vm6, vm1;
	v27 =	vnsel vm2, s19, v26  }
0x144: {  	v22 =	vsel vm0, v27, v26  }
0x145: {  	v18 =	vld.idx.msk [tilespmem:v18+s29+$0x0], $0xffff;
	vm7 =	veq.s32 v16, v21;
	vm8 =	veq.s32 v17, v24;
	vm9 =	vlt.s32 v22, s3  }
0x146: {  	v26 =	vld.idx.msk [tilespmem:v25+s29+$0x0], $0xffff;
	vm0 =	vmand vm7, vm8;
	v27 =	vnsel vm9, s3, v22  }
0x147: {  	v22 =	vsel vm0, v27, v22  }
0x148: {  	vm10 =	veq.s32 v16, v19;
	vm11 =	veq.s32 v17, v20;
	vm12 =	vlt.s32 v22, s1  }
0x149: {  	vm0 =	vmand vm10, vm11;
	v19 =	vnsel vm12, s1, v22  }
0x14a: {  	v19 =	vsel vm0, v19, v22  }
0x14b: {  	vm13 =	veq.s32 v16, v18;
	vm14 =	veq.s32 v17, v26;
	vm15 =	vlt.s32 v19, s6  }
0x14c: {  	vm0 =	vmand vm13, vm14;
	v16 =	vnsel vm15, s6, v19  }
0x14d: {  	v16 =	vsel vm0, v16, v19  }
.LBB2_15:
0x14e: {  	s25 =	sld [smem:$0x7DC]  }
0x14f: {  	s1 =	sld [smem:$0x7DD]  }
0x150: {  	s0 =	rddreg [dreg:$0x18]  }
0x151: {  	[tilespmem:s0+$0x4200] =	vst v16  }
0x152: {  	[spmem:s1] =	stream.linear.scatter [tilespmem:s25], [sflag:$0x2], $0x10, $0x38;
	[tilespmem:$0xBBC0] =	vst v63  }
0x153: {  	_ =	swait.ge [sflag:s28], $0x10  }
0x154: {  	[sflag:s28] =	ssyncset.done $0x0  }
0x155: {  	[sflag:s28] =	ssyncadd.s32 $0xFFFFFFF0  }
0x156: {  	[bflag:$0x0] =	sbarrier.arrive $0xFFFF  }
0x157: {  	s26 =	rddreg [dreg:$0x3]  }
0x158: {  	[tilespmem:s30], [sflag:$0x2] =	stream.linear.gather [spmem:s26], $0x100, $0x38;
	[tilespmem:$0xBBC0] =	vst v63  }
0x159: {  	_ =	swait.ge [sflag:s28], $0x100  }
0x15a: {  	[sflag:s28] =	ssyncset.done $0x0  }
0x15b: {  	[sflag:s28] =	ssyncadd.s32 $0xFFFFFF00  }
0x15c: {  	v23 =	vld [tilespmem:$0x4280]  }
0x15d: {  	v22 =	vld [tilespmem:$0x4290]  }
0x15e: {  	v21 =	vld [tilespmem:$0x42A0]  }
0x15f: {  	v20 =	vld [tilespmem:$0x42B0]  }
0x160: {  	v19 =	vld [tilespmem:$0x42C0]  }
0x161: {  	v18 =	vld [tilespmem:$0x42D0]  }
0x162: {  	v17 =	vld [tilespmem:$0x42E0]  }
0x163: {  	s3 =	simm.s32 $0x100;
	s1 =	simm.s32 $0x0;
	v16 =	vld [tilespmem:$0x42F0]  }
.LBB2_16:
0x164: {  	p2 =	sne.s32 s3, $0x7F00;
	[tilespmem:s1+$0x4330] =	vst v13;
	s6 =	smov.u32 s3;
	s3 =	sadd.s32 $0x100, s3  }
.Ltmp8:
0x165: {  	[tilespmem:s1+$0x4320] =	vst v13;
	(pc) =	sbr.rel @p2 .LBB2_16-.Ltmp8, $3  }
0x166: {  	[tilespmem:s1+$0x4300] =	vst v13  }
0x167: {  	[tilespmem:s1+$0x4310] =	vst v13;
	_ =	sdelay $0x1  }
0x168: {  	s1 =	sshra.s32 s6, $0x2  }
0x169: {  	[tilespmem:s1+$0x4330] =	vst v13  }
0x16a: {  	[tilespmem:s1+$0x4320] =	vst v13  }
0x16b: {  	[tilespmem:s1+$0x4300] =	vst v13  }
0x16c: {  	[tilespmem:s1+$0x4310] =	vst v13  }
0x16d: {  	v24 =	vld [tilespmem:s21+$0x70];
	_ =	sdelay $0x4  }
0x16e: {  	v24 =	vtrunc.f32 v24  }
0x16f: {  	v24 =	vcvt.f32.s32 v24;
	_ =	sdelay $0x1  }
0x170: {  	v24 =	vshll.u32 v24, $0x7  }
0x171: {  	v24 =	vadd.s32 v16, v24  }
0x172: {  	v24 =	vperm.xlane v24, v2;
	_ =	sdelay $0x1  }
0x173: {  	(xrf1) =	vunique.msk.u32 $0xffff, v24;
	_ =	sdelay $0xd  }
0x174: {  	_, v25, vm0 =	vpop (xrf1)  }
0x175: {  	v25 =	vld [tilespmem:$0x1FF60];
	_ =	sdelay $0x4  }
0x176: {  	[tilespmem:v24+s31+$0x0] =	vst.idx.msk vm0, v25  }
0x177: {  	v24 =	vld [tilespmem:s21+$0x60];
	_ =	sdelay $0x4  }
0x178: {  	v24 =	vtrunc.f32 v24  }
0x179: {  	v24 =	vcvt.f32.s32 v24;
	_ =	sdelay $0x1  }
0x17a: {  	v24 =	vshll.u32 v24, $0x7  }
0x17b: {  	v24 =	vadd.s32 v17, v24  }
0x17c: {  	v24 =	vperm.xlane v24, v2;
	_ =	sdelay $0x1  }
0x17d: {  	(xrf1) =	vunique.msk.u32 $0xffff, v24;
	_ =	sdelay $0xd  }
0x17e: {  	_, v25, vm0 =	vpop (xrf1);
	_ =	sdelay $0x5  }
0x17f: {  	[tilespmem:v24+s31+$0x0] =	vst.idx.msk vm0, v30  }
0x180: {  	v24 =	vld [tilespmem:s21+$0x50];
	_ =	sdelay $0x4  }
0x181: {  	v24 =	vtrunc.f32 v24  }
0x182: {  	v24 =	vcvt.f32.s32 v24;
	_ =	sdelay $0x1  }
0x183: {  	v24 =	vshll.u32 v24, $0x7  }
0x184: {  	v24 =	vadd.s32 v18, v24  }
0x185: {  	v24 =	vperm.xlane v24, v2;
	_ =	sdelay $0x1  }
0x186: {  	(xrf1) =	vunique.msk.u32 $0xffff, v24;
	_ =	sdelay $0xd  }
0x187: {  	_, v25, vm13 =	vpop (xrf1);
	_ =	sdelay $0x5  }
0x188: {  	[tilespmem:v24+s31+$0x0] =	vst.idx.msk vm13, v31  }
0x189: {  	v24 =	vld [tilespmem:s21+$0x40];
	_ =	sdelay $0x4  }
0x18a: {  	v24 =	vtrunc.f32 v24  }
0x18b: {  	v24 =	vcvt.f32.s32 v24;
	_ =	sdelay $0x1  }
0x18c: {  	v24 =	vshll.u32 v24, $0x7  }
0x18d: {  	v24 =	vadd.s32 v19, v24  }
0x18e: {  	v24 =	vperm.xlane v24, v2;
	_ =	sdelay $0x1  }
0x18f: {  	(xrf1) =	vunique.msk.u32 $0xffff, v24;
	_ =	sdelay $0xd  }
0x190: {  	_, v25, vm14 =	vpop (xrf1);
	_ =	sdelay $0x5  }
0x191: {  	[tilespmem:v24+s31+$0x0] =	vst.idx.msk vm14, v32  }
0x192: {  	v24 =	vld [tilespmem:s21+$0x30];
	_ =	sdelay $0x4  }
0x193: {  	v24 =	vtrunc.f32 v24  }
0x194: {  	v24 =	vcvt.f32.s32 v24;
	_ =	sdelay $0x1  }
0x195: {  	v24 =	vshll.u32 v24, $0x7  }
0x196: {  	v24 =	vadd.s32 v20, v24  }
0x197: {  	v24 =	vperm.xlane v24, v2;
	_ =	sdelay $0x1  }
0x198: {  	(xrf1) =	vunique.msk.u32 $0xffff, v24;
	_ =	sdelay $0xd  }
0x199: {  	_, v25, vm15 =	vpop (xrf1);
	_ =	sdelay $0x5  }
0x19a: {  	[tilespmem:v24+s31+$0x0] =	vst.idx.msk vm15, v33  }
0x19b: {  	v24 =	vld [tilespmem:s21+$0x20];
	_ =	sdelay $0x4  }
0x19c: {  	v24 =	vtrunc.f32 v24  }
0x19d: {  	v24 =	vcvt.f32.s32 v24;
	_ =	sdelay $0x1  }
0x19e: {  	v24 =	vshll.u32 v24, $0x7  }
0x19f: {  	v24 =	vadd.s32 v21, v24  }
0x1a0: {  	v24 =	vperm.xlane v24, v2;
	_ =	sdelay $0x1  }
0x1a1: {  	(xrf1) =	vunique.msk.u32 $0xffff, v24;
	_ =	sdelay $0xd  }
0x1a2: {  	_, v25, vm4 =	vpop (xrf1);
	_ =	sdelay $0x5  }
0x1a3: {  	[tilespmem:v24+s31+$0x0] =	vst.idx.msk vm4, v34  }
0x1a4: {  	v24 =	vld [tilespmem:s21+$0x10];
	_ =	sdelay $0x4  }
0x1a5: {  	v24 =	vtrunc.f32 v24  }
0x1a6: {  	v24 =	vcvt.f32.s32 v24;
	_ =	sdelay $0x1  }
0x1a7: {  	v24 =	vshll.u32 v24, $0x7  }
0x1a8: {  	v24 =	vadd.s32 v22, v24  }
0x1a9: {  	v24 =	vperm.xlane v24, v2;
	_ =	sdelay $0x1  }
0x1aa: {  	(xrf1) =	vunique.msk.u32 $0xffff, v24;
	_ =	sdelay $0xd  }
0x1ab: {  	_, v25, vm5 =	vpop (xrf1);
	_ =	sdelay $0x5  }
0x1ac: {  	[tilespmem:v24+s31+$0x0] =	vst.idx.msk vm5, v35  }
0x1ad: {  	v24 =	vld [tilespmem:s21+$0x0];
	_ =	sdelay $0x4  }
0x1ae: {  	v24 =	vtrunc.f32 v24  }
0x1af: {  	v24 =	vcvt.f32.s32 v24;
	_ =	sdelay $0x1  }
0x1b0: {  	v24 =	vshll.u32 v24, $0x7  }
0x1b1: {  	v24 =	vadd.s32 v23, v24  }
0x1b2: {  	v24 =	vperm.xlane v24, v2;
	_ =	sdelay $0x1  }
0x1b3: {  	(xrf1) =	vunique.msk.u32 $0xffff, v24;
	_ =	sdelay $0xd  }
0x1b4: {  	_, v25, vm6 =	vpop (xrf1)  }
0x1b5: {  	v25 =	vld [tilespmem:$0x1FF70];
	_ =	sdelay $0x4  }
0x1b6: {  	s0 =	rddreg [dreg:$0xa];
	[tilespmem:v24+s31+$0x0] =	vst.idx.msk vm6, v25  }
0x1b7: {  	[spmem:s0] =	stream.linear.scatter [tilespmem:s31], [sflag:$0x1], $0x400, $0x38;
	[tilespmem:$0xBBC0] =	vst v63  }
0x1b8: {  	v24 =	vld [tilespmem:s11+$0x70];
	_ =	sdelay $0x4  }
0x1b9: {  	v24 =	vtrunc.f32 v24  }
0x1ba: {  	v24 =	vcvt.f32.s32 v24;
	_ =	sdelay $0x1  }
0x1bb: {  	v24 =	vshll.u32 v24, $0x7  }
0x1bc: {  	v24 =	vadd.s32 v16, v24  }
0x1bd: {  	v24 =	vperm.xlane v24, v2;
	_ =	sdelay $0x1  }
0x1be: {  	v24 =	vadd.s32 $0x400, v24  }
0x1bf: {  	(xrf1) =	vunique.msk.u32 $0xffff, v24;
	_ =	sdelay $0xd  }
0x1c0: {  	_, v25, vm0 =	vpop (xrf1);
	_ =	sdelay $0x5  }
0x1c1: {  	[tilespmem:v24+s31+$0x0] =	vst.idx.msk vm0, v36  }
0x1c2: {  	v24 =	vld [tilespmem:s11+$0x60];
	_ =	sdelay $0x4  }
0x1c3: {  	v24 =	vtrunc.f32 v24  }
0x1c4: {  	v24 =	vcvt.f32.s32 v24;
	_ =	sdelay $0x1  }
0x1c5: {  	v24 =	vshll.u32 v24, $0x7  }
0x1c6: {  	v24 =	vadd.s32 v17, v24  }
0x1c7: {  	v24 =	vperm.xlane v24, v2;
	_ =	sdelay $0x1  }
0x1c8: {  	v24 =	vadd.s32 $0x400, v24  }
0x1c9: {  	(xrf1) =	vunique.msk.u32 $0xffff, v24;
	_ =	sdelay $0xd  }
0x1ca: {  	_, v25, vm7 =	vpop (xrf1);
	_ =	sdelay $0x5  }
0x1cb: {  	[tilespmem:v24+s31+$0x0] =	vst.idx.msk vm7, v37  }
0x1cc: {  	v24 =	vld [tilespmem:s11+$0x50];
	_ =	sdelay $0x4  }
0x1cd: {  	v24 =	vtrunc.f32 v24  }
0x1ce: {  	v24 =	vcvt.f32.s32 v24;
	_ =	sdelay $0x1  }
0x1cf: {  	v24 =	vshll.u32 v24, $0x7  }
0x1d0: {  	v24 =	vadd.s32 v18, v24  }
0x1d1: {  	v24 =	vperm.xlane v24, v2;
	_ =	sdelay $0x1  }
0x1d2: {  	v24 =	vadd.s32 $0x400, v24  }
0x1d3: {  	(xrf1) =	vunique.msk.u32 $0xffff, v24;
	_ =	sdelay $0xd  }
0x1d4: {  	_, v25, vm8 =	vpop (xrf1);
	_ =	sdelay $0x5  }
0x1d5: {  	[tilespmem:v24+s31+$0x0] =	vst.idx.msk vm8, v38  }
0x1d6: {  	v24 =	vld [tilespmem:s11+$0x40];
	_ =	sdelay $0x4  }
0x1d7: {  	v24 =	vtrunc.f32 v24  }
0x1d8: {  	v24 =	vcvt.f32.s32 v24;
	_ =	sdelay $0x1  }
0x1d9: {  	v24 =	vshll.u32 v24, $0x7  }
0x1da: {  	v24 =	vadd.s32 v19, v24  }
0x1db: {  	v24 =	vperm.xlane v24, v2;
	_ =	sdelay $0x1  }
0x1dc: {  	v24 =	vadd.s32 $0x400, v24  }
0x1dd: {  	(xrf1) =	vunique.msk.u32 $0xffff, v24;
	_ =	sdelay $0xd  }
0x1de: {  	_, v25, vm9 =	vpop (xrf1);
	_ =	sdelay $0x5  }
0x1df: {  	[tilespmem:v24+s31+$0x0] =	vst.idx.msk vm9, v39  }
0x1e0: {  	v24 =	vld [tilespmem:s11+$0x30];
	_ =	sdelay $0x4  }
0x1e1: {  	v24 =	vtrunc.f32 v24  }
0x1e2: {  	v24 =	vcvt.f32.s32 v24;
	_ =	sdelay $0x1  }
0x1e3: {  	v24 =	vshll.u32 v24, $0x7  }
0x1e4: {  	v24 =	vadd.s32 v20, v24  }
0x1e5: {  	v24 =	vperm.xlane v24, v2;
	_ =	sdelay $0x1  }
0x1e6: {  	v24 =	vadd.s32 $0x400, v24  }
0x1e7: {  	(xrf1) =	vunique.msk.u32 $0xffff, v24;
	_ =	sdelay $0xd  }
0x1e8: {  	_, v25, vm10 =	vpop (xrf1);
	_ =	sdelay $0x5  }
0x1e9: {  	[tilespmem:v24+s31+$0x0] =	vst.idx.msk vm10, v40  }
0x1ea: {  	v24 =	vld [tilespmem:s11+$0x20];
	_ =	sdelay $0x4  }
0x1eb: {  	v24 =	vtrunc.f32 v24  }
0x1ec: {  	v24 =	vcvt.f32.s32 v24;
	_ =	sdelay $0x1  }
0x1ed: {  	v24 =	vshll.u32 v24, $0x7  }
0x1ee: {  	v24 =	vadd.s32 v21, v24  }
0x1ef: {  	v24 =	vperm.xlane v24, v2;
	_ =	sdelay $0x1  }
0x1f0: {  	v24 =	vadd.s32 $0x400, v24  }
0x1f1: {  	(xrf1) =	vunique.msk.u32 $0xffff, v24;
	_ =	sdelay $0xd  }
0x1f2: {  	_, v25, vm11 =	vpop (xrf1);
	_ =	sdelay $0x5  }
0x1f3: {  	[tilespmem:v24+s31+$0x0] =	vst.idx.msk vm11, v41  }
0x1f4: {  	v24 =	vld [tilespmem:s11+$0x10];
	_ =	sdelay $0x4  }
0x1f5: {  	v24 =	vtrunc.f32 v24  }
0x1f6: {  	v24 =	vcvt.f32.s32 v24;
	_ =	sdelay $0x1  }
0x1f7: {  	v24 =	vshll.u32 v24, $0x7  }
0x1f8: {  	v24 =	vadd.s32 v22, v24  }
0x1f9: {  	v24 =	vperm.xlane v24, v2;
	_ =	sdelay $0x1  }
0x1fa: {  	v24 =	vadd.s32 $0x400, v24  }
0x1fb: {  	(xrf1) =	vunique.msk.u32 $0xffff, v24;
	_ =	sdelay $0xd  }
0x1fc: {  	_, v25, vm12 =	vpop (xrf1);
	_ =	sdelay $0x5  }
0x1fd: {  	[tilespmem:v24+s31+$0x0] =	vst.idx.msk vm12, v42  }
0x1fe: {  	v24 =	vld [tilespmem:s11+$0x0];
	_ =	sdelay $0x4  }
0x1ff: {  	v24 =	vtrunc.f32 v24  }
0x200: {  	v24 =	vcvt.f32.s32 v24;
	_ =	sdelay $0x1  }
0x201: {  	v24 =	vshll.u32 v24, $0x7  }
0x202: {  	v24 =	vadd.s32 v23, v24  }
0x203: {  	v24 =	vperm.xlane v24, v2;
	_ =	sdelay $0x1  }
0x204: {  	v24 =	vadd.s32 $0x400, v24  }
0x205: {  	(xrf1) =	vunique.msk.u32 $0xffff, v24;
	_ =	sdelay $0xd  }
0x206: {  	_, v25, vm13 =	vpop (xrf1)  }
0x207: {  	v25 =	vld [tilespmem:$0x1FF80];
	_ =	sdelay $0x4  }
0x208: {  	s1 =	rddreg [dreg:$0xc];
	[tilespmem:v24+s31+$0x0] =	vst.idx.msk vm13, v25  }
0x209: {  	[spmem:s1] =	stream.linear.scatter [tilespmem:s7], [sflag:$0x1], $0x400, $0x38;
	[tilespmem:$0xBBC0] =	vst v63  }
0x20a: {  	v24 =	vld [tilespmem:s12+$0x70];
	_ =	sdelay $0x4  }
0x20b: {  	v24 =	vtrunc.f32 v24  }
0x20c: {  	v24 =	vcvt.f32.s32 v24;
	_ =	sdelay $0x1  }
0x20d: {  	v24 =	vshll.u32 v24, $0x7  }
0x20e: {  	v24 =	vadd.s32 v16, v24  }
0x20f: {  	v24 =	vperm.xlane v24, v2;
	_ =	sdelay $0x1  }
0x210: {  	v24 =	vadd.s32 $0x800, v24  }
0x211: {  	(xrf1) =	vunique.msk.u32 $0xffff, v24;
	_ =	sdelay $0xd  }
0x212: {  	_, v25, vm0 =	vpop (xrf1);
	_ =	sdelay $0x5  }
0x213: {  	[tilespmem:v24+s31+$0x0] =	vst.idx.msk vm0, v43  }
0x214: {  	v24 =	vld [tilespmem:s12+$0x60];
	_ =	sdelay $0x4  }
0x215: {  	v24 =	vtrunc.f32 v24  }
0x216: {  	v24 =	vcvt.f32.s32 v24;
	_ =	sdelay $0x1  }
0x217: {  	v24 =	vshll.u32 v24, $0x7  }
0x218: {  	v24 =	vadd.s32 v17, v24  }
0x219: {  	v24 =	vperm.xlane v24, v2;
	_ =	sdelay $0x1  }
0x21a: {  	v24 =	vadd.s32 $0x800, v24  }
0x21b: {  	(xrf1) =	vunique.msk.u32 $0xffff, v24;
	_ =	sdelay $0xd  }
0x21c: {  	_, v25, vm14 =	vpop (xrf1);
	_ =	sdelay $0x5  }
0x21d: {  	[tilespmem:v24+s31+$0x0] =	vst.idx.msk vm14, v44  }
0x21e: {  	v24 =	vld [tilespmem:s12+$0x50];
	_ =	sdelay $0x4  }
0x21f: {  	v24 =	vtrunc.f32 v24  }
0x220: {  	v24 =	vcvt.f32.s32 v24;
	_ =	sdelay $0x1  }
0x221: {  	v24 =	vshll.u32 v24, $0x7  }
0x222: {  	v24 =	vadd.s32 v18, v24  }
0x223: {  	v24 =	vperm.xlane v24, v2;
	_ =	sdelay $0x1  }
0x224: {  	v24 =	vadd.s32 $0x800, v24  }
0x225: {  	(xrf1) =	vunique.msk.u32 $0xffff, v24;
	_ =	sdelay $0xd  }
0x226: {  	_, v25, vm15 =	vpop (xrf1);
	_ =	sdelay $0x5  }
0x227: {  	[tilespmem:v24+s31+$0x0] =	vst.idx.msk vm15, v45  }
0x228: {  	v24 =	vld [tilespmem:s12+$0x40];
	_ =	sdelay $0x4  }
0x229: {  	v24 =	vtrunc.f32 v24  }
0x22a: {  	v24 =	vcvt.f32.s32 v24;
	_ =	sdelay $0x1  }
0x22b: {  	v24 =	vshll.u32 v24, $0x7  }
0x22c: {  	v24 =	vadd.s32 v19, v24  }
0x22d: {  	v24 =	vperm.xlane v24, v2;
	_ =	sdelay $0x1  }
0x22e: {  	v24 =	vadd.s32 $0x800, v24  }
0x22f: {  	(xrf1) =	vunique.msk.u32 $0xffff, v24;
	_ =	sdelay $0xd  }
0x230: {  	_, v25, vm4 =	vpop (xrf1);
	_ =	sdelay $0x5  }
0x231: {  	[tilespmem:v24+s31+$0x0] =	vst.idx.msk vm4, v46  }
0x232: {  	v24 =	vld [tilespmem:s12+$0x30];
	_ =	sdelay $0x4  }
0x233: {  	v24 =	vtrunc.f32 v24  }
0x234: {  	v24 =	vcvt.f32.s32 v24;
	_ =	sdelay $0x1  }
0x235: {  	v24 =	vshll.u32 v24, $0x7  }
0x236: {  	v24 =	vadd.s32 v20, v24  }
0x237: {  	v24 =	vperm.xlane v24, v2;
	_ =	sdelay $0x1  }
0x238: {  	v24 =	vadd.s32 $0x800, v24  }
0x239: {  	(xrf1) =	vunique.msk.u32 $0xffff, v24;
	_ =	sdelay $0xd  }
0x23a: {  	_, v25, vm5 =	vpop (xrf1);
	_ =	sdelay $0x5  }
0x23b: {  	[tilespmem:v24+s31+$0x0] =	vst.idx.msk vm5, v47  }
0x23c: {  	v24 =	vld [tilespmem:s12+$0x20];
	_ =	sdelay $0x4  }
0x23d: {  	v24 =	vtrunc.f32 v24  }
0x23e: {  	v24 =	vcvt.f32.s32 v24;
	_ =	sdelay $0x1  }
0x23f: {  	v24 =	vshll.u32 v24, $0x7  }
0x240: {  	v24 =	vadd.s32 v21, v24  }
0x241: {  	v24 =	vperm.xlane v24, v2;
	_ =	sdelay $0x1  }
0x242: {  	v24 =	vadd.s32 $0x800, v24  }
0x243: {  	(xrf1) =	vunique.msk.u32 $0xffff, v24;
	_ =	sdelay $0xd  }
0x244: {  	_, v25, vm6 =	vpop (xrf1);
	_ =	sdelay $0x5  }
0x245: {  	[tilespmem:v24+s31+$0x0] =	vst.idx.msk vm6, v48  }
0x246: {  	v24 =	vld [tilespmem:s12+$0x10];
	_ =	sdelay $0x4  }
0x247: {  	v24 =	vtrunc.f32 v24  }
0x248: {  	v24 =	vcvt.f32.s32 v24;
	_ =	sdelay $0x1  }
0x249: {  	v24 =	vshll.u32 v24, $0x7  }
0x24a: {  	v24 =	vadd.s32 v22, v24  }
0x24b: {  	v24 =	vperm.xlane v24, v2;
	_ =	sdelay $0x1  }
0x24c: {  	v24 =	vadd.s32 $0x800, v24  }
0x24d: {  	(xrf1) =	vunique.msk.u32 $0xffff, v24;
	_ =	sdelay $0xd  }
0x24e: {  	_, v25, vm7 =	vpop (xrf1);
	_ =	sdelay $0x5  }
0x24f: {  	[tilespmem:v24+s31+$0x0] =	vst.idx.msk vm7, v49  }
0x250: {  	v24 =	vld [tilespmem:s12+$0x0];
	_ =	sdelay $0x4  }
0x251: {  	v24 =	vtrunc.f32 v24  }
0x252: {  	v24 =	vcvt.f32.s32 v24;
	_ =	sdelay $0x1  }
0x253: {  	v24 =	vshll.u32 v24, $0x7  }
0x254: {  	v24 =	vadd.s32 v23, v24  }
0x255: {  	v24 =	vperm.xlane v24, v2;
	_ =	sdelay $0x1  }
0x256: {  	v24 =	vadd.s32 $0x800, v24  }
0x257: {  	(xrf1) =	vunique.msk.u32 $0xffff, v24;
	_ =	sdelay $0xd  }
0x258: {  	_, v25, vm8 =	vpop (xrf1)  }
0x259: {  	v25 =	vld [tilespmem:$0x1FF90];
	_ =	sdelay $0x4  }
0x25a: {  	s3 =	rddreg [dreg:$0xe];
	s6 =	simm.s32 $0x4B00;
	[tilespmem:v24+s31+$0x0] =	vst.idx.msk vm8, v25  }
0x25b: {  	[spmem:s3] =	stream.linear.scatter [tilespmem:s6], [sflag:$0x1], $0x400, $0x38;
	[tilespmem:$0xBBC0] =	vst v63  }
0x25c: {  	v24 =	vld [tilespmem:s13+$0x70];
	_ =	sdelay $0x4  }
0x25d: {  	v24 =	vtrunc.f32 v24  }
0x25e: {  	v24 =	vcvt.f32.s32 v24;
	_ =	sdelay $0x1  }
0x25f: {  	v24 =	vshll.u32 v24, $0x7  }
0x260: {  	v24 =	vadd.s32 v16, v24  }
0x261: {  	v24 =	vperm.xlane v24, v2;
	_ =	sdelay $0x1  }
0x262: {  	v24 =	vadd.s32 $0xC00, v24  }
0x263: {  	(xrf1) =	vunique.msk.u32 $0xffff, v24;
	_ =	sdelay $0xd  }
0x264: {  	_, v25, vm0 =	vpop (xrf1);
	_ =	sdelay $0x5  }
0x265: {  	[tilespmem:v24+s31+$0x0] =	vst.idx.msk vm0, v50  }
0x266: {  	v24 =	vld [tilespmem:s13+$0x60];
	_ =	sdelay $0x4  }
0x267: {  	v24 =	vtrunc.f32 v24  }
0x268: {  	v24 =	vcvt.f32.s32 v24;
	_ =	sdelay $0x1  }
0x269: {  	v24 =	vshll.u32 v24, $0x7  }
0x26a: {  	v24 =	vadd.s32 v17, v24  }
0x26b: {  	v24 =	vperm.xlane v24, v2;
	_ =	sdelay $0x1  }
0x26c: {  	v24 =	vadd.s32 $0xC00, v24  }
0x26d: {  	(xrf1) =	vunique.msk.u32 $0xffff, v24;
	_ =	sdelay $0xd  }
0x26e: {  	_, v25, vm9 =	vpop (xrf1);
	_ =	sdelay $0x5  }
0x26f: {  	[tilespmem:v24+s31+$0x0] =	vst.idx.msk vm9, v51  }
0x270: {  	v24 =	vld [tilespmem:s13+$0x50];
	_ =	sdelay $0x4  }
0x271: {  	v24 =	vtrunc.f32 v24  }
0x272: {  	v24 =	vcvt.f32.s32 v24;
	_ =	sdelay $0x1  }
0x273: {  	v24 =	vshll.u32 v24, $0x7  }
0x274: {  	v24 =	vadd.s32 v18, v24  }
0x275: {  	v24 =	vperm.xlane v24, v2;
	_ =	sdelay $0x1  }
0x276: {  	v24 =	vadd.s32 $0xC00, v24  }
0x277: {  	(xrf1) =	vunique.msk.u32 $0xffff, v24;
	_ =	sdelay $0xd  }
0x278: {  	_, v25, vm10 =	vpop (xrf1);
	_ =	sdelay $0x5  }
0x279: {  	[tilespmem:v24+s31+$0x0] =	vst.idx.msk vm10, v52  }
0x27a: {  	v24 =	vld [tilespmem:s13+$0x40];
	_ =	sdelay $0x4  }
0x27b: {  	v24 =	vtrunc.f32 v24  }
0x27c: {  	v24 =	vcvt.f32.s32 v24;
	_ =	sdelay $0x1  }
0x27d: {  	v24 =	vshll.u32 v24, $0x7  }
0x27e: {  	v24 =	vadd.s32 v19, v24  }
0x27f: {  	v24 =	vperm.xlane v24, v2;
	_ =	sdelay $0x1  }
0x280: {  	v24 =	vadd.s32 $0xC00, v24  }
0x281: {  	(xrf1) =	vunique.msk.u32 $0xffff, v24;
	_ =	sdelay $0xd  }
0x282: {  	_, v25, vm11 =	vpop (xrf1);
	_ =	sdelay $0x5  }
0x283: {  	[tilespmem:v24+s31+$0x0] =	vst.idx.msk vm11, v53  }
0x284: {  	v24 =	vld [tilespmem:s13+$0x30];
	_ =	sdelay $0x4  }
0x285: {  	v24 =	vtrunc.f32 v24  }
0x286: {  	v24 =	vcvt.f32.s32 v24;
	_ =	sdelay $0x1  }
0x287: {  	v24 =	vshll.u32 v24, $0x7  }
0x288: {  	v24 =	vadd.s32 v20, v24  }
0x289: {  	v24 =	vperm.xlane v24, v2;
	_ =	sdelay $0x1  }
0x28a: {  	v24 =	vadd.s32 $0xC00, v24  }
0x28b: {  	(xrf1) =	vunique.msk.u32 $0xffff, v24;
	_ =	sdelay $0xd  }
0x28c: {  	_, v25, vm12 =	vpop (xrf1);
	_ =	sdelay $0x5  }
0x28d: {  	[tilespmem:v24+s31+$0x0] =	vst.idx.msk vm12, v54  }
0x28e: {  	v24 =	vld [tilespmem:s13+$0x20];
	_ =	sdelay $0x4  }
0x28f: {  	v24 =	vtrunc.f32 v24  }
0x290: {  	v24 =	vcvt.f32.s32 v24;
	_ =	sdelay $0x1  }
0x291: {  	v24 =	vshll.u32 v24, $0x7  }
0x292: {  	v24 =	vadd.s32 v21, v24  }
0x293: {  	v24 =	vperm.xlane v24, v2;
	_ =	sdelay $0x1  }
0x294: {  	v24 =	vadd.s32 $0xC00, v24  }
0x295: {  	(xrf1) =	vunique.msk.u32 $0xffff, v24;
	_ =	sdelay $0xd  }
0x296: {  	_, v25, vm13 =	vpop (xrf1);
	_ =	sdelay $0x5  }
0x297: {  	[tilespmem:v24+s31+$0x0] =	vst.idx.msk vm13, v55  }
0x298: {  	v24 =	vld [tilespmem:s13+$0x10];
	_ =	sdelay $0x4  }
0x299: {  	v24 =	vtrunc.f32 v24  }
0x29a: {  	v24 =	vcvt.f32.s32 v24;
	_ =	sdelay $0x1  }
0x29b: {  	v24 =	vshll.u32 v24, $0x7  }
0x29c: {  	v24 =	vadd.s32 v22, v24  }
0x29d: {  	v24 =	vperm.xlane v24, v2;
	_ =	sdelay $0x1  }
0x29e: {  	v24 =	vadd.s32 $0xC00, v24  }
0x29f: {  	(xrf1) =	vunique.msk.u32 $0xffff, v24;
	_ =	sdelay $0xd  }
0x2a0: {  	_, v25, vm14 =	vpop (xrf1);
	_ =	sdelay $0x5  }
0x2a1: {  	[tilespmem:v24+s31+$0x0] =	vst.idx.msk vm14, v56  }
0x2a2: {  	v24 =	vld [tilespmem:s13+$0x0];
	_ =	sdelay $0x4  }
0x2a3: {  	v24 =	vtrunc.f32 v24  }
0x2a4: {  	v24 =	vcvt.f32.s32 v24;
	_ =	sdelay $0x1  }
0x2a5: {  	v24 =	vshll.u32 v24, $0x7  }
0x2a6: {  	v24 =	vadd.s32 v23, v24  }
0x2a7: {  	v24 =	vperm.xlane v24, v2;
	_ =	sdelay $0x1  }
0x2a8: {  	v24 =	vadd.s32 $0xC00, v24  }
0x2a9: {  	(xrf1) =	vunique.msk.u32 $0xffff, v24;
	_ =	sdelay $0xd  }
0x2aa: {  	_, v25, vm15 =	vpop (xrf1)  }
0x2ab: {  	v25 =	vld [tilespmem:$0x1FFA0];
	_ =	sdelay $0x4  }
0x2ac: {  	s19 =	rddreg [dreg:$0x10];
	s20 =	simm.s32 $0x4F00;
	[tilespmem:v24+s31+$0x0] =	vst.idx.msk vm15, v25  }
0x2ad: {  	[spmem:s19] =	stream.linear.scatter [tilespmem:s20], [sflag:$0x1], $0x400, $0x38;
	[tilespmem:$0xBBC0] =	vst v63  }
0x2ae: {  	v24 =	vld [tilespmem:s14+$0x70];
	_ =	sdelay $0x4  }
0x2af: {  	v24 =	vtrunc.f32 v24  }
0x2b0: {  	v24 =	vcvt.f32.s32 v24;
	_ =	sdelay $0x1  }
0x2b1: {  	v24 =	vshll.u32 v24, $0x7  }
0x2b2: {  	v24 =	vadd.s32 v16, v24  }
0x2b3: {  	v24 =	vperm.xlane v24, v2;
	_ =	sdelay $0x1  }
0x2b4: {  	v24 =	vadd.s32 $0x1000, v24  }
0x2b5: {  	(xrf1) =	vunique.msk.u32 $0xffff, v24;
	_ =	sdelay $0xd  }
0x2b6: {  	_, v25, vm0 =	vpop (xrf1);
	_ =	sdelay $0x5  }
0x2b7: {  	[tilespmem:v24+s31+$0x0] =	vst.idx.msk vm0, v57  }
0x2b8: {  	v24 =	vld [tilespmem:s14+$0x60];
	_ =	sdelay $0x4  }
0x2b9: {  	v24 =	vtrunc.f32 v24  }
0x2ba: {  	v24 =	vcvt.f32.s32 v24;
	_ =	sdelay $0x1  }
0x2bb: {  	v24 =	vshll.u32 v24, $0x7  }
0x2bc: {  	v24 =	vadd.s32 v17, v24  }
0x2bd: {  	v24 =	vperm.xlane v24, v2;
	_ =	sdelay $0x1  }
0x2be: {  	v24 =	vadd.s32 $0x1000, v24  }
0x2bf: {  	(xrf1) =	vunique.msk.u32 $0xffff, v24;
	_ =	sdelay $0xd  }
0x2c0: {  	_, v25, vm4 =	vpop (xrf1);
	_ =	sdelay $0x5  }
0x2c1: {  	[tilespmem:v24+s31+$0x0] =	vst.idx.msk vm4, v58  }
0x2c2: {  	v24 =	vld [tilespmem:s14+$0x50];
	_ =	sdelay $0x4  }
0x2c3: {  	v24 =	vtrunc.f32 v24  }
0x2c4: {  	v24 =	vcvt.f32.s32 v24;
	_ =	sdelay $0x1  }
0x2c5: {  	v24 =	vshll.u32 v24, $0x7  }
0x2c6: {  	v24 =	vadd.s32 v18, v24  }
0x2c7: {  	v24 =	vperm.xlane v24, v2;
	_ =	sdelay $0x1  }
0x2c8: {  	v24 =	vadd.s32 $0x1000, v24  }
0x2c9: {  	(xrf1) =	vunique.msk.u32 $0xffff, v24;
	_ =	sdelay $0xd  }
0x2ca: {  	_, v25, vm5 =	vpop (xrf1);
	_ =	sdelay $0x5  }
0x2cb: {  	[tilespmem:v24+s31+$0x0] =	vst.idx.msk vm5, v59  }
0x2cc: {  	v24 =	vld [tilespmem:s14+$0x40];
	_ =	sdelay $0x4  }
0x2cd: {  	v24 =	vtrunc.f32 v24  }
0x2ce: {  	v24 =	vcvt.f32.s32 v24;
	_ =	sdelay $0x1  }
0x2cf: {  	v24 =	vshll.u32 v24, $0x7  }
0x2d0: {  	v24 =	vadd.s32 v19, v24  }
0x2d1: {  	v24 =	vperm.xlane v24, v2;
	_ =	sdelay $0x1  }
0x2d2: {  	v24 =	vadd.s32 $0x1000, v24  }
0x2d3: {  	(xrf1) =	vunique.msk.u32 $0xffff, v24;
	_ =	sdelay $0xd  }
0x2d4: {  	_, v25, vm6 =	vpop (xrf1);
	_ =	sdelay $0x5  }
0x2d5: {  	[tilespmem:v24+s31+$0x0] =	vst.idx.msk vm6, v61  }
0x2d6: {  	v24 =	vld [tilespmem:s14+$0x30];
	_ =	sdelay $0x4  }
0x2d7: {  	v24 =	vtrunc.f32 v24  }
0x2d8: {  	v24 =	vcvt.f32.s32 v24;
	_ =	sdelay $0x1  }
0x2d9: {  	v24 =	vshll.u32 v24, $0x7  }
0x2da: {  	v24 =	vadd.s32 v20, v24  }
0x2db: {  	v24 =	vperm.xlane v24, v2;
	_ =	sdelay $0x1  }
0x2dc: {  	v24 =	vadd.s32 $0x1000, v24  }
0x2dd: {  	(xrf1) =	vunique.msk.u32 $0xffff, v24;
	_ =	sdelay $0xd  }
0x2de: {  	_, v25, vm7 =	vpop (xrf1);
	_ =	sdelay $0x5  }
0x2df: {  	[tilespmem:v24+s31+$0x0] =	vst.idx.msk vm7, v63  }
0x2e0: {  	v24 =	vld [tilespmem:s14+$0x20];
	_ =	sdelay $0x4  }
0x2e1: {  	v24 =	vtrunc.f32 v24  }
0x2e2: {  	v24 =	vcvt.f32.s32 v24;
	_ =	sdelay $0x1  }
0x2e3: {  	v24 =	vshll.u32 v24, $0x7  }
0x2e4: {  	v24 =	vadd.s32 v21, v24  }
0x2e5: {  	v24 =	vperm.xlane v24, v2;
	_ =	sdelay $0x1  }
0x2e6: {  	v24 =	vadd.s32 $0x1000, v24  }
0x2e7: {  	(xrf1) =	vunique.msk.u32 $0xffff, v24;
	_ =	sdelay $0xd  }
0x2e8: {  	_, v25, vm8 =	vpop (xrf1);
	_ =	sdelay $0x5  }
0x2e9: {  	[tilespmem:v24+s31+$0x0] =	vst.idx.msk vm8, v5  }
0x2ea: {  	v24 =	vld [tilespmem:s14+$0x10];
	_ =	sdelay $0x4  }
0x2eb: {  	v24 =	vtrunc.f32 v24  }
0x2ec: {  	v24 =	vcvt.f32.s32 v24;
	_ =	sdelay $0x1  }
0x2ed: {  	v24 =	vshll.u32 v24, $0x7  }
0x2ee: {  	v24 =	vadd.s32 v22, v24  }
0x2ef: {  	v24 =	vperm.xlane v24, v2;
	_ =	sdelay $0x1  }
0x2f0: {  	v24 =	vadd.s32 $0x1000, v24  }
0x2f1: {  	(xrf1) =	vunique.msk.u32 $0xffff, v24;
	_ =	sdelay $0xd  }
0x2f2: {  	_, v25, vm9 =	vpop (xrf1);
	_ =	sdelay $0x5  }
0x2f3: {  	[tilespmem:v24+s31+$0x0] =	vst.idx.msk vm9, v6  }
0x2f4: {  	v24 =	vld [tilespmem:s14+$0x0];
	_ =	sdelay $0x4  }
0x2f5: {  	v24 =	vtrunc.f32 v24  }
0x2f6: {  	v24 =	vcvt.f32.s32 v24;
	_ =	sdelay $0x1  }
0x2f7: {  	v24 =	vshll.u32 v24, $0x7  }
0x2f8: {  	v24 =	vadd.s32 v23, v24  }
0x2f9: {  	v24 =	vperm.xlane v24, v2;
	_ =	sdelay $0x1  }
0x2fa: {  	v24 =	vadd.s32 $0x1000, v24  }
0x2fb: {  	(xrf1) =	vunique.msk.u32 $0xffff, v24;
	_ =	sdelay $0xd  }
0x2fc: {  	_, v25, vm10 =	vpop (xrf1)  }
0x2fd: {  	v25 =	vld [tilespmem:$0x1FFB0];
	_ =	sdelay $0x4  }
0x2fe: {  	s25 =	rddreg [dreg:$0x12];
	s26 =	simm.s32 $0x5300;
	[tilespmem:v24+s31+$0x0] =	vst.idx.msk vm10, v25  }
0x2ff: {  	[spmem:s25] =	stream.linear.scatter [tilespmem:s26], [sflag:$0x1], $0x400, $0x38;
	[tilespmem:$0xBBC0] =	vst v63  }
0x300: {  	v24 =	vld [tilespmem:s15+$0x70];
	_ =	sdelay $0x4  }
0x301: {  	v24 =	vtrunc.f32 v24  }
0x302: {  	v24 =	vcvt.f32.s32 v24;
	_ =	sdelay $0x1  }
0x303: {  	v24 =	vshll.u32 v24, $0x7  }
0x304: {  	v24 =	vadd.s32 v16, v24  }
0x305: {  	v24 =	vperm.xlane v24, v2;
	_ =	sdelay $0x1  }
0x306: {  	v24 =	vadd.s32 $0x1400, v24  }
0x307: {  	(xrf1) =	vunique.msk.u32 $0xffff, v24;
	_ =	sdelay $0xd  }
0x308: {  	_, v25, vm0 =	vpop (xrf1);
	_ =	sdelay $0x5  }
0x309: {  	[tilespmem:v24+s31+$0x0] =	vst.idx.msk vm0, v7  }
0x30a: {  	v24 =	vld [tilespmem:s15+$0x60];
	_ =	sdelay $0x4  }
0x30b: {  	v24 =	vtrunc.f32 v24  }
0x30c: {  	v24 =	vcvt.f32.s32 v24;
	_ =	sdelay $0x1  }
0x30d: {  	v24 =	vshll.u32 v24, $0x7  }
0x30e: {  	v24 =	vadd.s32 v17, v24  }
0x30f: {  	v24 =	vperm.xlane v24, v2;
	_ =	sdelay $0x1  }
0x310: {  	v24 =	vadd.s32 $0x1400, v24  }
0x311: {  	(xrf1) =	vunique.msk.u32 $0xffff, v24;
	_ =	sdelay $0xd  }
0x312: {  	_, v25, vm11 =	vpop (xrf1);
	_ =	sdelay $0x5  }
0x313: {  	[tilespmem:v24+s31+$0x0] =	vst.idx.msk vm11, v8  }
0x314: {  	v24 =	vld [tilespmem:s15+$0x50];
	_ =	sdelay $0x4  }
0x315: {  	v24 =	vtrunc.f32 v24  }
0x316: {  	v24 =	vcvt.f32.s32 v24;
	_ =	sdelay $0x1  }
0x317: {  	v24 =	vshll.u32 v24, $0x7  }
0x318: {  	v24 =	vadd.s32 v18, v24  }
0x319: {  	v24 =	vperm.xlane v24, v2;
	_ =	sdelay $0x1  }
0x31a: {  	v24 =	vadd.s32 $0x1400, v24  }
0x31b: {  	(xrf1) =	vunique.msk.u32 $0xffff, v24;
	_ =	sdelay $0xd  }
0x31c: {  	_, v25, vm12 =	vpop (xrf1);
	_ =	sdelay $0x5  }
0x31d: {  	[tilespmem:v24+s31+$0x0] =	vst.idx.msk vm12, v9  }
0x31e: {  	v24 =	vld [tilespmem:s15+$0x40];
	_ =	sdelay $0x4  }
0x31f: {  	v24 =	vtrunc.f32 v24  }
0x320: {  	v24 =	vcvt.f32.s32 v24;
	_ =	sdelay $0x1  }
0x321: {  	v24 =	vshll.u32 v24, $0x7  }
0x322: {  	v24 =	vadd.s32 v19, v24  }
0x323: {  	v24 =	vperm.xlane v24, v2;
	_ =	sdelay $0x1  }
0x324: {  	v24 =	vadd.s32 $0x1400, v24  }
0x325: {  	(xrf1) =	vunique.msk.u32 $0xffff, v24;
	_ =	sdelay $0xd  }
0x326: {  	_, v25, vm13 =	vpop (xrf1);
	_ =	sdelay $0x5  }
0x327: {  	[tilespmem:v24+s31+$0x0] =	vst.idx.msk vm13, v10  }
0x328: {  	v24 =	vld [tilespmem:s15+$0x30];
	_ =	sdelay $0x4  }
0x329: {  	v24 =	vtrunc.f32 v24  }
0x32a: {  	v24 =	vcvt.f32.s32 v24;
	_ =	sdelay $0x1  }
0x32b: {  	v24 =	vshll.u32 v24, $0x7  }
0x32c: {  	v24 =	vadd.s32 v20, v24  }
0x32d: {  	v24 =	vperm.xlane v24, v2;
	_ =	sdelay $0x1  }
0x32e: {  	v24 =	vadd.s32 $0x1400, v24  }
0x32f: {  	(xrf1) =	vunique.msk.u32 $0xffff, v24;
	_ =	sdelay $0xd  }
0x330: {  	_, v25, vm14 =	vpop (xrf1);
	_ =	sdelay $0x5  }
0x331: {  	[tilespmem:v24+s31+$0x0] =	vst.idx.msk vm14, v11  }
0x332: {  	v24 =	vld [tilespmem:s15+$0x20];
	_ =	sdelay $0x4  }
0x333: {  	v24 =	vtrunc.f32 v24  }
0x334: {  	v24 =	vcvt.f32.s32 v24;
	_ =	sdelay $0x1  }
0x335: {  	v24 =	vshll.u32 v24, $0x7  }
0x336: {  	v24 =	vadd.s32 v21, v24  }
0x337: {  	v24 =	vperm.xlane v24, v2;
	_ =	sdelay $0x1  }
0x338: {  	v24 =	vadd.s32 $0x1400, v24  }
0x339: {  	(xrf1) =	vunique.msk.u32 $0xffff, v24;
	_ =	sdelay $0xd  }
0x33a: {  	_, v25, vm15 =	vpop (xrf1)  }
0x33b: {  	v25 =	vld [tilespmem:$0x1FE60];
	_ =	sdelay $0x4  }
0x33c: {  	[tilespmem:v24+s31+$0x0] =	vst.idx.msk vm15, v25  }
0x33d: {  	v24 =	vld [tilespmem:s15+$0x10];
	_ =	sdelay $0x4  }
0x33e: {  	v24 =	vtrunc.f32 v24  }
0x33f: {  	v24 =	vcvt.f32.s32 v24;
	_ =	sdelay $0x1  }
0x340: {  	v24 =	vshll.u32 v24, $0x7  }
0x341: {  	v24 =	vadd.s32 v22, v24  }
0x342: {  	v24 =	vperm.xlane v24, v2;
	_ =	sdelay $0x1  }
0x343: {  	v24 =	vadd.s32 $0x1400, v24  }
0x344: {  	(xrf1) =	vunique.msk.u32 $0xffff, v24;
	_ =	sdelay $0xd  }
0x345: {  	_, v25, vm0 =	vpop (xrf1)  }
0x346: {  	v25 =	vld [tilespmem:$0x1FE70];
	_ =	sdelay $0x4  }
0x347: {  	[tilespmem:v24+s31+$0x0] =	vst.idx.msk vm0, v25  }
0x348: {  	v24 =	vld [tilespmem:s15+$0x0];
	_ =	sdelay $0x4  }
0x349: {  	v24 =	vtrunc.f32 v24  }
0x34a: {  	v24 =	vcvt.f32.s32 v24;
	_ =	sdelay $0x1  }
0x34b: {  	v24 =	vshll.u32 v24, $0x7  }
0x34c: {  	v24 =	vadd.s32 v23, v24  }
0x34d: {  	v24 =	vperm.xlane v24, v2;
	_ =	sdelay $0x1  }
0x34e: {  	v24 =	vadd.s32 $0x1400, v24  }
0x34f: {  	(xrf1) =	vunique.msk.u32 $0xffff, v24;
	_ =	sdelay $0xd  }
0x350: {  	_, v25, vm0 =	vpop (xrf1)  }
0x351: {  	v25 =	vld [tilespmem:$0x1FFC0];
	_ =	sdelay $0x4  }
0x352: {  	s3 =	rddreg [dreg:$0x14];
	s6 =	simm.s32 $0x5700;
	[tilespmem:v24+s31+$0x0] =	vst.idx.msk vm0, v25  }
0x353: {  	[spmem:s3] =	stream.linear.scatter [tilespmem:s6], [sflag:$0x1], $0x400, $0x38;
	[tilespmem:$0xBBC0] =	vst v63  }
0x354: {  	v24 =	vld [tilespmem:s17+$0x70];
	_ =	sdelay $0x4  }
0x355: {  	v24 =	vtrunc.f32 v24  }
0x356: {  	v24 =	vcvt.f32.s32 v24;
	_ =	sdelay $0x1  }
0x357: {  	v24 =	vshll.u32 v24, $0x7  }
0x358: {  	v24 =	vadd.s32 v16, v24  }
0x359: {  	v24 =	vperm.xlane v24, v2;
	_ =	sdelay $0x1  }
0x35a: {  	v24 =	vadd.s32 $0x1800, v24  }
0x35b: {  	(xrf1) =	vunique.msk.u32 $0xffff, v24;
	_ =	sdelay $0xd  }
0x35c: {  	_, v25, vm0 =	vpop (xrf1)  }
0x35d: {  	v25 =	vld [tilespmem:$0x1FE80];
	_ =	sdelay $0x4  }
0x35e: {  	[tilespmem:v24+s31+$0x0] =	vst.idx.msk vm0, v25  }
0x35f: {  	v24 =	vld [tilespmem:s17+$0x60];
	_ =	sdelay $0x4  }
0x360: {  	v24 =	vtrunc.f32 v24  }
0x361: {  	v24 =	vcvt.f32.s32 v24;
	_ =	sdelay $0x1  }
0x362: {  	v24 =	vshll.u32 v24, $0x7  }
0x363: {  	v24 =	vadd.s32 v17, v24  }
0x364: {  	v24 =	vperm.xlane v24, v2;
	_ =	sdelay $0x1  }
0x365: {  	v24 =	vadd.s32 $0x1800, v24  }
0x366: {  	(xrf1) =	vunique.msk.u32 $0xffff, v24;
	_ =	sdelay $0xd  }
0x367: {  	_, v25, vm0 =	vpop (xrf1)  }
0x368: {  	v25 =	vld [tilespmem:$0x1FE90];
	_ =	sdelay $0x4  }
0x369: {  	[tilespmem:v24+s31+$0x0] =	vst.idx.msk vm0, v25  }
0x36a: {  	v24 =	vld [tilespmem:s17+$0x50];
	_ =	sdelay $0x4  }
0x36b: {  	v24 =	vtrunc.f32 v24  }
0x36c: {  	v24 =	vcvt.f32.s32 v24;
	_ =	sdelay $0x1  }
0x36d: {  	v24 =	vshll.u32 v24, $0x7  }
0x36e: {  	v24 =	vadd.s32 v18, v24  }
0x36f: {  	v24 =	vperm.xlane v24, v2;
	_ =	sdelay $0x1  }
0x370: {  	v24 =	vadd.s32 $0x1800, v24  }
0x371: {  	(xrf1) =	vunique.msk.u32 $0xffff, v24;
	_ =	sdelay $0xd  }
0x372: {  	_, v25, vm0 =	vpop (xrf1)  }
0x373: {  	v25 =	vld [tilespmem:$0x1FEA0];
	_ =	sdelay $0x4  }
0x374: {  	[tilespmem:v24+s31+$0x0] =	vst.idx.msk vm0, v25  }
0x375: {  	v24 =	vld [tilespmem:s17+$0x40];
	_ =	sdelay $0x4  }
0x376: {  	v24 =	vtrunc.f32 v24  }
0x377: {  	v24 =	vcvt.f32.s32 v24;
	_ =	sdelay $0x1  }
0x378: {  	v24 =	vshll.u32 v24, $0x7  }
0x379: {  	v24 =	vadd.s32 v19, v24  }
0x37a: {  	v24 =	vperm.xlane v24, v2;
	_ =	sdelay $0x1  }
0x37b: {  	v24 =	vadd.s32 $0x1800, v24  }
0x37c: {  	(xrf1) =	vunique.msk.u32 $0xffff, v24;
	_ =	sdelay $0xd  }
0x37d: {  	_, v25, vm0 =	vpop (xrf1)  }
0x37e: {  	v25 =	vld [tilespmem:$0x1FEB0];
	_ =	sdelay $0x4  }
0x37f: {  	[tilespmem:v24+s31+$0x0] =	vst.idx.msk vm0, v25  }
0x380: {  	v24 =	vld [tilespmem:s17+$0x30];
	_ =	sdelay $0x4  }
0x381: {  	v24 =	vtrunc.f32 v24  }
0x382: {  	v24 =	vcvt.f32.s32 v24;
	_ =	sdelay $0x1  }
0x383: {  	v24 =	vshll.u32 v24, $0x7  }
0x384: {  	v24 =	vadd.s32 v20, v24  }
0x385: {  	v24 =	vperm.xlane v24, v2;
	_ =	sdelay $0x1  }
0x386: {  	v24 =	vadd.s32 $0x1800, v24  }
0x387: {  	(xrf1) =	vunique.msk.u32 $0xffff, v24;
	_ =	sdelay $0xd  }
0x388: {  	_, v25, vm0 =	vpop (xrf1)  }
0x389: {  	v25 =	vld [tilespmem:$0x1FEC0];
	_ =	sdelay $0x4  }
0x38a: {  	[tilespmem:v24+s31+$0x0] =	vst.idx.msk vm0, v25  }
0x38b: {  	v24 =	vld [tilespmem:s17+$0x20];
	_ =	sdelay $0x4  }
0x38c: {  	v24 =	vtrunc.f32 v24  }
0x38d: {  	v24 =	vcvt.f32.s32 v24;
	_ =	sdelay $0x1  }
0x38e: {  	v24 =	vshll.u32 v24, $0x7  }
0x38f: {  	v24 =	vadd.s32 v21, v24  }
0x390: {  	v24 =	vperm.xlane v24, v2;
	_ =	sdelay $0x1  }
0x391: {  	v24 =	vadd.s32 $0x1800, v24  }
0x392: {  	(xrf1) =	vunique.msk.u32 $0xffff, v24;
	_ =	sdelay $0xd  }
0x393: {  	_, v25, vm0 =	vpop (xrf1)  }
0x394: {  	v25 =	vld [tilespmem:$0x1FED0];
	_ =	sdelay $0x4  }
0x395: {  	[tilespmem:v24+s31+$0x0] =	vst.idx.msk vm0, v25  }
0x396: {  	v24 =	vld [tilespmem:s17+$0x10];
	_ =	sdelay $0x4  }
0x397: {  	v24 =	vtrunc.f32 v24  }
0x398: {  	v24 =	vcvt.f32.s32 v24;
	_ =	sdelay $0x1  }
0x399: {  	v24 =	vshll.u32 v24, $0x7  }
0x39a: {  	v24 =	vadd.s32 v22, v24  }
0x39b: {  	v24 =	vperm.xlane v24, v2;
	_ =	sdelay $0x1  }
0x39c: {  	v24 =	vadd.s32 $0x1800, v24  }
0x39d: {  	(xrf1) =	vunique.msk.u32 $0xffff, v24;
	_ =	sdelay $0xd  }
0x39e: {  	_, v25, vm0 =	vpop (xrf1)  }
0x39f: {  	v25 =	vld [tilespmem:$0x1FEE0];
	_ =	sdelay $0x4  }
0x3a0: {  	[tilespmem:v24+s31+$0x0] =	vst.idx.msk vm0, v25  }
0x3a1: {  	v24 =	vld [tilespmem:s17+$0x0];
	_ =	sdelay $0x4  }
0x3a2: {  	v24 =	vtrunc.f32 v24  }
0x3a3: {  	v24 =	vcvt.f32.s32 v24;
	_ =	sdelay $0x1  }
0x3a4: {  	v24 =	vshll.u32 v24, $0x7  }
0x3a5: {  	v24 =	vadd.s32 v23, v24  }
0x3a6: {  	v24 =	vperm.xlane v24, v2;
	_ =	sdelay $0x1  }
0x3a7: {  	v24 =	vadd.s32 $0x1800, v24  }
0x3a8: {  	(xrf1) =	vunique.msk.u32 $0xffff, v24;
	_ =	sdelay $0xd  }
0x3a9: {  	_, v25, vm0 =	vpop (xrf1)  }
0x3aa: {  	v25 =	vld [tilespmem:$0x1FFD0];
	_ =	sdelay $0x4  }
0x3ab: {  	s19 =	rddreg [dreg:$0x16];
	s20 =	simm.s32 $0x5B00;
	[tilespmem:v24+s31+$0x0] =	vst.idx.msk vm0, v25  }
0x3ac: {  	[spmem:s19] =	stream.linear.scatter [tilespmem:s20], [sflag:$0x1], $0x400, $0x38;
	[tilespmem:$0xBBC0] =	vst v63  }
0x3ad: {  	v24 =	vld [tilespmem:s18+$0x70];
	_ =	sdelay $0x4  }
0x3ae: {  	v24 =	vtrunc.f32 v24  }
0x3af: {  	v24 =	vcvt.f32.s32 v24;
	_ =	sdelay $0x1  }
0x3b0: {  	v24 =	vshll.u32 v24, $0x7  }
0x3b1: {  	v24 =	vadd.s32 v16, v24  }
0x3b2: {  	v24 =	vperm.xlane v24, v2;
	_ =	sdelay $0x1  }
0x3b3: {  	v24 =	vadd.s32 $0x1C00, v24  }
0x3b4: {  	(xrf1) =	vunique.msk.u32 $0xffff, v24;
	_ =	sdelay $0xd  }
0x3b5: {  	_, v25, vm0 =	vpop (xrf1)  }
0x3b6: {  	v25 =	vld [tilespmem:$0x1FEF0];
	_ =	sdelay $0x4  }
0x3b7: {  	[tilespmem:v24+s31+$0x0] =	vst.idx.msk vm0, v25  }
0x3b8: {  	v24 =	vld [tilespmem:s18+$0x60];
	_ =	sdelay $0x4  }
0x3b9: {  	v24 =	vtrunc.f32 v24  }
0x3ba: {  	v24 =	vcvt.f32.s32 v24;
	_ =	sdelay $0x1  }
0x3bb: {  	v24 =	vshll.u32 v24, $0x7  }
0x3bc: {  	v24 =	vadd.s32 v17, v24  }
0x3bd: {  	v24 =	vperm.xlane v24, v2;
	_ =	sdelay $0x1  }
0x3be: {  	v24 =	vadd.s32 $0x1C00, v24  }
0x3bf: {  	(xrf1) =	vunique.msk.u32 $0xffff, v24;
	_ =	sdelay $0xd  }
0x3c0: {  	_, v25, vm0 =	vpop (xrf1)  }
0x3c1: {  	v25 =	vld [tilespmem:$0x1FF00];
	_ =	sdelay $0x4  }
0x3c2: {  	[tilespmem:v24+s31+$0x0] =	vst.idx.msk vm0, v25  }
0x3c3: {  	v24 =	vld [tilespmem:s18+$0x50];
	_ =	sdelay $0x4  }
0x3c4: {  	v24 =	vtrunc.f32 v24  }
0x3c5: {  	v24 =	vcvt.f32.s32 v24;
	_ =	sdelay $0x1  }
0x3c6: {  	v24 =	vshll.u32 v24, $0x7  }
0x3c7: {  	v24 =	vadd.s32 v18, v24  }
0x3c8: {  	v24 =	vperm.xlane v24, v2;
	_ =	sdelay $0x1  }
0x3c9: {  	v24 =	vadd.s32 $0x1C00, v24  }
0x3ca: {  	(xrf1) =	vunique.msk.u32 $0xffff, v24;
	_ =	sdelay $0xd  }
0x3cb: {  	_, v25, vm0 =	vpop (xrf1)  }
0x3cc: {  	v25 =	vld [tilespmem:$0x1FF10];
	_ =	sdelay $0x4  }
0x3cd: {  	[tilespmem:v24+s31+$0x0] =	vst.idx.msk vm0, v25  }
0x3ce: {  	v24 =	vld [tilespmem:s18+$0x40];
	_ =	sdelay $0x4  }
0x3cf: {  	v24 =	vtrunc.f32 v24  }
0x3d0: {  	v24 =	vcvt.f32.s32 v24;
	_ =	sdelay $0x1  }
0x3d1: {  	v24 =	vshll.u32 v24, $0x7  }
0x3d2: {  	v24 =	vadd.s32 v19, v24  }
0x3d3: {  	v24 =	vperm.xlane v24, v2;
	_ =	sdelay $0x1  }
0x3d4: {  	v24 =	vadd.s32 $0x1C00, v24  }
0x3d5: {  	(xrf1) =	vunique.msk.u32 $0xffff, v24;
	_ =	sdelay $0xd  }
0x3d6: {  	_, v25, vm0 =	vpop (xrf1)  }
0x3d7: {  	v25 =	vld [tilespmem:$0x1FF20];
	_ =	sdelay $0x4  }
0x3d8: {  	[tilespmem:v24+s31+$0x0] =	vst.idx.msk vm0, v25  }
0x3d9: {  	v24 =	vld [tilespmem:s18+$0x30];
	_ =	sdelay $0x4  }
0x3da: {  	v24 =	vtrunc.f32 v24  }
0x3db: {  	v24 =	vcvt.f32.s32 v24;
	_ =	sdelay $0x1  }
0x3dc: {  	v24 =	vshll.u32 v24, $0x7  }
0x3dd: {  	v24 =	vadd.s32 v20, v24  }
0x3de: {  	v24 =	vperm.xlane v24, v2;
	_ =	sdelay $0x1  }
0x3df: {  	v24 =	vadd.s32 $0x1C00, v24  }
0x3e0: {  	(xrf1) =	vunique.msk.u32 $0xffff, v24;
	_ =	sdelay $0xd  }
0x3e1: {  	_, v25, vm0 =	vpop (xrf1)  }
0x3e2: {  	v25 =	vld [tilespmem:$0x1FF30];
	_ =	sdelay $0x4  }
0x3e3: {  	[tilespmem:v24+s31+$0x0] =	vst.idx.msk vm0, v25  }
0x3e4: {  	v24 =	vld [tilespmem:s18+$0x20];
	_ =	sdelay $0x4  }
0x3e5: {  	v24 =	vtrunc.f32 v24  }
0x3e6: {  	v24 =	vcvt.f32.s32 v24;
	_ =	sdelay $0x1  }
0x3e7: {  	v24 =	vshll.u32 v24, $0x7  }
0x3e8: {  	v24 =	vadd.s32 v21, v24  }
0x3e9: {  	v24 =	vperm.xlane v24, v2;
	_ =	sdelay $0x1  }
0x3ea: {  	v24 =	vadd.s32 $0x1C00, v24  }
0x3eb: {  	(xrf1) =	vunique.msk.u32 $0xffff, v24;
	_ =	sdelay $0xd  }
0x3ec: {  	_, v25, vm0 =	vpop (xrf1)  }
0x3ed: {  	v25 =	vld [tilespmem:$0x1FF40];
	_ =	sdelay $0x4  }
0x3ee: {  	[tilespmem:v24+s31+$0x0] =	vst.idx.msk vm0, v25  }
0x3ef: {  	v24 =	vld [tilespmem:s18+$0x10];
	_ =	sdelay $0x4  }
0x3f0: {  	v24 =	vtrunc.f32 v24  }
0x3f1: {  	v24 =	vcvt.f32.s32 v24;
	_ =	sdelay $0x1  }
0x3f2: {  	v24 =	vshll.u32 v24, $0x7  }
0x3f3: {  	v24 =	vadd.s32 v22, v24  }
0x3f4: {  	v24 =	vperm.xlane v24, v2;
	_ =	sdelay $0x1  }
0x3f5: {  	v24 =	vadd.s32 $0x1C00, v24  }
0x3f6: {  	(xrf1) =	vunique.msk.u32 $0xffff, v24;
	_ =	sdelay $0xd  }
0x3f7: {  	_, v25, vm0 =	vpop (xrf1)  }
0x3f8: {  	v25 =	vld [tilespmem:$0x1FF50];
	_ =	sdelay $0x4  }
0x3f9: {  	[tilespmem:v24+s31+$0x0] =	vst.idx.msk vm0, v25  }
0x3fa: {  	v24 =	vld [tilespmem:s18+$0x0];
	_ =	sdelay $0x4  }
0x3fb: {  	v24 =	vtrunc.f32 v24  }
0x3fc: {  	v24 =	vcvt.f32.s32 v24;
	_ =	sdelay $0x1  }
0x3fd: {  	v24 =	vshll.u32 v24, $0x7  }
0x3fe: {  	v24 =	vadd.s32 v23, v24  }
0x3ff: {  	v24 =	vperm.xlane v24, v2;
	_ =	sdelay $0x1  }
0x400: {  	v24 =	vadd.s32 $0x1C00, v24  }
0x401: {  	(xrf1) =	vunique.msk.u32 $0xffff, v24;
	_ =	sdelay $0xd  }
0x402: {  	_, v25, vm0 =	vpop (xrf1)  }
0x403: {  	v25 =	vld [tilespmem:$0x1FFE0];
	_ =	sdelay $0x4  }
0x404: {  	s25 =	rddreg [dreg:$0x19];
	s26 =	simm.s32 $0x5F00;
	[tilespmem:v24+s31+$0x0] =	vst.idx.msk vm0, v25  }
0x405: {  	[spmem:s25] =	stream.linear.scatter [tilespmem:s26], [sflag:$0x1], $0x400, $0x38;
	[tilespmem:$0xBBC0] =	vst v63  }
0x406: {  	_ =	swait.ge [sflag:s22], $0x400  }
0x407: {  	[sflag:s22] =	ssyncset.done $0x0  }
0x408: {  	[sflag:s22] =	ssyncadd.s32 $0xFFFFFC00  }
0x409: {  	_ =	swait.ge [sflag:s22], $0x400  }
0x40a: {  	[sflag:s22] =	ssyncset.done $0x0  }
0x40b: {  	[sflag:s22] =	ssyncadd.s32 $0xFFFFFC00  }
0x40c: {  	_ =	swait.ge [sflag:s22], $0x400  }
0x40d: {  	[sflag:s22] =	ssyncset.done $0x0  }
0x40e: {  	[sflag:s22] =	ssyncadd.s32 $0xFFFFFC00  }
0x40f: {  	_ =	swait.ge [sflag:s22], $0x400  }
0x410: {  	[sflag:s22] =	ssyncset.done $0x0  }
0x411: {  	[sflag:s22] =	ssyncadd.s32 $0xFFFFFC00  }
0x412: {  	_ =	swait.ge [sflag:s22], $0x400  }
0x413: {  	[sflag:s22] =	ssyncset.done $0x0  }
0x414: {  	[sflag:s22] =	ssyncadd.s32 $0xFFFFFC00  }
0x415: {  	_ =	swait.ge [sflag:s22], $0x400  }
0x416: {  	[sflag:s22] =	ssyncset.done $0x0  }
0x417: {  	[sflag:s22] =	ssyncadd.s32 $0xFFFFFC00  }
0x418: {  	_ =	swait.ge [sflag:s22], $0x400  }
0x419: {  	[sflag:s22] =	ssyncset.done $0x0  }
0x41a: {  	[sflag:s22] =	ssyncadd.s32 $0xFFFFFC00  }
.Ltmp9:
0x41b: {  	_ =	swait.ge [sflag:s22], $0x400;
	(pc) =	sbr.rel .LBB2_18-.Ltmp9, $4  }
0x41c: {  	[sflag:s22] =	ssyncset.done $0x0  }
0x41d: {  	[sflag:s22] =	ssyncadd.s32 $0xFFFFFC00  }
0x41e: {  	[bflag:$0x0] =	sbarrier.arrive $0xFFFF  }
0x41f: {  	s1 =	simm.s32 $0x0  }
.LBB2_22:
0x420: {  	s1 =	sadd.s32 $0x1, s1  }
0x421: {  	p2 =	sne.s32 s1, $0x80  }
.Ltmp10:
0x422: {  	_ = 	snop;
	(pc) =	sbr.rel @!p2 .LBB2_23-.Ltmp10, $1  }
0x423: {  	_ =	sdelay $0x3  }
.LBB2_18:
0x424: {  	v24 =	vmov s1;
	_ =	sdelay $0x4  }
0x425: {  	v24 =	vld.idx.msk [tilespmem:v24+s30+$0x0], $0xffff;
	_ =	sdelay $0x4  }
0x426: {  	(v2sf) =	vpush v24, $0x0;
	_ =	sdelay $0xe  }
0x427: {  	s3 =	spop (v2sf)  }
0x428: {  	p2 =	seq.s32 s3, s1  }
0x429: {  	p3 =	slt.s32 @!p2 s3, s10  }
0x42a: {  	p2 =	por p2, p3  }
0x42b: {  	p3 =	sge.s32 @!p2 s3, s24  }
0x42c: {  	p2 =	por p2, p3  }
.Ltmp11:
0x42d: {  	_ = 	snop;
	(pc) =	sbr.rel @p2 .LBB2_22-.Ltmp11, $1  }
0x42e: {  	_ =	sdelay $0x3  }
0x42f: {  	s6 =	sshll.u32 s1, $0xA  }
0x430: {  	s3 =	ssub.s32 s3, s10;
	s6 =	sand.u32 $0x3FFFFC00, s6  }
0x431: {  	s19 =	simm.s32 $0x7300;
	s3 =	sshll.u32 s3, $0xC;
	s6 =	sadd.s32 s6, s4  }
0x432: {  	[tilespmem:s19], [sflag:$0x2] =	stream.linear.gather [spmem:s6], $0x400, $0x38;
	[tilespmem:$0xBBC0] =	vst v63  }
0x433: {  	s26 =	simm.s32 $0x0;
	s3 =	sshra.s32 s3, $0x2;
	_ =	swait.ge [sflag:s28], $0x400  }
0x434: {  	s20 =	sand.u32 $0x380, s26;
	s3 =	sadd.s32 $0x4300, s3;
	[sflag:s28] =	ssyncset.done $0x0  }
0x435: {  	s6 =	sand.u32 $0x70, s26;
	s20 =	sadd.s32 s20, s3;
	[sflag:s28] =	ssyncadd.s32 $0xFFFFFC00  }
0x436: {  	s6 =	sadd.s32 s6, s20;
	v24 =	vld [tilespmem:s19+$0x0]  }
0x437: {  	v25 =	vld [tilespmem:s6+$0x0];
	_ =	sdelay $0x4  }
0x438: {  	s25 =	simm.s32 $0x10;
	vm0 =	vlt.s32 v25, v24  }
0x439: {  	s26 =	sand.u32 $0x380, s25;
	s20 =	simm.s32 $0x20;
	s19 =	simm.s32 $0x7310;
	v24 =	vsel vm0, v25, v24  }
.LBB2_20:
0x43a: {  	p2 =	sne.s32 s20, $0x3F0;
	s25 =	sand.u32 $0x70, s25;
	s26 =	sadd.s32 s26, s3;
	[tilespmem:s6+$0x0] =	vst v24  }
0x43b: {  	s6 =	sadd.s32 s25, s26;
	v24 =	vld [tilespmem:s19+$0x0];
	s25 =	smov.u32 s20  }
0x43c: {  	v25 =	vld [tilespmem:s6+$0x0];
	_ =	sdelay $0x1  }
.Ltmp12:
0x43d: {  	(pc) =	sbr.rel @p2 .LBB2_20-.Ltmp12, $3  }
0x43e: {  	_ =	sdelay $0x1  }
0x43f: {  	vm0 =	vlt.s32 v25, v24  }
0x440: {  	s20 =	sadd.s32 $0x10, s20;
	s19 =	sadd.s32 $0x10, s19;
	s26 =	sand.u32 $0x380, s25;
	v24 =	vsel vm0, v25, v24  }
0x441: {  	s20 =	sand.u32 $0x70, s25;
	s3 =	sadd.s32 s26, s3;
	[tilespmem:s6+$0x0] =	vst v24  }
0x442: {  	s3 =	sadd.s32 s20, s3;
	v24 =	vld [tilespmem:s19+$0x0]  }
0x443: {  	v25 =	vld [tilespmem:s3+$0x0];
	_ =	sdelay $0x2  }
.Ltmp13:
0x444: {  	_ = 	snop;
	(pc) =	sbr.rel .LBB2_22-.Ltmp13, $4  }
0x445: {  	_ = 	snop  }
0x446: {  	vm0 =	vlt.s32 v25, v24  }
0x447: {  	v24 =	vsel vm0, v25, v24  }
0x448: {  	[tilespmem:s3+$0x0] =	vst v24  }
.LBB2_23:
0x449: {  	s0 =	rddreg [dreg:$0xb]  }
0x44a: {  	[spmem:s0] =	stream.linear.scatter [tilespmem:s31], [sflag:$0x1], $0x400, $0x38;
	[tilespmem:$0xBBC0] =	vst v63  }
0x44b: {  	s19 =	rddreg [dreg:$0xd]  }
0x44c: {  	[spmem:s19] =	stream.linear.scatter [tilespmem:s7], [sflag:$0x1], $0x400, $0x38;
	[tilespmem:$0xBBC0] =	vst v63  }
0x44d: {  	s20 =	rddreg [dreg:$0xf];
	s1 =	simm.s32 $0x4B00  }
0x44e: {  	[spmem:s20] =	stream.linear.scatter [tilespmem:s1], [sflag:$0x1], $0x400, $0x38;
	[tilespmem:$0xBBC0] =	vst v63  }
0x44f: {  	s25 =	rddreg [dreg:$0x11];
	s26 =	simm.s32 $0x4F00  }
0x450: {  	[spmem:s25] =	stream.linear.scatter [tilespmem:s26], [sflag:$0x1], $0x400, $0x38;
	[tilespmem:$0xBBC0] =	vst v63  }
0x451: {  	s3 =	simm.s32 $0x5300;
	s1 =	rddreg [dreg:$0x13]  }
0x452: {  	[spmem:s1] =	stream.linear.scatter [tilespmem:s3], [sflag:$0x1], $0x400, $0x38;
	[tilespmem:$0xBBC0] =	vst v63  }
0x453: {  	s6 =	rddreg [dreg:$0x15];
	s7 =	simm.s32 $0x5700  }
0x454: {  	[spmem:s6] =	stream.linear.scatter [tilespmem:s7], [sflag:$0x1], $0x400, $0x38;
	[tilespmem:$0xBBC0] =	vst v63  }
0x455: {  	s19 =	rddreg [dreg:$0x17];
	s20 =	simm.s32 $0x5B00  }
0x456: {  	[spmem:s19] =	stream.linear.scatter [tilespmem:s20], [sflag:$0x1], $0x400, $0x38;
	[tilespmem:$0xBBC0] =	vst v63  }
0x457: {  	s25 =	rddreg [dreg:$0x1a];
	s26 =	simm.s32 $0x5F00  }
0x458: {  	[spmem:s25] =	stream.linear.scatter [tilespmem:s26], [sflag:$0x1], $0x400, $0x38;
	[tilespmem:$0xBBC0] =	vst v63  }
0x459: {  	_ =	swait.ge [sflag:s22], $0x400  }
0x45a: {  	[sflag:s22] =	ssyncset.done $0x0  }
0x45b: {  	[sflag:s22] =	ssyncadd.s32 $0xFFFFFC00  }
0x45c: {  	_ =	swait.ge [sflag:s22], $0x400  }
0x45d: {  	[sflag:s22] =	ssyncset.done $0x0  }
0x45e: {  	[sflag:s22] =	ssyncadd.s32 $0xFFFFFC00  }
0x45f: {  	_ =	swait.ge [sflag:s22], $0x400  }
0x460: {  	[sflag:s22] =	ssyncset.done $0x0  }
0x461: {  	[sflag:s22] =	ssyncadd.s32 $0xFFFFFC00  }
0x462: {  	_ =	swait.ge [sflag:s22], $0x400  }
0x463: {  	[sflag:s22] =	ssyncset.done $0x0  }
0x464: {  	[sflag:s22] =	ssyncadd.s32 $0xFFFFFC00  }
0x465: {  	_ =	swait.ge [sflag:s22], $0x400  }
0x466: {  	[sflag:s22] =	ssyncset.done $0x0  }
0x467: {  	[sflag:s22] =	ssyncadd.s32 $0xFFFFFC00  }
0x468: {  	_ =	swait.ge [sflag:s22], $0x400  }
0x469: {  	[sflag:s22] =	ssyncset.done $0x0  }
0x46a: {  	[sflag:s22] =	ssyncadd.s32 $0xFFFFFC00  }
0x46b: {  	_ =	swait.ge [sflag:s22], $0x400  }
0x46c: {  	[sflag:s22] =	ssyncset.done $0x0  }
0x46d: {  	[sflag:s22] =	ssyncadd.s32 $0xFFFFFC00  }
0x46e: {  	_ =	swait.ge [sflag:s22], $0x400  }
0x46f: {  	v24 =	vmov s10;
	[sflag:s22] =	ssyncset.done $0x0  }
0x470: {  	[sflag:s22] =	ssyncadd.s32 $0xFFFFFC00  }
0x471: {  	s6 =	simm.s32 $0x0;
	[bflag:$0x0] =	sbarrier.arrive $0xFFFF  }
0x472: {  	v25 =	vld.idx.msk [tilespmem:v62+s6+$0xFFFFFF90 ss:$0x1], $0xffff;
	_ =	sdelay $0x1  }
0x473: {  	v24 =	vld.idx.msk [tilespmem:v24+s30+$0x0], $0xffff;
	_ =	sdelay $0x2  }
0x474: {  	v25 =	vtrunc.f32 v25  }
0x475: {  	v25 =	vcvt.f32.s32 v25  }
0x476: {  	v24 =	vshll.u32 v24, $0xA  }
0x477: {  	v26 =	vadd.s32 v23, v24;
	v25 =	vshll.u32 v25, $0x7  }
0x478: {  	v25 =	vadd.s32 v25, v26  }
0x479: {  	[tilespmem:s6+$0x6300] =	vst v25  }
0x47a: {  	v25 =	vld.idx.msk [tilespmem:v62+s6+$0xFFFFFFA0 ss:$0x1], $0xffff;
	_ =	sdelay $0x4  }
0x47b: {  	v25 =	vtrunc.f32 v25  }
0x47c: {  	v25 =	vcvt.f32.s32 v25;
	_ =	sdelay $0x1  }
0x47d: {  	v26 =	vadd.s32 v22, v24;
	v25 =	vshll.u32 v25, $0x7  }
0x47e: {  	v25 =	vadd.s32 v25, v26  }
0x47f: {  	[tilespmem:s6+$0x6310] =	vst v25  }
0x480: {  	v25 =	vld.idx.msk [tilespmem:v62+s6+$0xFFFFFFB0 ss:$0x1], $0xffff;
	_ =	sdelay $0x4  }
0x481: {  	v25 =	vtrunc.f32 v25  }
0x482: {  	v25 =	vcvt.f32.s32 v25;
	_ =	sdelay $0x1  }
0x483: {  	v26 =	vadd.s32 v21, v24;
	v25 =	vshll.u32 v25, $0x7  }
0x484: {  	v25 =	vadd.s32 v25, v26  }
0x485: {  	[tilespmem:s6+$0x6320] =	vst v25  }
0x486: {  	v25 =	vld.idx.msk [tilespmem:v62+s6+$0xFFFFFFC0 ss:$0x1], $0xffff;
	_ =	sdelay $0x4  }
0x487: {  	v25 =	vtrunc.f32 v25  }
0x488: {  	v25 =	vcvt.f32.s32 v25;
	_ =	sdelay $0x1  }
0x489: {  	v26 =	vadd.s32 v20, v24;
	v25 =	vshll.u32 v25, $0x7  }
0x48a: {  	v25 =	vadd.s32 v25, v26  }
0x48b: {  	[tilespmem:s6+$0x6330] =	vst v25  }
0x48c: {  	v25 =	vld.idx.msk [tilespmem:v62+s6+$0xFFFFFFD0 ss:$0x1], $0xffff;
	_ =	sdelay $0x4  }
0x48d: {  	v25 =	vtrunc.f32 v25  }
0x48e: {  	v25 =	vcvt.f32.s32 v25;
	_ =	sdelay $0x1  }
0x48f: {  	v26 =	vadd.s32 v19, v24;
	v25 =	vshll.u32 v25, $0x7  }
0x490: {  	v25 =	vadd.s32 v25, v26  }
0x491: {  	[tilespmem:s6+$0x6340] =	vst v25  }
0x492: {  	v25 =	vld.idx.msk [tilespmem:v62+s6+$0xFFFFFFE0 ss:$0x1], $0xffff;
	_ =	sdelay $0x4  }
0x493: {  	v25 =	vtrunc.f32 v25  }
0x494: {  	v25 =	vcvt.f32.s32 v25;
	_ =	sdelay $0x1  }
0x495: {  	v26 =	vadd.s32 v18, v24;
	v25 =	vshll.u32 v25, $0x7  }
0x496: {  	v25 =	vadd.s32 v25, v26  }
0x497: {  	[tilespmem:s6+$0x6350] =	vst v25  }
0x498: {  	v25 =	vld.idx.msk [tilespmem:v62+s6+$0xFFFFFFF0 ss:$0x1], $0xffff;
	_ =	sdelay $0x4  }
0x499: {  	v25 =	vtrunc.f32 v25  }
0x49a: {  	v25 =	vcvt.f32.s32 v25;
	_ =	sdelay $0x1  }
0x49b: {  	v26 =	vadd.s32 v17, v24;
	v25 =	vshll.u32 v25, $0x7  }
0x49c: {  	v25 =	vadd.s32 v25, v26  }
0x49d: {  	[tilespmem:s6+$0x6360] =	vst v25  }
0x49e: {  	v25 =	vld.idx.msk [tilespmem:v62+s6+$0x0 ss:$0x1], $0xffff;
	_ =	sdelay $0x4  }
0x49f: {  	v25 =	vtrunc.f32 v25  }
0x4a0: {  	v25 =	vcvt.f32.s32 v25  }
0x4a1: {  	s1 =	sadd.s32 $0x1, s10  }
0x4a2: {  	v24 =	vadd.s32 v16, v24;
	v26 =	vshll.u32 v25, $0x7;
	v25 =	vmov s1  }
0x4a3: {  	s3 =	simm.s32 $0x80;
	s19 =	simm.s32 $0x400;
	v24 =	vadd.s32 v26, v24  }
.LBB2_24:
0x4a4: {  	s20 =	sshra.s32 s19, $0x2;
	p2 =	sne.s32 s19, $0xE00;
	s19 =	sadd.s32 $0x200, s19;
	[tilespmem:s6+$0x6370] =	vst v24  }
0x4a5: {  	s6 =	smov.u32 s3;
	v24 =	vld.idx.msk [tilespmem:v62+s3+$0xFFFFFF90 ss:$0x1], $0xffff;
	s3 =	smov.u32 s20;
	_ =	sdelay $0x1  }
0x4a6: {  	v25 =	vld.idx.msk [tilespmem:v25+s30+$0x0], $0xffff;
	_ =	sdelay $0x3  }
0x4a7: {  	v24 =	vtrunc.f32 v24  }
0x4a8: {  	v26 =	vcvt.f32.s32 v24  }
0x4a9: {  	v24 =	vshll.u32 v25, $0xA  }
0x4aa: {  	v25 =	vshll.u32 v26, $0x7;
	v26 =	vadd.s32 v23, v24  }
0x4ab: {  	v25 =	vadd.s32 v25, v26  }
0x4ac: {  	[tilespmem:s6+$0x6300] =	vst v25  }
0x4ad: {  	v25 =	vld.idx.msk [tilespmem:v62+s6+$0xFFFFFFA0 ss:$0x1], $0xffff;
	_ =	sdelay $0x5  }
0x4ae: {  	v25 =	vtrunc.f32 v25  }
0x4af: {  	v25 =	vcvt.f32.s32 v25;
	_ =	sdelay $0x1  }
0x4b0: {  	v26 =	vadd.s32 v22, v24;
	v25 =	vshll.u32 v25, $0x7  }
0x4b1: {  	v25 =	vadd.s32 v25, v26  }
0x4b2: {  	[tilespmem:s6+$0x6310] =	vst v25  }
0x4b3: {  	v25 =	vld.idx.msk [tilespmem:v62+s6+$0xFFFFFFB0 ss:$0x1], $0xffff;
	_ =	sdelay $0x5  }
0x4b4: {  	v25 =	vtrunc.f32 v25  }
0x4b5: {  	v25 =	vcvt.f32.s32 v25;
	_ =	sdelay $0x1  }
0x4b6: {  	v26 =	vadd.s32 v21, v24;
	v25 =	vshll.u32 v25, $0x7  }
0x4b7: {  	v25 =	vadd.s32 v25, v26  }
0x4b8: {  	[tilespmem:s6+$0x6320] =	vst v25  }
0x4b9: {  	v25 =	vld.idx.msk [tilespmem:v62+s6+$0xFFFFFFC0 ss:$0x1], $0xffff;
	_ =	sdelay $0x5  }
0x4ba: {  	v25 =	vtrunc.f32 v25  }
0x4bb: {  	v25 =	vcvt.f32.s32 v25;
	_ =	sdelay $0x1  }
0x4bc: {  	v26 =	vadd.s32 v20, v24;
	v25 =	vshll.u32 v25, $0x7  }
0x4bd: {  	v25 =	vadd.s32 v25, v26  }
0x4be: {  	[tilespmem:s6+$0x6330] =	vst v25  }
0x4bf: {  	v25 =	vld.idx.msk [tilespmem:v62+s6+$0xFFFFFFD0 ss:$0x1], $0xffff;
	_ =	sdelay $0x5  }
0x4c0: {  	v25 =	vtrunc.f32 v25  }
0x4c1: {  	v25 =	vcvt.f32.s32 v25;
	_ =	sdelay $0x1  }
0x4c2: {  	v26 =	vadd.s32 v19, v24;
	v25 =	vshll.u32 v25, $0x7  }
0x4c3: {  	v25 =	vadd.s32 v25, v26  }
0x4c4: {  	[tilespmem:s6+$0x6340] =	vst v25  }
0x4c5: {  	v25 =	vld.idx.msk [tilespmem:v62+s6+$0xFFFFFFE0 ss:$0x1], $0xffff;
	_ =	sdelay $0x5  }
0x4c6: {  	v25 =	vtrunc.f32 v25  }
0x4c7: {  	v25 =	vcvt.f32.s32 v25;
	_ =	sdelay $0x1  }
0x4c8: {  	v26 =	vadd.s32 v18, v24;
	v25 =	vshll.u32 v25, $0x7  }
0x4c9: {  	v25 =	vadd.s32 v25, v26  }
0x4ca: {  	[tilespmem:s6+$0x6350] =	vst v25  }
0x4cb: {  	v25 =	vld.idx.msk [tilespmem:v62+s6+$0xFFFFFFF0 ss:$0x1], $0xffff;
	_ =	sdelay $0x5  }
0x4cc: {  	v25 =	vtrunc.f32 v25  }
0x4cd: {  	v25 =	vcvt.f32.s32 v25;
	_ =	sdelay $0x1  }
0x4ce: {  	v26 =	vadd.s32 v17, v24;
	v25 =	vshll.u32 v25, $0x7  }
0x4cf: {  	v25 =	vadd.s32 v25, v26  }
0x4d0: {  	[tilespmem:s6+$0x6360] =	vst v25  }
0x4d1: {  	v25 =	vld.idx.msk [tilespmem:v62+s6+$0x0 ss:$0x1], $0xffff;
	_ =	sdelay $0x5  }
.Ltmp14:
0x4d2: {  	v25 =	vtrunc.f32 v25;
	(pc) =	sbr.rel @p2 .LBB2_24-.Ltmp14, $4  }
0x4d3: {  	v26 =	vcvt.f32.s32 v25  }
0x4d4: {  	s1 =	sadd.s32 $0x1, s1  }
0x4d5: {  	v24 =	vadd.s32 v16, v24;
	v25 =	vmov s1;
	v26 =	vshll.u32 v26, $0x7  }
0x4d6: {  	v24 =	vadd.s32 v26, v24  }
0x4d7: {  	_ =	sdelay $0x2  }
0x4d8: {  	[tilespmem:s6+$0x6370] =	vst v24  }
0x4d9: {  	v24 =	vld.idx.msk [tilespmem:v62+s3+$0xFFFFFF90 ss:$0x1], $0xffff;
	_ =	sdelay $0x1  }
0x4da: {  	v25 =	vld.idx.msk [tilespmem:v25+s30+$0x0], $0xffff;
	_ =	sdelay $0x2  }
0x4db: {  	v24 =	vtrunc.f32 v24  }
0x4dc: {  	v24 =	vcvt.f32.s32 v24  }
0x4dd: {  	v25 =	vshll.u32 v25, $0xA  }
0x4de: {  	v23 =	vadd.s32 v23, v25;
	v24 =	vshll.u32 v24, $0x7  }
0x4df: {  	v23 =	vadd.s32 v24, v23  }
0x4e0: {  	[tilespmem:s3+$0x6300] =	vst v23  }
0x4e1: {  	v23 =	vld.idx.msk [tilespmem:v62+s3+$0xFFFFFFA0 ss:$0x1], $0xffff;
	_ =	sdelay $0x4  }
0x4e2: {  	v23 =	vtrunc.f32 v23  }
0x4e3: {  	v23 =	vcvt.f32.s32 v23;
	_ =	sdelay $0x1  }
0x4e4: {  	v22 =	vadd.s32 v22, v25;
	v23 =	vshll.u32 v23, $0x7  }
0x4e5: {  	v22 =	vadd.s32 v23, v22  }
0x4e6: {  	[tilespmem:s3+$0x6310] =	vst v22  }
0x4e7: {  	v22 =	vld.idx.msk [tilespmem:v62+s3+$0xFFFFFFB0 ss:$0x1], $0xffff;
	_ =	sdelay $0x4  }
0x4e8: {  	v22 =	vtrunc.f32 v22  }
0x4e9: {  	v22 =	vcvt.f32.s32 v22;
	_ =	sdelay $0x1  }
0x4ea: {  	v21 =	vadd.s32 v21, v25;
	v22 =	vshll.u32 v22, $0x7  }
0x4eb: {  	v21 =	vadd.s32 v22, v21  }
0x4ec: {  	[tilespmem:s3+$0x6320] =	vst v21  }
0x4ed: {  	v21 =	vld.idx.msk [tilespmem:v62+s3+$0xFFFFFFC0 ss:$0x1], $0xffff;
	_ =	sdelay $0x4  }
0x4ee: {  	v21 =	vtrunc.f32 v21  }
0x4ef: {  	v21 =	vcvt.f32.s32 v21;
	_ =	sdelay $0x1  }
0x4f0: {  	v20 =	vadd.s32 v20, v25;
	v21 =	vshll.u32 v21, $0x7  }
0x4f1: {  	v20 =	vadd.s32 v21, v20  }
0x4f2: {  	[tilespmem:s3+$0x6330] =	vst v20  }
0x4f3: {  	v20 =	vld.idx.msk [tilespmem:v62+s3+$0xFFFFFFD0 ss:$0x1], $0xffff;
	_ =	sdelay $0x4  }
0x4f4: {  	v20 =	vtrunc.f32 v20  }
0x4f5: {  	v20 =	vcvt.f32.s32 v20;
	_ =	sdelay $0x1  }
0x4f6: {  	v19 =	vadd.s32 v19, v25;
	v20 =	vshll.u32 v20, $0x7  }
0x4f7: {  	v19 =	vadd.s32 v20, v19  }
0x4f8: {  	[tilespmem:s3+$0x6340] =	vst v19  }
0x4f9: {  	v19 =	vld.idx.msk [tilespmem:v62+s3+$0xFFFFFFE0 ss:$0x1], $0xffff;
	_ =	sdelay $0x4  }
0x4fa: {  	v19 =	vtrunc.f32 v19  }
0x4fb: {  	v19 =	vcvt.f32.s32 v19;
	_ =	sdelay $0x1  }
0x4fc: {  	v18 =	vadd.s32 v18, v25;
	v19 =	vshll.u32 v19, $0x7  }
0x4fd: {  	v18 =	vadd.s32 v19, v18  }
0x4fe: {  	[tilespmem:s3+$0x6350] =	vst v18  }
0x4ff: {  	v18 =	vld.idx.msk [tilespmem:v62+s3+$0xFFFFFFF0 ss:$0x1], $0xffff;
	_ =	sdelay $0x4  }
0x500: {  	v18 =	vtrunc.f32 v18  }
0x501: {  	v18 =	vcvt.f32.s32 v18;
	_ =	sdelay $0x1  }
0x502: {  	v17 =	vadd.s32 v17, v25;
	v18 =	vshll.u32 v18, $0x7  }
0x503: {  	v17 =	vadd.s32 v18, v17  }
0x504: {  	[tilespmem:s3+$0x6360] =	vst v17  }
0x505: {  	v17 =	vld.idx.msk [tilespmem:v62+s3+$0x0 ss:$0x1], $0xffff;
	_ =	sdelay $0x4  }
0x506: {  	v17 =	vtrunc.f32 v17  }
0x507: {  	v17 =	vcvt.f32.s32 v17;
	_ =	sdelay $0x1  }
0x508: {  	v16 =	vadd.s32 v16, v25;
	v17 =	vshll.u32 v17, $0x7  }
0x509: {  	v16 =	vadd.s32 v17, v16  }
0x50a: {  	s0 =	simm.s32 $0x6300;
	s1 =	simm.s32 $0x6700;
	[tilespmem:s3+$0x6370] =	vst v16  }
0x50b: {  	[tilespmem:s1], [sflag:$0x1] =	stream.indirect.gather [spmem:s5], $0x1, s0, s23, $0xb8;
	[tilespmem:$0xBBC0] =	vst v63  }
0x50c: {  	s3 =	simm.s32 $0x6780;
	s1 =	simm.s32 $0x6380  }
0x50d: {  	[tilespmem:s3], [sflag:$0x1] =	stream.indirect.gather [spmem:s5], $0x1, s1, s23, $0xb8;
	[tilespmem:$0xBBC0] =	vst v63  }
0x50e: {  	s6 =	simm.s32 $0x6400;
	s7 =	simm.s32 $0x6800  }
0x50f: {  	[tilespmem:s7], [sflag:$0x1] =	stream.indirect.gather [spmem:s5], $0x1, s6, s23, $0xb8;
	[tilespmem:$0xBBC0] =	vst v63  }
0x510: {  	s19 =	simm.s32 $0x6480;
	s20 =	simm.s32 $0x6880  }
0x511: {  	[tilespmem:s20], [sflag:$0x1] =	stream.indirect.gather [spmem:s5], $0x1, s19, s23, $0xb8;
	[tilespmem:$0xBBC0] =	vst v63  }
0x512: {  	s25 =	simm.s32 $0x6500;
	s26 =	simm.s32 $0x6900  }
0x513: {  	[tilespmem:s26], [sflag:$0x1] =	stream.indirect.gather [spmem:s5], $0x1, s25, s23, $0xb8;
	[tilespmem:$0xBBC0] =	vst v63  }
0x514: {  	s3 =	simm.s32 $0x6580;
	s6 =	simm.s32 $0x6980  }
0x515: {  	[tilespmem:s6], [sflag:$0x1] =	stream.indirect.gather [spmem:s5], $0x1, s3, s23, $0xb8;
	[tilespmem:$0xBBC0] =	vst v63  }
0x516: {  	s7 =	simm.s32 $0x6600;
	s19 =	simm.s32 $0x6A00  }
0x517: {  	[tilespmem:s19], [sflag:$0x1] =	stream.indirect.gather [spmem:s5], $0x1, s7, s23, $0xb8;
	[tilespmem:$0xBBC0] =	vst v63  }
0x518: {  	s20 =	simm.s32 $0x6680;
	s25 =	simm.s32 $0x6A80  }
0x519: {  	[tilespmem:s25], [sflag:$0x1] =	stream.indirect.gather [spmem:s5], $0x1, s20, s23, $0xb8;
	[tilespmem:$0xBBC0] =	vst v63  }
0x51a: {  	_ =	swait.ge [sflag:s22], $0x80  }
0x51b: {  	[sflag:s22] =	ssyncset.done $0x0  }
0x51c: {  	[sflag:s22] =	ssyncadd.s32 $0xFFFFFF80  }
0x51d: {  	_ =	swait.ge [sflag:s22], $0x80  }
0x51e: {  	[sflag:s22] =	ssyncset.done $0x0  }
0x51f: {  	[sflag:s22] =	ssyncadd.s32 $0xFFFFFF80  }
0x520: {  	_ =	swait.ge [sflag:s22], $0x80  }
0x521: {  	[sflag:s22] =	ssyncset.done $0x0  }
0x522: {  	[sflag:s22] =	ssyncadd.s32 $0xFFFFFF80  }
0x523: {  	_ =	swait.ge [sflag:s22], $0x80  }
0x524: {  	[sflag:s22] =	ssyncset.done $0x0  }
0x525: {  	[sflag:s22] =	ssyncadd.s32 $0xFFFFFF80  }
0x526: {  	_ =	swait.ge [sflag:s22], $0x80  }
0x527: {  	[sflag:s22] =	ssyncset.done $0x0  }
0x528: {  	[sflag:s22] =	ssyncadd.s32 $0xFFFFFF80  }
0x529: {  	_ =	swait.ge [sflag:s22], $0x80  }
0x52a: {  	[sflag:s22] =	ssyncset.done $0x0  }
0x52b: {  	[sflag:s22] =	ssyncadd.s32 $0xFFFFFF80  }
0x52c: {  	_ =	swait.ge [sflag:s22], $0x80  }
0x52d: {  	[sflag:s22] =	ssyncset.done $0x0  }
0x52e: {  	[sflag:s22] =	ssyncadd.s32 $0xFFFFFF80  }
0x52f: {  	_ =	swait.ge [sflag:s22], $0x80  }
0x530: {  	[sflag:s22] =	ssyncset.done $0x0  }
0x531: {  	s25 =	simm.s32 $0x0;
	[sflag:s22] =	ssyncadd.s32 $0xFFFFFF80  }
0x532: {  	v16 =	vld [tilespmem:s25+$0x6700];
	_ =	sdelay $0x1  }
0x533: {  	s3 =	simm.s32 $0x10  }
0x534: {  	s1 =	simm.s32 $0x20;
	v17 =	vld [tilespmem:s3+$0x6700]  }
0x535: {  	v19 =	vor.u32 s21, v0;
	v18 =	vld [tilespmem:s1+$0x6700]  }
0x536: {  	vm0 =	veq.s32 v16, v19  }
0x537: {  	s26 =	sadd.s32 $0x10, s21;
	v19 =	vsel vm0, $0x1, v14  }
0x538: {  	s19 =	sadd.s32 $0x10, s26;
	v16 =	vor.u32 s26, v0;
	(xrf0) =	vadd.scan.msk.s32 $0xffff, v19  }
0x539: {  	vm13 =	veq.s32 v17, v16;
	v16 =	vor.u32 s19, v0  }
0x53a: {  	v17 =	vsel vm13, $0x1, v14;
	vm14 =	veq.s32 v18, v16  }
0x53b: {  	(xrf0) =	vadd.scan.msk.s32 $0xffff, v17;
	v16 =	vsel vm14, $0x1, v14  }
0x53c: {  	s6 =	simm.s32 $0x30;
	(xrf0) =	vadd.scan.msk.s32 $0xffff, v16  }
0x53d: {  	v17 =	vld [tilespmem:s6+$0x6700]  }
0x53e: {  	v19, _, _ =	vpop (xrf0)  }
0x53f: {  	(v2sf) =	vpush v19, $0xF  }
0x540: {  	s26 =	sadd.s32 $0x10, s19  }
0x541: {  	v18 =	vor.u32 s26, v0;
	v16, _, _ =	vpop (xrf0)  }
0x542: {  	vm15 =	veq.s32 v17, v18;
	(v2sf) =	vpush v16, $0xF;
	v17, _, _ =	vpop (xrf0)  }
0x543: {  	(v2sf) =	vpush v17, $0xF;
	_ =	sdelay $0x4  }
0x544: {  	s19 =	simm.s32 $0x40  }
0x545: {  	v18 =	vld [tilespmem:s19+$0x6700];
	v20 =	vsel vm15, $0x1, v14  }
0x546: {  	s20 =	simm.s32 $0x0;
	(xrf0) =	vadd.scan.msk.s32 $0xffff, v20  }
0x547: {  	v19 =	vadd.s32 s20, v19  }
0x548: {  	s26 =	sadd.s32 $0x10, s26;
	[tilespmem:s25+$0x6F00] =	vst v19;
	s25 =	simm.s32 $0x140  }
.LBB2_26:
0x549: {  	s0 =	sshra.s32 s25, $0x2;
	v19 =	vor.u32 s26, v0;
	p2 =	sne.s32 s25, $0xFC0  }
.Ltmp15:
0x54a: {  	s25 =	sadd.s32 $0x40, s25;
	vm0 =	veq.s32 v18, v19;
	s7 =	spop (v2sf);
	(pc) =	sbr.rel @p2 .LBB2_26-.Ltmp15, $4  }
0x54b: {  	v18 =	vld [tilespmem:s0+$0x6700];
	v19 =	vsel vm0, $0x1, v14;
	s20 =	sadd.s32 s20, s7  }
0x54c: {  	(xrf0) =	vadd.scan.msk.s32 $0xffff, v19;
	v19 =	vadd.s32 s20, v16;
	v16 =	vmov v17;
	v17, _, _ =	vpop (xrf0)  }
0x54d: {  	(v2sf) =	vpush v17, $0xF;
	[tilespmem:s3+$0x6F00] =	vst v19;
	s3 =	smov.u32 s1;
	s1 =	smov.u32 s6;
	s6 =	smov.u32 s19  }
0x54e: {  	s26 =	sadd.s32 $0x10, s26;
	s19 =	smov.u32 s0  }
0x54f: {  	v19 =	vor.u32 s26, v0  }
0x550: {  	vm0 =	veq.s32 v18, v19  }
0x551: {  	v18 =	vsel vm0, $0x1, v14  }
0x552: {  	(xrf0) =	vadd.scan.msk.s32 $0xffff, v18;
	_ =	sdelay $0x4  }
0x553: {  	v18, _, _ =	vpop (xrf0)  }
0x554: {  	(v2sf) =	vpush v18, $0xF;
	v19, _, _ =	vpop (xrf0)  }
0x555: {  	(v2sf) =	vpush v19, $0xF;
	_ =	sdelay $0xa  }
0x556: {  	s0 =	spop (v2sf)  }
0x557: {  	s0 =	sadd.s32 s20, s0;
	s7 =	spop (v2sf)  }
0x558: {  	v16 =	vadd.s32 s0, v16;
	s0 =	sadd.s32 s0, s7;
	s26 =	spop (v2sf)  }
0x559: {  	[tilespmem:s3+$0x6F00] =	vst v16;
	v16 =	vadd.s32 s0, v17;
	s0 =	sadd.s32 s0, s26;
	s20 =	spop (v2sf)  }
0x55a: {  	[tilespmem:s1+$0x6F00] =	vst v16;
	v16 =	vadd.s32 s0, v18;
	s0 =	sadd.s32 s0, s20;
	s25 =	spop (v2sf)  }
0x55b: {  	s26 =	sld [smem:$0x7EA];
	[tilespmem:s6+$0x6F00] =	vst v16;
	v16 =	vadd.s32 s0, v19;
	s0 =	sadd.s32 s0, s25  }
0x55c: {  	[tilespmem:s19+$0x6F00] =	vst v16;
	v16 =	vmov s0  }
0x55d: {  	s1 =	sld [smem:$0x7ED];
	[tilespmem:$0x7700] =	vst v16  }
0x55e: {  	[spmem:s26] =	stream.linear.scatter [tilespmem:s2], [sflag:$0x1], $0x10, $0x38;
	[tilespmem:$0xBBC0] =	vst v63  }
0x55f: {  	s3 =	simm.s32 $0x6F00  }
0x560: {  	[spmem:s1] =	stream.linear.scatter [tilespmem:s3], [sflag:$0x1], $0x400, $0x38;
	[tilespmem:$0xBBC0] =	vst v63  }
0x561: {  	_ =	swait.ge [sflag:s22], $0x10  }
0x562: {  	[sflag:s22] =	ssyncset.done $0x0  }
0x563: {  	[sflag:s22] =	ssyncadd.s32 $0xFFFFFFF0  }
0x564: {  	_ =	swait.ge [sflag:s22], $0x400  }
0x565: {  	[sflag:s22] =	ssyncset.done $0x0  }
0x566: {  	[sflag:s22] =	ssyncadd.s32 $0xFFFFFC00  }
0x567: {  	v16 =	vmul.u32 $0x10, v0;
	[bflag:$0x0] =	sbarrier.arrive $0xFFFF  }
0x568: {  	s7 =	simm.s32 $0x7300;
	s6 =	rddreg [dreg:$0x6]  }
0x569: {  	[tilespmem:s7], [sflag:$0x2] =	stream.linear.gather [spmem:s6], $0x100, $0x38;
	[tilespmem:$0xBBC0] =	vst v63  }
0x56a: {  	_ =	swait.ge [sflag:s28], $0x100  }
0x56b: {  	[sflag:s28] =	ssyncset.done $0x0  }
0x56c: {  	[sflag:s28] =	ssyncadd.s32 $0xFFFFFF00  }
0x56d: {  	v16 =	vld.idx.msk [tilespmem:v16+s7+$0x0], $0xffff;
	_ =	sdelay $0x4  }
0x56e: {  	(xrf0) =	vadd.scan.msk.s32 $0xffff, v16;
	_ =	sdelay $0x5  }
0x56f: {  	v17, _, _ =	vpop (xrf0)  }
0x570: {  	v16 =	vsub.s32 v17, v16  }
0x571: {  	s20 =	simm.s32 $0x6B00;
	s19 =	simm.s32 $0x6700;
	s0 =	rddreg [dreg:$0x7];
	[tilespmem:$0x7700] =	vst v16  }
0x572: {  	[tilespmem:s20], [sflag:$0x1] =	stream.indirect.gather [spmem:s0], $0x1, s19, s23, $0xb8;
	[tilespmem:$0xBBC0] =	vst v63  }
0x573: {  	s25 =	simm.s32 $0x6780;
	s26 =	simm.s32 $0x6B80  }
0x574: {  	[tilespmem:s26], [sflag:$0x1] =	stream.indirect.gather [spmem:s0], $0x1, s25, s23, $0xb8;
	[tilespmem:$0xBBC0] =	vst v63  }
0x575: {  	s6 =	simm.s32 $0x6800;
	s7 =	simm.s32 $0x6C00  }
0x576: {  	[tilespmem:s7], [sflag:$0x1] =	stream.indirect.gather [spmem:s0], $0x1, s6, s23, $0xb8;
	[tilespmem:$0xBBC0] =	vst v63  }
0x577: {  	s19 =	simm.s32 $0x6880;
	s20 =	simm.s32 $0x6C80  }
0x578: {  	[tilespmem:s20], [sflag:$0x1] =	stream.indirect.gather [spmem:s0], $0x1, s19, s23, $0xb8;
	[tilespmem:$0xBBC0] =	vst v63  }
0x579: {  	s25 =	simm.s32 $0x6900;
	s26 =	simm.s32 $0x6D00  }
0x57a: {  	[tilespmem:s26], [sflag:$0x1] =	stream.indirect.gather [spmem:s0], $0x1, s25, s23, $0xb8;
	[tilespmem:$0xBBC0] =	vst v63  }
0x57b: {  	s6 =	simm.s32 $0x6980;
	s7 =	simm.s32 $0x6D80  }
0x57c: {  	[tilespmem:s7], [sflag:$0x1] =	stream.indirect.gather [spmem:s0], $0x1, s6, s23, $0xb8;
	[tilespmem:$0xBBC0] =	vst v63  }
0x57d: {  	s19 =	simm.s32 $0x6A00;
	s20 =	simm.s32 $0x6E00  }
0x57e: {  	[tilespmem:s20], [sflag:$0x1] =	stream.indirect.gather [spmem:s0], $0x1, s19, s23, $0xb8;
	[tilespmem:$0xBBC0] =	vst v63  }
0x57f: {  	s25 =	simm.s32 $0x6A80;
	s26 =	simm.s32 $0x6E80  }
0x580: {  	[tilespmem:s26], [sflag:$0x1] =	stream.indirect.gather [spmem:s0], $0x1, s25, s23, $0xb8;
	[tilespmem:$0xBBC0] =	vst v63  }
0x581: {  	_ =	swait.ge [sflag:s22], $0x80  }
0x582: {  	[sflag:s22] =	ssyncset.done $0x0  }
0x583: {  	[sflag:s22] =	ssyncadd.s32 $0xFFFFFF80  }
0x584: {  	_ =	swait.ge [sflag:s22], $0x80  }
0x585: {  	[sflag:s22] =	ssyncset.done $0x0  }
0x586: {  	[sflag:s22] =	ssyncadd.s32 $0xFFFFFF80  }
0x587: {  	_ =	swait.ge [sflag:s22], $0x80  }
0x588: {  	[sflag:s22] =	ssyncset.done $0x0  }
0x589: {  	[sflag:s22] =	ssyncadd.s32 $0xFFFFFF80  }
0x58a: {  	_ =	swait.ge [sflag:s22], $0x80  }
0x58b: {  	[sflag:s22] =	ssyncset.done $0x0  }
0x58c: {  	[sflag:s22] =	ssyncadd.s32 $0xFFFFFF80  }
0x58d: {  	_ =	swait.ge [sflag:s22], $0x80  }
0x58e: {  	[sflag:s22] =	ssyncset.done $0x0  }
0x58f: {  	[sflag:s22] =	ssyncadd.s32 $0xFFFFFF80  }
0x590: {  	_ =	swait.ge [sflag:s22], $0x80  }
0x591: {  	[sflag:s22] =	ssyncset.done $0x0  }
0x592: {  	[sflag:s22] =	ssyncadd.s32 $0xFFFFFF80  }
0x593: {  	_ =	swait.ge [sflag:s22], $0x80  }
0x594: {  	[sflag:s22] =	ssyncset.done $0x0  }
0x595: {  	[sflag:s22] =	ssyncadd.s32 $0xFFFFFF80  }
0x596: {  	_ =	swait.ge [sflag:s22], $0x80  }
0x597: {  	[sflag:s22] =	ssyncset.done $0x0  }
0x598: {  	s3 =	simm.s32 $0x0;
	[sflag:s22] =	ssyncadd.s32 $0xFFFFFF80  }
0x599: {  	v16 =	vld [tilespmem:s3+$0x6700];
	_ =	sdelay $0x4  }
0x59a: {  	v16 =	vshra.s32 v16, $0xA;
	_ =	sdelay $0x2  }
0x59b: {  	s1 =	simm.s32 $0x10;
	v17 =	vld [tilespmem:s3+$0x6B00]  }
0x59c: {  	v18 =	vld [tilespmem:s1+$0x6700]  }
0x59d: {  	v16 =	vld.idx.msk [tilespmem:v16+s2+$0x0], $0xffff;
	_ =	sdelay $0x4  }
0x59e: {  	v17 =	vadd.s32 v17, v16;
	v16 =	vshra.s32 v18, $0xA;
	_ =	sdelay $0x2  }
0x59f: {  	s6 =	simm.s32 $0x20;
	s19 =	simm.s32 $0xC0;
	v17 =	vadd.s32 $0xFFFFFFFF, v17  }
.LBB2_28:
0x5a0: {  	p2 =	sne.s32 s19, $0xFC0;
	v18 =	vld [tilespmem:s6+$0x6700];
	[tilespmem:s3+$0x6F00] =	vst v17;
	s3 =	smov.u32 s1;
	s1 =	smov.u32 s6  }
0x5a1: {  	v17 =	vld.idx.msk [tilespmem:v16+s2+$0x0], $0xffff  }
0x5a2: {  	v19 =	vld [tilespmem:s3+$0x6B00];
	_ =	sdelay $0x1  }
.Ltmp16:
0x5a3: {  	(pc) =	sbr.rel @p2 .LBB2_28-.Ltmp16, $3  }
0x5a4: {  	v16 =	vshra.s32 v18, $0xA;
	_ =	sdelay $0x1  }
0x5a5: {  	v17 =	vadd.s32 v19, v17  }
0x5a6: {  	s6 =	sshra.s32 s19, $0x2;
	s19 =	sadd.s32 $0x40, s19;
	v17 =	vadd.s32 $0xFFFFFFFF, v17  }
0x5a7: {  	_ =	sdelay $0x2  }
0x5a8: {  	v18 =	vld [tilespmem:s6+$0x6700];
	[tilespmem:s3+$0x6F00] =	vst v17  }
0x5a9: {  	v16 =	vld.idx.msk [tilespmem:v16+s2+$0x0], $0xffff  }
0x5aa: {  	v17 =	vld [tilespmem:s1+$0x6B00];
	_ =	sdelay $0x3  }
0x5ab: {  	v18 =	vshra.s32 v18, $0xA  }
0x5ac: {  	v16 =	vadd.s32 v17, v16  }
0x5ad: {  	v16 =	vadd.s32 $0xFFFFFFFF, v16  }
0x5ae: {  	[tilespmem:s1+$0x6F00] =	vst v16  }
0x5af: {  	v17 =	vld [tilespmem:s6+$0x6B00]  }
0x5b0: {  	v16 =	vld.idx.msk [tilespmem:v18+s2+$0x0], $0xffff;
	_ =	sdelay $0x4  }
0x5b1: {  	v16 =	vadd.s32 v17, v16  }
0x5b2: {  	v16 =	vadd.s32 $0xFFFFFFFF, v16  }
0x5b3: {  	s0 =	simm.s32 @!p0 $0x0;
	s3 =	rddreg [dreg:$0x9];
	s1 =	simm.s32 @!p0 $0x6F00;
	[tilespmem:s6+$0x6F00] =	vst v16  }
0x5b4: {  	[hbm4b:s3+s0] =	stream.linear.scatter @!p0 [tilespmem:s1], [sflag:$0x2], $0x400, $0x38;
	[tilespmem:$0xBBC0] =	vst v63  }
0x5b5: {  	s0 =	simm.s32 @!p0 $0x2  }
0x5b6: {  	_ =	swait.ge @!p0 [sflag:s0], $0x400  }
0x5b7: {  	s8 =	sadd.s32 $0x1, s8;
	s26 =	rddreg [dreg:$0x1c]  }
0x5b8: {  	p2 =	sne.s32 s8, s26  }
.Ltmp17:
0x5b9: {  	_ = 	snop;
	(pc) =	sbr.rel @p2 .LBB2_1-.Ltmp17, $3  }
0x5ba: {  	_ =	sdelay $0x1  }
0x5bb: {  	[sflag:s0] =	ssyncset.done @!p0 $0x0  }
0x5bc: {  	s7 =	simm.s32 $0x4700;
	[sflag:s0] =	ssyncadd.s32 @!p0 $0xFFFFFC00  }
0x5bd: {  	_ =	sfence.sel $0x180000  }
0x5be: {  	[bflag:$0x0] =	sbarrier.arrive $0xFFFF  }
0x5bf: {  	_ =	strace $0x90000047  }
0x5c0: {  	s0 =	stileid.u32;
	[bflag:$0x2] =	sbarrier.arrive $0xFFFF  }
0x5c1: {  	p0 =	sne.s32 s0, $0x0;
	s0 =	rddreg [dreg:$0x8]  }
0x5c2: {  	s0 =	sadd.s32 @!p0 $0x100000, s0  }
0x5c3: {  	[sflag:s0] =	ssyncadd.tile.s32 @!p0 $0x1;
	_ =	shalt  }
.Lfunc_end2:
_tile_overlayer_lowered:
.L_overlay_start_2:
0x5c4: {  	(tag) =	ssettag $0x2  }
0x5c5: {  	s0 =	rddreg [dreg:$0x0];
	s2 =	stileid.u32  }
0x5c6: {  	s1 =	rddreg [dreg:$0x1];
	p0 =	sne.s32 s2, $0x0  }
0x5c7: {  	s3 =	rddreg [dreg:$0x2];
	[bflag:$0x3] =	sbarrier.arrive $0xFFFF;
	s2 =	simm.s32 @!p0 $0x1C02  }
0x5c8: {  	[timem:s3], [sflag:s2] =	dma.local @!p0 [hbm:s0], s1  }
0x5c9: {  	s0 =	simm.s32 @!p0 $0x2  }
0x5ca: {  	_ =	swait.ge @!p0 [sflag:s0], s1  }
0x5cb: {  	s1 =	ssub.s32 @!p0 $0x0, s1;
	[sflag:s0] =	ssyncset.done @!p0 $0x0  }
0x5cc: {  	[sflag:s0] =	ssyncadd.s32 @!p0 s1  }
0x5cd: {  	[bflag:$0x3] =	sbarrier.arrive $0xFFFF  }
0x5ce: {  	_ =	shalt  }

</sc_bundles>
